<compile_context>
chip_gen: v7x
topology: tpu7x:2x2x1
jax: 0.10.2.dev20260603
libtpu: 0.0.44.dev20260713+nightly
codegen_flags: <defaults>
</compile_context>

<pallas_src>
import contextlib
import functools

import numpy as np
import jax
import jax.numpy as jnp
from jax import lax
from jax.experimental import pallas as pl
from jax.experimental.pallas import tpu as pltpu
from jax.experimental.pallas import tpu_sc as plsc

_NEG = 16
_L = 16
_NC, _NS = 2, 16
_NW = _NC * _NS
_D = 128
_DC = _D // _L
_N = 8192
_B = _N // 2
_PB = _B // _NW
_GA = 16
_NG = _PB // _GA
_CHUNK = 128
_PITCH = 17

_LN2 = 0.6931471805599453


@functools.cache
def _neg_inds_const(b: int) -> np.ndarray:
    def build():
        rows = jnp.arange(b)
        logw = jnp.zeros((b, 2 * b), dtype=jnp.float32)
        logw = logw.at[rows, rows].set(-jnp.inf)
        logw = logw.at[rows, rows + b].set(-jnp.inf)
        g = jax.random.gumbel(jax.random.key(42), (b, 2 * b), dtype=jnp.float32)
        _, neg = lax.top_k(logw + g, _NEG)
        return neg
    with jax.set_mesh(None):
        try:
            cpu = jax.devices("cpu")[0]
            ctx = jax.default_device(cpu)
        except Exception:
            ctx = contextlib.nullcontext()
        with ctx:
            neg = build()
    return np.asarray(neg, dtype=np.int32)


def _vlog(x):
    bits = lax.bitcast_convert_type(x, jnp.int32)
    e = lax.shift_right_logical(bits, 23) - 127
    m_bits = (bits & 0x7FFFFF) | 0x3F800000
    m = lax.bitcast_convert_type(m_bits, jnp.float32)
    big = m > 1.4142135623730951
    m = jnp.where(big, m * 0.5, m)
    e = e + jnp.where(big, 1, 0)
    s = (m - 1.0) / (m + 1.0)
    z = s * s
    p = z * (1.0 / 9.0) + (1.0 / 7.0)
    p = z * p + (1.0 / 5.0)
    p = z * p + (1.0 / 3.0)
    p = z * p + 1.0
    return e.astype(jnp.float32) * _LN2 + (2.0 * s) * p


def _loss_terms(dists, positive):
    probit = 1.0 / (1.0 + dists)
    if positive:
        val = probit
    else:
        val = 1.0 - probit
    val = jnp.minimum(jnp.maximum(val, 0.0001), 1.0)
    return -_vlog(val)


def _make_sc_call():
    mesh = plsc.VectorSubcoreMesh(
        core_axis_name="c", subcore_axis_name="s",
        num_cores=_NC, num_subcores=_NS)

    @functools.partial(
        pl.kernel,
        out_type=jax.ShapeDtypeStruct((_NW, _L), jnp.float32),
        mesh=mesh,
        compiler_params=pltpu.CompilerParams(needs_layout_passes=False),
        scratch_types=[
            pltpu.VMEM((_PB, _D), jnp.float32),
            pltpu.VMEM((_PB, _D), jnp.float32),
            pltpu.VMEM((_NEG, _CHUNK), jnp.int32),
            pltpu.VMEM((2, _GA * _NEG, _D), jnp.float32),
            pltpu.VMEM((_NEG * _PITCH,), jnp.float32),
            pltpu.VMEM((_GA * _PITCH,), jnp.float32),
            pltpu.VMEM((_L,), jnp.float32),
            pltpu.SemaphoreType.DMA,
            pltpu.SemaphoreType.DMA,
            pltpu.SemaphoreType.DMA,
        ],
    )
    def sc_loss(feat_hbm, idx_hbm, out_hbm,
                origs_v, pos_v, idx_v, nbr_v, nscr, pscr, loss_v,
                sem0, sem1, semp):
        w = lax.axis_index("s") * _NC + lax.axis_index("c")
        ab = w * _PB
        pltpu.sync_copy(idx_hbm.at[pl.ds(w * _NEG, _NEG)], idx_v)

        sems = (sem0, sem1)

        def start_group(g, slot):
            pltpu.async_copy(
                feat_hbm.at[idx_v.at[2 * g]],
                nbr_v.at[slot, pl.ds(0, _CHUNK)], sems[slot])
            pltpu.async_copy(
                feat_hbm.at[idx_v.at[2 * g + 1]],
                nbr_v.at[slot, pl.ds(_CHUNK, _CHUNK)], sems[slot])

        def drain(slot):
            pltpu.make_async_copy(
                feat_hbm.at[pl.ds(0, _GA * _NEG)],
                nbr_v.at[slot], sems[slot]).wait()

        start_group(0, 0)
        start_group(1, 1)
        cpo = pltpu.async_copy(feat_hbm.at[pl.ds(ab, _PB)], origs_v, semp)
        cpp = pltpu.async_copy(feat_hbm.at[pl.ds(_B + ab, _PB)], pos_v, semp)
        cpo.wait()
        cpp.wait()

        lanes = lax.iota(jnp.int32, _L)
        lanes_p = lanes * _PITCH

        def compute_group(g, slot, acc0):
            def anchor_step(al, acc):
                a = g * _GA + al
                o = [origs_v[a, pl.ds(k * _L, _L)] for k in range(_DC)]
                pv = [pos_v[a, pl.ds(k * _L, _L)] for k in range(_DC)]
                pacc = None
                naccs = [None] * _NEG
                for k in range(_DC):
                    ok = o[k]
                    dd = ok - pv[k]
                    dd = dd * dd
                    pacc = dd if pacc is None else pacc + dd
                    for j in range(_NEG):
                        r = al * _NEG + j
                        dd = ok - nbr_v[slot, r, pl.ds(k * _L, _L)]
                        dd = dd * dd
                        naccs[j] = dd if naccs[j] is None else naccs[j] + dd
                plsc.store_scatter(pscr, [lanes + al * _PITCH], pacc)
                for j in range(_NEG):
                    plsc.store_scatter(nscr, [lanes + j * _PITCH], naccs[j])
                dn = plsc.load_gather(nscr, [lanes_p])
                for c in range(1, _L):
                    dn = dn + plsc.load_gather(nscr, [lanes_p + c])
                return acc + _loss_terms(dn, positive=False)

            acc1 = lax.fori_loop(0, _GA, anchor_step, acc0)
            dp = plsc.load_gather(pscr, [lanes_p])
            for c in range(1, _L):
                dp = dp + plsc.load_gather(pscr, [lanes_p + c])
            return acc1 + _loss_terms(dp, positive=True)

        def super_step(h, loss_acc):
            for sl in range(2):
                g = 2 * h + sl
                drain(sl)
                loss_acc = compute_group(g, sl, loss_acc)
                start_group((g + 2) & (_NG - 1), sl)
            return loss_acc

        loss_acc = lax.fori_loop(0, _NG // 2, super_step,
                                 jnp.zeros((_L,), jnp.float32))
        drain(0)
        drain(1)

        loss_v[...] = loss_acc
        pltpu.sync_copy(loss_v, out_hbm.at[w])

    return sc_loss


_sc_call = None
_NEG_TABLE = _neg_inds_const(_B).reshape(_NW * _NEG, _CHUNK)


def kernel(features):
    global _sc_call
    n, d = features.shape
    assert (n, d) == (_N, _D)
    idx = jnp.asarray(_NEG_TABLE)
    if _sc_call is None:
        _sc_call = _make_sc_call()
    partial = _sc_call(features, idx)
    return jnp.sum(partial) / np.float32(_B * (_NEG + 1))

# --- scband reference (transcript-rebuilt; emitter-appended) ---
"""Pipeline reference for scband-contrastive-loss-87608742903848 (READ-ONLY COPY).

The authoritative reference and input builder live on the scoring server;
editing this copy changes nothing except your own understanding.
"""

import jax, jax.numpy as jnp
import numpy as np

NEG_SAMPLES = 16

def setup_inputs(seed: int = 0) -> dict:
    key = jax.random.key(seed)
    features = jax.random.normal(key, (8192, 128), dtype=jnp.float32)
    return {"features": features}

def _sample_neg_inds(b, m):
    # torch: weights uniform over [0,2b) excluding cols i and b+i; multinomial w/o replacement.
    # Equivalent in distribution: Gumbel-top-k over log-weights.
    key = jax.random.key(42)
    rows = jnp.arange(b)
    logw = jnp.zeros((b, 2 * b), dtype=jnp.float32)
    logw = logw.at[rows, rows].set(-jnp.inf)
    logw = logw.at[rows, rows + b].set(-jnp.inf)
    g = jax.random.gumbel(key, (b, 2 * b), dtype=jnp.float32)
    _, neg_inds = jax.lax.top_k(logw + g, m)
    return neg_inds

def reference(features):
    n = features.shape[0]
    b = n // 2
    m = NEG_SAMPLES
    origs = features[:b]
    neg_inds = _sample_neg_inds(b, m)
    pos_col = jnp.arange(b, 2 * b, dtype=neg_inds.dtype)[:, None]
    neigh_inds = jnp.concatenate([pos_col, neg_inds], axis=1)  # [b, m+1]
    neighbors = jnp.take(features, neigh_inds, axis=0)  # gather [b, m+1, d]
    neigh_mask = jnp.ones(neigh_inds.shape, dtype=bool).at[:, 0].set(False)
    diff = origs[:, None, :] - neighbors
    dists = (diff ** 2).sum(axis=2)
    probits = 1.0 / (1.0 + dists)
    loss = -((~neigh_mask).astype(jnp.float32) * jnp.log(jnp.clip(probits, 0.0001, 1.0))) \
           - neigh_mask.astype(jnp.float32) * jnp.log(jnp.clip(1.0 - probits, 0.0001, 1.0))
    return loss.mean()

if __name__ == "__main__":
    import jax
    _d = setup_inputs()
    print(jax.jit(kernel)(*tuple(_d.values())))

</pallas_src>

<mosaic_0001>
#map = affine_map<(d0, d1) -> (0, 0)>
module attributes {stable_mosaic.version = 14 : i64} {
  func.func @sc_loss(%arg0: i32, %arg1: i32, %arg2: memref<8192x128xf32, #tpu.memory_space<hbm>>, %arg3: memref<512x128xi32, #tpu.memory_space<hbm>>, %arg4: memref<32x16xf32, #tpu.memory_space<hbm>>, %arg5: memref<128x128xf32, #tpu.memory_space<vmem>>, %arg6: memref<128x128xf32, #tpu.memory_space<vmem>>, %arg7: memref<16x128xi32, #tpu.memory_space<vmem>>, %arg8: memref<2x256x128xf32, #tpu.memory_space<vmem>>, %arg9: memref<272xf32, #tpu.memory_space<vmem>>, %arg10: memref<272xf32, #tpu.memory_space<vmem>>, %arg11: memref<16xf32, #tpu.memory_space<vmem>>, %arg12: memref<!tpu.dma_semaphore, #tpu.memory_space<semaphore_mem>>, %arg13: memref<!tpu.dma_semaphore, #tpu.memory_space<semaphore_mem>>, %arg14: memref<!tpu.dma_semaphore, #tpu.memory_space<semaphore_mem>>) attributes {dimension_semantics = [#tpu.dimension_semantics<core_parallel>, #tpu.dimension_semantics<subcore_parallel>], iteration_bounds = array<i64: 2, 16>, scalar_prefetch = 0 : i64, scratch_operands = 10 : i64, tpu.core_type = #tpu.core_type<sc_vector_subcore>, window_params = [{transform_indices = #map}, {transform_indices = #map}, {transform_indices = #map}]} {
    %mul3A = arith.constant 2 : i32
    %mul3A_0 = arith.muli %arg1, %mul3A : i32
    %add3A = arith.addi %mul3A_0, %arg0 : i32
    %mul3A_1 = arith.constant 128 : i32
    %mul3A_2 = arith.muli %add3A, %mul3A_1 : i32
    %mul3A_3 = arith.constant 16 : i32
    %mul3A_4 = arith.muli %add3A, %mul3A_3 : i32
    "tpu.region"() ({
      %run_scoped3A = tpu.sem_alloc : memref<!tpu.dma_semaphore, #tpu.memory_space<semaphore_mem>>
      %dma_start3A_109 = arith.constant 0 : i32
      %dma_start3A_110 = tpu.memref_slice %arg3[%mul3A_4, %dma_start3A_109] : memref<512x128xi32, #tpu.memory_space<hbm>> -> memref<16x128xi32, #tpu.memory_space<hbm>>
      %dma_start3A_111 = arith.constant 0 : i32
      %dma_start3A_112 = tpu.memref_slice %arg3[%mul3A_4, %dma_start3A_111] : memref<512x128xi32, #tpu.memory_space<hbm>> -> memref<16x128xi32, #tpu.memory_space<hbm>>
      tpu.enqueue_dma source(%dma_start3A_112 : memref<16x128xi32, #tpu.memory_space<hbm>>) target(%arg7 : memref<16x128xi32, #tpu.memory_space<vmem>>) target_semaphore(%run_scoped3A : memref<!tpu.dma_semaphore, #tpu.memory_space<semaphore_mem>>)
      %dma_wait3A_113 = arith.constant 0 : i32
      %dma_wait3A_114 = tpu.memref_slice %arg3[%mul3A_4, %dma_wait3A_113] : memref<512x128xi32, #tpu.memory_space<hbm>> -> memref<16x128xi32, #tpu.memory_space<hbm>>
      %dma_wait3A_115 = arith.constant 0 : i32
      %dma_wait3A_116 = tpu.memref_slice %arg3[%mul3A_4, %dma_wait3A_115] : memref<512x128xi32, #tpu.memory_space<hbm>> -> memref<16x128xi32, #tpu.memory_space<hbm>>
      tpu.wait_dma2 semaphore(%run_scoped3A : memref<!tpu.dma_semaphore, #tpu.memory_space<semaphore_mem>>) src(%dma_wait3A_116 : memref<16x128xi32, #tpu.memory_space<hbm>>) dst(%arg7 : memref<16x128xi32, #tpu.memory_space<vmem>>)
      tpu.yield
    }) : () -> ()
    %dma_start3A = arith.constant 0 : i32
    %dma_start3A_5 = arith.constant 0 : i32
    %dma_start3A_6 = arith.constant 0 : i32
    %dma_start3A_7 = arith.constant 0 : i32
    %dma_start3A_8 = tpu.memref_slice %arg8[%dma_start3A_5, %dma_start3A_6, %dma_start3A_7] : memref<2x256x128xf32, #tpu.memory_space<vmem>> -> memref<1x128x128xf32, #tpu.memory_space<vmem>>
    %dma_start3A_9 = tpu.memref_squeeze %dma_start3A_8 : memref<1x128x128xf32, #tpu.memory_space<vmem>> -> memref<128x128xf32, #tpu.memory_space<vmem>>
    %dma_start3A_10 = arith.constant 0 : i32
    %dma_start3A_11 = tpu.memref_slice %arg7[%dma_start3A, %dma_start3A_10] : memref<16x128xi32, #tpu.memory_space<vmem>> -> memref<1x128xi32, #tpu.memory_space<vmem>>
    %dma_start3A_12 = tpu.memref_squeeze %dma_start3A_11 : memref<1x128xi32, #tpu.memory_space<vmem>> -> memref<128xi32, #tpu.memory_space<vmem>>
    %dma_start3A_13 = arith.constant 0 : i32
    %dma_start3A_14 = arith.constant 0 : i32
    %dma_start3A_15 = tpu.memref_slice %arg2[%dma_start3A_13, %dma_start3A_14] : memref<8192x128xf32, #tpu.memory_space<hbm>> -> memref<8192x128xf32, #tpu.memory_space<hbm>>
    tpu.enqueue_indirect_dma source(%dma_start3A_15 : memref<8192x128xf32, #tpu.memory_space<hbm>>) target(%dma_start3A_9 : memref<128x128xf32, #tpu.memory_space<vmem>>) offsets(%dma_start3A_12 : memref<128xi32, #tpu.memory_space<vmem>>) semaphore(%arg12 : memref<!tpu.dma_semaphore, #tpu.memory_space<semaphore_mem>>)
    %dma_start3A_16 = arith.constant 1 : i32
    %dma_start3A_17 = arith.constant 0 : i32
    %dma_start3A_18 = arith.constant 128 : i32
    %dma_start3A_19 = arith.constant 0 : i32
    %dma_start3A_20 = tpu.memref_slice %arg8[%dma_start3A_17, %dma_start3A_18, %dma_start3A_19] : memref<2x256x128xf32, #tpu.memory_space<vmem>> -> memref<1x128x128xf32, #tpu.memory_space<vmem>>
    %dma_start3A_21 = tpu.memref_squeeze %dma_start3A_20 : memref<1x128x128xf32, #tpu.memory_space<vmem>> -> memref<128x128xf32, #tpu.memory_space<vmem>>
    %dma_start3A_22 = arith.constant 0 : i32
    %dma_start3A_23 = tpu.memref_slice %arg7[%dma_start3A_16, %dma_start3A_22] : memref<16x128xi32, #tpu.memory_space<vmem>> -> memref<1x128xi32, #tpu.memory_space<vmem>>
    %dma_start3A_24 = tpu.memref_squeeze %dma_start3A_23 : memref<1x128xi32, #tpu.memory_space<vmem>> -> memref<128xi32, #tpu.memory_space<vmem>>
    %dma_start3A_25 = arith.constant 0 : i32
    %dma_start3A_26 = arith.constant 0 : i32
    %dma_start3A_27 = tpu.memref_slice %arg2[%dma_start3A_25, %dma_start3A_26] : memref<8192x128xf32, #tpu.memory_space<hbm>> -> memref<8192x128xf32, #tpu.memory_space<hbm>>
    tpu.enqueue_indirect_dma source(%dma_start3A_27 : memref<8192x128xf32, #tpu.memory_space<hbm>>) target(%dma_start3A_21 : memref<128x128xf32, #tpu.memory_space<vmem>>) offsets(%dma_start3A_24 : memref<128xi32, #tpu.memory_space<vmem>>) semaphore(%arg12 : memref<!tpu.dma_semaphore, #tpu.memory_space<semaphore_mem>>)
    %dma_start3A_28 = arith.constant 2 : i32
    %dma_start3A_29 = arith.constant 1 : i32
    %dma_start3A_30 = arith.constant 0 : i32
    %dma_start3A_31 = arith.constant 0 : i32
    %dma_start3A_32 = tpu.memref_slice %arg8[%dma_start3A_29, %dma_start3A_30, %dma_start3A_31] : memref<2x256x128xf32, #tpu.memory_space<vmem>> -> memref<1x128x128xf32, #tpu.memory_space<vmem>>
    %dma_start3A_33 = tpu.memref_squeeze %dma_start3A_32 : memref<1x128x128xf32, #tpu.memory_space<vmem>> -> memref<128x128xf32, #tpu.memory_space<vmem>>
    %dma_start3A_34 = arith.constant 0 : i32
    %dma_start3A_35 = tpu.memref_slice %arg7[%dma_start3A_28, %dma_start3A_34] : memref<16x128xi32, #tpu.memory_space<vmem>> -> memref<1x128xi32, #tpu.memory_space<vmem>>
    %dma_start3A_36 = tpu.memref_squeeze %dma_start3A_35 : memref<1x128xi32, #tpu.memory_space<vmem>> -> memref<128xi32, #tpu.memory_space<vmem>>
    %dma_start3A_37 = arith.constant 0 : i32
    %dma_start3A_38 = arith.constant 0 : i32
    %dma_start3A_39 = tpu.memref_slice %arg2[%dma_start3A_37, %dma_start3A_38] : memref<8192x128xf32, #tpu.memory_space<hbm>> -> memref<8192x128xf32, #tpu.memory_space<hbm>>
    tpu.enqueue_indirect_dma source(%dma_start3A_39 : memref<8192x128xf32, #tpu.memory_space<hbm>>) target(%dma_start3A_33 : memref<128x128xf32, #tpu.memory_space<vmem>>) offsets(%dma_start3A_36 : memref<128xi32, #tpu.memory_space<vmem>>) semaphore(%arg13 : memref<!tpu.dma_semaphore, #tpu.memory_space<semaphore_mem>>)
    %dma_start3A_40 = arith.constant 3 : i32
    %dma_start3A_41 = arith.constant 1 : i32
    %dma_start3A_42 = arith.constant 128 : i32
    %dma_start3A_43 = arith.constant 0 : i32
    %dma_start3A_44 = tpu.memref_slice %arg8[%dma_start3A_41, %dma_start3A_42, %dma_start3A_43] : memref<2x256x128xf32, #tpu.memory_space<vmem>> -> memref<1x128x128xf32, #tpu.memory_space<vmem>>
    %dma_start3A_45 = tpu.memref_squeeze %dma_start3A_44 : memref<1x128x128xf32, #tpu.memory_space<vmem>> -> memref<128x128xf32, #tpu.memory_space<vmem>>
    %dma_start3A_46 = arith.constant 0 : i32
    %dma_start3A_47 = tpu.memref_slice %arg7[%dma_start3A_40, %dma_start3A_46] : memref<16x128xi32, #tpu.memory_space<vmem>> -> memref<1x128xi32, #tpu.memory_space<vmem>>
    %dma_start3A_48 = tpu.memref_squeeze %dma_start3A_47 : memref<1x128xi32, #tpu.memory_space<vmem>> -> memref<128xi32, #tpu.memory_space<vmem>>
    %dma_start3A_49 = arith.constant 0 : i32
    %dma_start3A_50 = arith.constant 0 : i32
    %dma_start3A_51 = tpu.memref_slice %arg2[%dma_start3A_49, %dma_start3A_50] : memref<8192x128xf32, #tpu.memory_space<hbm>> -> memref<8192x128xf32, #tpu.memory_space<hbm>>
    tpu.enqueue_indirect_dma source(%dma_start3A_51 : memref<8192x128xf32, #tpu.memory_space<hbm>>) target(%dma_start3A_45 : memref<128x128xf32, #tpu.memory_space<vmem>>) offsets(%dma_start3A_48 : memref<128xi32, #tpu.memory_space<vmem>>) semaphore(%arg13 : memref<!tpu.dma_semaphore, #tpu.memory_space<semaphore_mem>>)
    %dma_start3A_52 = arith.constant 0 : i32
    %dma_start3A_53 = tpu.memref_slice %arg2[%mul3A_2, %dma_start3A_52] : memref<8192x128xf32, #tpu.memory_space<hbm>> -> memref<128x128xf32, #tpu.memory_space<hbm>>
    %dma_start3A_54 = arith.constant 0 : i32
    %dma_start3A_55 = tpu.memref_slice %arg2[%mul3A_2, %dma_start3A_54] : memref<8192x128xf32, #tpu.memory_space<hbm>> -> memref<128x128xf32, #tpu.memory_space<hbm>>
    tpu.enqueue_dma source(%dma_start3A_55 : memref<128x128xf32, #tpu.memory_space<hbm>>) target(%arg5 : memref<128x128xf32, #tpu.memory_space<vmem>>) target_semaphore(%arg14 : memref<!tpu.dma_semaphore, #tpu.memory_space<semaphore_mem>>)
    %add3A_56 = arith.constant 4096 : i32
    %add3A_57 = arith.addi %add3A_56, %mul3A_2 : i32
    %dma_start3A_58 = arith.constant 0 : i32
    %dma_start3A_59 = tpu.memref_slice %arg2[%add3A_57, %dma_start3A_58] : memref<8192x128xf32, #tpu.memory_space<hbm>> -> memref<128x128xf32, #tpu.memory_space<hbm>>
    %dma_start3A_60 = arith.constant 0 : i32
    %dma_start3A_61 = tpu.memref_slice %arg2[%add3A_57, %dma_start3A_60] : memref<8192x128xf32, #tpu.memory_space<hbm>> -> memref<128x128xf32, #tpu.memory_space<hbm>>
    tpu.enqueue_dma source(%dma_start3A_61 : memref<128x128xf32, #tpu.memory_space<hbm>>) target(%arg6 : memref<128x128xf32, #tpu.memory_space<vmem>>) target_semaphore(%arg14 : memref<!tpu.dma_semaphore, #tpu.memory_space<semaphore_mem>>)
    %dma_wait3A = arith.constant 0 : i32
    %dma_wait3A_62 = tpu.memref_slice %arg2[%mul3A_2, %dma_wait3A] : memref<8192x128xf32, #tpu.memory_space<hbm>> -> memref<128x128xf32, #tpu.memory_space<hbm>>
    %dma_wait3A_63 = arith.constant 0 : i32
    %dma_wait3A_64 = tpu.memref_slice %arg2[%mul3A_2, %dma_wait3A_63] : memref<8192x128xf32, #tpu.memory_space<hbm>> -> memref<128x128xf32, #tpu.memory_space<hbm>>
    tpu.wait_dma2 semaphore(%arg14 : memref<!tpu.dma_semaphore, #tpu.memory_space<semaphore_mem>>) src(%dma_wait3A_64 : memref<128x128xf32, #tpu.memory_space<hbm>>) dst(%arg5 : memref<128x128xf32, #tpu.memory_space<vmem>>)
    %dma_wait3A_65 = arith.constant 0 : i32
    %dma_wait3A_66 = tpu.memref_slice %arg2[%add3A_57, %dma_wait3A_65] : memref<8192x128xf32, #tpu.memory_space<hbm>> -> memref<128x128xf32, #tpu.memory_space<hbm>>
    %dma_wait3A_67 = arith.constant 0 : i32
    %dma_wait3A_68 = tpu.memref_slice %arg2[%add3A_57, %dma_wait3A_67] : memref<8192x128xf32, #tpu.memory_space<hbm>> -> memref<128x128xf32, #tpu.memory_space<hbm>>
    tpu.wait_dma2 semaphore(%arg14 : memref<!tpu.dma_semaphore, #tpu.memory_space<semaphore_mem>>) src(%dma_wait3A_68 : memref<128x128xf32, #tpu.memory_space<hbm>>) dst(%arg6 : memref<128x128xf32, #tpu.memory_space<vmem>>)
    %iota3A = tpu.iota {dimensions = array<i32: 0>} : vector<16xi32>
    %mul3A_69 = arith.constant 17 : i32
    %mul3A_70 = vector.broadcast %mul3A_69 : i32 to vector<16xi32>
    %mul3A_71 = arith.muli %iota3A, %mul3A_70 : vector<16xi32>
    %broadcast_in_dim3A = arith.constant 0.000000e+00 : f32
    %broadcast_in_dim3A_72 = vector.broadcast %broadcast_in_dim3A : f32 to vector<16xf32>
    %scan3A = arith.constant 0 : i32
    %scan3A_73 = arith.constant 4 : i32
    %scan3A_74 = arith.addi %scan3A, %scan3A_73 : i32
    %scan3A_75 = arith.constant 1 : i32
    %scan3A_76 = scf.for %scan3A_109 = %scan3A to %scan3A_74 step %scan3A_75 iter_args(%scan3A_110 = %broadcast_in_dim3A_72) -> (vector<16xf32>)  : i32 {
      %mul3A_111 = arith.constant 2 : i32
      %mul3A_112 = arith.muli %mul3A_111, %scan3A_109 : i32
      %add3A_113 = arith.constant 0 : i32
      %add3A_114 = arith.addi %mul3A_112, %add3A_113 : i32
      %dma_wait3A_115 = arith.constant 0 : i32
      %dma_wait3A_116 = arith.constant 0 : i32
      %dma_wait3A_117 = arith.constant 0 : i32
      %dma_wait3A_118 = tpu.memref_slice %arg8[%dma_wait3A_115, %dma_wait3A_116, %dma_wait3A_117] : memref<2x256x128xf32, #tpu.memory_space<vmem>> -> memref<1x256x128xf32, #tpu.memory_space<vmem>>
      %dma_wait3A_119 = tpu.memref_squeeze %dma_wait3A_118 : memref<1x256x128xf32, #tpu.memory_space<vmem>> -> memref<256x128xf32, #tpu.memory_space<vmem>>
      %dma_wait3A_120 = arith.constant 0 : i32
      %dma_wait3A_121 = arith.constant 0 : i32
      %dma_wait3A_122 = tpu.memref_slice %arg2[%dma_wait3A_120, %dma_wait3A_121] : memref<8192x128xf32, #tpu.memory_space<hbm>> -> memref<256x128xf32, #tpu.memory_space<hbm>>
      %dma_wait3A_123 = arith.constant 0 : i32
      %dma_wait3A_124 = arith.constant 0 : i32
      %dma_wait3A_125 = tpu.memref_slice %arg8[%dma_wait3A_115, %dma_wait3A_123, %dma_wait3A_124] : memref<2x256x128xf32, #tpu.memory_space<vmem>> -> memref<1x256x128xf32, #tpu.memory_space<vmem>>
      %dma_wait3A_126 = tpu.memref_squeeze %dma_wait3A_125 : memref<1x256x128xf32, #tpu.memory_space<vmem>> -> memref<256x128xf32, #tpu.memory_space<vmem>>
      %dma_wait3A_127 = arith.constant 0 : i32
      %dma_wait3A_128 = arith.constant 0 : i32
      %dma_wait3A_129 = tpu.memref_slice %arg2[%dma_wait3A_127, %dma_wait3A_128] : memref<8192x128xf32, #tpu.memory_space<hbm>> -> memref<256x128xf32, #tpu.memory_space<hbm>>
      tpu.wait_dma2 semaphore(%arg12 : memref<!tpu.dma_semaphore, #tpu.memory_space<semaphore_mem>>) src(%dma_wait3A_129 : memref<256x128xf32, #tpu.memory_space<hbm>>) dst(%dma_wait3A_126 : memref<256x128xf32, #tpu.memory_space<vmem>>)
      %scan3A_130 = arith.constant 0 : i32
      %scan3A_131 = arith.constant 16 : i32
      %scan3A_132 = arith.addi %scan3A_130, %scan3A_131 : i32
      %scan3A_133 = arith.constant 1 : i32
      %scan3A_134 = scf.for %scan3A_519 = %scan3A_130 to %scan3A_132 step %scan3A_133 iter_args(%scan3A_520 = %scan3A_110) -> (vector<16xf32>)  : i32 {
        %mul3A_521 = arith.constant 16 : i32
        %mul3A_522 = arith.muli %add3A_114, %mul3A_521 : i32
        %add3A_523 = arith.addi %mul3A_522, %scan3A_519 : i32
        %get3A = arith.index_cast %add3A_523 : i32 to index
        %get3A_524 = arith.constant 0 : index
        %get3A_525 = tpu.vector_load %arg5[%get3A, %get3A_524] {strides = array<i32>} : memref<128x128xf32, #tpu.memory_space<vmem>>, vector<16xf32>,
        %get3A_526 = arith.index_cast %add3A_523 : i32 to index
        %get3A_527 = arith.constant 16 : index
        %get3A_528 = tpu.vector_load %arg5[%get3A_526, %get3A_527] {strides = array<i32>} : memref<128x128xf32, #tpu.memory_space<vmem>>, vector<16xf32>,
        %get3A_529 = arith.index_cast %add3A_523 : i32 to index
        %get3A_530 = arith.constant 32 : index
        %get3A_531 = tpu.vector_load %arg5[%get3A_529, %get3A_530] {strides = array<i32>} : memref<128x128xf32, #tpu.memory_space<vmem>>, vector<16xf32>,
        %get3A_532 = arith.index_cast %add3A_523 : i32 to index
        %get3A_533 = arith.constant 48 : index
        %get3A_534 = tpu.vector_load %arg5[%get3A_532, %get3A_533] {strides = array<i32>} : memref<128x128xf32, #tpu.memory_space<vmem>>, vector<16xf32>,
        %get3A_535 = arith.index_cast %add3A_523 : i32 to index
        %get3A_536 = arith.constant 64 : index
        %get3A_537 = tpu.vector_load %arg5[%get3A_535, %get3A_536] {strides = array<i32>} : memref<128x128xf32, #tpu.memory_space<vmem>>, vector<16xf32>,
        %get3A_538 = arith.index_cast %add3A_523 : i32 to index
        %get3A_539 = arith.constant 80 : index
        %get3A_540 = tpu.vector_load %arg5[%get3A_538, %get3A_539] {strides = array<i32>} : memref<128x128xf32, #tpu.memory_space<vmem>>, vector<16xf32>,
        %get3A_541 = arith.index_cast %add3A_523 : i32 to index
        %get3A_542 = arith.constant 96 : index
        %get3A_543 = tpu.vector_load %arg5[%get3A_541, %get3A_542] {strides = array<i32>} : memref<128x128xf32, #tpu.memory_space<vmem>>, vector<16xf32>,
        %get3A_544 = arith.index_cast %add3A_523 : i32 to index
        %get3A_545 = arith.constant 112 : index
        %get3A_546 = tpu.vector_load %arg5[%get3A_544, %get3A_545] {strides = array<i32>} : memref<128x128xf32, #tpu.memory_space<vmem>>, vector<16xf32>,
        %get3A_547 = arith.index_cast %add3A_523 : i32 to index
        %get3A_548 = arith.constant 0 : index
        %get3A_549 = tpu.vector_load %arg6[%get3A_547, %get3A_548] {strides = array<i32>} : memref<128x128xf32, #tpu.memory_space<vmem>>, vector<16xf32>,
        %get3A_550 = arith.index_cast %add3A_523 : i32 to index
        %get3A_551 = arith.constant 16 : index
        %get3A_552 = tpu.vector_load %arg6[%get3A_550, %get3A_551] {strides = array<i32>} : memref<128x128xf32, #tpu.memory_space<vmem>>, vector<16xf32>,
        %get3A_553 = arith.index_cast %add3A_523 : i32 to index
        %get3A_554 = arith.constant 32 : index
        %get3A_555 = tpu.vector_load %arg6[%get3A_553, %get3A_554] {strides = array<i32>} : memref<128x128xf32, #tpu.memory_space<vmem>>, vector<16xf32>,
        %get3A_556 = arith.index_cast %add3A_523 : i32 to index
        %get3A_557 = arith.constant 48 : index
        %get3A_558 = tpu.vector_load %arg6[%get3A_556, %get3A_557] {strides = array<i32>} : memref<128x128xf32, #tpu.memory_space<vmem>>, vector<16xf32>,
        %get3A_559 = arith.index_cast %add3A_523 : i32 to index
        %get3A_560 = arith.constant 64 : index
        %get3A_561 = tpu.vector_load %arg6[%get3A_559, %get3A_560] {strides = array<i32>} : memref<128x128xf32, #tpu.memory_space<vmem>>, vector<16xf32>,
        %get3A_562 = arith.index_cast %add3A_523 : i32 to index
        %get3A_563 = arith.constant 80 : index
        %get3A_564 = tpu.vector_load %arg6[%get3A_562, %get3A_563] {strides = array<i32>} : memref<128x128xf32, #tpu.memory_space<vmem>>, vector<16xf32>,
        %get3A_565 = arith.index_cast %add3A_523 : i32 to index
        %get3A_566 = arith.constant 96 : index
        %get3A_567 = tpu.vector_load %arg6[%get3A_565, %get3A_566] {strides = array<i32>} : memref<128x128xf32, #tpu.memory_space<vmem>>, vector<16xf32>,
        %get3A_568 = arith.index_cast %add3A_523 : i32 to index
        %get3A_569 = arith.constant 112 : index
        %get3A_570 = tpu.vector_load %arg6[%get3A_568, %get3A_569] {strides = array<i32>} : memref<128x128xf32, #tpu.memory_space<vmem>>, vector<16xf32>,
        %sub3A_571 = arith.subf %get3A_525, %get3A_549 : vector<16xf32>
        %mul3A_572 = arith.mulf %sub3A_571, %sub3A_571 : vector<16xf32>
        %mul3A_573 = arith.constant 16 : i32
        %mul3A_574 = arith.muli %scan3A_519, %mul3A_573 : i32
        %add3A_575 = arith.constant 0 : i32
        %add3A_576 = arith.addi %mul3A_574, %add3A_575 : i32
        %get3A_577 = arith.constant 0 : i32
        %get3A_578 = arith.index_cast %get3A_577 : i32 to index
        %get3A_579 = arith.index_cast %add3A_576 : i32 to index
        %get3A_580 = arith.constant 0 : index
        %get3A_581 = tpu.vector_load %arg8[%get3A_578, %get3A_579, %get3A_580] {strides = array<i32>} : memref<2x256x128xf32, #tpu.memory_space<vmem>>, vector<16xf32>,
        %sub3A_582 = arith.subf %get3A_525, %get3A_581 : vector<16xf32>
        %mul3A_583 = arith.mulf %sub3A_582, %sub3A_582 : vector<16xf32>
        %mul3A_584 = arith.constant 16 : i32
        %mul3A_585 = arith.muli %scan3A_519, %mul3A_584 : i32
        %add3A_586 = arith.constant 1 : i32
        %add3A_587 = arith.addi %mul3A_585, %add3A_586 : i32
        %get3A_588 = arith.constant 0 : i32
        %get3A_589 = arith.index_cast %get3A_588 : i32 to index
        %get3A_590 = arith.index_cast %add3A_587 : i32 to index
        %get3A_591 = arith.constant 0 : index
        %get3A_592 = tpu.vector_load %arg8[%get3A_589, %get3A_590, %get3A_591] {strides = array<i32>} : memref<2x256x128xf32, #tpu.memory_space<vmem>>, vector<16xf32>,
        %sub3A_593 = arith.subf %get3A_525, %get3A_592 : vector<16xf32>
        %mul3A_594 = arith.mulf %sub3A_593, %sub3A_593 : vector<16xf32>
        %mul3A_595 = arith.constant 16 : i32
        %mul3A_596 = arith.muli %scan3A_519, %mul3A_595 : i32
        %add3A_597 = arith.constant 2 : i32
        %add3A_598 = arith.addi %mul3A_596, %add3A_597 : i32
        %get3A_599 = arith.constant 0 : i32
        %get3A_600 = arith.index_cast %get3A_599 : i32 to index
        %get3A_601 = arith.index_cast %add3A_598 : i32 to index
        %get3A_602 = arith.constant 0 : index
        %get3A_603 = tpu.vector_load %arg8[%get3A_600, %get3A_601, %get3A_602] {strides = array<i32>} : memref<2x256x128xf32, #tpu.memory_space<vmem>>, vector<16xf32>,
        %sub3A_604 = arith.subf %get3A_525, %get3A_603 : vector<16xf32>
        %mul3A_605 = arith.mulf %sub3A_604, %sub3A_604 : vector<16xf32>
        %mul3A_606 = arith.constant 16 : i32
        %mul3A_607 = arith.muli %scan3A_519, %mul3A_606 : i32
        %add3A_608 = arith.constant 3 : i32
        %add3A_609 = arith.addi %mul3A_607, %add3A_608 : i32
        %get3A_610 = arith.constant 0 : i32
        %get3A_611 = arith.index_cast %get3A_610 : i32 to index
        %get3A_612 = arith.index_cast %add3A_609 : i32 to index
        %get3A_613 = arith.constant 0 : index
        %get3A_614 = tpu.vector_load %arg8[%get3A_611, %get3A_612, %get3A_613] {strides = array<i32>} : memref<2x256x128xf32, #tpu.memory_space<vmem>>, vector<16xf32>,
        %sub3A_615 = arith.subf %get3A_525, %get3A_614 : vector<16xf32>
        %mul3A_616 = arith.mulf %sub3A_615, %sub3A_615 : vector<16xf32>
        %mul3A_617 = arith.constant 16 : i32
        %mul3A_618 = arith.muli %scan3A_519, %mul3A_617 : i32
        %add3A_619 = arith.constant 4 : i32
        %add3A_620 = arith.addi %mul3A_618, %add3A_619 : i32
        %get3A_621 = arith.constant 0 : i32
        %get3A_622 = arith.index_cast %get3A_621 : i32 to index
        %get3A_623 = arith.index_cast %add3A_620 : i32 to index
        %get3A_624 = arith.constant 0 : index
        %get3A_625 = tpu.vector_load %arg8[%get3A_622, %get3A_623, %get3A_624] {strides = array<i32>} : memref<2x256x128xf32, #tpu.memory_space<vmem>>, vector<16xf32>,
        %sub3A_626 = arith.subf %get3A_525, %get3A_625 : vector<16xf32>
        %mul3A_627 = arith.mulf %sub3A_626, %sub3A_626 : vector<16xf32>
        %mul3A_628 = arith.constant 16 : i32
        %mul3A_629 = arith.muli %scan3A_519, %mul3A_628 : i32
        %add3A_630 = arith.constant 5 : i32
        %add3A_631 = arith.addi %mul3A_629, %add3A_630 : i32
        %get3A_632 = arith.constant 0 : i32
        %get3A_633 = arith.index_cast %get3A_632 : i32 to index
        %get3A_634 = arith.index_cast %add3A_631 : i32 to index
        %get3A_635 = arith.constant 0 : index
        %get3A_636 = tpu.vector_load %arg8[%get3A_633, %get3A_634, %get3A_635] {strides = array<i32>} : memref<2x256x128xf32, #tpu.memory_space<vmem>>, vector<16xf32>,
        %sub3A_637 = arith.subf %get3A_525, %get3A_636 : vector<16xf32>
        %mul3A_638 = arith.mulf %sub3A_637, %sub3A_637 : vector<16xf32>
        %mul3A_639 = arith.constant 16 : i32
        %mul3A_640 = arith.muli %scan3A_519, %mul3A_639 : i32
        %add3A_641 = arith.constant 6 : i32
        %add3A_642 = arith.addi %mul3A_640, %add3A_641 : i32
        %get3A_643 = arith.constant 0 : i32
        %get3A_644 = arith.index_cast %get3A_643 : i32 to index
        %get3A_645 = arith.index_cast %add3A_642 : i32 to index
        %get3A_646 = arith.constant 0 : index
        %get3A_647 = tpu.vector_load %arg8[%get3A_644, %get3A_645, %get3A_646] {strides = array<i32>} : memref<2x256x128xf32, #tpu.memory_space<vmem>>, vector<16xf32>,
        %sub3A_648 = arith.subf %get3A_525, %get3A_647 : vector<16xf32>
        %mul3A_649 = arith.mulf %sub3A_648, %sub3A_648 : vector<16xf32>
        %mul3A_650 = arith.constant 16 : i32
        %mul3A_651 = arith.muli %scan3A_519, %mul3A_650 : i32
        %add3A_652 = arith.constant 7 : i32
        %add3A_653 = arith.addi %mul3A_651, %add3A_652 : i32
        %get3A_654 = arith.constant 0 : i32
        %get3A_655 = arith.index_cast %get3A_654 : i32 to index
        %get3A_656 = arith.index_cast %add3A_653 : i32 to index
        %get3A_657 = arith.constant 0 : index
        %get3A_658 = tpu.vector_load %arg8[%get3A_655, %get3A_656, %get3A_657] {strides = array<i32>} : memref<2x256x128xf32, #tpu.memory_space<vmem>>, vector<16xf32>,
        %sub3A_659 = arith.subf %get3A_525, %get3A_658 : vector<16xf32>
        %mul3A_660 = arith.mulf %sub3A_659, %sub3A_659 : vector<16xf32>
        %mul3A_661 = arith.constant 16 : i32
        %mul3A_662 = arith.muli %scan3A_519, %mul3A_661 : i32
        %add3A_663 = arith.constant 8 : i32
        %add3A_664 = arith.addi %mul3A_662, %add3A_663 : i32
        %get3A_665 = arith.constant 0 : i32
        %get3A_666 = arith.index_cast %get3A_665 : i32 to index
        %get3A_667 = arith.index_cast %add3A_664 : i32 to index
        %get3A_668 = arith.constant 0 : index
        %get3A_669 = tpu.vector_load %arg8[%get3A_666, %get3A_667, %get3A_668] {strides = array<i32>} : memref<2x256x128xf32, #tpu.memory_space<vmem>>, vector<16xf32>,
        %sub3A_670 = arith.subf %get3A_525, %get3A_669 : vector<16xf32>
        %mul3A_671 = arith.mulf %sub3A_670, %sub3A_670 : vector<16xf32>
        %mul3A_672 = arith.constant 16 : i32
        %mul3A_673 = arith.muli %scan3A_519, %mul3A_672 : i32
        %add3A_674 = arith.constant 9 : i32
        %add3A_675 = arith.addi %mul3A_673, %add3A_674 : i32
        %get3A_676 = arith.constant 0 : i32
        %get3A_677 = arith.index_cast %get3A_676 : i32 to index
        %get3A_678 = arith.index_cast %add3A_675 : i32 to index
        %get3A_679 = arith.constant 0 : index
        %get3A_680 = tpu.vector_load %arg8[%get3A_677, %get3A_678, %get3A_679] {strides = array<i32>} : memref<2x256x128xf32, #tpu.memory_space<vmem>>, vector<16xf32>,
        %sub3A_681 = arith.subf %get3A_525, %get3A_680 : vector<16xf32>
        %mul3A_682 = arith.mulf %sub3A_681, %sub3A_681 : vector<16xf32>
        %mul3A_683 = arith.constant 16 : i32
        %mul3A_684 = arith.muli %scan3A_519, %mul3A_683 : i32
        %add3A_685 = arith.constant 10 : i32
        %add3A_686 = arith.addi %mul3A_684, %add3A_685 : i32
        %get3A_687 = arith.constant 0 : i32
        %get3A_688 = arith.index_cast %get3A_687 : i32 to index
        %get3A_689 = arith.index_cast %add3A_686 : i32 to index
        %get3A_690 = arith.constant 0 : index
        %get3A_691 = tpu.vector_load %arg8[%get3A_688, %get3A_689, %get3A_690] {strides = array<i32>} : memref<2x256x128xf32, #tpu.memory_space<vmem>>, vector<16xf32>,
        %sub3A_692 = arith.subf %get3A_525, %get3A_691 : vector<16xf32>
        %mul3A_693 = arith.mulf %sub3A_692, %sub3A_692 : vector<16xf32>
        %mul3A_694 = arith.constant 16 : i32
        %mul3A_695 = arith.muli %scan3A_519, %mul3A_694 : i32
        %add3A_696 = arith.constant 11 : i32
        %add3A_697 = arith.addi %mul3A_695, %add3A_696 : i32
        %get3A_698 = arith.constant 0 : i32
        %get3A_699 = arith.index_cast %get3A_698 : i32 to index
        %get3A_700 = arith.index_cast %add3A_697 : i32 to index
        %get3A_701 = arith.constant 0 : index
        %get3A_702 = tpu.vector_load %arg8[%get3A_699, %get3A_700, %get3A_701] {strides = array<i32>} : memref<2x256x128xf32, #tpu.memory_space<vmem>>, vector<16xf32>,
        %sub3A_703 = arith.subf %get3A_525, %get3A_702 : vector<16xf32>
        %mul3A_704 = arith.mulf %sub3A_703, %sub3A_703 : vector<16xf32>
        %mul3A_705 = arith.constant 16 : i32
        %mul3A_706 = arith.muli %scan3A_519, %mul3A_705 : i32
        %add3A_707 = arith.constant 12 : i32
        %add3A_708 = arith.addi %mul3A_706, %add3A_707 : i32
        %get3A_709 = arith.constant 0 : i32
        %get3A_710 = arith.index_cast %get3A_709 : i32 to index
        %get3A_711 = arith.index_cast %add3A_708 : i32 to index
        %get3A_712 = arith.constant 0 : index
        %get3A_713 = tpu.vector_load %arg8[%get3A_710, %get3A_711, %get3A_712] {strides = array<i32>} : memref<2x256x128xf32, #tpu.memory_space<vmem>>, vector<16xf32>,
        %sub3A_714 = arith.subf %get3A_525, %get3A_713 : vector<16xf32>
        %mul3A_715 = arith.mulf %sub3A_714, %sub3A_714 : vector<16xf32>
        %mul3A_716 = arith.constant 16 : i32
        %mul3A_717 = arith.muli %scan3A_519, %mul3A_716 : i32
        %add3A_718 = arith.constant 13 : i32
        %add3A_719 = arith.addi %mul3A_717, %add3A_718 : i32
        %get3A_720 = arith.constant 0 : i32
        %get3A_721 = arith.index_cast %get3A_720 : i32 to index
        %get3A_722 = arith.index_cast %add3A_719 : i32 to index
        %get3A_723 = arith.constant 0 : index
        %get3A_724 = tpu.vector_load %arg8[%get3A_721, %get3A_722, %get3A_723] {strides = array<i32>} : memref<2x256x128xf32, #tpu.memory_space<vmem>>, vector<16xf32>,
        %sub3A_725 = arith.subf %get3A_525, %get3A_724 : vector<16xf32>
        %mul3A_726 = arith.mulf %sub3A_725, %sub3A_725 : vector<16xf32>
        %mul3A_727 = arith.constant 16 : i32
        %mul3A_728 = arith.muli %scan3A_519, %mul3A_727 : i32
        %add3A_729 = arith.constant 14 : i32
        %add3A_730 = arith.addi %mul3A_728, %add3A_729 : i32
        %get3A_731 = arith.constant 0 : i32
        %get3A_732 = arith.index_cast %get3A_731 : i32 to index
        %get3A_733 = arith.index_cast %add3A_730 : i32 to index
        %get3A_734 = arith.constant 0 : index
        %get3A_735 = tpu.vector_load %arg8[%get3A_732, %get3A_733, %get3A_734] {strides = array<i32>} : memref<2x256x128xf32, #tpu.memory_space<vmem>>, vector<16xf32>,
        %sub3A_736 = arith.subf %get3A_525, %get3A_735 : vector<16xf32>
        %mul3A_737 = arith.mulf %sub3A_736, %sub3A_736 : vector<16xf32>
        %mul3A_738 = arith.constant 16 : i32
        %mul3A_739 = arith.muli %scan3A_519, %mul3A_738 : i32
        %add3A_740 = arith.constant 15 : i32
        %add3A_741 = arith.addi %mul3A_739, %add3A_740 : i32
        %get3A_742 = arith.constant 0 : i32
        %get3A_743 = arith.index_cast %get3A_742 : i32 to index
        %get3A_744 = arith.index_cast %add3A_741 : i32 to index
        %get3A_745 = arith.constant 0 : index
        %get3A_746 = tpu.vector_load %arg8[%get3A_743, %get3A_744, %get3A_745] {strides = array<i32>} : memref<2x256x128xf32, #tpu.memory_space<vmem>>, vector<16xf32>,
        %sub3A_747 = arith.subf %get3A_525, %get3A_746 : vector<16xf32>
        %mul3A_748 = arith.mulf %sub3A_747, %sub3A_747 : vector<16xf32>
        %sub3A_749 = arith.subf %get3A_528, %get3A_552 : vector<16xf32>
        %mul3A_750 = arith.mulf %sub3A_749, %sub3A_749 : vector<16xf32>
        %add3A_751 = arith.addf %mul3A_572, %mul3A_750 : vector<16xf32>
        %mul3A_752 = arith.constant 16 : i32
        %mul3A_753 = arith.muli %scan3A_519, %mul3A_752 : i32
        %add3A_754 = arith.constant 0 : i32
        %add3A_755 = arith.addi %mul3A_753, %add3A_754 : i32
        %get3A_756 = arith.constant 0 : i32
        %get3A_757 = arith.index_cast %get3A_756 : i32 to index
        %get3A_758 = arith.index_cast %add3A_755 : i32 to index
        %get3A_759 = arith.constant 16 : index
        %get3A_760 = tpu.vector_load %arg8[%get3A_757, %get3A_758, %get3A_759] {strides = array<i32>} : memref<2x256x128xf32, #tpu.memory_space<vmem>>, vector<16xf32>,
        %sub3A_761 = arith.subf %get3A_528, %get3A_760 : vector<16xf32>
        %mul3A_762 = arith.mulf %sub3A_761, %sub3A_761 : vector<16xf32>
        %add3A_763 = arith.addf %mul3A_583, %mul3A_762 : vector<16xf32>
        %mul3A_764 = arith.constant 16 : i32
        %mul3A_765 = arith.muli %scan3A_519, %mul3A_764 : i32
        %add3A_766 = arith.constant 1 : i32
        %add3A_767 = arith.addi %mul3A_765, %add3A_766 : i32
        %get3A_768 = arith.constant 0 : i32
        %get3A_769 = arith.index_cast %get3A_768 : i32 to index
        %get3A_770 = arith.index_cast %add3A_767 : i32 to index
        %get3A_771 = arith.constant 16 : index
        %get3A_772 = tpu.vector_load %arg8[%get3A_769, %get3A_770, %get3A_771] {strides = array<i32>} : memref<2x256x128xf32, #tpu.memory_space<vmem>>, vector<16xf32>,
        %sub3A_773 = arith.subf %get3A_528, %get3A_772 : vector<16xf32>
        %mul3A_774 = arith.mulf %sub3A_773, %sub3A_773 : vector<16xf32>
        %add3A_775 = arith.addf %mul3A_594, %mul3A_774 : vector<16xf32>
        %mul3A_776 = arith.constant 16 : i32
        %mul3A_777 = arith.muli %scan3A_519, %mul3A_776 : i32
        %add3A_778 = arith.constant 2 : i32
        %add3A_779 = arith.addi %mul3A_777, %add3A_778 : i32
        %get3A_780 = arith.constant 0 : i32
        %get3A_781 = arith.index_cast %get3A_780 : i32 to index
        %get3A_782 = arith.index_cast %add3A_779 : i32 to index
        %get3A_783 = arith.constant 16 : index
        %get3A_784 = tpu.vector_load %arg8[%get3A_781, %get3A_782, %get3A_783] {strides = array<i32>} : memref<2x256x128xf32, #tpu.memory_space<vmem>>, vector<16xf32>,
        %sub3A_785 = arith.subf %get3A_528, %get3A_784 : vector<16xf32>
        %mul3A_786 = arith.mulf %sub3A_785, %sub3A_785 : vector<16xf32>
        %add3A_787 = arith.addf %mul3A_605, %mul3A_786 : vector<16xf32>
        %mul3A_788 = arith.constant 16 : i32
        %mul3A_789 = arith.muli %scan3A_519, %mul3A_788 : i32
        %add3A_790 = arith.constant 3 : i32
        %add3A_791 = arith.addi %mul3A_789, %add3A_790 : i32
        %get3A_792 = arith.constant 0 : i32
        %get3A_793 = arith.index_cast %get3A_792 : i32 to index
        %get3A_794 = arith.index_cast %add3A_791 : i32 to index
        %get3A_795 = arith.constant 16 : index
        %get3A_796 = tpu.vector_load %arg8[%get3A_793, %get3A_794, %get3A_795] {strides = array<i32>} : memref<2x256x128xf32, #tpu.memory_space<vmem>>, vector<16xf32>,
        %sub3A_797 = arith.subf %get3A_528, %get3A_796 : vector<16xf32>
        %mul3A_798 = arith.mulf %sub3A_797, %sub3A_797 : vector<16xf32>
        %add3A_799 = arith.addf %mul3A_616, %mul3A_798 : vector<16xf32>
        %mul3A_800 = arith.constant 16 : i32
        %mul3A_801 = arith.muli %scan3A_519, %mul3A_800 : i32
        %add3A_802 = arith.constant 4 : i32
        %add3A_803 = arith.addi %mul3A_801, %add3A_802 : i32
        %get3A_804 = arith.constant 0 : i32
        %get3A_805 = arith.index_cast %get3A_804 : i32 to index
        %get3A_806 = arith.index_cast %add3A_803 : i32 to index
        %get3A_807 = arith.constant 16 : index
        %get3A_808 = tpu.vector_load %arg8[%get3A_805, %get3A_806, %get3A_807] {strides = array<i32>} : memref<2x256x128xf32, #tpu.memory_space<vmem>>, vector<16xf32>,
        %sub3A_809 = arith.subf %get3A_528, %get3A_808 : vector<16xf32>
        %mul3A_810 = arith.mulf %sub3A_809, %sub3A_809 : vector<16xf32>
        %add3A_811 = arith.addf %mul3A_627, %mul3A_810 : vector<16xf32>
        %mul3A_812 = arith.constant 16 : i32
        %mul3A_813 = arith.muli %scan3A_519, %mul3A_812 : i32
        %add3A_814 = arith.constant 5 : i32
        %add3A_815 = arith.addi %mul3A_813, %add3A_814 : i32
        %get3A_816 = arith.constant 0 : i32
        %get3A_817 = arith.index_cast %get3A_816 : i32 to index
        %get3A_818 = arith.index_cast %add3A_815 : i32 to index
        %get3A_819 = arith.constant 16 : index
        %get3A_820 = tpu.vector_load %arg8[%get3A_817, %get3A_818, %get3A_819] {strides = array<i32>} : memref<2x256x128xf32, #tpu.memory_space<vmem>>, vector<16xf32>,
        %sub3A_821 = arith.subf %get3A_528, %get3A_820 : vector<16xf32>
        %mul3A_822 = arith.mulf %sub3A_821, %sub3A_821 : vector<16xf32>
        %add3A_823 = arith.addf %mul3A_638, %mul3A_822 : vector<16xf32>
        %mul3A_824 = arith.constant 16 : i32
        %mul3A_825 = arith.muli %scan3A_519, %mul3A_824 : i32
        %add3A_826 = arith.constant 6 : i32
        %add3A_827 = arith.addi %mul3A_825, %add3A_826 : i32
        %get3A_828 = arith.constant 0 : i32
        %get3A_829 = arith.index_cast %get3A_828 : i32 to index
        %get3A_830 = arith.index_cast %add3A_827 : i32 to index
        %get3A_831 = arith.constant 16 : index
        %get3A_832 = tpu.vector_load %arg8[%get3A_829, %get3A_830, %get3A_831] {strides = array<i32>} : memref<2x256x128xf32, #tpu.memory_space<vmem>>, vector<16xf32>,
        %sub3A_833 = arith.subf %get3A_528, %get3A_832 : vector<16xf32>
        %mul3A_834 = arith.mulf %sub3A_833, %sub3A_833 : vector<16xf32>
        %add3A_835 = arith.addf %mul3A_649, %mul3A_834 : vector<16xf32>
        %mul3A_836 = arith.constant 16 : i32
        %mul3A_837 = arith.muli %scan3A_519, %mul3A_836 : i32
        %add3A_838 = arith.constant 7 : i32
        %add3A_839 = arith.addi %mul3A_837, %add3A_838 : i32
        %get3A_840 = arith.constant 0 : i32
        %get3A_841 = arith.index_cast %get3A_840 : i32 to index
        %get3A_842 = arith.index_cast %add3A_839 : i32 to index
        %get3A_843 = arith.constant 16 : index
        %get3A_844 = tpu.vector_load %arg8[%get3A_841, %get3A_842, %get3A_843] {strides = array<i32>} : memref<2x256x128xf32, #tpu.memory_space<vmem>>, vector<16xf32>,
        %sub3A_845 = arith.subf %get3A_528, %get3A_844 : vector<16xf32>
        %mul3A_846 = arith.mulf %sub3A_845, %sub3A_845 : vector<16xf32>
        %add3A_847 = arith.addf %mul3A_660, %mul3A_846 : vector<16xf32>
        %mul3A_848 = arith.constant 16 : i32
        %mul3A_849 = arith.muli %scan3A_519, %mul3A_848 : i32
        %add3A_850 = arith.constant 8 : i32
        %add3A_851 = arith.addi %mul3A_849, %add3A_850 : i32
        %get3A_852 = arith.constant 0 : i32
        %get3A_853 = arith.index_cast %get3A_852 : i32 to index
        %get3A_854 = arith.index_cast %add3A_851 : i32 to index
        %get3A_855 = arith.constant 16 : index
        %get3A_856 = tpu.vector_load %arg8[%get3A_853, %get3A_854, %get3A_855] {strides = array<i32>} : memref<2x256x128xf32, #tpu.memory_space<vmem>>, vector<16xf32>,
        %sub3A_857 = arith.subf %get3A_528, %get3A_856 : vector<16xf32>
        %mul3A_858 = arith.mulf %sub3A_857, %sub3A_857 : vector<16xf32>
        %add3A_859 = arith.addf %mul3A_671, %mul3A_858 : vector<16xf32>
        %mul3A_860 = arith.constant 16 : i32
        %mul3A_861 = arith.muli %scan3A_519, %mul3A_860 : i32
        %add3A_862 = arith.constant 9 : i32
        %add3A_863 = arith.addi %mul3A_861, %add3A_862 : i32
        %get3A_864 = arith.constant 0 : i32
        %get3A_865 = arith.index_cast %get3A_864 : i32 to index
        %get3A_866 = arith.index_cast %add3A_863 : i32 to index
        %get3A_867 = arith.constant 16 : index
        %get3A_868 = tpu.vector_load %arg8[%get3A_865, %get3A_866, %get3A_867] {strides = array<i32>} : memref<2x256x128xf32, #tpu.memory_space<vmem>>, vector<16xf32>,
        %sub3A_869 = arith.subf %get3A_528, %get3A_868 : vector<16xf32>
        %mul3A_870 = arith.mulf %sub3A_869, %sub3A_869 : vector<16xf32>
        %add3A_871 = arith.addf %mul3A_682, %mul3A_870 : vector<16xf32>
        %mul3A_872 = arith.constant 16 : i32
        %mul3A_873 = arith.muli %scan3A_519, %mul3A_872 : i32
        %add3A_874 = arith.constant 10 : i32
        %add3A_875 = arith.addi %mul3A_873, %add3A_874 : i32
        %get3A_876 = arith.constant 0 : i32
        %get3A_877 = arith.index_cast %get3A_876 : i32 to index
        %get3A_878 = arith.index_cast %add3A_875 : i32 to index
        %get3A_879 = arith.constant 16 : index
        %get3A_880 = tpu.vector_load %arg8[%get3A_877, %get3A_878, %get3A_879] {strides = array<i32>} : memref<2x256x128xf32, #tpu.memory_space<vmem>>, vector<16xf32>,
        %sub3A_881 = arith.subf %get3A_528, %get3A_880 : vector<16xf32>
        %mul3A_882 = arith.mulf %sub3A_881, %sub3A_881 : vector<16xf32>
        %add3A_883 = arith.addf %mul3A_693, %mul3A_882 : vector<16xf32>
        %mul3A_884 = arith.constant 16 : i32
        %mul3A_885 = arith.muli %scan3A_519, %mul3A_884 : i32
        %add3A_886 = arith.constant 11 : i32
        %add3A_887 = arith.addi %mul3A_885, %add3A_886 : i32
        %get3A_888 = arith.constant 0 : i32
        %get3A_889 = arith.index_cast %get3A_888 : i32 to index
        %get3A_890 = arith.index_cast %add3A_887 : i32 to index
        %get3A_891 = arith.constant 16 : index
        %get3A_892 = tpu.vector_load %arg8[%get3A_889, %get3A_890, %get3A_891] {strides = array<i32>} : memref<2x256x128xf32, #tpu.memory_space<vmem>>, vector<16xf32>,
        %sub3A_893 = arith.subf %get3A_528, %get3A_892 : vector<16xf32>
        %mul3A_894 = arith.mulf %sub3A_893, %sub3A_893 : vector<16xf32>
        %add3A_895 = arith.addf %mul3A_704, %mul3A_894 : vector<16xf32>
        %mul3A_896 = arith.constant 16 : i32
        %mul3A_897 = arith.muli %scan3A_519, %mul3A_896 : i32
        %add3A_898 = arith.constant 12 : i32
        %add3A_899 = arith.addi %mul3A_897, %add3A_898 : i32
        %get3A_900 = arith.constant 0 : i32
        %get3A_901 = arith.index_cast %get3A_900 : i32 to index
        %get3A_902 = arith.index_cast %add3A_899 : i32 to index
        %get3A_903 = arith.constant 16 : index
        %get3A_904 = tpu.vector_load %arg8[%get3A_901, %get3A_902, %get3A_903] {strides = array<i32>} : memref<2x256x128xf32, #tpu.memory_space<vmem>>, vector<16xf32>,
        %sub3A_905 = arith.subf %get3A_528, %get3A_904 : vector<16xf32>
        %mul3A_906 = arith.mulf %sub3A_905, %sub3A_905 : vector<16xf32>
        %add3A_907 = arith.addf %mul3A_715, %mul3A_906 : vector<16xf32>
        %mul3A_908 = arith.constant 16 : i32
        %mul3A_909 = arith.muli %scan3A_519, %mul3A_908 : i32
        %add3A_910 = arith.constant 13 : i32
        %add3A_911 = arith.addi %mul3A_909, %add3A_910 : i32
        %get3A_912 = arith.constant 0 : i32
        %get3A_913 = arith.index_cast %get3A_912 : i32 to index
        %get3A_914 = arith.index_cast %add3A_911 : i32 to index
        %get3A_915 = arith.constant 16 : index
        %get3A_916 = tpu.vector_load %arg8[%get3A_913, %get3A_914, %get3A_915] {strides = array<i32>} : memref<2x256x128xf32, #tpu.memory_space<vmem>>, vector<16xf32>,
        %sub3A_917 = arith.subf %get3A_528, %get3A_916 : vector<16xf32>
        %mul3A_918 = arith.mulf %sub3A_917, %sub3A_917 : vector<16xf32>
        %add3A_919 = arith.addf %mul3A_726, %mul3A_918 : vector<16xf32>
        %mul3A_920 = arith.constant 16 : i32
        %mul3A_921 = arith.muli %scan3A_519, %mul3A_920 : i32
        %add3A_922 = arith.constant 14 : i32
        %add3A_923 = arith.addi %mul3A_921, %add3A_922 : i32
        %get3A_924 = arith.constant 0 : i32
        %get3A_925 = arith.index_cast %get3A_924 : i32 to index
        %get3A_926 = arith.index_cast %add3A_923 : i32 to index
        %get3A_927 = arith.constant 16 : index
        %get3A_928 = tpu.vector_load %arg8[%get3A_925, %get3A_926, %get3A_927] {strides = array<i32>} : memref<2x256x128xf32, #tpu.memory_space<vmem>>, vector<16xf32>,
        %sub3A_929 = arith.subf %get3A_528, %get3A_928 : vector<16xf32>
        %mul3A_930 = arith.mulf %sub3A_929, %sub3A_929 : vector<16xf32>
        %add3A_931 = arith.addf %mul3A_737, %mul3A_930 : vector<16xf32>
        %mul3A_932 = arith.constant 16 : i32
        %mul3A_933 = arith.muli %scan3A_519, %mul3A_932 : i32
        %add3A_934 = arith.constant 15 : i32
        %add3A_935 = arith.addi %mul3A_933, %add3A_934 : i32
        %get3A_936 = arith.constant 0 : i32
        %get3A_937 = arith.index_cast %get3A_936 : i32 to index
        %get3A_938 = arith.index_cast %add3A_935 : i32 to index
        %get3A_939 = arith.constant 16 : index
        %get3A_940 = tpu.vector_load %arg8[%get3A_937, %get3A_938, %get3A_939] {strides = array<i32>} : memref<2x256x128xf32, #tpu.memory_space<vmem>>, vector<16xf32>,
        %sub3A_941 = arith.subf %get3A_528, %get3A_940 : vector<16xf32>
        %mul3A_942 = arith.mulf %sub3A_941, %sub3A_941 : vector<16xf32>
        %add3A_943 = arith.addf %mul3A_748, %mul3A_942 : vector<16xf32>
        %sub3A_944 = arith.subf %get3A_531, %get3A_555 : vector<16xf32>
        %mul3A_945 = arith.mulf %sub3A_944, %sub3A_944 : vector<16xf32>
        %add3A_946 = arith.addf %add3A_751, %mul3A_945 : vector<16xf32>
        %mul3A_947 = arith.constant 16 : i32
        %mul3A_948 = arith.muli %scan3A_519, %mul3A_947 : i32
        %add3A_949 = arith.constant 0 : i32
        %add3A_950 = arith.addi %mul3A_948, %add3A_949 : i32
        %get3A_951 = arith.constant 0 : i32
        %get3A_952 = arith.index_cast %get3A_951 : i32 to index
        %get3A_953 = arith.index_cast %add3A_950 : i32 to index
        %get3A_954 = arith.constant 32 : index
        %get3A_955 = tpu.vector_load %arg8[%get3A_952, %get3A_953, %get3A_954] {strides = array<i32>} : memref<2x256x128xf32, #tpu.memory_space<vmem>>, vector<16xf32>,
        %sub3A_956 = arith.subf %get3A_531, %get3A_955 : vector<16xf32>
        %mul3A_957 = arith.mulf %sub3A_956, %sub3A_956 : vector<16xf32>
        %add3A_958 = arith.addf %add3A_763, %mul3A_957 : vector<16xf32>
        %mul3A_959 = arith.constant 16 : i32
        %mul3A_960 = arith.muli %scan3A_519, %mul3A_959 : i32
        %add3A_961 = arith.constant 1 : i32
        %add3A_962 = arith.addi %mul3A_960, %add3A_961 : i32
        %get3A_963 = arith.constant 0 : i32
        %get3A_964 = arith.index_cast %get3A_963 : i32 to index
        %get3A_965 = arith.index_cast %add3A_962 : i32 to index
        %get3A_966 = arith.constant 32 : index
        %get3A_967 = tpu.vector_load %arg8[%get3A_964, %get3A_965, %get3A_966] {strides = array<i32>} : memref<2x256x128xf32, #tpu.memory_space<vmem>>, vector<16xf32>,
        %sub3A_968 = arith.subf %get3A_531, %get3A_967 : vector<16xf32>
        %mul3A_969 = arith.mulf %sub3A_968, %sub3A_968 : vector<16xf32>
        %add3A_970 = arith.addf %add3A_775, %mul3A_969 : vector<16xf32>
        %mul3A_971 = arith.constant 16 : i32
        %mul3A_972 = arith.muli %scan3A_519, %mul3A_971 : i32
        %add3A_973 = arith.constant 2 : i32
        %add3A_974 = arith.addi %mul3A_972, %add3A_973 : i32
        %get3A_975 = arith.constant 0 : i32
        %get3A_976 = arith.index_cast %get3A_975 : i32 to index
        %get3A_977 = arith.index_cast %add3A_974 : i32 to index
        %get3A_978 = arith.constant 32 : index
        %get3A_979 = tpu.vector_load %arg8[%get3A_976, %get3A_977, %get3A_978] {strides = array<i32>} : memref<2x256x128xf32, #tpu.memory_space<vmem>>, vector<16xf32>,
        %sub3A_980 = arith.subf %get3A_531, %get3A_979 : vector<16xf32>
        %mul3A_981 = arith.mulf %sub3A_980, %sub3A_980 : vector<16xf32>
        %add3A_982 = arith.addf %add3A_787, %mul3A_981 : vector<16xf32>
        %mul3A_983 = arith.constant 16 : i32
        %mul3A_984 = arith.muli %scan3A_519, %mul3A_983 : i32
        %add3A_985 = arith.constant 3 : i32
        %add3A_986 = arith.addi %mul3A_984, %add3A_985 : i32
        %get3A_987 = arith.constant 0 : i32
        %get3A_988 = arith.index_cast %get3A_987 : i32 to index
        %get3A_989 = arith.index_cast %add3A_986 : i32 to index
        %get3A_990 = arith.constant 32 : index
        %get3A_991 = tpu.vector_load %arg8[%get3A_988, %get3A_989, %get3A_990] {strides = array<i32>} : memref<2x256x128xf32, #tpu.memory_space<vmem>>, vector<16xf32>,
        %sub3A_992 = arith.subf %get3A_531, %get3A_991 : vector<16xf32>
        %mul3A_993 = arith.mulf %sub3A_992, %sub3A_992 : vector<16xf32>
        %add3A_994 = arith.addf %add3A_799, %mul3A_993 : vector<16xf32>
        %mul3A_995 = arith.constant 16 : i32
        %mul3A_996 = arith.muli %scan3A_519, %mul3A_995 : i32
        %add3A_997 = arith.constant 4 : i32
        %add3A_998 = arith.addi %mul3A_996, %add3A_997 : i32
        %get3A_999 = arith.constant 0 : i32
        %get3A_1000 = arith.index_cast %get3A_999 : i32 to index
        %get3A_1001 = arith.index_cast %add3A_998 : i32 to index
        %get3A_1002 = arith.constant 32 : index
        %get3A_1003 = tpu.vector_load %arg8[%get3A_1000, %get3A_1001, %get3A_1002] {strides = array<i32>} : memref<2x256x128xf32, #tpu.memory_space<vmem>>, vector<16xf32>,
        %sub3A_1004 = arith.subf %get3A_531, %get3A_1003 : vector<16xf32>
        %mul3A_1005 = arith.mulf %sub3A_1004, %sub3A_1004 : vector<16xf32>
        %add3A_1006 = arith.addf %add3A_811, %mul3A_1005 : vector<16xf32>
        %mul3A_1007 = arith.constant 16 : i32
        %mul3A_1008 = arith.muli %scan3A_519, %mul3A_1007 : i32
        %add3A_1009 = arith.constant 5 : i32
        %add3A_1010 = arith.addi %mul3A_1008, %add3A_1009 : i32
        %get3A_1011 = arith.constant 0 : i32
        %get3A_1012 = arith.index_cast %get3A_1011 : i32 to index
        %get3A_1013 = arith.index_cast %add3A_1010 : i32 to index
        %get3A_1014 = arith.constant 32 : index
        %get3A_1015 = tpu.vector_load %arg8[%get3A_1012, %get3A_1013, %get3A_1014] {strides = array<i32>} : memref<2x256x128xf32, #tpu.memory_space<vmem>>, vector<16xf32>,
        %sub3A_1016 = arith.subf %get3A_531, %get3A_1015 : vector<16xf32>
        %mul3A_1017 = arith.mulf %sub3A_1016, %sub3A_1016 : vector<16xf32>
        %add3A_1018 = arith.addf %add3A_823, %mul3A_1017 : vector<16xf32>
        %mul3A_1019 = arith.constant 16 : i32
        %mul3A_1020 = arith.muli %scan3A_519, %mul3A_1019 : i32
        %add3A_1021 = arith.constant 6 : i32
        %add3A_1022 = arith.addi %mul3A_1020, %add3A_1021 : i32
        %get3A_1023 = arith.constant 0 : i32
        %get3A_1024 = arith.index_cast %get3A_1023 : i32 to index
        %get3A_1025 = arith.index_cast %add3A_1022 : i32 to index
        %get3A_1026 = arith.constant 32 : index
        %get3A_1027 = tpu.vector_load %arg8[%get3A_1024, %get3A_1025, %get3A_1026] {strides = array<i32>} : memref<2x256x128xf32, #tpu.memory_space<vmem>>, vector<16xf32>,
        %sub3A_1028 = arith.subf %get3A_531, %get3A_1027 : vector<16xf32>
        %mul3A_1029 = arith.mulf %sub3A_1028, %sub3A_1028 : vector<16xf32>
        %add3A_1030 = arith.addf %add3A_835, %mul3A_1029 : vector<16xf32>
        %mul3A_1031 = arith.constant 16 : i32
        %mul3A_1032 = arith.muli %scan3A_519, %mul3A_1031 : i32
        %add3A_1033 = arith.constant 7 : i32
        %add3A_1034 = arith.addi %mul3A_1032, %add3A_1033 : i32
        %get3A_1035 = arith.constant 0 : i32
        %get3A_1036 = arith.index_cast %get3A_1035 : i32 to index
        %get3A_1037 = arith.index_cast %add3A_1034 : i32 to index
        %get3A_1038 = arith.constant 32 : index
        %get3A_1039 = tpu.vector_load %arg8[%get3A_1036, %get3A_1037, %get3A_1038] {strides = array<i32>} : memref<2x256x128xf32, #tpu.memory_space<vmem>>, vector<16xf32>,
        %sub3A_1040 = arith.subf %get3A_531, %get3A_1039 : vector<16xf32>
        %mul3A_1041 = arith.mulf %sub3A_1040, %sub3A_1040 : vector<16xf32>
        %add3A_1042 = arith.addf %add3A_847, %mul3A_1041 : vector<16xf32>
        %mul3A_1043 = arith.constant 16 : i32
        %mul3A_1044 = arith.muli %scan3A_519, %mul3A_1043 : i32
        %add3A_1045 = arith.constant 8 : i32
        %add3A_1046 = arith.addi %mul3A_1044, %add3A_1045 : i32
        %get3A_1047 = arith.constant 0 : i32
        %get3A_1048 = arith.index_cast %get3A_1047 : i32 to index
        %get3A_1049 = arith.index_cast %add3A_1046 : i32 to index
        %get3A_1050 = arith.constant 32 : index
        %get3A_1051 = tpu.vector_load %arg8[%get3A_1048, %get3A_1049, %get3A_1050] {strides = array<i32>} : memref<2x256x128xf32, #tpu.memory_space<vmem>>, vector<16xf32>,
        %sub3A_1052 = arith.subf %get3A_531, %get3A_1051 : vector<16xf32>
        %mul3A_1053 = arith.mulf %sub3A_1052, %sub3A_1052 : vector<16xf32>
        %add3A_1054 = arith.addf %add3A_859, %mul3A_1053 : vector<16xf32>
        %mul3A_1055 = arith.constant 16 : i32
        %mul3A_1056 = arith.muli %scan3A_519, %mul3A_1055 : i32
        %add3A_1057 = arith.constant 9 : i32
        %add3A_1058 = arith.addi %mul3A_1056, %add3A_1057 : i32
        %get3A_1059 = arith.constant 0 : i32
        %get3A_1060 = arith.index_cast %get3A_1059 : i32 to index
        %get3A_1061 = arith.index_cast %add3A_1058 : i32 to index
        %get3A_1062 = arith.constant 32 : index
        %get3A_1063 = tpu.vector_load %arg8[%get3A_1060, %get3A_1061, %get3A_1062] {strides = array<i32>} : memref<2x256x128xf32, #tpu.memory_space<vmem>>, vector<16xf32>,
        %sub3A_1064 = arith.subf %get3A_531, %get3A_1063 : vector<16xf32>
        %mul3A_1065 = arith.mulf %sub3A_1064, %sub3A_1064 : vector<16xf32>
        %add3A_1066 = arith.addf %add3A_871, %mul3A_1065 : vector<16xf32>
        %mul3A_1067 = arith.constant 16 : i32
        %mul3A_1068 = arith.muli %scan3A_519, %mul3A_1067 : i32
        %add3A_1069 = arith.constant 10 : i32
        %add3A_1070 = arith.addi %mul3A_1068, %add3A_1069 : i32
        %get3A_1071 = arith.constant 0 : i32
        %get3A_1072 = arith.index_cast %get3A_1071 : i32 to index
        %get3A_1073 = arith.index_cast %add3A_1070 : i32 to index
        %get3A_1074 = arith.constant 32 : index
        %get3A_1075 = tpu.vector_load %arg8[%get3A_1072, %get3A_1073, %get3A_1074] {strides = array<i32>} : memref<2x256x128xf32, #tpu.memory_space<vmem>>, vector<16xf32>,
        %sub3A_1076 = arith.subf %get3A_531, %get3A_1075 : vector<16xf32>
        %mul3A_1077 = arith.mulf %sub3A_1076, %sub3A_1076 : vector<16xf32>
        %add3A_1078 = arith.addf %add3A_883, %mul3A_1077 : vector<16xf32>
        %mul3A_1079 = arith.constant 16 : i32
        %mul3A_1080 = arith.muli %scan3A_519, %mul3A_1079 : i32
        %add3A_1081 = arith.constant 11 : i32
        %add3A_1082 = arith.addi %mul3A_1080, %add3A_1081 : i32
        %get3A_1083 = arith.constant 0 : i32
        %get3A_1084 = arith.index_cast %get3A_1083 : i32 to index
        %get3A_1085 = arith.index_cast %add3A_1082 : i32 to index
        %get3A_1086 = arith.constant 32 : index
        %get3A_1087 = tpu.vector_load %arg8[%get3A_1084, %get3A_1085, %get3A_1086] {strides = array<i32>} : memref<2x256x128xf32, #tpu.memory_space<vmem>>, vector<16xf32>,
        %sub3A_1088 = arith.subf %get3A_531, %get3A_1087 : vector<16xf32>
        %mul3A_1089 = arith.mulf %sub3A_1088, %sub3A_1088 : vector<16xf32>
        %add3A_1090 = arith.addf %add3A_895, %mul3A_1089 : vector<16xf32>
        %mul3A_1091 = arith.constant 16 : i32
        %mul3A_1092 = arith.muli %scan3A_519, %mul3A_1091 : i32
        %add3A_1093 = arith.constant 12 : i32
        %add3A_1094 = arith.addi %mul3A_1092, %add3A_1093 : i32
        %get3A_1095 = arith.constant 0 : i32
        %get3A_1096 = arith.index_cast %get3A_1095 : i32 to index
        %get3A_1097 = arith.index_cast %add3A_1094 : i32 to index
        %get3A_1098 = arith.constant 32 : index
        %get3A_1099 = tpu.vector_load %arg8[%get3A_1096, %get3A_1097, %get3A_1098] {strides = array<i32>} : memref<2x256x128xf32, #tpu.memory_space<vmem>>, vector<16xf32>,
        %sub3A_1100 = arith.subf %get3A_531, %get3A_1099 : vector<16xf32>
        %mul3A_1101 = arith.mulf %sub3A_1100, %sub3A_1100 : vector<16xf32>
        %add3A_1102 = arith.addf %add3A_907, %mul3A_1101 : vector<16xf32>
        %mul3A_1103 = arith.constant 16 : i32
        %mul3A_1104 = arith.muli %scan3A_519, %mul3A_1103 : i32
        %add3A_1105 = arith.constant 13 : i32
        %add3A_1106 = arith.addi %mul3A_1104, %add3A_1105 : i32
        %get3A_1107 = arith.constant 0 : i32
        %get3A_1108 = arith.index_cast %get3A_1107 : i32 to index
        %get3A_1109 = arith.index_cast %add3A_1106 : i32 to index
        %get3A_1110 = arith.constant 32 : index
        %get3A_1111 = tpu.vector_load %arg8[%get3A_1108, %get3A_1109, %get3A_1110] {strides = array<i32>} : memref<2x256x128xf32, #tpu.memory_space<vmem>>, vector<16xf32>,
        %sub3A_1112 = arith.subf %get3A_531, %get3A_1111 : vector<16xf32>
        %mul3A_1113 = arith.mulf %sub3A_1112, %sub3A_1112 : vector<16xf32>
        %add3A_1114 = arith.addf %add3A_919, %mul3A_1113 : vector<16xf32>
        %mul3A_1115 = arith.constant 16 : i32
        %mul3A_1116 = arith.muli %scan3A_519, %mul3A_1115 : i32
        %add3A_1117 = arith.constant 14 : i32
        %add3A_1118 = arith.addi %mul3A_1116, %add3A_1117 : i32
        %get3A_1119 = arith.constant 0 : i32
        %get3A_1120 = arith.index_cast %get3A_1119 : i32 to index
        %get3A_1121 = arith.index_cast %add3A_1118 : i32 to index
        %get3A_1122 = arith.constant 32 : index
        %get3A_1123 = tpu.vector_load %arg8[%get3A_1120, %get3A_1121, %get3A_1122] {strides = array<i32>} : memref<2x256x128xf32, #tpu.memory_space<vmem>>, vector<16xf32>,
        %sub3A_1124 = arith.subf %get3A_531, %get3A_1123 : vector<16xf32>
        %mul3A_1125 = arith.mulf %sub3A_1124, %sub3A_1124 : vector<16xf32>
        %add3A_1126 = arith.addf %add3A_931, %mul3A_1125 : vector<16xf32>
        %mul3A_1127 = arith.constant 16 : i32
        %mul3A_1128 = arith.muli %scan3A_519, %mul3A_1127 : i32
        %add3A_1129 = arith.constant 15 : i32
        %add3A_1130 = arith.addi %mul3A_1128, %add3A_1129 : i32
        %get3A_1131 = arith.constant 0 : i32
        %get3A_1132 = arith.index_cast %get3A_1131 : i32 to index
        %get3A_1133 = arith.index_cast %add3A_1130 : i32 to index
        %get3A_1134 = arith.constant 32 : index
        %get3A_1135 = tpu.vector_load %arg8[%get3A_1132, %get3A_1133, %get3A_1134] {strides = array<i32>} : memref<2x256x128xf32, #tpu.memory_space<vmem>>, vector<16xf32>,
        %sub3A_1136 = arith.subf %get3A_531, %get3A_1135 : vector<16xf32>
        %mul3A_1137 = arith.mulf %sub3A_1136, %sub3A_1136 : vector<16xf32>
        %add3A_1138 = arith.addf %add3A_943, %mul3A_1137 : vector<16xf32>
        %sub3A_1139 = arith.subf %get3A_534, %get3A_558 : vector<16xf32>
        %mul3A_1140 = arith.mulf %sub3A_1139, %sub3A_1139 : vector<16xf32>
        %add3A_1141 = arith.addf %add3A_946, %mul3A_1140 : vector<16xf32>
        %mul3A_1142 = arith.constant 16 : i32
        %mul3A_1143 = arith.muli %scan3A_519, %mul3A_1142 : i32
        %add3A_1144 = arith.constant 0 : i32
        %add3A_1145 = arith.addi %mul3A_1143, %add3A_1144 : i32
        %get3A_1146 = arith.constant 0 : i32
        %get3A_1147 = arith.index_cast %get3A_1146 : i32 to index
        %get3A_1148 = arith.index_cast %add3A_1145 : i32 to index
        %get3A_1149 = arith.constant 48 : index
        %get3A_1150 = tpu.vector_load %arg8[%get3A_1147, %get3A_1148, %get3A_1149] {strides = array<i32>} : memref<2x256x128xf32, #tpu.memory_space<vmem>>, vector<16xf32>,
        %sub3A_1151 = arith.subf %get3A_534, %get3A_1150 : vector<16xf32>
        %mul3A_1152 = arith.mulf %sub3A_1151, %sub3A_1151 : vector<16xf32>
        %add3A_1153 = arith.addf %add3A_958, %mul3A_1152 : vector<16xf32>
        %mul3A_1154 = arith.constant 16 : i32
        %mul3A_1155 = arith.muli %scan3A_519, %mul3A_1154 : i32
        %add3A_1156 = arith.constant 1 : i32
        %add3A_1157 = arith.addi %mul3A_1155, %add3A_1156 : i32
        %get3A_1158 = arith.constant 0 : i32
        %get3A_1159 = arith.index_cast %get3A_1158 : i32 to index
        %get3A_1160 = arith.index_cast %add3A_1157 : i32 to index
        %get3A_1161 = arith.constant 48 : index
        %get3A_1162 = tpu.vector_load %arg8[%get3A_1159, %get3A_1160, %get3A_1161] {strides = array<i32>} : memref<2x256x128xf32, #tpu.memory_space<vmem>>, vector<16xf32>,
        %sub3A_1163 = arith.subf %get3A_534, %get3A_1162 : vector<16xf32>
        %mul3A_1164 = arith.mulf %sub3A_1163, %sub3A_1163 : vector<16xf32>
        %add3A_1165 = arith.addf %add3A_970, %mul3A_1164 : vector<16xf32>
        %mul3A_1166 = arith.constant 16 : i32
        %mul3A_1167 = arith.muli %scan3A_519, %mul3A_1166 : i32
        %add3A_1168 = arith.constant 2 : i32
        %add3A_1169 = arith.addi %mul3A_1167, %add3A_1168 : i32
        %get3A_1170 = arith.constant 0 : i32
        %get3A_1171 = arith.index_cast %get3A_1170 : i32 to index
        %get3A_1172 = arith.index_cast %add3A_1169 : i32 to index
        %get3A_1173 = arith.constant 48 : index
        %get3A_1174 = tpu.vector_load %arg8[%get3A_1171, %get3A_1172, %get3A_1173] {strides = array<i32>} : memref<2x256x128xf32, #tpu.memory_space<vmem>>, vector<16xf32>,
        %sub3A_1175 = arith.subf %get3A_534, %get3A_1174 : vector<16xf32>
        %mul3A_1176 = arith.mulf %sub3A_1175, %sub3A_1175 : vector<16xf32>
        %add3A_1177 = arith.addf %add3A_982, %mul3A_1176 : vector<16xf32>
        %mul3A_1178 = arith.constant 16 : i32
        %mul3A_1179 = arith.muli %scan3A_519, %mul3A_1178 : i32
        %add3A_1180 = arith.constant 3 : i32
        %add3A_1181 = arith.addi %mul3A_1179, %add3A_1180 : i32
        %get3A_1182 = arith.constant 0 : i32
        %get3A_1183 = arith.index_cast %get3A_1182 : i32 to index
        %get3A_1184 = arith.index_cast %add3A_1181 : i32 to index
        %get3A_1185 = arith.constant 48 : index
        %get3A_1186 = tpu.vector_load %arg8[%get3A_1183, %get3A_1184, %get3A_1185] {strides = array<i32>} : memref<2x256x128xf32, #tpu.memory_space<vmem>>, vector<16xf32>,
        %sub3A_1187 = arith.subf %get3A_534, %get3A_1186 : vector<16xf32>
        %mul3A_1188 = arith.mulf %sub3A_1187, %sub3A_1187 : vector<16xf32>
        %add3A_1189 = arith.addf %add3A_994, %mul3A_1188 : vector<16xf32>
        %mul3A_1190 = arith.constant 16 : i32
        %mul3A_1191 = arith.muli %scan3A_519, %mul3A_1190 : i32
        %add3A_1192 = arith.constant 4 : i32
        %add3A_1193 = arith.addi %mul3A_1191, %add3A_1192 : i32
        %get3A_1194 = arith.constant 0 : i32
        %get3A_1195 = arith.index_cast %get3A_1194 : i32 to index
        %get3A_1196 = arith.index_cast %add3A_1193 : i32 to index
        %get3A_1197 = arith.constant 48 : index
        %get3A_1198 = tpu.vector_load %arg8[%get3A_1195, %get3A_1196, %get3A_1197] {strides = array<i32>} : memref<2x256x128xf32, #tpu.memory_space<vmem>>, vector<16xf32>,
        %sub3A_1199 = arith.subf %get3A_534, %get3A_1198 : vector<16xf32>
        %mul3A_1200 = arith.mulf %sub3A_1199, %sub3A_1199 : vector<16xf32>
        %add3A_1201 = arith.addf %add3A_1006, %mul3A_1200 : vector<16xf32>
        %mul3A_1202 = arith.constant 16 : i32
        %mul3A_1203 = arith.muli %scan3A_519, %mul3A_1202 : i32
        %add3A_1204 = arith.constant 5 : i32
        %add3A_1205 = arith.addi %mul3A_1203, %add3A_1204 : i32
        %get3A_1206 = arith.constant 0 : i32
        %get3A_1207 = arith.index_cast %get3A_1206 : i32 to index
        %get3A_1208 = arith.index_cast %add3A_1205 : i32 to index
        %get3A_1209 = arith.constant 48 : index
        %get3A_1210 = tpu.vector_load %arg8[%get3A_1207, %get3A_1208, %get3A_1209] {strides = array<i32>} : memref<2x256x128xf32, #tpu.memory_space<vmem>>, vector<16xf32>,
        %sub3A_1211 = arith.subf %get3A_534, %get3A_1210 : vector<16xf32>
        %mul3A_1212 = arith.mulf %sub3A_1211, %sub3A_1211 : vector<16xf32>
        %add3A_1213 = arith.addf %add3A_1018, %mul3A_1212 : vector<16xf32>
        %mul3A_1214 = arith.constant 16 : i32
        %mul3A_1215 = arith.muli %scan3A_519, %mul3A_1214 : i32
        %add3A_1216 = arith.constant 6 : i32
        %add3A_1217 = arith.addi %mul3A_1215, %add3A_1216 : i32
        %get3A_1218 = arith.constant 0 : i32
        %get3A_1219 = arith.index_cast %get3A_1218 : i32 to index
        %get3A_1220 = arith.index_cast %add3A_1217 : i32 to index
        %get3A_1221 = arith.constant 48 : index
        %get3A_1222 = tpu.vector_load %arg8[%get3A_1219, %get3A_1220, %get3A_1221] {strides = array<i32>} : memref<2x256x128xf32, #tpu.memory_space<vmem>>, vector<16xf32>,
        %sub3A_1223 = arith.subf %get3A_534, %get3A_1222 : vector<16xf32>
        %mul3A_1224 = arith.mulf %sub3A_1223, %sub3A_1223 : vector<16xf32>
        %add3A_1225 = arith.addf %add3A_1030, %mul3A_1224 : vector<16xf32>
        %mul3A_1226 = arith.constant 16 : i32
        %mul3A_1227 = arith.muli %scan3A_519, %mul3A_1226 : i32
        %add3A_1228 = arith.constant 7 : i32
        %add3A_1229 = arith.addi %mul3A_1227, %add3A_1228 : i32
        %get3A_1230 = arith.constant 0 : i32
        %get3A_1231 = arith.index_cast %get3A_1230 : i32 to index
        %get3A_1232 = arith.index_cast %add3A_1229 : i32 to index
        %get3A_1233 = arith.constant 48 : index
        %get3A_1234 = tpu.vector_load %arg8[%get3A_1231, %get3A_1232, %get3A_1233] {strides = array<i32>} : memref<2x256x128xf32, #tpu.memory_space<vmem>>, vector<16xf32>,
        %sub3A_1235 = arith.subf %get3A_534, %get3A_1234 : vector<16xf32>
        %mul3A_1236 = arith.mulf %sub3A_1235, %sub3A_1235 : vector<16xf32>
        %add3A_1237 = arith.addf %add3A_1042, %mul3A_1236 : vector<16xf32>
        %mul3A_1238 = arith.constant 16 : i32
        %mul3A_1239 = arith.muli %scan3A_519, %mul3A_1238 : i32
        %add3A_1240 = arith.constant 8 : i32
        %add3A_1241 = arith.addi %mul3A_1239, %add3A_1240 : i32
        %get3A_1242 = arith.constant 0 : i32
        %get3A_1243 = arith.index_cast %get3A_1242 : i32 to index
        %get3A_1244 = arith.index_cast %add3A_1241 : i32 to index
        %get3A_1245 = arith.constant 48 : index
        %get3A_1246 = tpu.vector_load %arg8[%get3A_1243, %get3A_1244, %get3A_1245] {strides = array<i32>} : memref<2x256x128xf32, #tpu.memory_space<vmem>>, vector<16xf32>,
        %sub3A_1247 = arith.subf %get3A_534, %get3A_1246 : vector<16xf32>
        %mul3A_1248 = arith.mulf %sub3A_1247, %sub3A_1247 : vector<16xf32>
        %add3A_1249 = arith.addf %add3A_1054, %mul3A_1248 : vector<16xf32>
        %mul3A_1250 = arith.constant 16 : i32
        %mul3A_1251 = arith.muli %scan3A_519, %mul3A_1250 : i32
        %add3A_1252 = arith.constant 9 : i32
        %add3A_1253 = arith.addi %mul3A_1251, %add3A_1252 : i32
        %get3A_1254 = arith.constant 0 : i32
        %get3A_1255 = arith.index_cast %get3A_1254 : i32 to index
        %get3A_1256 = arith.index_cast %add3A_1253 : i32 to index
        %get3A_1257 = arith.constant 48 : index
        %get3A_1258 = tpu.vector_load %arg8[%get3A_1255, %get3A_1256, %get3A_1257] {strides = array<i32>} : memref<2x256x128xf32, #tpu.memory_space<vmem>>, vector<16xf32>,
        %sub3A_1259 = arith.subf %get3A_534, %get3A_1258 : vector<16xf32>
        %mul3A_1260 = arith.mulf %sub3A_1259, %sub3A_1259 : vector<16xf32>
        %add3A_1261 = arith.addf %add3A_1066, %mul3A_1260 : vector<16xf32>
        %mul3A_1262 = arith.constant 16 : i32
        %mul3A_1263 = arith.muli %scan3A_519, %mul3A_1262 : i32
        %add3A_1264 = arith.constant 10 : i32
        %add3A_1265 = arith.addi %mul3A_1263, %add3A_1264 : i32
        %get3A_1266 = arith.constant 0 : i32
        %get3A_1267 = arith.index_cast %get3A_1266 : i32 to index
        %get3A_1268 = arith.index_cast %add3A_1265 : i32 to index
        %get3A_1269 = arith.constant 48 : index
        %get3A_1270 = tpu.vector_load %arg8[%get3A_1267, %get3A_1268, %get3A_1269] {strides = array<i32>} : memref<2x256x128xf32, #tpu.memory_space<vmem>>, vector<16xf32>,
        %sub3A_1271 = arith.subf %get3A_534, %get3A_1270 : vector<16xf32>
        %mul3A_1272 = arith.mulf %sub3A_1271, %sub3A_1271 : vector<16xf32>
        %add3A_1273 = arith.addf %add3A_1078, %mul3A_1272 : vector<16xf32>
        %mul3A_1274 = arith.constant 16 : i32
        %mul3A_1275 = arith.muli %scan3A_519, %mul3A_1274 : i32
        %add3A_1276 = arith.constant 11 : i32
        %add3A_1277 = arith.addi %mul3A_1275, %add3A_1276 : i32
        %get3A_1278 = arith.constant 0 : i32
        %get3A_1279 = arith.index_cast %get3A_1278 : i32 to index
        %get3A_1280 = arith.index_cast %add3A_1277 : i32 to index
        %get3A_1281 = arith.constant 48 : index
        %get3A_1282 = tpu.vector_load %arg8[%get3A_1279, %get3A_1280, %get3A_1281] {strides = array<i32>} : memref<2x256x128xf32, #tpu.memory_space<vmem>>, vector<16xf32>,
        %sub3A_1283 = arith.subf %get3A_534, %get3A_1282 : vector<16xf32>
        %mul3A_1284 = arith.mulf %sub3A_1283, %sub3A_1283 : vector<16xf32>
        %add3A_1285 = arith.addf %add3A_1090, %mul3A_1284 : vector<16xf32>
        %mul3A_1286 = arith.constant 16 : i32
        %mul3A_1287 = arith.muli %scan3A_519, %mul3A_1286 : i32
        %add3A_1288 = arith.constant 12 : i32
        %add3A_1289 = arith.addi %mul3A_1287, %add3A_1288 : i32
        %get3A_1290 = arith.constant 0 : i32
        %get3A_1291 = arith.index_cast %get3A_1290 : i32 to index
        %get3A_1292 = arith.index_cast %add3A_1289 : i32 to index
        %get3A_1293 = arith.constant 48 : index
        %get3A_1294 = tpu.vector_load %arg8[%get3A_1291, %get3A_1292, %get3A_1293] {strides = array<i32>} : memref<2x256x128xf32, #tpu.memory_space<vmem>>, vector<16xf32>,
        %sub3A_1295 = arith.subf %get3A_534, %get3A_1294 : vector<16xf32>
        %mul3A_1296 = arith.mulf %sub3A_1295, %sub3A_1295 : vector<16xf32>
        %add3A_1297 = arith.addf %add3A_1102, %mul3A_1296 : vector<16xf32>
        %mul3A_1298 = arith.constant 16 : i32
        %mul3A_1299 = arith.muli %scan3A_519, %mul3A_1298 : i32
        %add3A_1300 = arith.constant 13 : i32
        %add3A_1301 = arith.addi %mul3A_1299, %add3A_1300 : i32
        %get3A_1302 = arith.constant 0 : i32
        %get3A_1303 = arith.index_cast %get3A_1302 : i32 to index
        %get3A_1304 = arith.index_cast %add3A_1301 : i32 to index
        %get3A_1305 = arith.constant 48 : index
        %get3A_1306 = tpu.vector_load %arg8[%get3A_1303, %get3A_1304, %get3A_1305] {strides = array<i32>} : memref<2x256x128xf32, #tpu.memory_space<vmem>>, vector<16xf32>,
        %sub3A_1307 = arith.subf %get3A_534, %get3A_1306 : vector<16xf32>
        %mul3A_1308 = arith.mulf %sub3A_1307, %sub3A_1307 : vector<16xf32>
        %add3A_1309 = arith.addf %add3A_1114, %mul3A_1308 : vector<16xf32>
        %mul3A_1310 = arith.constant 16 : i32
        %mul3A_1311 = arith.muli %scan3A_519, %mul3A_1310 : i32
        %add3A_1312 = arith.constant 14 : i32
        %add3A_1313 = arith.addi %mul3A_1311, %add3A_1312 : i32
        %get3A_1314 = arith.constant 0 : i32
        %get3A_1315 = arith.index_cast %get3A_1314 : i32 to index
        %get3A_1316 = arith.index_cast %add3A_1313 : i32 to index
        %get3A_1317 = arith.constant 48 : index
        %get3A_1318 = tpu.vector_load %arg8[%get3A_1315, %get3A_1316, %get3A_1317] {strides = array<i32>} : memref<2x256x128xf32, #tpu.memory_space<vmem>>, vector<16xf32>,
        %sub3A_1319 = arith.subf %get3A_534, %get3A_1318 : vector<16xf32>
        %mul3A_1320 = arith.mulf %sub3A_1319, %sub3A_1319 : vector<16xf32>
        %add3A_1321 = arith.addf %add3A_1126, %mul3A_1320 : vector<16xf32>
        %mul3A_1322 = arith.constant 16 : i32
        %mul3A_1323 = arith.muli %scan3A_519, %mul3A_1322 : i32
        %add3A_1324 = arith.constant 15 : i32
        %add3A_1325 = arith.addi %mul3A_1323, %add3A_1324 : i32
        %get3A_1326 = arith.constant 0 : i32
        %get3A_1327 = arith.index_cast %get3A_1326 : i32 to index
        %get3A_1328 = arith.index_cast %add3A_1325 : i32 to index
        %get3A_1329 = arith.constant 48 : index
        %get3A_1330 = tpu.vector_load %arg8[%get3A_1327, %get3A_1328, %get3A_1329] {strides = array<i32>} : memref<2x256x128xf32, #tpu.memory_space<vmem>>, vector<16xf32>,
        %sub3A_1331 = arith.subf %get3A_534, %get3A_1330 : vector<16xf32>
        %mul3A_1332 = arith.mulf %sub3A_1331, %sub3A_1331 : vector<16xf32>
        %add3A_1333 = arith.addf %add3A_1138, %mul3A_1332 : vector<16xf32>
        %sub3A_1334 = arith.subf %get3A_537, %get3A_561 : vector<16xf32>
        %mul3A_1335 = arith.mulf %sub3A_1334, %sub3A_1334 : vector<16xf32>
        %add3A_1336 = arith.addf %add3A_1141, %mul3A_1335 : vector<16xf32>
        %mul3A_1337 = arith.constant 16 : i32
        %mul3A_1338 = arith.muli %scan3A_519, %mul3A_1337 : i32
        %add3A_1339 = arith.constant 0 : i32
        %add3A_1340 = arith.addi %mul3A_1338, %add3A_1339 : i32
        %get3A_1341 = arith.constant 0 : i32
        %get3A_1342 = arith.index_cast %get3A_1341 : i32 to index
        %get3A_1343 = arith.index_cast %add3A_1340 : i32 to index
        %get3A_1344 = arith.constant 64 : index
        %get3A_1345 = tpu.vector_load %arg8[%get3A_1342, %get3A_1343, %get3A_1344] {strides = array<i32>} : memref<2x256x128xf32, #tpu.memory_space<vmem>>, vector<16xf32>,
        %sub3A_1346 = arith.subf %get3A_537, %get3A_1345 : vector<16xf32>
        %mul3A_1347 = arith.mulf %sub3A_1346, %sub3A_1346 : vector<16xf32>
        %add3A_1348 = arith.addf %add3A_1153, %mul3A_1347 : vector<16xf32>
        %mul3A_1349 = arith.constant 16 : i32
        %mul3A_1350 = arith.muli %scan3A_519, %mul3A_1349 : i32
        %add3A_1351 = arith.constant 1 : i32
        %add3A_1352 = arith.addi %mul3A_1350, %add3A_1351 : i32
        %get3A_1353 = arith.constant 0 : i32
        %get3A_1354 = arith.index_cast %get3A_1353 : i32 to index
        %get3A_1355 = arith.index_cast %add3A_1352 : i32 to index
        %get3A_1356 = arith.constant 64 : index
        %get3A_1357 = tpu.vector_load %arg8[%get3A_1354, %get3A_1355, %get3A_1356] {strides = array<i32>} : memref<2x256x128xf32, #tpu.memory_space<vmem>>, vector<16xf32>,
        %sub3A_1358 = arith.subf %get3A_537, %get3A_1357 : vector<16xf32>
        %mul3A_1359 = arith.mulf %sub3A_1358, %sub3A_1358 : vector<16xf32>
        %add3A_1360 = arith.addf %add3A_1165, %mul3A_1359 : vector<16xf32>
        %mul3A_1361 = arith.constant 16 : i32
        %mul3A_1362 = arith.muli %scan3A_519, %mul3A_1361 : i32
        %add3A_1363 = arith.constant 2 : i32
        %add3A_1364 = arith.addi %mul3A_1362, %add3A_1363 : i32
        %get3A_1365 = arith.constant 0 : i32
        %get3A_1366 = arith.index_cast %get3A_1365 : i32 to index
        %get3A_1367 = arith.index_cast %add3A_1364 : i32 to index
        %get3A_1368 = arith.constant 64 : index
        %get3A_1369 = tpu.vector_load %arg8[%get3A_1366, %get3A_1367, %get3A_1368] {strides = array<i32>} : memref<2x256x128xf32, #tpu.memory_space<vmem>>, vector<16xf32>,
        %sub3A_1370 = arith.subf %get3A_537, %get3A_1369 : vector<16xf32>
        %mul3A_1371 = arith.mulf %sub3A_1370, %sub3A_1370 : vector<16xf32>
        %add3A_1372 = arith.addf %add3A_1177, %mul3A_1371 : vector<16xf32>
        %mul3A_1373 = arith.constant 16 : i32
        %mul3A_1374 = arith.muli %scan3A_519, %mul3A_1373 : i32
        %add3A_1375 = arith.constant 3 : i32
        %add3A_1376 = arith.addi %mul3A_1374, %add3A_1375 : i32
        %get3A_1377 = arith.constant 0 : i32
        %get3A_1378 = arith.index_cast %get3A_1377 : i32 to index
        %get3A_1379 = arith.index_cast %add3A_1376 : i32 to index
        %get3A_1380 = arith.constant 64 : index
        %get3A_1381 = tpu.vector_load %arg8[%get3A_1378, %get3A_1379, %get3A_1380] {strides = array<i32>} : memref<2x256x128xf32, #tpu.memory_space<vmem>>, vector<16xf32>,
        %sub3A_1382 = arith.subf %get3A_537, %get3A_1381 : vector<16xf32>
        %mul3A_1383 = arith.mulf %sub3A_1382, %sub3A_1382 : vector<16xf32>
        %add3A_1384 = arith.addf %add3A_1189, %mul3A_1383 : vector<16xf32>
        %mul3A_1385 = arith.constant 16 : i32
        %mul3A_1386 = arith.muli %scan3A_519, %mul3A_1385 : i32
        %add3A_1387 = arith.constant 4 : i32
        %add3A_1388 = arith.addi %mul3A_1386, %add3A_1387 : i32
        %get3A_1389 = arith.constant 0 : i32
        %get3A_1390 = arith.index_cast %get3A_1389 : i32 to index
        %get3A_1391 = arith.index_cast %add3A_1388 : i32 to index
        %get3A_1392 = arith.constant 64 : index
        %get3A_1393 = tpu.vector_load %arg8[%get3A_1390, %get3A_1391, %get3A_1392] {strides = array<i32>} : memref<2x256x128xf32, #tpu.memory_space<vmem>>, vector<16xf32>,
        %sub3A_1394 = arith.subf %get3A_537, %get3A_1393 : vector<16xf32>
        %mul3A_1395 = arith.mulf %sub3A_1394, %sub3A_1394 : vector<16xf32>
        %add3A_1396 = arith.addf %add3A_1201, %mul3A_1395 : vector<16xf32>
        %mul3A_1397 = arith.constant 16 : i32
        %mul3A_1398 = arith.muli %scan3A_519, %mul3A_1397 : i32
        %add3A_1399 = arith.constant 5 : i32
        %add3A_1400 = arith.addi %mul3A_1398, %add3A_1399 : i32
        %get3A_1401 = arith.constant 0 : i32
        %get3A_1402 = arith.index_cast %get3A_1401 : i32 to index
        %get3A_1403 = arith.index_cast %add3A_1400 : i32 to index
        %get3A_1404 = arith.constant 64 : index
        %get3A_1405 = tpu.vector_load %arg8[%get3A_1402, %get3A_1403, %get3A_1404] {strides = array<i32>} : memref<2x256x128xf32, #tpu.memory_space<vmem>>, vector<16xf32>,
        %sub3A_1406 = arith.subf %get3A_537, %get3A_1405 : vector<16xf32>
        %mul3A_1407 = arith.mulf %sub3A_1406, %sub3A_1406 : vector<16xf32>
        %add3A_1408 = arith.addf %add3A_1213, %mul3A_1407 : vector<16xf32>
        %mul3A_1409 = arith.constant 16 : i32
        %mul3A_1410 = arith.muli %scan3A_519, %mul3A_1409 : i32
        %add3A_1411 = arith.constant 6 : i32
        %add3A_1412 = arith.addi %mul3A_1410, %add3A_1411 : i32
        %get3A_1413 = arith.constant 0 : i32
        %get3A_1414 = arith.index_cast %get3A_1413 : i32 to index
        %get3A_1415 = arith.index_cast %add3A_1412 : i32 to index
        %get3A_1416 = arith.constant 64 : index
        %get3A_1417 = tpu.vector_load %arg8[%get3A_1414, %get3A_1415, %get3A_1416] {strides = array<i32>} : memref<2x256x128xf32, #tpu.memory_space<vmem>>, vector<16xf32>,
        %sub3A_1418 = arith.subf %get3A_537, %get3A_1417 : vector<16xf32>
        %mul3A_1419 = arith.mulf %sub3A_1418, %sub3A_1418 : vector<16xf32>
        %add3A_1420 = arith.addf %add3A_1225, %mul3A_1419 : vector<16xf32>
        %mul3A_1421 = arith.constant 16 : i32
        %mul3A_1422 = arith.muli %scan3A_519, %mul3A_1421 : i32
        %add3A_1423 = arith.constant 7 : i32
        %add3A_1424 = arith.addi %mul3A_1422, %add3A_1423 : i32
        %get3A_1425 = arith.constant 0 : i32
        %get3A_1426 = arith.index_cast %get3A_1425 : i32 to index
        %get3A_1427 = arith.index_cast %add3A_1424 : i32 to index
        %get3A_1428 = arith.constant 64 : index
        %get3A_1429 = tpu.vector_load %arg8[%get3A_1426, %get3A_1427, %get3A_1428] {strides = array<i32>} : memref<2x256x128xf32, #tpu.memory_space<vmem>>, vector<16xf32>,
        %sub3A_1430 = arith.subf %get3A_537, %get3A_1429 : vector<16xf32>
        %mul3A_1431 = arith.mulf %sub3A_1430, %sub3A_1430 : vector<16xf32>
        %add3A_1432 = arith.addf %add3A_1237, %mul3A_1431 : vector<16xf32>
        %mul3A_1433 = arith.constant 16 : i32
        %mul3A_1434 = arith.muli %scan3A_519, %mul3A_1433 : i32
        %add3A_1435 = arith.constant 8 : i32
        %add3A_1436 = arith.addi %mul3A_1434, %add3A_1435 : i32
        %get3A_1437 = arith.constant 0 : i32
        %get3A_1438 = arith.index_cast %get3A_1437 : i32 to index
        %get3A_1439 = arith.index_cast %add3A_1436 : i32 to index
        %get3A_1440 = arith.constant 64 : index
        %get3A_1441 = tpu.vector_load %arg8[%get3A_1438, %get3A_1439, %get3A_1440] {strides = array<i32>} : memref<2x256x128xf32, #tpu.memory_space<vmem>>, vector<16xf32>,
        %sub3A_1442 = arith.subf %get3A_537, %get3A_1441 : vector<16xf32>
        %mul3A_1443 = arith.mulf %sub3A_1442, %sub3A_1442 : vector<16xf32>
        %add3A_1444 = arith.addf %add3A_1249, %mul3A_1443 : vector<16xf32>
        %mul3A_1445 = arith.constant 16 : i32
        %mul3A_1446 = arith.muli %scan3A_519, %mul3A_1445 : i32
        %add3A_1447 = arith.constant 9 : i32
        %add3A_1448 = arith.addi %mul3A_1446, %add3A_1447 : i32
        %get3A_1449 = arith.constant 0 : i32
        %get3A_1450 = arith.index_cast %get3A_1449 : i32 to index
        %get3A_1451 = arith.index_cast %add3A_1448 : i32 to index
        %get3A_1452 = arith.constant 64 : index
        %get3A_1453 = tpu.vector_load %arg8[%get3A_1450, %get3A_1451, %get3A_1452] {strides = array<i32>} : memref<2x256x128xf32, #tpu.memory_space<vmem>>, vector<16xf32>,
        %sub3A_1454 = arith.subf %get3A_537, %get3A_1453 : vector<16xf32>
        %mul3A_1455 = arith.mulf %sub3A_1454, %sub3A_1454 : vector<16xf32>
        %add3A_1456 = arith.addf %add3A_1261, %mul3A_1455 : vector<16xf32>
        %mul3A_1457 = arith.constant 16 : i32
        %mul3A_1458 = arith.muli %scan3A_519, %mul3A_1457 : i32
        %add3A_1459 = arith.constant 10 : i32
        %add3A_1460 = arith.addi %mul3A_1458, %add3A_1459 : i32
        %get3A_1461 = arith.constant 0 : i32
        %get3A_1462 = arith.index_cast %get3A_1461 : i32 to index
        %get3A_1463 = arith.index_cast %add3A_1460 : i32 to index
        %get3A_1464 = arith.constant 64 : index
        %get3A_1465 = tpu.vector_load %arg8[%get3A_1462, %get3A_1463, %get3A_1464] {strides = array<i32>} : memref<2x256x128xf32, #tpu.memory_space<vmem>>, vector<16xf32>,
        %sub3A_1466 = arith.subf %get3A_537, %get3A_1465 : vector<16xf32>
        %mul3A_1467 = arith.mulf %sub3A_1466, %sub3A_1466 : vector<16xf32>
        %add3A_1468 = arith.addf %add3A_1273, %mul3A_1467 : vector<16xf32>
        %mul3A_1469 = arith.constant 16 : i32
        %mul3A_1470 = arith.muli %scan3A_519, %mul3A_1469 : i32
        %add3A_1471 = arith.constant 11 : i32
        %add3A_1472 = arith.addi %mul3A_1470, %add3A_1471 : i32
        %get3A_1473 = arith.constant 0 : i32
        %get3A_1474 = arith.index_cast %get3A_1473 : i32 to index
        %get3A_1475 = arith.index_cast %add3A_1472 : i32 to index
        %get3A_1476 = arith.constant 64 : index
        %get3A_1477 = tpu.vector_load %arg8[%get3A_1474, %get3A_1475, %get3A_1476] {strides = array<i32>} : memref<2x256x128xf32, #tpu.memory_space<vmem>>, vector<16xf32>,
        %sub3A_1478 = arith.subf %get3A_537, %get3A_1477 : vector<16xf32>
        %mul3A_1479 = arith.mulf %sub3A_1478, %sub3A_1478 : vector<16xf32>
        %add3A_1480 = arith.addf %add3A_1285, %mul3A_1479 : vector<16xf32>
        %mul3A_1481 = arith.constant 16 : i32
        %mul3A_1482 = arith.muli %scan3A_519, %mul3A_1481 : i32
        %add3A_1483 = arith.constant 12 : i32
        %add3A_1484 = arith.addi %mul3A_1482, %add3A_1483 : i32
        %get3A_1485 = arith.constant 0 : i32
        %get3A_1486 = arith.index_cast %get3A_1485 : i32 to index
        %get3A_1487 = arith.index_cast %add3A_1484 : i32 to index
        %get3A_1488 = arith.constant 64 : index
        %get3A_1489 = tpu.vector_load %arg8[%get3A_1486, %get3A_1487, %get3A_1488] {strides = array<i32>} : memref<2x256x128xf32, #tpu.memory_space<vmem>>, vector<16xf32>,
        %sub3A_1490 = arith.subf %get3A_537, %get3A_1489 : vector<16xf32>
        %mul3A_1491 = arith.mulf %sub3A_1490, %sub3A_1490 : vector<16xf32>
        %add3A_1492 = arith.addf %add3A_1297, %mul3A_1491 : vector<16xf32>
        %mul3A_1493 = arith.constant 16 : i32
        %mul3A_1494 = arith.muli %scan3A_519, %mul3A_1493 : i32
        %add3A_1495 = arith.constant 13 : i32
        %add3A_1496 = arith.addi %mul3A_1494, %add3A_1495 : i32
        %get3A_1497 = arith.constant 0 : i32
        %get3A_1498 = arith.index_cast %get3A_1497 : i32 to index
        %get3A_1499 = arith.index_cast %add3A_1496 : i32 to index
        %get3A_1500 = arith.constant 64 : index
        %get3A_1501 = tpu.vector_load %arg8[%get3A_1498, %get3A_1499, %get3A_1500] {strides = array<i32>} : memref<2x256x128xf32, #tpu.memory_space<vmem>>, vector<16xf32>,
        %sub3A_1502 = arith.subf %get3A_537, %get3A_1501 : vector<16xf32>
        %mul3A_1503 = arith.mulf %sub3A_1502, %sub3A_1502 : vector<16xf32>
        %add3A_1504 = arith.addf %add3A_1309, %mul3A_1503 : vector<16xf32>
        %mul3A_1505 = arith.constant 16 : i32
        %mul3A_1506 = arith.muli %scan3A_519, %mul3A_1505 : i32
        %add3A_1507 = arith.constant 14 : i32
        %add3A_1508 = arith.addi %mul3A_1506, %add3A_1507 : i32
        %get3A_1509 = arith.constant 0 : i32
        %get3A_1510 = arith.index_cast %get3A_1509 : i32 to index
        %get3A_1511 = arith.index_cast %add3A_1508 : i32 to index
        %get3A_1512 = arith.constant 64 : index
        %get3A_1513 = tpu.vector_load %arg8[%get3A_1510, %get3A_1511, %get3A_1512] {strides = array<i32>} : memref<2x256x128xf32, #tpu.memory_space<vmem>>, vector<16xf32>,
        %sub3A_1514 = arith.subf %get3A_537, %get3A_1513 : vector<16xf32>
        %mul3A_1515 = arith.mulf %sub3A_1514, %sub3A_1514 : vector<16xf32>
        %add3A_1516 = arith.addf %add3A_1321, %mul3A_1515 : vector<16xf32>
        %mul3A_1517 = arith.constant 16 : i32
        %mul3A_1518 = arith.muli %scan3A_519, %mul3A_1517 : i32
        %add3A_1519 = arith.constant 15 : i32
        %add3A_1520 = arith.addi %mul3A_1518, %add3A_1519 : i32
        %get3A_1521 = arith.constant 0 : i32
        %get3A_1522 = arith.index_cast %get3A_1521 : i32 to index
        %get3A_1523 = arith.index_cast %add3A_1520 : i32 to index
        %get3A_1524 = arith.constant 64 : index
        %get3A_1525 = tpu.vector_load %arg8[%get3A_1522, %get3A_1523, %get3A_1524] {strides = array<i32>} : memref<2x256x128xf32, #tpu.memory_space<vmem>>, vector<16xf32>,
        %sub3A_1526 = arith.subf %get3A_537, %get3A_1525 : vector<16xf32>
        %mul3A_1527 = arith.mulf %sub3A_1526, %sub3A_1526 : vector<16xf32>
        %add3A_1528 = arith.addf %add3A_1333, %mul3A_1527 : vector<16xf32>
        %sub3A_1529 = arith.subf %get3A_540, %get3A_564 : vector<16xf32>
        %mul3A_1530 = arith.mulf %sub3A_1529, %sub3A_1529 : vector<16xf32>
        %add3A_1531 = arith.addf %add3A_1336, %mul3A_1530 : vector<16xf32>
        %mul3A_1532 = arith.constant 16 : i32
        %mul3A_1533 = arith.muli %scan3A_519, %mul3A_1532 : i32
        %add3A_1534 = arith.constant 0 : i32
        %add3A_1535 = arith.addi %mul3A_1533, %add3A_1534 : i32
        %get3A_1536 = arith.constant 0 : i32
        %get3A_1537 = arith.index_cast %get3A_1536 : i32 to index
        %get3A_1538 = arith.index_cast %add3A_1535 : i32 to index
        %get3A_1539 = arith.constant 80 : index
        %get3A_1540 = tpu.vector_load %arg8[%get3A_1537, %get3A_1538, %get3A_1539] {strides = array<i32>} : memref<2x256x128xf32, #tpu.memory_space<vmem>>, vector<16xf32>,
        %sub3A_1541 = arith.subf %get3A_540, %get3A_1540 : vector<16xf32>
        %mul3A_1542 = arith.mulf %sub3A_1541, %sub3A_1541 : vector<16xf32>
        %add3A_1543 = arith.addf %add3A_1348, %mul3A_1542 : vector<16xf32>
        %mul3A_1544 = arith.constant 16 : i32
        %mul3A_1545 = arith.muli %scan3A_519, %mul3A_1544 : i32
        %add3A_1546 = arith.constant 1 : i32
        %add3A_1547 = arith.addi %mul3A_1545, %add3A_1546 : i32
        %get3A_1548 = arith.constant 0 : i32
        %get3A_1549 = arith.index_cast %get3A_1548 : i32 to index
        %get3A_1550 = arith.index_cast %add3A_1547 : i32 to index
        %get3A_1551 = arith.constant 80 : index
        %get3A_1552 = tpu.vector_load %arg8[%get3A_1549, %get3A_1550, %get3A_1551] {strides = array<i32>} : memref<2x256x128xf32, #tpu.memory_space<vmem>>, vector<16xf32>,
        %sub3A_1553 = arith.subf %get3A_540, %get3A_1552 : vector<16xf32>
        %mul3A_1554 = arith.mulf %sub3A_1553, %sub3A_1553 : vector<16xf32>
        %add3A_1555 = arith.addf %add3A_1360, %mul3A_1554 : vector<16xf32>
        %mul3A_1556 = arith.constant 16 : i32
        %mul3A_1557 = arith.muli %scan3A_519, %mul3A_1556 : i32
        %add3A_1558 = arith.constant 2 : i32
        %add3A_1559 = arith.addi %mul3A_1557, %add3A_1558 : i32
        %get3A_1560 = arith.constant 0 : i32
        %get3A_1561 = arith.index_cast %get3A_1560 : i32 to index
        %get3A_1562 = arith.index_cast %add3A_1559 : i32 to index
        %get3A_1563 = arith.constant 80 : index
        %get3A_1564 = tpu.vector_load %arg8[%get3A_1561, %get3A_1562, %get3A_1563] {strides = array<i32>} : memref<2x256x128xf32, #tpu.memory_space<vmem>>, vector<16xf32>,
        %sub3A_1565 = arith.subf %get3A_540, %get3A_1564 : vector<16xf32>
        %mul3A_1566 = arith.mulf %sub3A_1565, %sub3A_1565 : vector<16xf32>
        %add3A_1567 = arith.addf %add3A_1372, %mul3A_1566 : vector<16xf32>
        %mul3A_1568 = arith.constant 16 : i32
        %mul3A_1569 = arith.muli %scan3A_519, %mul3A_1568 : i32
        %add3A_1570 = arith.constant 3 : i32
        %add3A_1571 = arith.addi %mul3A_1569, %add3A_1570 : i32
        %get3A_1572 = arith.constant 0 : i32
        %get3A_1573 = arith.index_cast %get3A_1572 : i32 to index
        %get3A_1574 = arith.index_cast %add3A_1571 : i32 to index
        %get3A_1575 = arith.constant 80 : index
        %get3A_1576 = tpu.vector_load %arg8[%get3A_1573, %get3A_1574, %get3A_1575] {strides = array<i32>} : memref<2x256x128xf32, #tpu.memory_space<vmem>>, vector<16xf32>,
        %sub3A_1577 = arith.subf %get3A_540, %get3A_1576 : vector<16xf32>
        %mul3A_1578 = arith.mulf %sub3A_1577, %sub3A_1577 : vector<16xf32>
        %add3A_1579 = arith.addf %add3A_1384, %mul3A_1578 : vector<16xf32>
        %mul3A_1580 = arith.constant 16 : i32
        %mul3A_1581 = arith.muli %scan3A_519, %mul3A_1580 : i32
        %add3A_1582 = arith.constant 4 : i32
        %add3A_1583 = arith.addi %mul3A_1581, %add3A_1582 : i32
        %get3A_1584 = arith.constant 0 : i32
        %get3A_1585 = arith.index_cast %get3A_1584 : i32 to index
        %get3A_1586 = arith.index_cast %add3A_1583 : i32 to index
        %get3A_1587 = arith.constant 80 : index
        %get3A_1588 = tpu.vector_load %arg8[%get3A_1585, %get3A_1586, %get3A_1587] {strides = array<i32>} : memref<2x256x128xf32, #tpu.memory_space<vmem>>, vector<16xf32>,
        %sub3A_1589 = arith.subf %get3A_540, %get3A_1588 : vector<16xf32>
        %mul3A_1590 = arith.mulf %sub3A_1589, %sub3A_1589 : vector<16xf32>
        %add3A_1591 = arith.addf %add3A_1396, %mul3A_1590 : vector<16xf32>
        %mul3A_1592 = arith.constant 16 : i32
        %mul3A_1593 = arith.muli %scan3A_519, %mul3A_1592 : i32
        %add3A_1594 = arith.constant 5 : i32
        %add3A_1595 = arith.addi %mul3A_1593, %add3A_1594 : i32
        %get3A_1596 = arith.constant 0 : i32
        %get3A_1597 = arith.index_cast %get3A_1596 : i32 to index
        %get3A_1598 = arith.index_cast %add3A_1595 : i32 to index
        %get3A_1599 = arith.constant 80 : index
        %get3A_1600 = tpu.vector_load %arg8[%get3A_1597, %get3A_1598, %get3A_1599] {strides = array<i32>} : memref<2x256x128xf32, #tpu.memory_space<vmem>>, vector<16xf32>,
        %sub3A_1601 = arith.subf %get3A_540, %get3A_1600 : vector<16xf32>
        %mul3A_1602 = arith.mulf %sub3A_1601, %sub3A_1601 : vector<16xf32>
        %add3A_1603 = arith.addf %add3A_1408, %mul3A_1602 : vector<16xf32>
        %mul3A_1604 = arith.constant 16 : i32
        %mul3A_1605 = arith.muli %scan3A_519, %mul3A_1604 : i32
        %add3A_1606 = arith.constant 6 : i32
        %add3A_1607 = arith.addi %mul3A_1605, %add3A_1606 : i32
        %get3A_1608 = arith.constant 0 : i32
        %get3A_1609 = arith.index_cast %get3A_1608 : i32 to index
        %get3A_1610 = arith.index_cast %add3A_1607 : i32 to index
        %get3A_1611 = arith.constant 80 : index
        %get3A_1612 = tpu.vector_load %arg8[%get3A_1609, %get3A_1610, %get3A_1611] {strides = array<i32>} : memref<2x256x128xf32, #tpu.memory_space<vmem>>, vector<16xf32>,
        %sub3A_1613 = arith.subf %get3A_540, %get3A_1612 : vector<16xf32>
        %mul3A_1614 = arith.mulf %sub3A_1613, %sub3A_1613 : vector<16xf32>
        %add3A_1615 = arith.addf %add3A_1420, %mul3A_1614 : vector<16xf32>
        %mul3A_1616 = arith.constant 16 : i32
        %mul3A_1617 = arith.muli %scan3A_519, %mul3A_1616 : i32
        %add3A_1618 = arith.constant 7 : i32
        %add3A_1619 = arith.addi %mul3A_1617, %add3A_1618 : i32
        %get3A_1620 = arith.constant 0 : i32
        %get3A_1621 = arith.index_cast %get3A_1620 : i32 to index
        %get3A_1622 = arith.index_cast %add3A_1619 : i32 to index
        %get3A_1623 = arith.constant 80 : index
        %get3A_1624 = tpu.vector_load %arg8[%get3A_1621, %get3A_1622, %get3A_1623] {strides = array<i32>} : memref<2x256x128xf32, #tpu.memory_space<vmem>>, vector<16xf32>,
        %sub3A_1625 = arith.subf %get3A_540, %get3A_1624 : vector<16xf32>
        %mul3A_1626 = arith.mulf %sub3A_1625, %sub3A_1625 : vector<16xf32>
        %add3A_1627 = arith.addf %add3A_1432, %mul3A_1626 : vector<16xf32>
        %mul3A_1628 = arith.constant 16 : i32
        %mul3A_1629 = arith.muli %scan3A_519, %mul3A_1628 : i32
        %add3A_1630 = arith.constant 8 : i32
        %add3A_1631 = arith.addi %mul3A_1629, %add3A_1630 : i32
        %get3A_1632 = arith.constant 0 : i32
        %get3A_1633 = arith.index_cast %get3A_1632 : i32 to index
        %get3A_1634 = arith.index_cast %add3A_1631 : i32 to index
        %get3A_1635 = arith.constant 80 : index
        %get3A_1636 = tpu.vector_load %arg8[%get3A_1633, %get3A_1634, %get3A_1635] {strides = array<i32>} : memref<2x256x128xf32, #tpu.memory_space<vmem>>, vector<16xf32>,
        %sub3A_1637 = arith.subf %get3A_540, %get3A_1636 : vector<16xf32>
        %mul3A_1638 = arith.mulf %sub3A_1637, %sub3A_1637 : vector<16xf32>
        %add3A_1639 = arith.addf %add3A_1444, %mul3A_1638 : vector<16xf32>
        %mul3A_1640 = arith.constant 16 : i32
        %mul3A_1641 = arith.muli %scan3A_519, %mul3A_1640 : i32
        %add3A_1642 = arith.constant 9 : i32
        %add3A_1643 = arith.addi %mul3A_1641, %add3A_1642 : i32
        %get3A_1644 = arith.constant 0 : i32
        %get3A_1645 = arith.index_cast %get3A_1644 : i32 to index
        %get3A_1646 = arith.index_cast %add3A_1643 : i32 to index
        %get3A_1647 = arith.constant 80 : index
        %get3A_1648 = tpu.vector_load %arg8[%get3A_1645, %get3A_1646, %get3A_1647] {strides = array<i32>} : memref<2x256x128xf32, #tpu.memory_space<vmem>>, vector<16xf32>,
        %sub3A_1649 = arith.subf %get3A_540, %get3A_1648 : vector<16xf32>
        %mul3A_1650 = arith.mulf %sub3A_1649, %sub3A_1649 : vector<16xf32>
        %add3A_1651 = arith.addf %add3A_1456, %mul3A_1650 : vector<16xf32>
        %mul3A_1652 = arith.constant 16 : i32
        %mul3A_1653 = arith.muli %scan3A_519, %mul3A_1652 : i32
        %add3A_1654 = arith.constant 10 : i32
        %add3A_1655 = arith.addi %mul3A_1653, %add3A_1654 : i32
        %get3A_1656 = arith.constant 0 : i32
        %get3A_1657 = arith.index_cast %get3A_1656 : i32 to index
        %get3A_1658 = arith.index_cast %add3A_1655 : i32 to index
        %get3A_1659 = arith.constant 80 : index
        %get3A_1660 = tpu.vector_load %arg8[%get3A_1657, %get3A_1658, %get3A_1659] {strides = array<i32>} : memref<2x256x128xf32, #tpu.memory_space<vmem>>, vector<16xf32>,
        %sub3A_1661 = arith.subf %get3A_540, %get3A_1660 : vector<16xf32>
        %mul3A_1662 = arith.mulf %sub3A_1661, %sub3A_1661 : vector<16xf32>
        %add3A_1663 = arith.addf %add3A_1468, %mul3A_1662 : vector<16xf32>
        %mul3A_1664 = arith.constant 16 : i32
        %mul3A_1665 = arith.muli %scan3A_519, %mul3A_1664 : i32
        %add3A_1666 = arith.constant 11 : i32
        %add3A_1667 = arith.addi %mul3A_1665, %add3A_1666 : i32
        %get3A_1668 = arith.constant 0 : i32
        %get3A_1669 = arith.index_cast %get3A_1668 : i32 to index
        %get3A_1670 = arith.index_cast %add3A_1667 : i32 to index
        %get3A_1671 = arith.constant 80 : index
        %get3A_1672 = tpu.vector_load %arg8[%get3A_1669, %get3A_1670, %get3A_1671] {strides = array<i32>} : memref<2x256x128xf32, #tpu.memory_space<vmem>>, vector<16xf32>,
        %sub3A_1673 = arith.subf %get3A_540, %get3A_1672 : vector<16xf32>
        %mul3A_1674 = arith.mulf %sub3A_1673, %sub3A_1673 : vector<16xf32>
        %add3A_1675 = arith.addf %add3A_1480, %mul3A_1674 : vector<16xf32>
        %mul3A_1676 = arith.constant 16 : i32
        %mul3A_1677 = arith.muli %scan3A_519, %mul3A_1676 : i32
        %add3A_1678 = arith.constant 12 : i32
        %add3A_1679 = arith.addi %mul3A_1677, %add3A_1678 : i32
        %get3A_1680 = arith.constant 0 : i32
        %get3A_1681 = arith.index_cast %get3A_1680 : i32 to index
        %get3A_1682 = arith.index_cast %add3A_1679 : i32 to index
        %get3A_1683 = arith.constant 80 : index
        %get3A_1684 = tpu.vector_load %arg8[%get3A_1681, %get3A_1682, %get3A_1683] {strides = array<i32>} : memref<2x256x128xf32, #tpu.memory_space<vmem>>, vector<16xf32>,
        %sub3A_1685 = arith.subf %get3A_540, %get3A_1684 : vector<16xf32>
        %mul3A_1686 = arith.mulf %sub3A_1685, %sub3A_1685 : vector<16xf32>
        %add3A_1687 = arith.addf %add3A_1492, %mul3A_1686 : vector<16xf32>
        %mul3A_1688 = arith.constant 16 : i32
        %mul3A_1689 = arith.muli %scan3A_519, %mul3A_1688 : i32
        %add3A_1690 = arith.constant 13 : i32
        %add3A_1691 = arith.addi %mul3A_1689, %add3A_1690 : i32
        %get3A_1692 = arith.constant 0 : i32
        %get3A_1693 = arith.index_cast %get3A_1692 : i32 to index
        %get3A_1694 = arith.index_cast %add3A_1691 : i32 to index
        %get3A_1695 = arith.constant 80 : index
        %get3A_1696 = tpu.vector_load %arg8[%get3A_1693, %get3A_1694, %get3A_1695] {strides = array<i32>} : memref<2x256x128xf32, #tpu.memory_space<vmem>>, vector<16xf32>,
        %sub3A_1697 = arith.subf %get3A_540, %get3A_1696 : vector<16xf32>
        %mul3A_1698 = arith.mulf %sub3A_1697, %sub3A_1697 : vector<16xf32>
        %add3A_1699 = arith.addf %add3A_1504, %mul3A_1698 : vector<16xf32>
        %mul3A_1700 = arith.constant 16 : i32
        %mul3A_1701 = arith.muli %scan3A_519, %mul3A_1700 : i32
        %add3A_1702 = arith.constant 14 : i32
        %add3A_1703 = arith.addi %mul3A_1701, %add3A_1702 : i32
        %get3A_1704 = arith.constant 0 : i32
        %get3A_1705 = arith.index_cast %get3A_1704 : i32 to index
        %get3A_1706 = arith.index_cast %add3A_1703 : i32 to index
        %get3A_1707 = arith.constant 80 : index
        %get3A_1708 = tpu.vector_load %arg8[%get3A_1705, %get3A_1706, %get3A_1707] {strides = array<i32>} : memref<2x256x128xf32, #tpu.memory_space<vmem>>, vector<16xf32>,
        %sub3A_1709 = arith.subf %get3A_540, %get3A_1708 : vector<16xf32>
        %mul3A_1710 = arith.mulf %sub3A_1709, %sub3A_1709 : vector<16xf32>
        %add3A_1711 = arith.addf %add3A_1516, %mul3A_1710 : vector<16xf32>
        %mul3A_1712 = arith.constant 16 : i32
        %mul3A_1713 = arith.muli %scan3A_519, %mul3A_1712 : i32
        %add3A_1714 = arith.constant 15 : i32
        %add3A_1715 = arith.addi %mul3A_1713, %add3A_1714 : i32
        %get3A_1716 = arith.constant 0 : i32
        %get3A_1717 = arith.index_cast %get3A_1716 : i32 to index
        %get3A_1718 = arith.index_cast %add3A_1715 : i32 to index
        %get3A_1719 = arith.constant 80 : index
        %get3A_1720 = tpu.vector_load %arg8[%get3A_1717, %get3A_1718, %get3A_1719] {strides = array<i32>} : memref<2x256x128xf32, #tpu.memory_space<vmem>>, vector<16xf32>,
        %sub3A_1721 = arith.subf %get3A_540, %get3A_1720 : vector<16xf32>
        %mul3A_1722 = arith.mulf %sub3A_1721, %sub3A_1721 : vector<16xf32>
        %add3A_1723 = arith.addf %add3A_1528, %mul3A_1722 : vector<16xf32>
        %sub3A_1724 = arith.subf %get3A_543, %get3A_567 : vector<16xf32>
        %mul3A_1725 = arith.mulf %sub3A_1724, %sub3A_1724 : vector<16xf32>
        %add3A_1726 = arith.addf %add3A_1531, %mul3A_1725 : vector<16xf32>
        %mul3A_1727 = arith.constant 16 : i32
        %mul3A_1728 = arith.muli %scan3A_519, %mul3A_1727 : i32
        %add3A_1729 = arith.constant 0 : i32
        %add3A_1730 = arith.addi %mul3A_1728, %add3A_1729 : i32
        %get3A_1731 = arith.constant 0 : i32
        %get3A_1732 = arith.index_cast %get3A_1731 : i32 to index
        %get3A_1733 = arith.index_cast %add3A_1730 : i32 to index
        %get3A_1734 = arith.constant 96 : index
        %get3A_1735 = tpu.vector_load %arg8[%get3A_1732, %get3A_1733, %get3A_1734] {strides = array<i32>} : memref<2x256x128xf32, #tpu.memory_space<vmem>>, vector<16xf32>,
        %sub3A_1736 = arith.subf %get3A_543, %get3A_1735 : vector<16xf32>
        %mul3A_1737 = arith.mulf %sub3A_1736, %sub3A_1736 : vector<16xf32>
        %add3A_1738 = arith.addf %add3A_1543, %mul3A_1737 : vector<16xf32>
        %mul3A_1739 = arith.constant 16 : i32
        %mul3A_1740 = arith.muli %scan3A_519, %mul3A_1739 : i32
        %add3A_1741 = arith.constant 1 : i32
        %add3A_1742 = arith.addi %mul3A_1740, %add3A_1741 : i32
        %get3A_1743 = arith.constant 0 : i32
        %get3A_1744 = arith.index_cast %get3A_1743 : i32 to index
        %get3A_1745 = arith.index_cast %add3A_1742 : i32 to index
        %get3A_1746 = arith.constant 96 : index
        %get3A_1747 = tpu.vector_load %arg8[%get3A_1744, %get3A_1745, %get3A_1746] {strides = array<i32>} : memref<2x256x128xf32, #tpu.memory_space<vmem>>, vector<16xf32>,
        %sub3A_1748 = arith.subf %get3A_543, %get3A_1747 : vector<16xf32>
        %mul3A_1749 = arith.mulf %sub3A_1748, %sub3A_1748 : vector<16xf32>
        %add3A_1750 = arith.addf %add3A_1555, %mul3A_1749 : vector<16xf32>
        %mul3A_1751 = arith.constant 16 : i32
        %mul3A_1752 = arith.muli %scan3A_519, %mul3A_1751 : i32
        %add3A_1753 = arith.constant 2 : i32
        %add3A_1754 = arith.addi %mul3A_1752, %add3A_1753 : i32
        %get3A_1755 = arith.constant 0 : i32
        %get3A_1756 = arith.index_cast %get3A_1755 : i32 to index
        %get3A_1757 = arith.index_cast %add3A_1754 : i32 to index
        %get3A_1758 = arith.constant 96 : index
        %get3A_1759 = tpu.vector_load %arg8[%get3A_1756, %get3A_1757, %get3A_1758] {strides = array<i32>} : memref<2x256x128xf32, #tpu.memory_space<vmem>>, vector<16xf32>,
        %sub3A_1760 = arith.subf %get3A_543, %get3A_1759 : vector<16xf32>
        %mul3A_1761 = arith.mulf %sub3A_1760, %sub3A_1760 : vector<16xf32>
        %add3A_1762 = arith.addf %add3A_1567, %mul3A_1761 : vector<16xf32>
        %mul3A_1763 = arith.constant 16 : i32
        %mul3A_1764 = arith.muli %scan3A_519, %mul3A_1763 : i32
        %add3A_1765 = arith.constant 3 : i32
        %add3A_1766 = arith.addi %mul3A_1764, %add3A_1765 : i32
        %get3A_1767 = arith.constant 0 : i32
        %get3A_1768 = arith.index_cast %get3A_1767 : i32 to index
        %get3A_1769 = arith.index_cast %add3A_1766 : i32 to index
        %get3A_1770 = arith.constant 96 : index
        %get3A_1771 = tpu.vector_load %arg8[%get3A_1768, %get3A_1769, %get3A_1770] {strides = array<i32>} : memref<2x256x128xf32, #tpu.memory_space<vmem>>, vector<16xf32>,
        %sub3A_1772 = arith.subf %get3A_543, %get3A_1771 : vector<16xf32>
        %mul3A_1773 = arith.mulf %sub3A_1772, %sub3A_1772 : vector<16xf32>
        %add3A_1774 = arith.addf %add3A_1579, %mul3A_1773 : vector<16xf32>
        %mul3A_1775 = arith.constant 16 : i32
        %mul3A_1776 = arith.muli %scan3A_519, %mul3A_1775 : i32
        %add3A_1777 = arith.constant 4 : i32
        %add3A_1778 = arith.addi %mul3A_1776, %add3A_1777 : i32
        %get3A_1779 = arith.constant 0 : i32
        %get3A_1780 = arith.index_cast %get3A_1779 : i32 to index
        %get3A_1781 = arith.index_cast %add3A_1778 : i32 to index
        %get3A_1782 = arith.constant 96 : index
        %get3A_1783 = tpu.vector_load %arg8[%get3A_1780, %get3A_1781, %get3A_1782] {strides = array<i32>} : memref<2x256x128xf32, #tpu.memory_space<vmem>>, vector<16xf32>,
        %sub3A_1784 = arith.subf %get3A_543, %get3A_1783 : vector<16xf32>
        %mul3A_1785 = arith.mulf %sub3A_1784, %sub3A_1784 : vector<16xf32>
        %add3A_1786 = arith.addf %add3A_1591, %mul3A_1785 : vector<16xf32>
        %mul3A_1787 = arith.constant 16 : i32
        %mul3A_1788 = arith.muli %scan3A_519, %mul3A_1787 : i32
        %add3A_1789 = arith.constant 5 : i32
        %add3A_1790 = arith.addi %mul3A_1788, %add3A_1789 : i32
        %get3A_1791 = arith.constant 0 : i32
        %get3A_1792 = arith.index_cast %get3A_1791 : i32 to index
        %get3A_1793 = arith.index_cast %add3A_1790 : i32 to index
        %get3A_1794 = arith.constant 96 : index
        %get3A_1795 = tpu.vector_load %arg8[%get3A_1792, %get3A_1793, %get3A_1794] {strides = array<i32>} : memref<2x256x128xf32, #tpu.memory_space<vmem>>, vector<16xf32>,
        %sub3A_1796 = arith.subf %get3A_543, %get3A_1795 : vector<16xf32>
        %mul3A_1797 = arith.mulf %sub3A_1796, %sub3A_1796 : vector<16xf32>
        %add3A_1798 = arith.addf %add3A_1603, %mul3A_1797 : vector<16xf32>
        %mul3A_1799 = arith.constant 16 : i32
        %mul3A_1800 = arith.muli %scan3A_519, %mul3A_1799 : i32
        %add3A_1801 = arith.constant 6 : i32
        %add3A_1802 = arith.addi %mul3A_1800, %add3A_1801 : i32
        %get3A_1803 = arith.constant 0 : i32
        %get3A_1804 = arith.index_cast %get3A_1803 : i32 to index
        %get3A_1805 = arith.index_cast %add3A_1802 : i32 to index
        %get3A_1806 = arith.constant 96 : index
        %get3A_1807 = tpu.vector_load %arg8[%get3A_1804, %get3A_1805, %get3A_1806] {strides = array<i32>} : memref<2x256x128xf32, #tpu.memory_space<vmem>>, vector<16xf32>,
        %sub3A_1808 = arith.subf %get3A_543, %get3A_1807 : vector<16xf32>
        %mul3A_1809 = arith.mulf %sub3A_1808, %sub3A_1808 : vector<16xf32>
        %add3A_1810 = arith.addf %add3A_1615, %mul3A_1809 : vector<16xf32>
        %mul3A_1811 = arith.constant 16 : i32
        %mul3A_1812 = arith.muli %scan3A_519, %mul3A_1811 : i32
        %add3A_1813 = arith.constant 7 : i32
        %add3A_1814 = arith.addi %mul3A_1812, %add3A_1813 : i32
        %get3A_1815 = arith.constant 0 : i32
        %get3A_1816 = arith.index_cast %get3A_1815 : i32 to index
        %get3A_1817 = arith.index_cast %add3A_1814 : i32 to index
        %get3A_1818 = arith.constant 96 : index
        %get3A_1819 = tpu.vector_load %arg8[%get3A_1816, %get3A_1817, %get3A_1818] {strides = array<i32>} : memref<2x256x128xf32, #tpu.memory_space<vmem>>, vector<16xf32>,
        %sub3A_1820 = arith.subf %get3A_543, %get3A_1819 : vector<16xf32>
        %mul3A_1821 = arith.mulf %sub3A_1820, %sub3A_1820 : vector<16xf32>
        %add3A_1822 = arith.addf %add3A_1627, %mul3A_1821 : vector<16xf32>
        %mul3A_1823 = arith.constant 16 : i32
        %mul3A_1824 = arith.muli %scan3A_519, %mul3A_1823 : i32
        %add3A_1825 = arith.constant 8 : i32
        %add3A_1826 = arith.addi %mul3A_1824, %add3A_1825 : i32
        %get3A_1827 = arith.constant 0 : i32
        %get3A_1828 = arith.index_cast %get3A_1827 : i32 to index
        %get3A_1829 = arith.index_cast %add3A_1826 : i32 to index
        %get3A_1830 = arith.constant 96 : index
        %get3A_1831 = tpu.vector_load %arg8[%get3A_1828, %get3A_1829, %get3A_1830] {strides = array<i32>} : memref<2x256x128xf32, #tpu.memory_space<vmem>>, vector<16xf32>,
        %sub3A_1832 = arith.subf %get3A_543, %get3A_1831 : vector<16xf32>
        %mul3A_1833 = arith.mulf %sub3A_1832, %sub3A_1832 : vector<16xf32>
        %add3A_1834 = arith.addf %add3A_1639, %mul3A_1833 : vector<16xf32>
        %mul3A_1835 = arith.constant 16 : i32
        %mul3A_1836 = arith.muli %scan3A_519, %mul3A_1835 : i32
        %add3A_1837 = arith.constant 9 : i32
        %add3A_1838 = arith.addi %mul3A_1836, %add3A_1837 : i32
        %get3A_1839 = arith.constant 0 : i32
        %get3A_1840 = arith.index_cast %get3A_1839 : i32 to index
        %get3A_1841 = arith.index_cast %add3A_1838 : i32 to index
        %get3A_1842 = arith.constant 96 : index
        %get3A_1843 = tpu.vector_load %arg8[%get3A_1840, %get3A_1841, %get3A_1842] {strides = array<i32>} : memref<2x256x128xf32, #tpu.memory_space<vmem>>, vector<16xf32>,
        %sub3A_1844 = arith.subf %get3A_543, %get3A_1843 : vector<16xf32>
        %mul3A_1845 = arith.mulf %sub3A_1844, %sub3A_1844 : vector<16xf32>
        %add3A_1846 = arith.addf %add3A_1651, %mul3A_1845 : vector<16xf32>
        %mul3A_1847 = arith.constant 16 : i32
        %mul3A_1848 = arith.muli %scan3A_519, %mul3A_1847 : i32
        %add3A_1849 = arith.constant 10 : i32
        %add3A_1850 = arith.addi %mul3A_1848, %add3A_1849 : i32
        %get3A_1851 = arith.constant 0 : i32
        %get3A_1852 = arith.index_cast %get3A_1851 : i32 to index
        %get3A_1853 = arith.index_cast %add3A_1850 : i32 to index
        %get3A_1854 = arith.constant 96 : index
        %get3A_1855 = tpu.vector_load %arg8[%get3A_1852, %get3A_1853, %get3A_1854] {strides = array<i32>} : memref<2x256x128xf32, #tpu.memory_space<vmem>>, vector<16xf32>,
        %sub3A_1856 = arith.subf %get3A_543, %get3A_1855 : vector<16xf32>
        %mul3A_1857 = arith.mulf %sub3A_1856, %sub3A_1856 : vector<16xf32>
        %add3A_1858 = arith.addf %add3A_1663, %mul3A_1857 : vector<16xf32>
        %mul3A_1859 = arith.constant 16 : i32
        %mul3A_1860 = arith.muli %scan3A_519, %mul3A_1859 : i32
        %add3A_1861 = arith.constant 11 : i32
        %add3A_1862 = arith.addi %mul3A_1860, %add3A_1861 : i32
        %get3A_1863 = arith.constant 0 : i32
        %get3A_1864 = arith.index_cast %get3A_1863 : i32 to index
        %get3A_1865 = arith.index_cast %add3A_1862 : i32 to index
        %get3A_1866 = arith.constant 96 : index
        %get3A_1867 = tpu.vector_load %arg8[%get3A_1864, %get3A_1865, %get3A_1866] {strides = array<i32>} : memref<2x256x128xf32, #tpu.memory_space<vmem>>, vector<16xf32>,
        %sub3A_1868 = arith.subf %get3A_543, %get3A_1867 : vector<16xf32>
        %mul3A_1869 = arith.mulf %sub3A_1868, %sub3A_1868 : vector<16xf32>
        %add3A_1870 = arith.addf %add3A_1675, %mul3A_1869 : vector<16xf32>
        %mul3A_1871 = arith.constant 16 : i32
        %mul3A_1872 = arith.muli %scan3A_519, %mul3A_1871 : i32
        %add3A_1873 = arith.constant 12 : i32
        %add3A_1874 = arith.addi %mul3A_1872, %add3A_1873 : i32
        %get3A_1875 = arith.constant 0 : i32
        %get3A_1876 = arith.index_cast %get3A_1875 : i32 to index
        %get3A_1877 = arith.index_cast %add3A_1874 : i32 to index
        %get3A_1878 = arith.constant 96 : index
        %get3A_1879 = tpu.vector_load %arg8[%get3A_1876, %get3A_1877, %get3A_1878] {strides = array<i32>} : memref<2x256x128xf32, #tpu.memory_space<vmem>>, vector<16xf32>,
        %sub3A_1880 = arith.subf %get3A_543, %get3A_1879 : vector<16xf32>
        %mul3A_1881 = arith.mulf %sub3A_1880, %sub3A_1880 : vector<16xf32>
        %add3A_1882 = arith.addf %add3A_1687, %mul3A_1881 : vector<16xf32>
        %mul3A_1883 = arith.constant 16 : i32
        %mul3A_1884 = arith.muli %scan3A_519, %mul3A_1883 : i32
        %add3A_1885 = arith.constant 13 : i32
        %add3A_1886 = arith.addi %mul3A_1884, %add3A_1885 : i32
        %get3A_1887 = arith.constant 0 : i32
        %get3A_1888 = arith.index_cast %get3A_1887 : i32 to index
        %get3A_1889 = arith.index_cast %add3A_1886 : i32 to index
        %get3A_1890 = arith.constant 96 : index
        %get3A_1891 = tpu.vector_load %arg8[%get3A_1888, %get3A_1889, %get3A_1890] {strides = array<i32>} : memref<2x256x128xf32, #tpu.memory_space<vmem>>, vector<16xf32>,
        %sub3A_1892 = arith.subf %get3A_543, %get3A_1891 : vector<16xf32>
        %mul3A_1893 = arith.mulf %sub3A_1892, %sub3A_1892 : vector<16xf32>
        %add3A_1894 = arith.addf %add3A_1699, %mul3A_1893 : vector<16xf32>
        %mul3A_1895 = arith.constant 16 : i32
        %mul3A_1896 = arith.muli %scan3A_519, %mul3A_1895 : i32
        %add3A_1897 = arith.constant 14 : i32
        %add3A_1898 = arith.addi %mul3A_1896, %add3A_1897 : i32
        %get3A_1899 = arith.constant 0 : i32
        %get3A_1900 = arith.index_cast %get3A_1899 : i32 to index
        %get3A_1901 = arith.index_cast %add3A_1898 : i32 to index
        %get3A_1902 = arith.constant 96 : index
        %get3A_1903 = tpu.vector_load %arg8[%get3A_1900, %get3A_1901, %get3A_1902] {strides = array<i32>} : memref<2x256x128xf32, #tpu.memory_space<vmem>>, vector<16xf32>,
        %sub3A_1904 = arith.subf %get3A_543, %get3A_1903 : vector<16xf32>
        %mul3A_1905 = arith.mulf %sub3A_1904, %sub3A_1904 : vector<16xf32>
        %add3A_1906 = arith.addf %add3A_1711, %mul3A_1905 : vector<16xf32>
        %mul3A_1907 = arith.constant 16 : i32
        %mul3A_1908 = arith.muli %scan3A_519, %mul3A_1907 : i32
        %add3A_1909 = arith.constant 15 : i32
        %add3A_1910 = arith.addi %mul3A_1908, %add3A_1909 : i32
        %get3A_1911 = arith.constant 0 : i32
        %get3A_1912 = arith.index_cast %get3A_1911 : i32 to index
        %get3A_1913 = arith.index_cast %add3A_1910 : i32 to index
        %get3A_1914 = arith.constant 96 : index
        %get3A_1915 = tpu.vector_load %arg8[%get3A_1912, %get3A_1913, %get3A_1914] {strides = array<i32>} : memref<2x256x128xf32, #tpu.memory_space<vmem>>, vector<16xf32>,
        %sub3A_1916 = arith.subf %get3A_543, %get3A_1915 : vector<16xf32>
        %mul3A_1917 = arith.mulf %sub3A_1916, %sub3A_1916 : vector<16xf32>
        %add3A_1918 = arith.addf %add3A_1723, %mul3A_1917 : vector<16xf32>
        %sub3A_1919 = arith.subf %get3A_546, %get3A_570 : vector<16xf32>
        %mul3A_1920 = arith.mulf %sub3A_1919, %sub3A_1919 : vector<16xf32>
        %add3A_1921 = arith.addf %add3A_1726, %mul3A_1920 : vector<16xf32>
        %mul3A_1922 = arith.constant 16 : i32
        %mul3A_1923 = arith.muli %scan3A_519, %mul3A_1922 : i32
        %add3A_1924 = arith.constant 0 : i32
        %add3A_1925 = arith.addi %mul3A_1923, %add3A_1924 : i32
        %get3A_1926 = arith.constant 0 : i32
        %get3A_1927 = arith.index_cast %get3A_1926 : i32 to index
        %get3A_1928 = arith.index_cast %add3A_1925 : i32 to index
        %get3A_1929 = arith.constant 112 : index
        %get3A_1930 = tpu.vector_load %arg8[%get3A_1927, %get3A_1928, %get3A_1929] {strides = array<i32>} : memref<2x256x128xf32, #tpu.memory_space<vmem>>, vector<16xf32>,
        %sub3A_1931 = arith.subf %get3A_546, %get3A_1930 : vector<16xf32>
        %mul3A_1932 = arith.mulf %sub3A_1931, %sub3A_1931 : vector<16xf32>
        %add3A_1933 = arith.addf %add3A_1738, %mul3A_1932 : vector<16xf32>
        %mul3A_1934 = arith.constant 16 : i32
        %mul3A_1935 = arith.muli %scan3A_519, %mul3A_1934 : i32
        %add3A_1936 = arith.constant 1 : i32
        %add3A_1937 = arith.addi %mul3A_1935, %add3A_1936 : i32
        %get3A_1938 = arith.constant 0 : i32
        %get3A_1939 = arith.index_cast %get3A_1938 : i32 to index
        %get3A_1940 = arith.index_cast %add3A_1937 : i32 to index
        %get3A_1941 = arith.constant 112 : index
        %get3A_1942 = tpu.vector_load %arg8[%get3A_1939, %get3A_1940, %get3A_1941] {strides = array<i32>} : memref<2x256x128xf32, #tpu.memory_space<vmem>>, vector<16xf32>,
        %sub3A_1943 = arith.subf %get3A_546, %get3A_1942 : vector<16xf32>
        %mul3A_1944 = arith.mulf %sub3A_1943, %sub3A_1943 : vector<16xf32>
        %add3A_1945 = arith.addf %add3A_1750, %mul3A_1944 : vector<16xf32>
        %mul3A_1946 = arith.constant 16 : i32
        %mul3A_1947 = arith.muli %scan3A_519, %mul3A_1946 : i32
        %add3A_1948 = arith.constant 2 : i32
        %add3A_1949 = arith.addi %mul3A_1947, %add3A_1948 : i32
        %get3A_1950 = arith.constant 0 : i32
        %get3A_1951 = arith.index_cast %get3A_1950 : i32 to index
        %get3A_1952 = arith.index_cast %add3A_1949 : i32 to index
        %get3A_1953 = arith.constant 112 : index
        %get3A_1954 = tpu.vector_load %arg8[%get3A_1951, %get3A_1952, %get3A_1953] {strides = array<i32>} : memref<2x256x128xf32, #tpu.memory_space<vmem>>, vector<16xf32>,
        %sub3A_1955 = arith.subf %get3A_546, %get3A_1954 : vector<16xf32>
        %mul3A_1956 = arith.mulf %sub3A_1955, %sub3A_1955 : vector<16xf32>
        %add3A_1957 = arith.addf %add3A_1762, %mul3A_1956 : vector<16xf32>
        %mul3A_1958 = arith.constant 16 : i32
        %mul3A_1959 = arith.muli %scan3A_519, %mul3A_1958 : i32
        %add3A_1960 = arith.constant 3 : i32
        %add3A_1961 = arith.addi %mul3A_1959, %add3A_1960 : i32
        %get3A_1962 = arith.constant 0 : i32
        %get3A_1963 = arith.index_cast %get3A_1962 : i32 to index
        %get3A_1964 = arith.index_cast %add3A_1961 : i32 to index
        %get3A_1965 = arith.constant 112 : index
        %get3A_1966 = tpu.vector_load %arg8[%get3A_1963, %get3A_1964, %get3A_1965] {strides = array<i32>} : memref<2x256x128xf32, #tpu.memory_space<vmem>>, vector<16xf32>,
        %sub3A_1967 = arith.subf %get3A_546, %get3A_1966 : vector<16xf32>
        %mul3A_1968 = arith.mulf %sub3A_1967, %sub3A_1967 : vector<16xf32>
        %add3A_1969 = arith.addf %add3A_1774, %mul3A_1968 : vector<16xf32>
        %mul3A_1970 = arith.constant 16 : i32
        %mul3A_1971 = arith.muli %scan3A_519, %mul3A_1970 : i32
        %add3A_1972 = arith.constant 4 : i32
        %add3A_1973 = arith.addi %mul3A_1971, %add3A_1972 : i32
        %get3A_1974 = arith.constant 0 : i32
        %get3A_1975 = arith.index_cast %get3A_1974 : i32 to index
        %get3A_1976 = arith.index_cast %add3A_1973 : i32 to index
        %get3A_1977 = arith.constant 112 : index
        %get3A_1978 = tpu.vector_load %arg8[%get3A_1975, %get3A_1976, %get3A_1977] {strides = array<i32>} : memref<2x256x128xf32, #tpu.memory_space<vmem>>, vector<16xf32>,
        %sub3A_1979 = arith.subf %get3A_546, %get3A_1978 : vector<16xf32>
        %mul3A_1980 = arith.mulf %sub3A_1979, %sub3A_1979 : vector<16xf32>
        %add3A_1981 = arith.addf %add3A_1786, %mul3A_1980 : vector<16xf32>
        %mul3A_1982 = arith.constant 16 : i32
        %mul3A_1983 = arith.muli %scan3A_519, %mul3A_1982 : i32
        %add3A_1984 = arith.constant 5 : i32
        %add3A_1985 = arith.addi %mul3A_1983, %add3A_1984 : i32
        %get3A_1986 = arith.constant 0 : i32
        %get3A_1987 = arith.index_cast %get3A_1986 : i32 to index
        %get3A_1988 = arith.index_cast %add3A_1985 : i32 to index
        %get3A_1989 = arith.constant 112 : index
        %get3A_1990 = tpu.vector_load %arg8[%get3A_1987, %get3A_1988, %get3A_1989] {strides = array<i32>} : memref<2x256x128xf32, #tpu.memory_space<vmem>>, vector<16xf32>,
        %sub3A_1991 = arith.subf %get3A_546, %get3A_1990 : vector<16xf32>
        %mul3A_1992 = arith.mulf %sub3A_1991, %sub3A_1991 : vector<16xf32>
        %add3A_1993 = arith.addf %add3A_1798, %mul3A_1992 : vector<16xf32>
        %mul3A_1994 = arith.constant 16 : i32
        %mul3A_1995 = arith.muli %scan3A_519, %mul3A_1994 : i32
        %add3A_1996 = arith.constant 6 : i32
        %add3A_1997 = arith.addi %mul3A_1995, %add3A_1996 : i32
        %get3A_1998 = arith.constant 0 : i32
        %get3A_1999 = arith.index_cast %get3A_1998 : i32 to index
        %get3A_2000 = arith.index_cast %add3A_1997 : i32 to index
        %get3A_2001 = arith.constant 112 : index
        %get3A_2002 = tpu.vector_load %arg8[%get3A_1999, %get3A_2000, %get3A_2001] {strides = array<i32>} : memref<2x256x128xf32, #tpu.memory_space<vmem>>, vector<16xf32>,
        %sub3A_2003 = arith.subf %get3A_546, %get3A_2002 : vector<16xf32>
        %mul3A_2004 = arith.mulf %sub3A_2003, %sub3A_2003 : vector<16xf32>
        %add3A_2005 = arith.addf %add3A_1810, %mul3A_2004 : vector<16xf32>
        %mul3A_2006 = arith.constant 16 : i32
        %mul3A_2007 = arith.muli %scan3A_519, %mul3A_2006 : i32
        %add3A_2008 = arith.constant 7 : i32
        %add3A_2009 = arith.addi %mul3A_2007, %add3A_2008 : i32
        %get3A_2010 = arith.constant 0 : i32
        %get3A_2011 = arith.index_cast %get3A_2010 : i32 to index
        %get3A_2012 = arith.index_cast %add3A_2009 : i32 to index
        %get3A_2013 = arith.constant 112 : index
        %get3A_2014 = tpu.vector_load %arg8[%get3A_2011, %get3A_2012, %get3A_2013] {strides = array<i32>} : memref<2x256x128xf32, #tpu.memory_space<vmem>>, vector<16xf32>,
        %sub3A_2015 = arith.subf %get3A_546, %get3A_2014 : vector<16xf32>
        %mul3A_2016 = arith.mulf %sub3A_2015, %sub3A_2015 : vector<16xf32>
        %add3A_2017 = arith.addf %add3A_1822, %mul3A_2016 : vector<16xf32>
        %mul3A_2018 = arith.constant 16 : i32
        %mul3A_2019 = arith.muli %scan3A_519, %mul3A_2018 : i32
        %add3A_2020 = arith.constant 8 : i32
        %add3A_2021 = arith.addi %mul3A_2019, %add3A_2020 : i32
        %get3A_2022 = arith.constant 0 : i32
        %get3A_2023 = arith.index_cast %get3A_2022 : i32 to index
        %get3A_2024 = arith.index_cast %add3A_2021 : i32 to index
        %get3A_2025 = arith.constant 112 : index
        %get3A_2026 = tpu.vector_load %arg8[%get3A_2023, %get3A_2024, %get3A_2025] {strides = array<i32>} : memref<2x256x128xf32, #tpu.memory_space<vmem>>, vector<16xf32>,
        %sub3A_2027 = arith.subf %get3A_546, %get3A_2026 : vector<16xf32>
        %mul3A_2028 = arith.mulf %sub3A_2027, %sub3A_2027 : vector<16xf32>
        %add3A_2029 = arith.addf %add3A_1834, %mul3A_2028 : vector<16xf32>
        %mul3A_2030 = arith.constant 16 : i32
        %mul3A_2031 = arith.muli %scan3A_519, %mul3A_2030 : i32
        %add3A_2032 = arith.constant 9 : i32
        %add3A_2033 = arith.addi %mul3A_2031, %add3A_2032 : i32
        %get3A_2034 = arith.constant 0 : i32
        %get3A_2035 = arith.index_cast %get3A_2034 : i32 to index
        %get3A_2036 = arith.index_cast %add3A_2033 : i32 to index
        %get3A_2037 = arith.constant 112 : index
        %get3A_2038 = tpu.vector_load %arg8[%get3A_2035, %get3A_2036, %get3A_2037] {strides = array<i32>} : memref<2x256x128xf32, #tpu.memory_space<vmem>>, vector<16xf32>,
        %sub3A_2039 = arith.subf %get3A_546, %get3A_2038 : vector<16xf32>
        %mul3A_2040 = arith.mulf %sub3A_2039, %sub3A_2039 : vector<16xf32>
        %add3A_2041 = arith.addf %add3A_1846, %mul3A_2040 : vector<16xf32>
        %mul3A_2042 = arith.constant 16 : i32
        %mul3A_2043 = arith.muli %scan3A_519, %mul3A_2042 : i32
        %add3A_2044 = arith.constant 10 : i32
        %add3A_2045 = arith.addi %mul3A_2043, %add3A_2044 : i32
        %get3A_2046 = arith.constant 0 : i32
        %get3A_2047 = arith.index_cast %get3A_2046 : i32 to index
        %get3A_2048 = arith.index_cast %add3A_2045 : i32 to index
        %get3A_2049 = arith.constant 112 : index
        %get3A_2050 = tpu.vector_load %arg8[%get3A_2047, %get3A_2048, %get3A_2049] {strides = array<i32>} : memref<2x256x128xf32, #tpu.memory_space<vmem>>, vector<16xf32>,
        %sub3A_2051 = arith.subf %get3A_546, %get3A_2050 : vector<16xf32>
        %mul3A_2052 = arith.mulf %sub3A_2051, %sub3A_2051 : vector<16xf32>
        %add3A_2053 = arith.addf %add3A_1858, %mul3A_2052 : vector<16xf32>
        %mul3A_2054 = arith.constant 16 : i32
        %mul3A_2055 = arith.muli %scan3A_519, %mul3A_2054 : i32
        %add3A_2056 = arith.constant 11 : i32
        %add3A_2057 = arith.addi %mul3A_2055, %add3A_2056 : i32
        %get3A_2058 = arith.constant 0 : i32
        %get3A_2059 = arith.index_cast %get3A_2058 : i32 to index
        %get3A_2060 = arith.index_cast %add3A_2057 : i32 to index
        %get3A_2061 = arith.constant 112 : index
        %get3A_2062 = tpu.vector_load %arg8[%get3A_2059, %get3A_2060, %get3A_2061] {strides = array<i32>} : memref<2x256x128xf32, #tpu.memory_space<vmem>>, vector<16xf32>,
        %sub3A_2063 = arith.subf %get3A_546, %get3A_2062 : vector<16xf32>
        %mul3A_2064 = arith.mulf %sub3A_2063, %sub3A_2063 : vector<16xf32>
        %add3A_2065 = arith.addf %add3A_1870, %mul3A_2064 : vector<16xf32>
        %mul3A_2066 = arith.constant 16 : i32
        %mul3A_2067 = arith.muli %scan3A_519, %mul3A_2066 : i32
        %add3A_2068 = arith.constant 12 : i32
        %add3A_2069 = arith.addi %mul3A_2067, %add3A_2068 : i32
        %get3A_2070 = arith.constant 0 : i32
        %get3A_2071 = arith.index_cast %get3A_2070 : i32 to index
        %get3A_2072 = arith.index_cast %add3A_2069 : i32 to index
        %get3A_2073 = arith.constant 112 : index
        %get3A_2074 = tpu.vector_load %arg8[%get3A_2071, %get3A_2072, %get3A_2073] {strides = array<i32>} : memref<2x256x128xf32, #tpu.memory_space<vmem>>, vector<16xf32>,
        %sub3A_2075 = arith.subf %get3A_546, %get3A_2074 : vector<16xf32>
        %mul3A_2076 = arith.mulf %sub3A_2075, %sub3A_2075 : vector<16xf32>
        %add3A_2077 = arith.addf %add3A_1882, %mul3A_2076 : vector<16xf32>
        %mul3A_2078 = arith.constant 16 : i32
        %mul3A_2079 = arith.muli %scan3A_519, %mul3A_2078 : i32
        %add3A_2080 = arith.constant 13 : i32
        %add3A_2081 = arith.addi %mul3A_2079, %add3A_2080 : i32
        %get3A_2082 = arith.constant 0 : i32
        %get3A_2083 = arith.index_cast %get3A_2082 : i32 to index
        %get3A_2084 = arith.index_cast %add3A_2081 : i32 to index
        %get3A_2085 = arith.constant 112 : index
        %get3A_2086 = tpu.vector_load %arg8[%get3A_2083, %get3A_2084, %get3A_2085] {strides = array<i32>} : memref<2x256x128xf32, #tpu.memory_space<vmem>>, vector<16xf32>,
        %sub3A_2087 = arith.subf %get3A_546, %get3A_2086 : vector<16xf32>
        %mul3A_2088 = arith.mulf %sub3A_2087, %sub3A_2087 : vector<16xf32>
        %add3A_2089 = arith.addf %add3A_1894, %mul3A_2088 : vector<16xf32>
        %mul3A_2090 = arith.constant 16 : i32
        %mul3A_2091 = arith.muli %scan3A_519, %mul3A_2090 : i32
        %add3A_2092 = arith.constant 14 : i32
        %add3A_2093 = arith.addi %mul3A_2091, %add3A_2092 : i32
        %get3A_2094 = arith.constant 0 : i32
        %get3A_2095 = arith.index_cast %get3A_2094 : i32 to index
        %get3A_2096 = arith.index_cast %add3A_2093 : i32 to index
        %get3A_2097 = arith.constant 112 : index
        %get3A_2098 = tpu.vector_load %arg8[%get3A_2095, %get3A_2096, %get3A_2097] {strides = array<i32>} : memref<2x256x128xf32, #tpu.memory_space<vmem>>, vector<16xf32>,
        %sub3A_2099 = arith.subf %get3A_546, %get3A_2098 : vector<16xf32>
        %mul3A_2100 = arith.mulf %sub3A_2099, %sub3A_2099 : vector<16xf32>
        %add3A_2101 = arith.addf %add3A_1906, %mul3A_2100 : vector<16xf32>
        %mul3A_2102 = arith.constant 16 : i32
        %mul3A_2103 = arith.muli %scan3A_519, %mul3A_2102 : i32
        %add3A_2104 = arith.constant 15 : i32
        %add3A_2105 = arith.addi %mul3A_2103, %add3A_2104 : i32
        %get3A_2106 = arith.constant 0 : i32
        %get3A_2107 = arith.index_cast %get3A_2106 : i32 to index
        %get3A_2108 = arith.index_cast %add3A_2105 : i32 to index
        %get3A_2109 = arith.constant 112 : index
        %get3A_2110 = tpu.vector_load %arg8[%get3A_2107, %get3A_2108, %get3A_2109] {strides = array<i32>} : memref<2x256x128xf32, #tpu.memory_space<vmem>>, vector<16xf32>,
        %sub3A_2111 = arith.subf %get3A_546, %get3A_2110 : vector<16xf32>
        %mul3A_2112 = arith.mulf %sub3A_2111, %sub3A_2111 : vector<16xf32>
        %add3A_2113 = arith.addf %add3A_1918, %mul3A_2112 : vector<16xf32>
        %mul3A_2114 = arith.constant 17 : i32
        %mul3A_2115 = arith.muli %scan3A_519, %mul3A_2114 : i32
        %add3A_2116 = vector.broadcast %mul3A_2115 : i32 to vector<16xi32>
        %add3A_2117 = arith.addi %iota3A, %add3A_2116 : vector<16xi32>
        tpu.vector_store_idx %arg10[%add3A_2117], %add3A_1921 : memref<272xf32, #tpu.memory_space<vmem>>[vector<16xi32>], vector<16xf32>,
        %add3A_2118 = arith.constant 0 : i32
        %add3A_2119 = vector.broadcast %add3A_2118 : i32 to vector<16xi32>
        %add3A_2120 = arith.addi %iota3A, %add3A_2119 : vector<16xi32>
        tpu.vector_store_idx %arg9[%add3A_2120], %add3A_1933 : memref<272xf32, #tpu.memory_space<vmem>>[vector<16xi32>], vector<16xf32>,
        %add3A_2121 = arith.constant 17 : i32
        %add3A_2122 = vector.broadcast %add3A_2121 : i32 to vector<16xi32>
        %add3A_2123 = arith.addi %iota3A, %add3A_2122 : vector<16xi32>
        tpu.vector_store_idx %arg9[%add3A_2123], %add3A_1945 : memref<272xf32, #tpu.memory_space<vmem>>[vector<16xi32>], vector<16xf32>,
        %add3A_2124 = arith.constant 34 : i32
        %add3A_2125 = vector.broadcast %add3A_2124 : i32 to vector<16xi32>
        %add3A_2126 = arith.addi %iota3A, %add3A_2125 : vector<16xi32>
        tpu.vector_store_idx %arg9[%add3A_2126], %add3A_1957 : memref<272xf32, #tpu.memory_space<vmem>>[vector<16xi32>], vector<16xf32>,
        %add3A_2127 = arith.constant 51 : i32
        %add3A_2128 = vector.broadcast %add3A_2127 : i32 to vector<16xi32>
        %add3A_2129 = arith.addi %iota3A, %add3A_2128 : vector<16xi32>
        tpu.vector_store_idx %arg9[%add3A_2129], %add3A_1969 : memref<272xf32, #tpu.memory_space<vmem>>[vector<16xi32>], vector<16xf32>,
        %add3A_2130 = arith.constant 68 : i32
        %add3A_2131 = vector.broadcast %add3A_2130 : i32 to vector<16xi32>
        %add3A_2132 = arith.addi %iota3A, %add3A_2131 : vector<16xi32>
        tpu.vector_store_idx %arg9[%add3A_2132], %add3A_1981 : memref<272xf32, #tpu.memory_space<vmem>>[vector<16xi32>], vector<16xf32>,
        %add3A_2133 = arith.constant 85 : i32
        %add3A_2134 = vector.broadcast %add3A_2133 : i32 to vector<16xi32>
        %add3A_2135 = arith.addi %iota3A, %add3A_2134 : vector<16xi32>
        tpu.vector_store_idx %arg9[%add3A_2135], %add3A_1993 : memref<272xf32, #tpu.memory_space<vmem>>[vector<16xi32>], vector<16xf32>,
        %add3A_2136 = arith.constant 102 : i32
        %add3A_2137 = vector.broadcast %add3A_2136 : i32 to vector<16xi32>
        %add3A_2138 = arith.addi %iota3A, %add3A_2137 : vector<16xi32>
        tpu.vector_store_idx %arg9[%add3A_2138], %add3A_2005 : memref<272xf32, #tpu.memory_space<vmem>>[vector<16xi32>], vector<16xf32>,
        %add3A_2139 = arith.constant 119 : i32
        %add3A_2140 = vector.broadcast %add3A_2139 : i32 to vector<16xi32>
        %add3A_2141 = arith.addi %iota3A, %add3A_2140 : vector<16xi32>
        tpu.vector_store_idx %arg9[%add3A_2141], %add3A_2017 : memref<272xf32, #tpu.memory_space<vmem>>[vector<16xi32>], vector<16xf32>,
        %add3A_2142 = arith.constant 136 : i32
        %add3A_2143 = vector.broadcast %add3A_2142 : i32 to vector<16xi32>
        %add3A_2144 = arith.addi %iota3A, %add3A_2143 : vector<16xi32>
        tpu.vector_store_idx %arg9[%add3A_2144], %add3A_2029 : memref<272xf32, #tpu.memory_space<vmem>>[vector<16xi32>], vector<16xf32>,
        %add3A_2145 = arith.constant 153 : i32
        %add3A_2146 = vector.broadcast %add3A_2145 : i32 to vector<16xi32>
        %add3A_2147 = arith.addi %iota3A, %add3A_2146 : vector<16xi32>
        tpu.vector_store_idx %arg9[%add3A_2147], %add3A_2041 : memref<272xf32, #tpu.memory_space<vmem>>[vector<16xi32>], vector<16xf32>,
        %add3A_2148 = arith.constant 170 : i32
        %add3A_2149 = vector.broadcast %add3A_2148 : i32 to vector<16xi32>
        %add3A_2150 = arith.addi %iota3A, %add3A_2149 : vector<16xi32>
        tpu.vector_store_idx %arg9[%add3A_2150], %add3A_2053 : memref<272xf32, #tpu.memory_space<vmem>>[vector<16xi32>], vector<16xf32>,
        %add3A_2151 = arith.constant 187 : i32
        %add3A_2152 = vector.broadcast %add3A_2151 : i32 to vector<16xi32>
        %add3A_2153 = arith.addi %iota3A, %add3A_2152 : vector<16xi32>
        tpu.vector_store_idx %arg9[%add3A_2153], %add3A_2065 : memref<272xf32, #tpu.memory_space<vmem>>[vector<16xi32>], vector<16xf32>,
        %add3A_2154 = arith.constant 204 : i32
        %add3A_2155 = vector.broadcast %add3A_2154 : i32 to vector<16xi32>
        %add3A_2156 = arith.addi %iota3A, %add3A_2155 : vector<16xi32>
        tpu.vector_store_idx %arg9[%add3A_2156], %add3A_2077 : memref<272xf32, #tpu.memory_space<vmem>>[vector<16xi32>], vector<16xf32>,
        %add3A_2157 = arith.constant 221 : i32
        %add3A_2158 = vector.broadcast %add3A_2157 : i32 to vector<16xi32>
        %add3A_2159 = arith.addi %iota3A, %add3A_2158 : vector<16xi32>
        tpu.vector_store_idx %arg9[%add3A_2159], %add3A_2089 : memref<272xf32, #tpu.memory_space<vmem>>[vector<16xi32>], vector<16xf32>,
        %add3A_2160 = arith.constant 238 : i32
        %add3A_2161 = vector.broadcast %add3A_2160 : i32 to vector<16xi32>
        %add3A_2162 = arith.addi %iota3A, %add3A_2161 : vector<16xi32>
        tpu.vector_store_idx %arg9[%add3A_2162], %add3A_2101 : memref<272xf32, #tpu.memory_space<vmem>>[vector<16xi32>], vector<16xf32>,
        %add3A_2163 = arith.constant 255 : i32
        %add3A_2164 = vector.broadcast %add3A_2163 : i32 to vector<16xi32>
        %add3A_2165 = arith.addi %iota3A, %add3A_2164 : vector<16xi32>
        tpu.vector_store_idx %arg9[%add3A_2165], %add3A_2113 : memref<272xf32, #tpu.memory_space<vmem>>[vector<16xi32>], vector<16xf32>,
        %gather3A_2166 = tpu.vector_load_idx %arg9[%mul3A_71] : memref<272xf32, #tpu.memory_space<vmem>>[vector<16xi32>], vector<16xf32>,
        %add3A_2167 = arith.constant 1 : i32
        %add3A_2168 = vector.broadcast %add3A_2167 : i32 to vector<16xi32>
        %add3A_2169 = arith.addi %mul3A_71, %add3A_2168 : vector<16xi32>
        %gather3A_2170 = tpu.vector_load_idx %arg9[%add3A_2169] : memref<272xf32, #tpu.memory_space<vmem>>[vector<16xi32>], vector<16xf32>,
        %add3A_2171 = arith.addf %gather3A_2166, %gather3A_2170 : vector<16xf32>
        %add3A_2172 = arith.constant 2 : i32
        %add3A_2173 = vector.broadcast %add3A_2172 : i32 to vector<16xi32>
        %add3A_2174 = arith.addi %mul3A_71, %add3A_2173 : vector<16xi32>
        %gather3A_2175 = tpu.vector_load_idx %arg9[%add3A_2174] : memref<272xf32, #tpu.memory_space<vmem>>[vector<16xi32>], vector<16xf32>,
        %add3A_2176 = arith.addf %add3A_2171, %gather3A_2175 : vector<16xf32>
        %add3A_2177 = arith.constant 3 : i32
        %add3A_2178 = vector.broadcast %add3A_2177 : i32 to vector<16xi32>
        %add3A_2179 = arith.addi %mul3A_71, %add3A_2178 : vector<16xi32>
        %gather3A_2180 = tpu.vector_load_idx %arg9[%add3A_2179] : memref<272xf32, #tpu.memory_space<vmem>>[vector<16xi32>], vector<16xf32>,
        %add3A_2181 = arith.addf %add3A_2176, %gather3A_2180 : vector<16xf32>
        %add3A_2182 = arith.constant 4 : i32
        %add3A_2183 = vector.broadcast %add3A_2182 : i32 to vector<16xi32>
        %add3A_2184 = arith.addi %mul3A_71, %add3A_2183 : vector<16xi32>
        %gather3A_2185 = tpu.vector_load_idx %arg9[%add3A_2184] : memref<272xf32, #tpu.memory_space<vmem>>[vector<16xi32>], vector<16xf32>,
        %add3A_2186 = arith.addf %add3A_2181, %gather3A_2185 : vector<16xf32>
        %add3A_2187 = arith.constant 5 : i32
        %add3A_2188 = vector.broadcast %add3A_2187 : i32 to vector<16xi32>
        %add3A_2189 = arith.addi %mul3A_71, %add3A_2188 : vector<16xi32>
        %gather3A_2190 = tpu.vector_load_idx %arg9[%add3A_2189] : memref<272xf32, #tpu.memory_space<vmem>>[vector<16xi32>], vector<16xf32>,
        %add3A_2191 = arith.addf %add3A_2186, %gather3A_2190 : vector<16xf32>
        %add3A_2192 = arith.constant 6 : i32
        %add3A_2193 = vector.broadcast %add3A_2192 : i32 to vector<16xi32>
        %add3A_2194 = arith.addi %mul3A_71, %add3A_2193 : vector<16xi32>
        %gather3A_2195 = tpu.vector_load_idx %arg9[%add3A_2194] : memref<272xf32, #tpu.memory_space<vmem>>[vector<16xi32>], vector<16xf32>,
        %add3A_2196 = arith.addf %add3A_2191, %gather3A_2195 : vector<16xf32>
        %add3A_2197 = arith.constant 7 : i32
        %add3A_2198 = vector.broadcast %add3A_2197 : i32 to vector<16xi32>
        %add3A_2199 = arith.addi %mul3A_71, %add3A_2198 : vector<16xi32>
        %gather3A_2200 = tpu.vector_load_idx %arg9[%add3A_2199] : memref<272xf32, #tpu.memory_space<vmem>>[vector<16xi32>], vector<16xf32>,
        %add3A_2201 = arith.addf %add3A_2196, %gather3A_2200 : vector<16xf32>
        %add3A_2202 = arith.constant 8 : i32
        %add3A_2203 = vector.broadcast %add3A_2202 : i32 to vector<16xi32>
        %add3A_2204 = arith.addi %mul3A_71, %add3A_2203 : vector<16xi32>
        %gather3A_2205 = tpu.vector_load_idx %arg9[%add3A_2204] : memref<272xf32, #tpu.memory_space<vmem>>[vector<16xi32>], vector<16xf32>,
        %add3A_2206 = arith.addf %add3A_2201, %gather3A_2205 : vector<16xf32>
        %add3A_2207 = arith.constant 9 : i32
        %add3A_2208 = vector.broadcast %add3A_2207 : i32 to vector<16xi32>
        %add3A_2209 = arith.addi %mul3A_71, %add3A_2208 : vector<16xi32>
        %gather3A_2210 = tpu.vector_load_idx %arg9[%add3A_2209] : memref<272xf32, #tpu.memory_space<vmem>>[vector<16xi32>], vector<16xf32>,
        %add3A_2211 = arith.addf %add3A_2206, %gather3A_2210 : vector<16xf32>
        %add3A_2212 = arith.constant 10 : i32
        %add3A_2213 = vector.broadcast %add3A_2212 : i32 to vector<16xi32>
        %add3A_2214 = arith.addi %mul3A_71, %add3A_2213 : vector<16xi32>
        %gather3A_2215 = tpu.vector_load_idx %arg9[%add3A_2214] : memref<272xf32, #tpu.memory_space<vmem>>[vector<16xi32>], vector<16xf32>,
        %add3A_2216 = arith.addf %add3A_2211, %gather3A_2215 : vector<16xf32>
        %add3A_2217 = arith.constant 11 : i32
        %add3A_2218 = vector.broadcast %add3A_2217 : i32 to vector<16xi32>
        %add3A_2219 = arith.addi %mul3A_71, %add3A_2218 : vector<16xi32>
        %gather3A_2220 = tpu.vector_load_idx %arg9[%add3A_2219] : memref<272xf32, #tpu.memory_space<vmem>>[vector<16xi32>], vector<16xf32>,
        %add3A_2221 = arith.addf %add3A_2216, %gather3A_2220 : vector<16xf32>
        %add3A_2222 = arith.constant 12 : i32
        %add3A_2223 = vector.broadcast %add3A_2222 : i32 to vector<16xi32>
        %add3A_2224 = arith.addi %mul3A_71, %add3A_2223 : vector<16xi32>
        %gather3A_2225 = tpu.vector_load_idx %arg9[%add3A_2224] : memref<272xf32, #tpu.memory_space<vmem>>[vector<16xi32>], vector<16xf32>,
        %add3A_2226 = arith.addf %add3A_2221, %gather3A_2225 : vector<16xf32>
        %add3A_2227 = arith.constant 13 : i32
        %add3A_2228 = vector.broadcast %add3A_2227 : i32 to vector<16xi32>
        %add3A_2229 = arith.addi %mul3A_71, %add3A_2228 : vector<16xi32>
        %gather3A_2230 = tpu.vector_load_idx %arg9[%add3A_2229] : memref<272xf32, #tpu.memory_space<vmem>>[vector<16xi32>], vector<16xf32>,
        %add3A_2231 = arith.addf %add3A_2226, %gather3A_2230 : vector<16xf32>
        %add3A_2232 = arith.constant 14 : i32
        %add3A_2233 = vector.broadcast %add3A_2232 : i32 to vector<16xi32>
        %add3A_2234 = arith.addi %mul3A_71, %add3A_2233 : vector<16xi32>
        %gather3A_2235 = tpu.vector_load_idx %arg9[%add3A_2234] : memref<272xf32, #tpu.memory_space<vmem>>[vector<16xi32>], vector<16xf32>,
        %add3A_2236 = arith.addf %add3A_2231, %gather3A_2235 : vector<16xf32>
        %add3A_2237 = arith.constant 15 : i32
        %add3A_2238 = vector.broadcast %add3A_2237 : i32 to vector<16xi32>
        %add3A_2239 = arith.addi %mul3A_71, %add3A_2238 : vector<16xi32>
        %gather3A_2240 = tpu.vector_load_idx %arg9[%add3A_2239] : memref<272xf32, #tpu.memory_space<vmem>>[vector<16xi32>], vector<16xf32>,
        %add3A_2241 = arith.addf %add3A_2236, %gather3A_2240 : vector<16xf32>
        %add3A_2242 = arith.constant 1.000000e+00 : f32
        %add3A_2243 = vector.broadcast %add3A_2242 : f32 to vector<16xf32>
        %add3A_2244 = arith.addf %add3A_2243, %add3A_2241 : vector<16xf32>
        %div3A_2245 = arith.constant 1.000000e+00 : f32
        %div3A_2246 = vector.broadcast %div3A_2245 : f32 to vector<16xf32>
        %div3A_2247 = arith.divf %div3A_2246, %add3A_2244 : vector<16xf32>
        %sub3A_2248 = arith.constant 1.000000e+00 : f32
        %sub3A_2249 = vector.broadcast %sub3A_2248 : f32 to vector<16xf32>
        %sub3A_2250 = arith.subf %sub3A_2249, %div3A_2247 : vector<16xf32>
        %max3A_2251 = arith.constant 9.99999974E-5 : f32
        %max3A_2252 = vector.broadcast %max3A_2251 : f32 to vector<16xf32>
        %max3A_2253 = arith.maximumf %sub3A_2250, %max3A_2252 : vector<16xf32>
        %min3A_2254 = arith.constant 1.000000e+00 : f32
        %min3A_2255 = vector.broadcast %min3A_2254 : f32 to vector<16xf32>
        %min3A_2256 = arith.minimumf %max3A_2253, %min3A_2255 : vector<16xf32>
        %bitcast_convert_type3A_2257 = tpu.bitcast %min3A_2256 : vector<16xf32> -> vector<16xi32>
        %shift_right_logical3A_2258 = arith.constant 23 : i32
        %shift_right_logical3A_2259 = vector.broadcast %shift_right_logical3A_2258 : i32 to vector<16xi32>
        %shift_right_logical3A_2260 = arith.shrui %bitcast_convert_type3A_2257, %shift_right_logical3A_2259 : vector<16xi32>
        %sub3A_2261 = arith.constant 127 : i32
        %sub3A_2262 = vector.broadcast %sub3A_2261 : i32 to vector<16xi32>
        %sub3A_2263 = arith.subi %shift_right_logical3A_2260, %sub3A_2262 : vector<16xi32>
        %and3A_2264 = arith.constant 8388607 : i32
        %and3A_2265 = vector.broadcast %and3A_2264 : i32 to vector<16xi32>
        %and3A_2266 = arith.andi %bitcast_convert_type3A_2257, %and3A_2265 : vector<16xi32>
        %or3A_2267 = arith.constant 1065353216 : i32
        %or3A_2268 = vector.broadcast %or3A_2267 : i32 to vector<16xi32>
        %or3A_2269 = arith.ori %and3A_2266, %or3A_2268 : vector<16xi32>
        %bitcast_convert_type3A_2270 = tpu.bitcast %or3A_2269 : vector<16xi32> -> vector<16xf32>
        %gt3A_2271 = arith.constant 1.41421354 : f32
        %gt3A_2272 = vector.broadcast %gt3A_2271 : f32 to vector<16xf32>
        %gt3A_2273 = arith.cmpf ogt, %bitcast_convert_type3A_2270, %gt3A_2272 : vector<16xf32>
        %mul3A_2274 = arith.constant 5.000000e-01 : f32
        %mul3A_2275 = vector.broadcast %mul3A_2274 : f32 to vector<16xf32>
        %mul3A_2276 = arith.mulf %bitcast_convert_type3A_2270, %mul3A_2275 : vector<16xf32>
        %select_n3A_2277 = arith.select %gt3A_2273, %mul3A_2276, %bitcast_convert_type3A_2270 : vector<16xi1>, vector<16xf32>
        %jit3A_2278 = arith.constant 1 : i32
        %jit3A_2279 = arith.constant 0 : i32
        %broadcast_in_dim3A_2280 = vector.broadcast %jit3A_2278 : i32 to vector<16xi32>
        %broadcast_in_dim3A_2281 = vector.broadcast %jit3A_2279 : i32 to vector<16xi32>
        %select_n3A_2282 = arith.select %gt3A_2273, %broadcast_in_dim3A_2280, %broadcast_in_dim3A_2281 : vector<16xi1>, vector<16xi32>
        %add3A_2283 = arith.addi %sub3A_2263, %select_n3A_2282 : vector<16xi32>
        %sub3A_2284 = arith.constant 1.000000e+00 : f32
        %sub3A_2285 = vector.broadcast %sub3A_2284 : f32 to vector<16xf32>
        %sub3A_2286 = arith.subf %select_n3A_2277, %sub3A_2285 : vector<16xf32>
        %add3A_2287 = arith.constant 1.000000e+00 : f32
        %add3A_2288 = vector.broadcast %add3A_2287 : f32 to vector<16xf32>
        %add3A_2289 = arith.addf %select_n3A_2277, %add3A_2288 : vector<16xf32>
        %div3A_2290 = arith.divf %sub3A_2286, %add3A_2289 : vector<16xf32>
        %mul3A_2291 = arith.mulf %div3A_2290, %div3A_2290 : vector<16xf32>
        %mul3A_2292 = arith.constant 0.111111112 : f32
        %mul3A_2293 = vector.broadcast %mul3A_2292 : f32 to vector<16xf32>
        %mul3A_2294 = arith.mulf %mul3A_2291, %mul3A_2293 : vector<16xf32>
        %add3A_2295 = arith.constant 0.142857149 : f32
        %add3A_2296 = vector.broadcast %add3A_2295 : f32 to vector<16xf32>
        %add3A_2297 = arith.addf %mul3A_2294, %add3A_2296 : vector<16xf32>
        %mul3A_2298 = arith.mulf %mul3A_2291, %add3A_2297 : vector<16xf32>
        %add3A_2299 = arith.constant 2.000000e-01 : f32
        %add3A_2300 = vector.broadcast %add3A_2299 : f32 to vector<16xf32>
        %add3A_2301 = arith.addf %mul3A_2298, %add3A_2300 : vector<16xf32>
        %mul3A_2302 = arith.mulf %mul3A_2291, %add3A_2301 : vector<16xf32>
        %add3A_2303 = arith.constant 0.333333343 : f32
        %add3A_2304 = vector.broadcast %add3A_2303 : f32 to vector<16xf32>
        %add3A_2305 = arith.addf %mul3A_2302, %add3A_2304 : vector<16xf32>
        %mul3A_2306 = arith.mulf %mul3A_2291, %add3A_2305 : vector<16xf32>
        %add3A_2307 = arith.constant 1.000000e+00 : f32
        %add3A_2308 = vector.broadcast %add3A_2307 : f32 to vector<16xf32>
        %add3A_2309 = arith.addf %mul3A_2306, %add3A_2308 : vector<16xf32>
        %convert_element_type3A_2310 = arith.sitofp %add3A_2283 : vector<16xi32> to vector<16xf32>
        %mul3A_2311 = arith.constant 0.693147182 : f32
        %mul3A_2312 = vector.broadcast %mul3A_2311 : f32 to vector<16xf32>
        %mul3A_2313 = arith.mulf %convert_element_type3A_2310, %mul3A_2312 : vector<16xf32>
        %mul3A_2314 = arith.constant 2.000000e+00 : f32
        %mul3A_2315 = vector.broadcast %mul3A_2314 : f32 to vector<16xf32>
        %mul3A_2316 = arith.mulf %mul3A_2315, %div3A_2290 : vector<16xf32>
        %mul3A_2317 = arith.mulf %mul3A_2316, %add3A_2309 : vector<16xf32>
        %add3A_2318 = arith.addf %mul3A_2313, %mul3A_2317 : vector<16xf32>
        %neg3A_2319 = arith.constant 0.000000e+00 : f32
        %neg3A_2320 = vector.broadcast %neg3A_2319 : f32 to vector<16xf32>
        %neg3A_2321 = arith.subf %neg3A_2320, %add3A_2318 : vector<16xf32>
        %add3A_2322 = arith.addf %scan3A_520, %neg3A_2321 : vector<16xf32>
        scf.yield %add3A_2322 : vector<16xf32>
      }
      %scan3A_135 = arith.constant 16 : i32
      %gather3A = tpu.vector_load_idx %arg10[%mul3A_71] : memref<272xf32, #tpu.memory_space<vmem>>[vector<16xi32>], vector<16xf32>,
      %add3A_136 = arith.constant 1 : i32
      %add3A_137 = vector.broadcast %add3A_136 : i32 to vector<16xi32>
      %add3A_138 = arith.addi %mul3A_71, %add3A_137 : vector<16xi32>
      %gather3A_139 = tpu.vector_load_idx %arg10[%add3A_138] : memref<272xf32, #tpu.memory_space<vmem>>[vector<16xi32>], vector<16xf32>,
      %add3A_140 = arith.addf %gather3A, %gather3A_139 : vector<16xf32>
      %add3A_141 = arith.constant 2 : i32
      %add3A_142 = vector.broadcast %add3A_141 : i32 to vector<16xi32>
      %add3A_143 = arith.addi %mul3A_71, %add3A_142 : vector<16xi32>
      %gather3A_144 = tpu.vector_load_idx %arg10[%add3A_143] : memref<272xf32, #tpu.memory_space<vmem>>[vector<16xi32>], vector<16xf32>,
      %add3A_145 = arith.addf %add3A_140, %gather3A_144 : vector<16xf32>
      %add3A_146 = arith.constant 3 : i32
      %add3A_147 = vector.broadcast %add3A_146 : i32 to vector<16xi32>
      %add3A_148 = arith.addi %mul3A_71, %add3A_147 : vector<16xi32>
      %gather3A_149 = tpu.vector_load_idx %arg10[%add3A_148] : memref<272xf32, #tpu.memory_space<vmem>>[vector<16xi32>], vector<16xf32>,
      %add3A_150 = arith.addf %add3A_145, %gather3A_149 : vector<16xf32>
      %add3A_151 = arith.constant 4 : i32
      %add3A_152 = vector.broadcast %add3A_151 : i32 to vector<16xi32>
      %add3A_153 = arith.addi %mul3A_71, %add3A_152 : vector<16xi32>
      %gather3A_154 = tpu.vector_load_idx %arg10[%add3A_153] : memref<272xf32, #tpu.memory_space<vmem>>[vector<16xi32>], vector<16xf32>,
      %add3A_155 = arith.addf %add3A_150, %gather3A_154 : vector<16xf32>
      %add3A_156 = arith.constant 5 : i32
      %add3A_157 = vector.broadcast %add3A_156 : i32 to vector<16xi32>
      %add3A_158 = arith.addi %mul3A_71, %add3A_157 : vector<16xi32>
      %gather3A_159 = tpu.vector_load_idx %arg10[%add3A_158] : memref<272xf32, #tpu.memory_space<vmem>>[vector<16xi32>], vector<16xf32>,
      %add3A_160 = arith.addf %add3A_155, %gather3A_159 : vector<16xf32>
      %add3A_161 = arith.constant 6 : i32
      %add3A_162 = vector.broadcast %add3A_161 : i32 to vector<16xi32>
      %add3A_163 = arith.addi %mul3A_71, %add3A_162 : vector<16xi32>
      %gather3A_164 = tpu.vector_load_idx %arg10[%add3A_163] : memref<272xf32, #tpu.memory_space<vmem>>[vector<16xi32>], vector<16xf32>,
      %add3A_165 = arith.addf %add3A_160, %gather3A_164 : vector<16xf32>
      %add3A_166 = arith.constant 7 : i32
      %add3A_167 = vector.broadcast %add3A_166 : i32 to vector<16xi32>
      %add3A_168 = arith.addi %mul3A_71, %add3A_167 : vector<16xi32>
      %gather3A_169 = tpu.vector_load_idx %arg10[%add3A_168] : memref<272xf32, #tpu.memory_space<vmem>>[vector<16xi32>], vector<16xf32>,
      %add3A_170 = arith.addf %add3A_165, %gather3A_169 : vector<16xf32>
      %add3A_171 = arith.constant 8 : i32
      %add3A_172 = vector.broadcast %add3A_171 : i32 to vector<16xi32>
      %add3A_173 = arith.addi %mul3A_71, %add3A_172 : vector<16xi32>
      %gather3A_174 = tpu.vector_load_idx %arg10[%add3A_173] : memref<272xf32, #tpu.memory_space<vmem>>[vector<16xi32>], vector<16xf32>,
      %add3A_175 = arith.addf %add3A_170, %gather3A_174 : vector<16xf32>
      %add3A_176 = arith.constant 9 : i32
      %add3A_177 = vector.broadcast %add3A_176 : i32 to vector<16xi32>
      %add3A_178 = arith.addi %mul3A_71, %add3A_177 : vector<16xi32>
      %gather3A_179 = tpu.vector_load_idx %arg10[%add3A_178] : memref<272xf32, #tpu.memory_space<vmem>>[vector<16xi32>], vector<16xf32>,
      %add3A_180 = arith.addf %add3A_175, %gather3A_179 : vector<16xf32>
      %add3A_181 = arith.constant 10 : i32
      %add3A_182 = vector.broadcast %add3A_181 : i32 to vector<16xi32>
      %add3A_183 = arith.addi %mul3A_71, %add3A_182 : vector<16xi32>
      %gather3A_184 = tpu.vector_load_idx %arg10[%add3A_183] : memref<272xf32, #tpu.memory_space<vmem>>[vector<16xi32>], vector<16xf32>,
      %add3A_185 = arith.addf %add3A_180, %gather3A_184 : vector<16xf32>
      %add3A_186 = arith.constant 11 : i32
      %add3A_187 = vector.broadcast %add3A_186 : i32 to vector<16xi32>
      %add3A_188 = arith.addi %mul3A_71, %add3A_187 : vector<16xi32>
      %gather3A_189 = tpu.vector_load_idx %arg10[%add3A_188] : memref<272xf32, #tpu.memory_space<vmem>>[vector<16xi32>], vector<16xf32>,
      %add3A_190 = arith.addf %add3A_185, %gather3A_189 : vector<16xf32>
      %add3A_191 = arith.constant 12 : i32
      %add3A_192 = vector.broadcast %add3A_191 : i32 to vector<16xi32>
      %add3A_193 = arith.addi %mul3A_71, %add3A_192 : vector<16xi32>
      %gather3A_194 = tpu.vector_load_idx %arg10[%add3A_193] : memref<272xf32, #tpu.memory_space<vmem>>[vector<16xi32>], vector<16xf32>,
      %add3A_195 = arith.addf %add3A_190, %gather3A_194 : vector<16xf32>
      %add3A_196 = arith.constant 13 : i32
      %add3A_197 = vector.broadcast %add3A_196 : i32 to vector<16xi32>
      %add3A_198 = arith.addi %mul3A_71, %add3A_197 : vector<16xi32>
      %gather3A_199 = tpu.vector_load_idx %arg10[%add3A_198] : memref<272xf32, #tpu.memory_space<vmem>>[vector<16xi32>], vector<16xf32>,
      %add3A_200 = arith.addf %add3A_195, %gather3A_199 : vector<16xf32>
      %add3A_201 = arith.constant 14 : i32
      %add3A_202 = vector.broadcast %add3A_201 : i32 to vector<16xi32>
      %add3A_203 = arith.addi %mul3A_71, %add3A_202 : vector<16xi32>
      %gather3A_204 = tpu.vector_load_idx %arg10[%add3A_203] : memref<272xf32, #tpu.memory_space<vmem>>[vector<16xi32>], vector<16xf32>,
      %add3A_205 = arith.addf %add3A_200, %gather3A_204 : vector<16xf32>
      %add3A_206 = arith.constant 15 : i32
      %add3A_207 = vector.broadcast %add3A_206 : i32 to vector<16xi32>
      %add3A_208 = arith.addi %mul3A_71, %add3A_207 : vector<16xi32>
      %gather3A_209 = tpu.vector_load_idx %arg10[%add3A_208] : memref<272xf32, #tpu.memory_space<vmem>>[vector<16xi32>], vector<16xf32>,
      %add3A_210 = arith.addf %add3A_205, %gather3A_209 : vector<16xf32>
      %add3A_211 = arith.constant 1.000000e+00 : f32
      %add3A_212 = vector.broadcast %add3A_211 : f32 to vector<16xf32>
      %add3A_213 = arith.addf %add3A_212, %add3A_210 : vector<16xf32>
      %div3A = arith.constant 1.000000e+00 : f32
      %div3A_214 = vector.broadcast %div3A : f32 to vector<16xf32>
      %div3A_215 = arith.divf %div3A_214, %add3A_213 : vector<16xf32>
      %max3A = arith.constant 9.99999974E-5 : f32
      %max3A_216 = vector.broadcast %max3A : f32 to vector<16xf32>
      %max3A_217 = arith.maximumf %div3A_215, %max3A_216 : vector<16xf32>
      %min3A = arith.constant 1.000000e+00 : f32
      %min3A_218 = vector.broadcast %min3A : f32 to vector<16xf32>
      %min3A_219 = arith.minimumf %max3A_217, %min3A_218 : vector<16xf32>
      %bitcast_convert_type3A = tpu.bitcast %min3A_219 : vector<16xf32> -> vector<16xi32>
      %shift_right_logical3A = arith.constant 23 : i32
      %shift_right_logical3A_220 = vector.broadcast %shift_right_logical3A : i32 to vector<16xi32>
      %shift_right_logical3A_221 = arith.shrui %bitcast_convert_type3A, %shift_right_logical3A_220 : vector<16xi32>
      %sub3A = arith.constant 127 : i32
      %sub3A_222 = vector.broadcast %sub3A : i32 to vector<16xi32>
      %sub3A_223 = arith.subi %shift_right_logical3A_221, %sub3A_222 : vector<16xi32>
      %and3A = arith.constant 8388607 : i32
      %and3A_224 = vector.broadcast %and3A : i32 to vector<16xi32>
      %and3A_225 = arith.andi %bitcast_convert_type3A, %and3A_224 : vector<16xi32>
      %or3A = arith.constant 1065353216 : i32
      %or3A_226 = vector.broadcast %or3A : i32 to vector<16xi32>
      %or3A_227 = arith.ori %and3A_225, %or3A_226 : vector<16xi32>
      %bitcast_convert_type3A_228 = tpu.bitcast %or3A_227 : vector<16xi32> -> vector<16xf32>
      %gt3A = arith.constant 1.41421354 : f32
      %gt3A_229 = vector.broadcast %gt3A : f32 to vector<16xf32>
      %gt3A_230 = arith.cmpf ogt, %bitcast_convert_type3A_228, %gt3A_229 : vector<16xf32>
      %mul3A_231 = arith.constant 5.000000e-01 : f32
      %mul3A_232 = vector.broadcast %mul3A_231 : f32 to vector<16xf32>
      %mul3A_233 = arith.mulf %bitcast_convert_type3A_228, %mul3A_232 : vector<16xf32>
      %select_n3A = arith.select %gt3A_230, %mul3A_233, %bitcast_convert_type3A_228 : vector<16xi1>, vector<16xf32>
      %jit3A = arith.constant 1 : i32
      %jit3A_234 = arith.constant 0 : i32
      %broadcast_in_dim3A_235 = vector.broadcast %jit3A : i32 to vector<16xi32>
      %broadcast_in_dim3A_236 = vector.broadcast %jit3A_234 : i32 to vector<16xi32>
      %select_n3A_237 = arith.select %gt3A_230, %broadcast_in_dim3A_235, %broadcast_in_dim3A_236 : vector<16xi1>, vector<16xi32>
      %add3A_238 = arith.addi %sub3A_223, %select_n3A_237 : vector<16xi32>
      %sub3A_239 = arith.constant 1.000000e+00 : f32
      %sub3A_240 = vector.broadcast %sub3A_239 : f32 to vector<16xf32>
      %sub3A_241 = arith.subf %select_n3A, %sub3A_240 : vector<16xf32>
      %add3A_242 = arith.constant 1.000000e+00 : f32
      %add3A_243 = vector.broadcast %add3A_242 : f32 to vector<16xf32>
      %add3A_244 = arith.addf %select_n3A, %add3A_243 : vector<16xf32>
      %div3A_245 = arith.divf %sub3A_241, %add3A_244 : vector<16xf32>
      %mul3A_246 = arith.mulf %div3A_245, %div3A_245 : vector<16xf32>
      %mul3A_247 = arith.constant 0.111111112 : f32
      %mul3A_248 = vector.broadcast %mul3A_247 : f32 to vector<16xf32>
      %mul3A_249 = arith.mulf %mul3A_246, %mul3A_248 : vector<16xf32>
      %add3A_250 = arith.constant 0.142857149 : f32
      %add3A_251 = vector.broadcast %add3A_250 : f32 to vector<16xf32>
      %add3A_252 = arith.addf %mul3A_249, %add3A_251 : vector<16xf32>
      %mul3A_253 = arith.mulf %mul3A_246, %add3A_252 : vector<16xf32>
      %add3A_254 = arith.constant 2.000000e-01 : f32
      %add3A_255 = vector.broadcast %add3A_254 : f32 to vector<16xf32>
      %add3A_256 = arith.addf %mul3A_253, %add3A_255 : vector<16xf32>
      %mul3A_257 = arith.mulf %mul3A_246, %add3A_256 : vector<16xf32>
      %add3A_258 = arith.constant 0.333333343 : f32
      %add3A_259 = vector.broadcast %add3A_258 : f32 to vector<16xf32>
      %add3A_260 = arith.addf %mul3A_257, %add3A_259 : vector<16xf32>
      %mul3A_261 = arith.mulf %mul3A_246, %add3A_260 : vector<16xf32>
      %add3A_262 = arith.constant 1.000000e+00 : f32
      %add3A_263 = vector.broadcast %add3A_262 : f32 to vector<16xf32>
      %add3A_264 = arith.addf %mul3A_261, %add3A_263 : vector<16xf32>
      %convert_element_type3A = arith.sitofp %add3A_238 : vector<16xi32> to vector<16xf32>
      %mul3A_265 = arith.constant 0.693147182 : f32
      %mul3A_266 = vector.broadcast %mul3A_265 : f32 to vector<16xf32>
      %mul3A_267 = arith.mulf %convert_element_type3A, %mul3A_266 : vector<16xf32>
      %mul3A_268 = arith.constant 2.000000e+00 : f32
      %mul3A_269 = vector.broadcast %mul3A_268 : f32 to vector<16xf32>
      %mul3A_270 = arith.mulf %mul3A_269, %div3A_245 : vector<16xf32>
      %mul3A_271 = arith.mulf %mul3A_270, %add3A_264 : vector<16xf32>
      %add3A_272 = arith.addf %mul3A_267, %mul3A_271 : vector<16xf32>
      %neg3A = arith.constant 0.000000e+00 : f32
      %neg3A_273 = vector.broadcast %neg3A : f32 to vector<16xf32>
      %neg3A_274 = arith.subf %neg3A_273, %add3A_272 : vector<16xf32>
      %add3A_275 = arith.addf %scan3A_134, %neg3A_274 : vector<16xf32>
      %add3A_276 = arith.constant 2 : i32
      %add3A_277 = arith.addi %add3A_114, %add3A_276 : i32
      %and3A_278 = arith.constant 7 : i32
      %and3A_279 = arith.andi %add3A_277, %and3A_278 : i32
      %mul3A_280 = arith.constant 2 : i32
      %mul3A_281 = arith.muli %mul3A_280, %and3A_279 : i32
      %dma_start3A_282 = arith.constant 0 : i32
      %dma_start3A_283 = arith.constant 0 : i32
      %dma_start3A_284 = arith.constant 0 : i32
      %dma_start3A_285 = tpu.memref_slice %arg8[%dma_start3A_282, %dma_start3A_283, %dma_start3A_284] : memref<2x256x128xf32, #tpu.memory_space<vmem>> -> memref<1x128x128xf32, #tpu.memory_space<vmem>>
      %dma_start3A_286 = tpu.memref_squeeze %dma_start3A_285 : memref<1x128x128xf32, #tpu.memory_space<vmem>> -> memref<128x128xf32, #tpu.memory_space<vmem>>
      %dma_start3A_287 = arith.constant 0 : i32
      %dma_start3A_288 = tpu.memref_slice %arg7[%mul3A_281, %dma_start3A_287] : memref<16x128xi32, #tpu.memory_space<vmem>> -> memref<1x128xi32, #tpu.memory_space<vmem>>
      %dma_start3A_289 = tpu.memref_squeeze %dma_start3A_288 : memref<1x128xi32, #tpu.memory_space<vmem>> -> memref<128xi32, #tpu.memory_space<vmem>>
      %dma_start3A_290 = arith.constant 0 : i32
      %dma_start3A_291 = arith.constant 0 : i32
      %dma_start3A_292 = tpu.memref_slice %arg2[%dma_start3A_290, %dma_start3A_291] : memref<8192x128xf32, #tpu.memory_space<hbm>> -> memref<8192x128xf32, #tpu.memory_space<hbm>>
      tpu.enqueue_indirect_dma source(%dma_start3A_292 : memref<8192x128xf32, #tpu.memory_space<hbm>>) target(%dma_start3A_286 : memref<128x128xf32, #tpu.memory_space<vmem>>) offsets(%dma_start3A_289 : memref<128xi32, #tpu.memory_space<vmem>>) semaphore(%arg12 : memref<!tpu.dma_semaphore, #tpu.memory_space<semaphore_mem>>)
      %mul3A_293 = arith.constant 2 : i32
      %mul3A_294 = arith.muli %mul3A_293, %and3A_279 : i32
      %add3A_295 = arith.constant 1 : i32
      %add3A_296 = arith.addi %mul3A_294, %add3A_295 : i32
      %dma_start3A_297 = arith.constant 0 : i32
      %dma_start3A_298 = arith.constant 128 : i32
      %dma_start3A_299 = arith.constant 0 : i32
      %dma_start3A_300 = tpu.memref_slice %arg8[%dma_start3A_297, %dma_start3A_298, %dma_start3A_299] : memref<2x256x128xf32, #tpu.memory_space<vmem>> -> memref<1x128x128xf32, #tpu.memory_space<vmem>>
      %dma_start3A_301 = tpu.memref_squeeze %dma_start3A_300 : memref<1x128x128xf32, #tpu.memory_space<vmem>> -> memref<128x128xf32, #tpu.memory_space<vmem>>
      %dma_start3A_302 = arith.constant 0 : i32
      %dma_start3A_303 = tpu.memref_slice %arg7[%add3A_296, %dma_start3A_302] : memref<16x128xi32, #tpu.memory_space<vmem>> -> memref<1x128xi32, #tpu.memory_space<vmem>>
      %dma_start3A_304 = tpu.memref_squeeze %dma_start3A_303 : memref<1x128xi32, #tpu.memory_space<vmem>> -> memref<128xi32, #tpu.memory_space<vmem>>
      %dma_start3A_305 = arith.constant 0 : i32
      %dma_start3A_306 = arith.constant 0 : i32
      %dma_start3A_307 = tpu.memref_slice %arg2[%dma_start3A_305, %dma_start3A_306] : memref<8192x128xf32, #tpu.memory_space<hbm>> -> memref<8192x128xf32, #tpu.memory_space<hbm>>
      tpu.enqueue_indirect_dma source(%dma_start3A_307 : memref<8192x128xf32, #tpu.memory_space<hbm>>) target(%dma_start3A_301 : memref<128x128xf32, #tpu.memory_space<vmem>>) offsets(%dma_start3A_304 : memref<128xi32, #tpu.memory_space<vmem>>) semaphore(%arg12 : memref<!tpu.dma_semaphore, #tpu.memory_space<semaphore_mem>>)
      %mul3A_308 = arith.constant 2 : i32
      %mul3A_309 = arith.muli %mul3A_308, %scan3A_109 : i32
      %add3A_310 = arith.constant 1 : i32
      %add3A_311 = arith.addi %mul3A_309, %add3A_310 : i32
      %dma_wait3A_312 = arith.constant 1 : i32
      %dma_wait3A_313 = arith.constant 0 : i32
      %dma_wait3A_314 = arith.constant 0 : i32
      %dma_wait3A_315 = tpu.memref_slice %arg8[%dma_wait3A_312, %dma_wait3A_313, %dma_wait3A_314] : memref<2x256x128xf32, #tpu.memory_space<vmem>> -> memref<1x256x128xf32, #tpu.memory_space<vmem>>
      %dma_wait3A_316 = tpu.memref_squeeze %dma_wait3A_315 : memref<1x256x128xf32, #tpu.memory_space<vmem>> -> memref<256x128xf32, #tpu.memory_space<vmem>>
      %dma_wait3A_317 = arith.constant 0 : i32
      %dma_wait3A_318 = arith.constant 0 : i32
      %dma_wait3A_319 = tpu.memref_slice %arg2[%dma_wait3A_317, %dma_wait3A_318] : memref<8192x128xf32, #tpu.memory_space<hbm>> -> memref<256x128xf32, #tpu.memory_space<hbm>>
      %dma_wait3A_320 = arith.constant 0 : i32
      %dma_wait3A_321 = arith.constant 0 : i32
      %dma_wait3A_322 = tpu.memref_slice %arg8[%dma_wait3A_312, %dma_wait3A_320, %dma_wait3A_321] : memref<2x256x128xf32, #tpu.memory_space<vmem>> -> memref<1x256x128xf32, #tpu.memory_space<vmem>>
      %dma_wait3A_323 = tpu.memref_squeeze %dma_wait3A_322 : memref<1x256x128xf32, #tpu.memory_space<vmem>> -> memref<256x128xf32, #tpu.memory_space<vmem>>
      %dma_wait3A_324 = arith.constant 0 : i32
      %dma_wait3A_325 = arith.constant 0 : i32
      %dma_wait3A_326 = tpu.memref_slice %arg2[%dma_wait3A_324, %dma_wait3A_325] : memref<8192x128xf32, #tpu.memory_space<hbm>> -> memref<256x128xf32, #tpu.memory_space<hbm>>
      tpu.wait_dma2 semaphore(%arg13 : memref<!tpu.dma_semaphore, #tpu.memory_space<semaphore_mem>>) src(%dma_wait3A_326 : memref<256x128xf32, #tpu.memory_space<hbm>>) dst(%dma_wait3A_323 : memref<256x128xf32, #tpu.memory_space<vmem>>)
      %scan3A_327 = arith.constant 0 : i32
      %scan3A_328 = arith.constant 16 : i32
      %scan3A_329 = arith.addi %scan3A_327, %scan3A_328 : i32
      %scan3A_330 = arith.constant 1 : i32
      %scan3A_331 = scf.for %scan3A_519 = %scan3A_327 to %scan3A_329 step %scan3A_330 iter_args(%scan3A_520 = %add3A_275) -> (vector<16xf32>)  : i32 {
        %mul3A_521 = arith.constant 16 : i32
        %mul3A_522 = arith.muli %add3A_311, %mul3A_521 : i32
        %add3A_523 = arith.addi %mul3A_522, %scan3A_519 : i32
        %get3A = arith.index_cast %add3A_523 : i32 to index
        %get3A_524 = arith.constant 0 : index
        %get3A_525 = tpu.vector_load %arg5[%get3A, %get3A_524] {strides = array<i32>} : memref<128x128xf32, #tpu.memory_space<vmem>>, vector<16xf32>,
        %get3A_526 = arith.index_cast %add3A_523 : i32 to index
        %get3A_527 = arith.constant 16 : index
        %get3A_528 = tpu.vector_load %arg5[%get3A_526, %get3A_527] {strides = array<i32>} : memref<128x128xf32, #tpu.memory_space<vmem>>, vector<16xf32>,
        %get3A_529 = arith.index_cast %add3A_523 : i32 to index
        %get3A_530 = arith.constant 32 : index
        %get3A_531 = tpu.vector_load %arg5[%get3A_529, %get3A_530] {strides = array<i32>} : memref<128x128xf32, #tpu.memory_space<vmem>>, vector<16xf32>,
        %get3A_532 = arith.index_cast %add3A_523 : i32 to index
        %get3A_533 = arith.constant 48 : index
        %get3A_534 = tpu.vector_load %arg5[%get3A_532, %get3A_533] {strides = array<i32>} : memref<128x128xf32, #tpu.memory_space<vmem>>, vector<16xf32>,
        %get3A_535 = arith.index_cast %add3A_523 : i32 to index
        %get3A_536 = arith.constant 64 : index
        %get3A_537 = tpu.vector_load %arg5[%get3A_535, %get3A_536] {strides = array<i32>} : memref<128x128xf32, #tpu.memory_space<vmem>>, vector<16xf32>,
        %get3A_538 = arith.index_cast %add3A_523 : i32 to index
        %get3A_539 = arith.constant 80 : index
        %get3A_540 = tpu.vector_load %arg5[%get3A_538, %get3A_539] {strides = array<i32>} : memref<128x128xf32, #tpu.memory_space<vmem>>, vector<16xf32>,
        %get3A_541 = arith.index_cast %add3A_523 : i32 to index
        %get3A_542 = arith.constant 96 : index
        %get3A_543 = tpu.vector_load %arg5[%get3A_541, %get3A_542] {strides = array<i32>} : memref<128x128xf32, #tpu.memory_space<vmem>>, vector<16xf32>,
        %get3A_544 = arith.index_cast %add3A_523 : i32 to index
        %get3A_545 = arith.constant 112 : index
        %get3A_546 = tpu.vector_load %arg5[%get3A_544, %get3A_545] {strides = array<i32>} : memref<128x128xf32, #tpu.memory_space<vmem>>, vector<16xf32>,
        %get3A_547 = arith.index_cast %add3A_523 : i32 to index
        %get3A_548 = arith.constant 0 : index
        %get3A_549 = tpu.vector_load %arg6[%get3A_547, %get3A_548] {strides = array<i32>} : memref<128x128xf32, #tpu.memory_space<vmem>>, vector<16xf32>,
        %get3A_550 = arith.index_cast %add3A_523 : i32 to index
        %get3A_551 = arith.constant 16 : index
        %get3A_552 = tpu.vector_load %arg6[%get3A_550, %get3A_551] {strides = array<i32>} : memref<128x128xf32, #tpu.memory_space<vmem>>, vector<16xf32>,
        %get3A_553 = arith.index_cast %add3A_523 : i32 to index
        %get3A_554 = arith.constant 32 : index
        %get3A_555 = tpu.vector_load %arg6[%get3A_553, %get3A_554] {strides = array<i32>} : memref<128x128xf32, #tpu.memory_space<vmem>>, vector<16xf32>,
        %get3A_556 = arith.index_cast %add3A_523 : i32 to index
        %get3A_557 = arith.constant 48 : index
        %get3A_558 = tpu.vector_load %arg6[%get3A_556, %get3A_557] {strides = array<i32>} : memref<128x128xf32, #tpu.memory_space<vmem>>, vector<16xf32>,
        %get3A_559 = arith.index_cast %add3A_523 : i32 to index
        %get3A_560 = arith.constant 64 : index
        %get3A_561 = tpu.vector_load %arg6[%get3A_559, %get3A_560] {strides = array<i32>} : memref<128x128xf32, #tpu.memory_space<vmem>>, vector<16xf32>,
        %get3A_562 = arith.index_cast %add3A_523 : i32 to index
        %get3A_563 = arith.constant 80 : index
        %get3A_564 = tpu.vector_load %arg6[%get3A_562, %get3A_563] {strides = array<i32>} : memref<128x128xf32, #tpu.memory_space<vmem>>, vector<16xf32>,
        %get3A_565 = arith.index_cast %add3A_523 : i32 to index
        %get3A_566 = arith.constant 96 : index
        %get3A_567 = tpu.vector_load %arg6[%get3A_565, %get3A_566] {strides = array<i32>} : memref<128x128xf32, #tpu.memory_space<vmem>>, vector<16xf32>,
        %get3A_568 = arith.index_cast %add3A_523 : i32 to index
        %get3A_569 = arith.constant 112 : index
        %get3A_570 = tpu.vector_load %arg6[%get3A_568, %get3A_569] {strides = array<i32>} : memref<128x128xf32, #tpu.memory_space<vmem>>, vector<16xf32>,
        %sub3A_571 = arith.subf %get3A_525, %get3A_549 : vector<16xf32>
        %mul3A_572 = arith.mulf %sub3A_571, %sub3A_571 : vector<16xf32>
        %mul3A_573 = arith.constant 16 : i32
        %mul3A_574 = arith.muli %scan3A_519, %mul3A_573 : i32
        %add3A_575 = arith.constant 0 : i32
        %add3A_576 = arith.addi %mul3A_574, %add3A_575 : i32
        %get3A_577 = arith.constant 1 : i32
        %get3A_578 = arith.index_cast %get3A_577 : i32 to index
        %get3A_579 = arith.index_cast %add3A_576 : i32 to index
        %get3A_580 = arith.constant 0 : index
        %get3A_581 = tpu.vector_load %arg8[%get3A_578, %get3A_579, %get3A_580] {strides = array<i32>} : memref<2x256x128xf32, #tpu.memory_space<vmem>>, vector<16xf32>,
        %sub3A_582 = arith.subf %get3A_525, %get3A_581 : vector<16xf32>
        %mul3A_583 = arith.mulf %sub3A_582, %sub3A_582 : vector<16xf32>
        %mul3A_584 = arith.constant 16 : i32
        %mul3A_585 = arith.muli %scan3A_519, %mul3A_584 : i32
        %add3A_586 = arith.constant 1 : i32
        %add3A_587 = arith.addi %mul3A_585, %add3A_586 : i32
        %get3A_588 = arith.constant 1 : i32
        %get3A_589 = arith.index_cast %get3A_588 : i32 to index
        %get3A_590 = arith.index_cast %add3A_587 : i32 to index
        %get3A_591 = arith.constant 0 : index
        %get3A_592 = tpu.vector_load %arg8[%get3A_589, %get3A_590, %get3A_591] {strides = array<i32>} : memref<2x256x128xf32, #tpu.memory_space<vmem>>, vector<16xf32>,
        %sub3A_593 = arith.subf %get3A_525, %get3A_592 : vector<16xf32>
        %mul3A_594 = arith.mulf %sub3A_593, %sub3A_593 : vector<16xf32>
        %mul3A_595 = arith.constant 16 : i32
        %mul3A_596 = arith.muli %scan3A_519, %mul3A_595 : i32
        %add3A_597 = arith.constant 2 : i32
        %add3A_598 = arith.addi %mul3A_596, %add3A_597 : i32
        %get3A_599 = arith.constant 1 : i32
        %get3A_600 = arith.index_cast %get3A_599 : i32 to index
        %get3A_601 = arith.index_cast %add3A_598 : i32 to index
        %get3A_602 = arith.constant 0 : index
        %get3A_603 = tpu.vector_load %arg8[%get3A_600, %get3A_601, %get3A_602] {strides = array<i32>} : memref<2x256x128xf32, #tpu.memory_space<vmem>>, vector<16xf32>,
        %sub3A_604 = arith.subf %get3A_525, %get3A_603 : vector<16xf32>
        %mul3A_605 = arith.mulf %sub3A_604, %sub3A_604 : vector<16xf32>
        %mul3A_606 = arith.constant 16 : i32
        %mul3A_607 = arith.muli %scan3A_519, %mul3A_606 : i32
        %add3A_608 = arith.constant 3 : i32
        %add3A_609 = arith.addi %mul3A_607, %add3A_608 : i32
        %get3A_610 = arith.constant 1 : i32
        %get3A_611 = arith.index_cast %get3A_610 : i32 to index
        %get3A_612 = arith.index_cast %add3A_609 : i32 to index
        %get3A_613 = arith.constant 0 : index
        %get3A_614 = tpu.vector_load %arg8[%get3A_611, %get3A_612, %get3A_613] {strides = array<i32>} : memref<2x256x128xf32, #tpu.memory_space<vmem>>, vector<16xf32>,
        %sub3A_615 = arith.subf %get3A_525, %get3A_614 : vector<16xf32>
        %mul3A_616 = arith.mulf %sub3A_615, %sub3A_615 : vector<16xf32>
        %mul3A_617 = arith.constant 16 : i32
        %mul3A_618 = arith.muli %scan3A_519, %mul3A_617 : i32
        %add3A_619 = arith.constant 4 : i32
        %add3A_620 = arith.addi %mul3A_618, %add3A_619 : i32
        %get3A_621 = arith.constant 1 : i32
        %get3A_622 = arith.index_cast %get3A_621 : i32 to index
        %get3A_623 = arith.index_cast %add3A_620 : i32 to index
        %get3A_624 = arith.constant 0 : index
        %get3A_625 = tpu.vector_load %arg8[%get3A_622, %get3A_623, %get3A_624] {strides = array<i32>} : memref<2x256x128xf32, #tpu.memory_space<vmem>>, vector<16xf32>,
        %sub3A_626 = arith.subf %get3A_525, %get3A_625 : vector<16xf32>
        %mul3A_627 = arith.mulf %sub3A_626, %sub3A_626 : vector<16xf32>
        %mul3A_628 = arith.constant 16 : i32
        %mul3A_629 = arith.muli %scan3A_519, %mul3A_628 : i32
        %add3A_630 = arith.constant 5 : i32
        %add3A_631 = arith.addi %mul3A_629, %add3A_630 : i32
        %get3A_632 = arith.constant 1 : i32
        %get3A_633 = arith.index_cast %get3A_632 : i32 to index
        %get3A_634 = arith.index_cast %add3A_631 : i32 to index
        %get3A_635 = arith.constant 0 : index
        %get3A_636 = tpu.vector_load %arg8[%get3A_633, %get3A_634, %get3A_635] {strides = array<i32>} : memref<2x256x128xf32, #tpu.memory_space<vmem>>, vector<16xf32>,
        %sub3A_637 = arith.subf %get3A_525, %get3A_636 : vector<16xf32>
        %mul3A_638 = arith.mulf %sub3A_637, %sub3A_637 : vector<16xf32>
        %mul3A_639 = arith.constant 16 : i32
        %mul3A_640 = arith.muli %scan3A_519, %mul3A_639 : i32
        %add3A_641 = arith.constant 6 : i32
        %add3A_642 = arith.addi %mul3A_640, %add3A_641 : i32
        %get3A_643 = arith.constant 1 : i32
        %get3A_644 = arith.index_cast %get3A_643 : i32 to index
        %get3A_645 = arith.index_cast %add3A_642 : i32 to index
        %get3A_646 = arith.constant 0 : index
        %get3A_647 = tpu.vector_load %arg8[%get3A_644, %get3A_645, %get3A_646] {strides = array<i32>} : memref<2x256x128xf32, #tpu.memory_space<vmem>>, vector<16xf32>,
        %sub3A_648 = arith.subf %get3A_525, %get3A_647 : vector<16xf32>
        %mul3A_649 = arith.mulf %sub3A_648, %sub3A_648 : vector<16xf32>
        %mul3A_650 = arith.constant 16 : i32
        %mul3A_651 = arith.muli %scan3A_519, %mul3A_650 : i32
        %add3A_652 = arith.constant 7 : i32
        %add3A_653 = arith.addi %mul3A_651, %add3A_652 : i32
        %get3A_654 = arith.constant 1 : i32
        %get3A_655 = arith.index_cast %get3A_654 : i32 to index
        %get3A_656 = arith.index_cast %add3A_653 : i32 to index
        %get3A_657 = arith.constant 0 : index
        %get3A_658 = tpu.vector_load %arg8[%get3A_655, %get3A_656, %get3A_657] {strides = array<i32>} : memref<2x256x128xf32, #tpu.memory_space<vmem>>, vector<16xf32>,
        %sub3A_659 = arith.subf %get3A_525, %get3A_658 : vector<16xf32>
        %mul3A_660 = arith.mulf %sub3A_659, %sub3A_659 : vector<16xf32>
        %mul3A_661 = arith.constant 16 : i32
        %mul3A_662 = arith.muli %scan3A_519, %mul3A_661 : i32
        %add3A_663 = arith.constant 8 : i32
        %add3A_664 = arith.addi %mul3A_662, %add3A_663 : i32
        %get3A_665 = arith.constant 1 : i32
        %get3A_666 = arith.index_cast %get3A_665 : i32 to index
        %get3A_667 = arith.index_cast %add3A_664 : i32 to index
        %get3A_668 = arith.constant 0 : index
        %get3A_669 = tpu.vector_load %arg8[%get3A_666, %get3A_667, %get3A_668] {strides = array<i32>} : memref<2x256x128xf32, #tpu.memory_space<vmem>>, vector<16xf32>,
        %sub3A_670 = arith.subf %get3A_525, %get3A_669 : vector<16xf32>
        %mul3A_671 = arith.mulf %sub3A_670, %sub3A_670 : vector<16xf32>
        %mul3A_672 = arith.constant 16 : i32
        %mul3A_673 = arith.muli %scan3A_519, %mul3A_672 : i32
        %add3A_674 = arith.constant 9 : i32
        %add3A_675 = arith.addi %mul3A_673, %add3A_674 : i32
        %get3A_676 = arith.constant 1 : i32
        %get3A_677 = arith.index_cast %get3A_676 : i32 to index
        %get3A_678 = arith.index_cast %add3A_675 : i32 to index
        %get3A_679 = arith.constant 0 : index
        %get3A_680 = tpu.vector_load %arg8[%get3A_677, %get3A_678, %get3A_679] {strides = array<i32>} : memref<2x256x128xf32, #tpu.memory_space<vmem>>, vector<16xf32>,
        %sub3A_681 = arith.subf %get3A_525, %get3A_680 : vector<16xf32>
        %mul3A_682 = arith.mulf %sub3A_681, %sub3A_681 : vector<16xf32>
        %mul3A_683 = arith.constant 16 : i32
        %mul3A_684 = arith.muli %scan3A_519, %mul3A_683 : i32
        %add3A_685 = arith.constant 10 : i32
        %add3A_686 = arith.addi %mul3A_684, %add3A_685 : i32
        %get3A_687 = arith.constant 1 : i32
        %get3A_688 = arith.index_cast %get3A_687 : i32 to index
        %get3A_689 = arith.index_cast %add3A_686 : i32 to index
        %get3A_690 = arith.constant 0 : index
        %get3A_691 = tpu.vector_load %arg8[%get3A_688, %get3A_689, %get3A_690] {strides = array<i32>} : memref<2x256x128xf32, #tpu.memory_space<vmem>>, vector<16xf32>,
        %sub3A_692 = arith.subf %get3A_525, %get3A_691 : vector<16xf32>
        %mul3A_693 = arith.mulf %sub3A_692, %sub3A_692 : vector<16xf32>
        %mul3A_694 = arith.constant 16 : i32
        %mul3A_695 = arith.muli %scan3A_519, %mul3A_694 : i32
        %add3A_696 = arith.constant 11 : i32
        %add3A_697 = arith.addi %mul3A_695, %add3A_696 : i32
        %get3A_698 = arith.constant 1 : i32
        %get3A_699 = arith.index_cast %get3A_698 : i32 to index
        %get3A_700 = arith.index_cast %add3A_697 : i32 to index
        %get3A_701 = arith.constant 0 : index
        %get3A_702 = tpu.vector_load %arg8[%get3A_699, %get3A_700, %get3A_701] {strides = array<i32>} : memref<2x256x128xf32, #tpu.memory_space<vmem>>, vector<16xf32>,
        %sub3A_703 = arith.subf %get3A_525, %get3A_702 : vector<16xf32>
        %mul3A_704 = arith.mulf %sub3A_703, %sub3A_703 : vector<16xf32>
        %mul3A_705 = arith.constant 16 : i32
        %mul3A_706 = arith.muli %scan3A_519, %mul3A_705 : i32
        %add3A_707 = arith.constant 12 : i32
        %add3A_708 = arith.addi %mul3A_706, %add3A_707 : i32
        %get3A_709 = arith.constant 1 : i32
        %get3A_710 = arith.index_cast %get3A_709 : i32 to index
        %get3A_711 = arith.index_cast %add3A_708 : i32 to index
        %get3A_712 = arith.constant 0 : index
        %get3A_713 = tpu.vector_load %arg8[%get3A_710, %get3A_711, %get3A_712] {strides = array<i32>} : memref<2x256x128xf32, #tpu.memory_space<vmem>>, vector<16xf32>,
        %sub3A_714 = arith.subf %get3A_525, %get3A_713 : vector<16xf32>
        %mul3A_715 = arith.mulf %sub3A_714, %sub3A_714 : vector<16xf32>
        %mul3A_716 = arith.constant 16 : i32
        %mul3A_717 = arith.muli %scan3A_519, %mul3A_716 : i32
        %add3A_718 = arith.constant 13 : i32
        %add3A_719 = arith.addi %mul3A_717, %add3A_718 : i32
        %get3A_720 = arith.constant 1 : i32
        %get3A_721 = arith.index_cast %get3A_720 : i32 to index
        %get3A_722 = arith.index_cast %add3A_719 : i32 to index
        %get3A_723 = arith.constant 0 : index
        %get3A_724 = tpu.vector_load %arg8[%get3A_721, %get3A_722, %get3A_723] {strides = array<i32>} : memref<2x256x128xf32, #tpu.memory_space<vmem>>, vector<16xf32>,
        %sub3A_725 = arith.subf %get3A_525, %get3A_724 : vector<16xf32>
        %mul3A_726 = arith.mulf %sub3A_725, %sub3A_725 : vector<16xf32>
        %mul3A_727 = arith.constant 16 : i32
        %mul3A_728 = arith.muli %scan3A_519, %mul3A_727 : i32
        %add3A_729 = arith.constant 14 : i32
        %add3A_730 = arith.addi %mul3A_728, %add3A_729 : i32
        %get3A_731 = arith.constant 1 : i32
        %get3A_732 = arith.index_cast %get3A_731 : i32 to index
        %get3A_733 = arith.index_cast %add3A_730 : i32 to index
        %get3A_734 = arith.constant 0 : index
        %get3A_735 = tpu.vector_load %arg8[%get3A_732, %get3A_733, %get3A_734] {strides = array<i32>} : memref<2x256x128xf32, #tpu.memory_space<vmem>>, vector<16xf32>,
        %sub3A_736 = arith.subf %get3A_525, %get3A_735 : vector<16xf32>
        %mul3A_737 = arith.mulf %sub3A_736, %sub3A_736 : vector<16xf32>
        %mul3A_738 = arith.constant 16 : i32
        %mul3A_739 = arith.muli %scan3A_519, %mul3A_738 : i32
        %add3A_740 = arith.constant 15 : i32
        %add3A_741 = arith.addi %mul3A_739, %add3A_740 : i32
        %get3A_742 = arith.constant 1 : i32
        %get3A_743 = arith.index_cast %get3A_742 : i32 to index
        %get3A_744 = arith.index_cast %add3A_741 : i32 to index
        %get3A_745 = arith.constant 0 : index
        %get3A_746 = tpu.vector_load %arg8[%get3A_743, %get3A_744, %get3A_745] {strides = array<i32>} : memref<2x256x128xf32, #tpu.memory_space<vmem>>, vector<16xf32>,
        %sub3A_747 = arith.subf %get3A_525, %get3A_746 : vector<16xf32>
        %mul3A_748 = arith.mulf %sub3A_747, %sub3A_747 : vector<16xf32>
        %sub3A_749 = arith.subf %get3A_528, %get3A_552 : vector<16xf32>
        %mul3A_750 = arith.mulf %sub3A_749, %sub3A_749 : vector<16xf32>
        %add3A_751 = arith.addf %mul3A_572, %mul3A_750 : vector<16xf32>
        %mul3A_752 = arith.constant 16 : i32
        %mul3A_753 = arith.muli %scan3A_519, %mul3A_752 : i32
        %add3A_754 = arith.constant 0 : i32
        %add3A_755 = arith.addi %mul3A_753, %add3A_754 : i32
        %get3A_756 = arith.constant 1 : i32
        %get3A_757 = arith.index_cast %get3A_756 : i32 to index
        %get3A_758 = arith.index_cast %add3A_755 : i32 to index
        %get3A_759 = arith.constant 16 : index
        %get3A_760 = tpu.vector_load %arg8[%get3A_757, %get3A_758, %get3A_759] {strides = array<i32>} : memref<2x256x128xf32, #tpu.memory_space<vmem>>, vector<16xf32>,
        %sub3A_761 = arith.subf %get3A_528, %get3A_760 : vector<16xf32>
        %mul3A_762 = arith.mulf %sub3A_761, %sub3A_761 : vector<16xf32>
        %add3A_763 = arith.addf %mul3A_583, %mul3A_762 : vector<16xf32>
        %mul3A_764 = arith.constant 16 : i32
        %mul3A_765 = arith.muli %scan3A_519, %mul3A_764 : i32
        %add3A_766 = arith.constant 1 : i32
        %add3A_767 = arith.addi %mul3A_765, %add3A_766 : i32
        %get3A_768 = arith.constant 1 : i32
        %get3A_769 = arith.index_cast %get3A_768 : i32 to index
        %get3A_770 = arith.index_cast %add3A_767 : i32 to index
        %get3A_771 = arith.constant 16 : index
        %get3A_772 = tpu.vector_load %arg8[%get3A_769, %get3A_770, %get3A_771] {strides = array<i32>} : memref<2x256x128xf32, #tpu.memory_space<vmem>>, vector<16xf32>,
        %sub3A_773 = arith.subf %get3A_528, %get3A_772 : vector<16xf32>
        %mul3A_774 = arith.mulf %sub3A_773, %sub3A_773 : vector<16xf32>
        %add3A_775 = arith.addf %mul3A_594, %mul3A_774 : vector<16xf32>
        %mul3A_776 = arith.constant 16 : i32
        %mul3A_777 = arith.muli %scan3A_519, %mul3A_776 : i32
        %add3A_778 = arith.constant 2 : i32
        %add3A_779 = arith.addi %mul3A_777, %add3A_778 : i32
        %get3A_780 = arith.constant 1 : i32
        %get3A_781 = arith.index_cast %get3A_780 : i32 to index
        %get3A_782 = arith.index_cast %add3A_779 : i32 to index
        %get3A_783 = arith.constant 16 : index
        %get3A_784 = tpu.vector_load %arg8[%get3A_781, %get3A_782, %get3A_783] {strides = array<i32>} : memref<2x256x128xf32, #tpu.memory_space<vmem>>, vector<16xf32>,
        %sub3A_785 = arith.subf %get3A_528, %get3A_784 : vector<16xf32>
        %mul3A_786 = arith.mulf %sub3A_785, %sub3A_785 : vector<16xf32>
        %add3A_787 = arith.addf %mul3A_605, %mul3A_786 : vector<16xf32>
        %mul3A_788 = arith.constant 16 : i32
        %mul3A_789 = arith.muli %scan3A_519, %mul3A_788 : i32
        %add3A_790 = arith.constant 3 : i32
        %add3A_791 = arith.addi %mul3A_789, %add3A_790 : i32
        %get3A_792 = arith.constant 1 : i32
        %get3A_793 = arith.index_cast %get3A_792 : i32 to index
        %get3A_794 = arith.index_cast %add3A_791 : i32 to index
        %get3A_795 = arith.constant 16 : index
        %get3A_796 = tpu.vector_load %arg8[%get3A_793, %get3A_794, %get3A_795] {strides = array<i32>} : memref<2x256x128xf32, #tpu.memory_space<vmem>>, vector<16xf32>,
        %sub3A_797 = arith.subf %get3A_528, %get3A_796 : vector<16xf32>
        %mul3A_798 = arith.mulf %sub3A_797, %sub3A_797 : vector<16xf32>
        %add3A_799 = arith.addf %mul3A_616, %mul3A_798 : vector<16xf32>
        %mul3A_800 = arith.constant 16 : i32
        %mul3A_801 = arith.muli %scan3A_519, %mul3A_800 : i32
        %add3A_802 = arith.constant 4 : i32
        %add3A_803 = arith.addi %mul3A_801, %add3A_802 : i32
        %get3A_804 = arith.constant 1 : i32
        %get3A_805 = arith.index_cast %get3A_804 : i32 to index
        %get3A_806 = arith.index_cast %add3A_803 : i32 to index
        %get3A_807 = arith.constant 16 : index
        %get3A_808 = tpu.vector_load %arg8[%get3A_805, %get3A_806, %get3A_807] {strides = array<i32>} : memref<2x256x128xf32, #tpu.memory_space<vmem>>, vector<16xf32>,
        %sub3A_809 = arith.subf %get3A_528, %get3A_808 : vector<16xf32>
        %mul3A_810 = arith.mulf %sub3A_809, %sub3A_809 : vector<16xf32>
        %add3A_811 = arith.addf %mul3A_627, %mul3A_810 : vector<16xf32>
        %mul3A_812 = arith.constant 16 : i32
        %mul3A_813 = arith.muli %scan3A_519, %mul3A_812 : i32
        %add3A_814 = arith.constant 5 : i32
        %add3A_815 = arith.addi %mul3A_813, %add3A_814 : i32
        %get3A_816 = arith.constant 1 : i32
        %get3A_817 = arith.index_cast %get3A_816 : i32 to index
        %get3A_818 = arith.index_cast %add3A_815 : i32 to index
        %get3A_819 = arith.constant 16 : index
        %get3A_820 = tpu.vector_load %arg8[%get3A_817, %get3A_818, %get3A_819] {strides = array<i32>} : memref<2x256x128xf32, #tpu.memory_space<vmem>>, vector<16xf32>,
        %sub3A_821 = arith.subf %get3A_528, %get3A_820 : vector<16xf32>
        %mul3A_822 = arith.mulf %sub3A_821, %sub3A_821 : vector<16xf32>
        %add3A_823 = arith.addf %mul3A_638, %mul3A_822 : vector<16xf32>
        %mul3A_824 = arith.constant 16 : i32
        %mul3A_825 = arith.muli %scan3A_519, %mul3A_824 : i32
        %add3A_826 = arith.constant 6 : i32
        %add3A_827 = arith.addi %mul3A_825, %add3A_826 : i32
        %get3A_828 = arith.constant 1 : i32
        %get3A_829 = arith.index_cast %get3A_828 : i32 to index
        %get3A_830 = arith.index_cast %add3A_827 : i32 to index
        %get3A_831 = arith.constant 16 : index
        %get3A_832 = tpu.vector_load %arg8[%get3A_829, %get3A_830, %get3A_831] {strides = array<i32>} : memref<2x256x128xf32, #tpu.memory_space<vmem>>, vector<16xf32>,
        %sub3A_833 = arith.subf %get3A_528, %get3A_832 : vector<16xf32>
        %mul3A_834 = arith.mulf %sub3A_833, %sub3A_833 : vector<16xf32>
        %add3A_835 = arith.addf %mul3A_649, %mul3A_834 : vector<16xf32>
        %mul3A_836 = arith.constant 16 : i32
        %mul3A_837 = arith.muli %scan3A_519, %mul3A_836 : i32
        %add3A_838 = arith.constant 7 : i32
        %add3A_839 = arith.addi %mul3A_837, %add3A_838 : i32
        %get3A_840 = arith.constant 1 : i32
        %get3A_841 = arith.index_cast %get3A_840 : i32 to index
        %get3A_842 = arith.index_cast %add3A_839 : i32 to index
        %get3A_843 = arith.constant 16 : index
        %get3A_844 = tpu.vector_load %arg8[%get3A_841, %get3A_842, %get3A_843] {strides = array<i32>} : memref<2x256x128xf32, #tpu.memory_space<vmem>>, vector<16xf32>,
        %sub3A_845 = arith.subf %get3A_528, %get3A_844 : vector<16xf32>
        %mul3A_846 = arith.mulf %sub3A_845, %sub3A_845 : vector<16xf32>
        %add3A_847 = arith.addf %mul3A_660, %mul3A_846 : vector<16xf32>
        %mul3A_848 = arith.constant 16 : i32
        %mul3A_849 = arith.muli %scan3A_519, %mul3A_848 : i32
        %add3A_850 = arith.constant 8 : i32
        %add3A_851 = arith.addi %mul3A_849, %add3A_850 : i32
        %get3A_852 = arith.constant 1 : i32
        %get3A_853 = arith.index_cast %get3A_852 : i32 to index
        %get3A_854 = arith.index_cast %add3A_851 : i32 to index
        %get3A_855 = arith.constant 16 : index
        %get3A_856 = tpu.vector_load %arg8[%get3A_853, %get3A_854, %get3A_855] {strides = array<i32>} : memref<2x256x128xf32, #tpu.memory_space<vmem>>, vector<16xf32>,
        %sub3A_857 = arith.subf %get3A_528, %get3A_856 : vector<16xf32>
        %mul3A_858 = arith.mulf %sub3A_857, %sub3A_857 : vector<16xf32>
        %add3A_859 = arith.addf %mul3A_671, %mul3A_858 : vector<16xf32>
        %mul3A_860 = arith.constant 16 : i32
        %mul3A_861 = arith.muli %scan3A_519, %mul3A_860 : i32
        %add3A_862 = arith.constant 9 : i32
        %add3A_863 = arith.addi %mul3A_861, %add3A_862 : i32
        %get3A_864 = arith.constant 1 : i32
        %get3A_865 = arith.index_cast %get3A_864 : i32 to index
        %get3A_866 = arith.index_cast %add3A_863 : i32 to index
        %get3A_867 = arith.constant 16 : index
        %get3A_868 = tpu.vector_load %arg8[%get3A_865, %get3A_866, %get3A_867] {strides = array<i32>} : memref<2x256x128xf32, #tpu.memory_space<vmem>>, vector<16xf32>,
        %sub3A_869 = arith.subf %get3A_528, %get3A_868 : vector<16xf32>
        %mul3A_870 = arith.mulf %sub3A_869, %sub3A_869 : vector<16xf32>
        %add3A_871 = arith.addf %mul3A_682, %mul3A_870 : vector<16xf32>
        %mul3A_872 = arith.constant 16 : i32
        %mul3A_873 = arith.muli %scan3A_519, %mul3A_872 : i32
        %add3A_874 = arith.constant 10 : i32
        %add3A_875 = arith.addi %mul3A_873, %add3A_874 : i32
        %get3A_876 = arith.constant 1 : i32
        %get3A_877 = arith.index_cast %get3A_876 : i32 to index
        %get3A_878 = arith.index_cast %add3A_875 : i32 to index
        %get3A_879 = arith.constant 16 : index
        %get3A_880 = tpu.vector_load %arg8[%get3A_877, %get3A_878, %get3A_879] {strides = array<i32>} : memref<2x256x128xf32, #tpu.memory_space<vmem>>, vector<16xf32>,
        %sub3A_881 = arith.subf %get3A_528, %get3A_880 : vector<16xf32>
        %mul3A_882 = arith.mulf %sub3A_881, %sub3A_881 : vector<16xf32>
        %add3A_883 = arith.addf %mul3A_693, %mul3A_882 : vector<16xf32>
        %mul3A_884 = arith.constant 16 : i32
        %mul3A_885 = arith.muli %scan3A_519, %mul3A_884 : i32
        %add3A_886 = arith.constant 11 : i32
        %add3A_887 = arith.addi %mul3A_885, %add3A_886 : i32
        %get3A_888 = arith.constant 1 : i32
        %get3A_889 = arith.index_cast %get3A_888 : i32 to index
        %get3A_890 = arith.index_cast %add3A_887 : i32 to index
        %get3A_891 = arith.constant 16 : index
        %get3A_892 = tpu.vector_load %arg8[%get3A_889, %get3A_890, %get3A_891] {strides = array<i32>} : memref<2x256x128xf32, #tpu.memory_space<vmem>>, vector<16xf32>,
        %sub3A_893 = arith.subf %get3A_528, %get3A_892 : vector<16xf32>
        %mul3A_894 = arith.mulf %sub3A_893, %sub3A_893 : vector<16xf32>
        %add3A_895 = arith.addf %mul3A_704, %mul3A_894 : vector<16xf32>
        %mul3A_896 = arith.constant 16 : i32
        %mul3A_897 = arith.muli %scan3A_519, %mul3A_896 : i32
        %add3A_898 = arith.constant 12 : i32
        %add3A_899 = arith.addi %mul3A_897, %add3A_898 : i32
        %get3A_900 = arith.constant 1 : i32
        %get3A_901 = arith.index_cast %get3A_900 : i32 to index
        %get3A_902 = arith.index_cast %add3A_899 : i32 to index
        %get3A_903 = arith.constant 16 : index
        %get3A_904 = tpu.vector_load %arg8[%get3A_901, %get3A_902, %get3A_903] {strides = array<i32>} : memref<2x256x128xf32, #tpu.memory_space<vmem>>, vector<16xf32>,
        %sub3A_905 = arith.subf %get3A_528, %get3A_904 : vector<16xf32>
        %mul3A_906 = arith.mulf %sub3A_905, %sub3A_905 : vector<16xf32>
        %add3A_907 = arith.addf %mul3A_715, %mul3A_906 : vector<16xf32>
        %mul3A_908 = arith.constant 16 : i32
        %mul3A_909 = arith.muli %scan3A_519, %mul3A_908 : i32
        %add3A_910 = arith.constant 13 : i32
        %add3A_911 = arith.addi %mul3A_909, %add3A_910 : i32
        %get3A_912 = arith.constant 1 : i32
        %get3A_913 = arith.index_cast %get3A_912 : i32 to index
        %get3A_914 = arith.index_cast %add3A_911 : i32 to index
        %get3A_915 = arith.constant 16 : index
        %get3A_916 = tpu.vector_load %arg8[%get3A_913, %get3A_914, %get3A_915] {strides = array<i32>} : memref<2x256x128xf32, #tpu.memory_space<vmem>>, vector<16xf32>,
        %sub3A_917 = arith.subf %get3A_528, %get3A_916 : vector<16xf32>
        %mul3A_918 = arith.mulf %sub3A_917, %sub3A_917 : vector<16xf32>
        %add3A_919 = arith.addf %mul3A_726, %mul3A_918 : vector<16xf32>
        %mul3A_920 = arith.constant 16 : i32
        %mul3A_921 = arith.muli %scan3A_519, %mul3A_920 : i32
        %add3A_922 = arith.constant 14 : i32
        %add3A_923 = arith.addi %mul3A_921, %add3A_922 : i32
        %get3A_924 = arith.constant 1 : i32
        %get3A_925 = arith.index_cast %get3A_924 : i32 to index
        %get3A_926 = arith.index_cast %add3A_923 : i32 to index
        %get3A_927 = arith.constant 16 : index
        %get3A_928 = tpu.vector_load %arg8[%get3A_925, %get3A_926, %get3A_927] {strides = array<i32>} : memref<2x256x128xf32, #tpu.memory_space<vmem>>, vector<16xf32>,
        %sub3A_929 = arith.subf %get3A_528, %get3A_928 : vector<16xf32>
        %mul3A_930 = arith.mulf %sub3A_929, %sub3A_929 : vector<16xf32>
        %add3A_931 = arith.addf %mul3A_737, %mul3A_930 : vector<16xf32>
        %mul3A_932 = arith.constant 16 : i32
        %mul3A_933 = arith.muli %scan3A_519, %mul3A_932 : i32
        %add3A_934 = arith.constant 15 : i32
        %add3A_935 = arith.addi %mul3A_933, %add3A_934 : i32
        %get3A_936 = arith.constant 1 : i32
        %get3A_937 = arith.index_cast %get3A_936 : i32 to index
        %get3A_938 = arith.index_cast %add3A_935 : i32 to index
        %get3A_939 = arith.constant 16 : index
        %get3A_940 = tpu.vector_load %arg8[%get3A_937, %get3A_938, %get3A_939] {strides = array<i32>} : memref<2x256x128xf32, #tpu.memory_space<vmem>>, vector<16xf32>,
        %sub3A_941 = arith.subf %get3A_528, %get3A_940 : vector<16xf32>
        %mul3A_942 = arith.mulf %sub3A_941, %sub3A_941 : vector<16xf32>
        %add3A_943 = arith.addf %mul3A_748, %mul3A_942 : vector<16xf32>
        %sub3A_944 = arith.subf %get3A_531, %get3A_555 : vector<16xf32>
        %mul3A_945 = arith.mulf %sub3A_944, %sub3A_944 : vector<16xf32>
        %add3A_946 = arith.addf %add3A_751, %mul3A_945 : vector<16xf32>
        %mul3A_947 = arith.constant 16 : i32
        %mul3A_948 = arith.muli %scan3A_519, %mul3A_947 : i32
        %add3A_949 = arith.constant 0 : i32
        %add3A_950 = arith.addi %mul3A_948, %add3A_949 : i32
        %get3A_951 = arith.constant 1 : i32
        %get3A_952 = arith.index_cast %get3A_951 : i32 to index
        %get3A_953 = arith.index_cast %add3A_950 : i32 to index
        %get3A_954 = arith.constant 32 : index
        %get3A_955 = tpu.vector_load %arg8[%get3A_952, %get3A_953, %get3A_954] {strides = array<i32>} : memref<2x256x128xf32, #tpu.memory_space<vmem>>, vector<16xf32>,
        %sub3A_956 = arith.subf %get3A_531, %get3A_955 : vector<16xf32>
        %mul3A_957 = arith.mulf %sub3A_956, %sub3A_956 : vector<16xf32>
        %add3A_958 = arith.addf %add3A_763, %mul3A_957 : vector<16xf32>
        %mul3A_959 = arith.constant 16 : i32
        %mul3A_960 = arith.muli %scan3A_519, %mul3A_959 : i32
        %add3A_961 = arith.constant 1 : i32
        %add3A_962 = arith.addi %mul3A_960, %add3A_961 : i32
        %get3A_963 = arith.constant 1 : i32
        %get3A_964 = arith.index_cast %get3A_963 : i32 to index
        %get3A_965 = arith.index_cast %add3A_962 : i32 to index
        %get3A_966 = arith.constant 32 : index
        %get3A_967 = tpu.vector_load %arg8[%get3A_964, %get3A_965, %get3A_966] {strides = array<i32>} : memref<2x256x128xf32, #tpu.memory_space<vmem>>, vector<16xf32>,
        %sub3A_968 = arith.subf %get3A_531, %get3A_967 : vector<16xf32>
        %mul3A_969 = arith.mulf %sub3A_968, %sub3A_968 : vector<16xf32>
        %add3A_970 = arith.addf %add3A_775, %mul3A_969 : vector<16xf32>
        %mul3A_971 = arith.constant 16 : i32
        %mul3A_972 = arith.muli %scan3A_519, %mul3A_971 : i32
        %add3A_973 = arith.constant 2 : i32
        %add3A_974 = arith.addi %mul3A_972, %add3A_973 : i32
        %get3A_975 = arith.constant 1 : i32
        %get3A_976 = arith.index_cast %get3A_975 : i32 to index
        %get3A_977 = arith.index_cast %add3A_974 : i32 to index
        %get3A_978 = arith.constant 32 : index
        %get3A_979 = tpu.vector_load %arg8[%get3A_976, %get3A_977, %get3A_978] {strides = array<i32>} : memref<2x256x128xf32, #tpu.memory_space<vmem>>, vector<16xf32>,
        %sub3A_980 = arith.subf %get3A_531, %get3A_979 : vector<16xf32>
        %mul3A_981 = arith.mulf %sub3A_980, %sub3A_980 : vector<16xf32>
        %add3A_982 = arith.addf %add3A_787, %mul3A_981 : vector<16xf32>
        %mul3A_983 = arith.constant 16 : i32
        %mul3A_984 = arith.muli %scan3A_519, %mul3A_983 : i32
        %add3A_985 = arith.constant 3 : i32
        %add3A_986 = arith.addi %mul3A_984, %add3A_985 : i32
        %get3A_987 = arith.constant 1 : i32
        %get3A_988 = arith.index_cast %get3A_987 : i32 to index
        %get3A_989 = arith.index_cast %add3A_986 : i32 to index
        %get3A_990 = arith.constant 32 : index
        %get3A_991 = tpu.vector_load %arg8[%get3A_988, %get3A_989, %get3A_990] {strides = array<i32>} : memref<2x256x128xf32, #tpu.memory_space<vmem>>, vector<16xf32>,
        %sub3A_992 = arith.subf %get3A_531, %get3A_991 : vector<16xf32>
        %mul3A_993 = arith.mulf %sub3A_992, %sub3A_992 : vector<16xf32>
        %add3A_994 = arith.addf %add3A_799, %mul3A_993 : vector<16xf32>
        %mul3A_995 = arith.constant 16 : i32
        %mul3A_996 = arith.muli %scan3A_519, %mul3A_995 : i32
        %add3A_997 = arith.constant 4 : i32
        %add3A_998 = arith.addi %mul3A_996, %add3A_997 : i32
        %get3A_999 = arith.constant 1 : i32
        %get3A_1000 = arith.index_cast %get3A_999 : i32 to index
        %get3A_1001 = arith.index_cast %add3A_998 : i32 to index
        %get3A_1002 = arith.constant 32 : index
        %get3A_1003 = tpu.vector_load %arg8[%get3A_1000, %get3A_1001, %get3A_1002] {strides = array<i32>} : memref<2x256x128xf32, #tpu.memory_space<vmem>>, vector<16xf32>,
        %sub3A_1004 = arith.subf %get3A_531, %get3A_1003 : vector<16xf32>
        %mul3A_1005 = arith.mulf %sub3A_1004, %sub3A_1004 : vector<16xf32>
        %add3A_1006 = arith.addf %add3A_811, %mul3A_1005 : vector<16xf32>
        %mul3A_1007 = arith.constant 16 : i32
        %mul3A_1008 = arith.muli %scan3A_519, %mul3A_1007 : i32
        %add3A_1009 = arith.constant 5 : i32
        %add3A_1010 = arith.addi %mul3A_1008, %add3A_1009 : i32
        %get3A_1011 = arith.constant 1 : i32
        %get3A_1012 = arith.index_cast %get3A_1011 : i32 to index
        %get3A_1013 = arith.index_cast %add3A_1010 : i32 to index
        %get3A_1014 = arith.constant 32 : index
        %get3A_1015 = tpu.vector_load %arg8[%get3A_1012, %get3A_1013, %get3A_1014] {strides = array<i32>} : memref<2x256x128xf32, #tpu.memory_space<vmem>>, vector<16xf32>,
        %sub3A_1016 = arith.subf %get3A_531, %get3A_1015 : vector<16xf32>
        %mul3A_1017 = arith.mulf %sub3A_1016, %sub3A_1016 : vector<16xf32>
        %add3A_1018 = arith.addf %add3A_823, %mul3A_1017 : vector<16xf32>
        %mul3A_1019 = arith.constant 16 : i32
        %mul3A_1020 = arith.muli %scan3A_519, %mul3A_1019 : i32
        %add3A_1021 = arith.constant 6 : i32
        %add3A_1022 = arith.addi %mul3A_1020, %add3A_1021 : i32
        %get3A_1023 = arith.constant 1 : i32
        %get3A_1024 = arith.index_cast %get3A_1023 : i32 to index
        %get3A_1025 = arith.index_cast %add3A_1022 : i32 to index
        %get3A_1026 = arith.constant 32 : index
        %get3A_1027 = tpu.vector_load %arg8[%get3A_1024, %get3A_1025, %get3A_1026] {strides = array<i32>} : memref<2x256x128xf32, #tpu.memory_space<vmem>>, vector<16xf32>,
        %sub3A_1028 = arith.subf %get3A_531, %get3A_1027 : vector<16xf32>
        %mul3A_1029 = arith.mulf %sub3A_1028, %sub3A_1028 : vector<16xf32>
        %add3A_1030 = arith.addf %add3A_835, %mul3A_1029 : vector<16xf32>
        %mul3A_1031 = arith.constant 16 : i32
        %mul3A_1032 = arith.muli %scan3A_519, %mul3A_1031 : i32
        %add3A_1033 = arith.constant 7 : i32
        %add3A_1034 = arith.addi %mul3A_1032, %add3A_1033 : i32
        %get3A_1035 = arith.constant 1 : i32
        %get3A_1036 = arith.index_cast %get3A_1035 : i32 to index
        %get3A_1037 = arith.index_cast %add3A_1034 : i32 to index
        %get3A_1038 = arith.constant 32 : index
        %get3A_1039 = tpu.vector_load %arg8[%get3A_1036, %get3A_1037, %get3A_1038] {strides = array<i32>} : memref<2x256x128xf32, #tpu.memory_space<vmem>>, vector<16xf32>,
        %sub3A_1040 = arith.subf %get3A_531, %get3A_1039 : vector<16xf32>
        %mul3A_1041 = arith.mulf %sub3A_1040, %sub3A_1040 : vector<16xf32>
        %add3A_1042 = arith.addf %add3A_847, %mul3A_1041 : vector<16xf32>
        %mul3A_1043 = arith.constant 16 : i32
        %mul3A_1044 = arith.muli %scan3A_519, %mul3A_1043 : i32
        %add3A_1045 = arith.constant 8 : i32
        %add3A_1046 = arith.addi %mul3A_1044, %add3A_1045 : i32
        %get3A_1047 = arith.constant 1 : i32
        %get3A_1048 = arith.index_cast %get3A_1047 : i32 to index
        %get3A_1049 = arith.index_cast %add3A_1046 : i32 to index
        %get3A_1050 = arith.constant 32 : index
        %get3A_1051 = tpu.vector_load %arg8[%get3A_1048, %get3A_1049, %get3A_1050] {strides = array<i32>} : memref<2x256x128xf32, #tpu.memory_space<vmem>>, vector<16xf32>,
        %sub3A_1052 = arith.subf %get3A_531, %get3A_1051 : vector<16xf32>
        %mul3A_1053 = arith.mulf %sub3A_1052, %sub3A_1052 : vector<16xf32>
        %add3A_1054 = arith.addf %add3A_859, %mul3A_1053 : vector<16xf32>
        %mul3A_1055 = arith.constant 16 : i32
        %mul3A_1056 = arith.muli %scan3A_519, %mul3A_1055 : i32
        %add3A_1057 = arith.constant 9 : i32
        %add3A_1058 = arith.addi %mul3A_1056, %add3A_1057 : i32
        %get3A_1059 = arith.constant 1 : i32
        %get3A_1060 = arith.index_cast %get3A_1059 : i32 to index
        %get3A_1061 = arith.index_cast %add3A_1058 : i32 to index
        %get3A_1062 = arith.constant 32 : index
        %get3A_1063 = tpu.vector_load %arg8[%get3A_1060, %get3A_1061, %get3A_1062] {strides = array<i32>} : memref<2x256x128xf32, #tpu.memory_space<vmem>>, vector<16xf32>,
        %sub3A_1064 = arith.subf %get3A_531, %get3A_1063 : vector<16xf32>
        %mul3A_1065 = arith.mulf %sub3A_1064, %sub3A_1064 : vector<16xf32>
        %add3A_1066 = arith.addf %add3A_871, %mul3A_1065 : vector<16xf32>
        %mul3A_1067 = arith.constant 16 : i32
        %mul3A_1068 = arith.muli %scan3A_519, %mul3A_1067 : i32
        %add3A_1069 = arith.constant 10 : i32
        %add3A_1070 = arith.addi %mul3A_1068, %add3A_1069 : i32
        %get3A_1071 = arith.constant 1 : i32
        %get3A_1072 = arith.index_cast %get3A_1071 : i32 to index
        %get3A_1073 = arith.index_cast %add3A_1070 : i32 to index
        %get3A_1074 = arith.constant 32 : index
        %get3A_1075 = tpu.vector_load %arg8[%get3A_1072, %get3A_1073, %get3A_1074] {strides = array<i32>} : memref<2x256x128xf32, #tpu.memory_space<vmem>>, vector<16xf32>,
        %sub3A_1076 = arith.subf %get3A_531, %get3A_1075 : vector<16xf32>
        %mul3A_1077 = arith.mulf %sub3A_1076, %sub3A_1076 : vector<16xf32>
        %add3A_1078 = arith.addf %add3A_883, %mul3A_1077 : vector<16xf32>
        %mul3A_1079 = arith.constant 16 : i32
        %mul3A_1080 = arith.muli %scan3A_519, %mul3A_1079 : i32
        %add3A_1081 = arith.constant 11 : i32
        %add3A_1082 = arith.addi %mul3A_1080, %add3A_1081 : i32
        %get3A_1083 = arith.constant 1 : i32
        %get3A_1084 = arith.index_cast %get3A_1083 : i32 to index
        %get3A_1085 = arith.index_cast %add3A_1082 : i32 to index
        %get3A_1086 = arith.constant 32 : index
        %get3A_1087 = tpu.vector_load %arg8[%get3A_1084, %get3A_1085, %get3A_1086] {strides = array<i32>} : memref<2x256x128xf32, #tpu.memory_space<vmem>>, vector<16xf32>,
        %sub3A_1088 = arith.subf %get3A_531, %get3A_1087 : vector<16xf32>
        %mul3A_1089 = arith.mulf %sub3A_1088, %sub3A_1088 : vector<16xf32>
        %add3A_1090 = arith.addf %add3A_895, %mul3A_1089 : vector<16xf32>
        %mul3A_1091 = arith.constant 16 : i32
        %mul3A_1092 = arith.muli %scan3A_519, %mul3A_1091 : i32
        %add3A_1093 = arith.constant 12 : i32
        %add3A_1094 = arith.addi %mul3A_1092, %add3A_1093 : i32
        %get3A_1095 = arith.constant 1 : i32
        %get3A_1096 = arith.index_cast %get3A_1095 : i32 to index
        %get3A_1097 = arith.index_cast %add3A_1094 : i32 to index
        %get3A_1098 = arith.constant 32 : index
        %get3A_1099 = tpu.vector_load %arg8[%get3A_1096, %get3A_1097, %get3A_1098] {strides = array<i32>} : memref<2x256x128xf32, #tpu.memory_space<vmem>>, vector<16xf32>,
        %sub3A_1100 = arith.subf %get3A_531, %get3A_1099 : vector<16xf32>
        %mul3A_1101 = arith.mulf %sub3A_1100, %sub3A_1100 : vector<16xf32>
        %add3A_1102 = arith.addf %add3A_907, %mul3A_1101 : vector<16xf32>
        %mul3A_1103 = arith.constant 16 : i32
        %mul3A_1104 = arith.muli %scan3A_519, %mul3A_1103 : i32
        %add3A_1105 = arith.constant 13 : i32
        %add3A_1106 = arith.addi %mul3A_1104, %add3A_1105 : i32
        %get3A_1107 = arith.constant 1 : i32
        %get3A_1108 = arith.index_cast %get3A_1107 : i32 to index
        %get3A_1109 = arith.index_cast %add3A_1106 : i32 to index
        %get3A_1110 = arith.constant 32 : index
        %get3A_1111 = tpu.vector_load %arg8[%get3A_1108, %get3A_1109, %get3A_1110] {strides = array<i32>} : memref<2x256x128xf32, #tpu.memory_space<vmem>>, vector<16xf32>,
        %sub3A_1112 = arith.subf %get3A_531, %get3A_1111 : vector<16xf32>
        %mul3A_1113 = arith.mulf %sub3A_1112, %sub3A_1112 : vector<16xf32>
        %add3A_1114 = arith.addf %add3A_919, %mul3A_1113 : vector<16xf32>
        %mul3A_1115 = arith.constant 16 : i32
        %mul3A_1116 = arith.muli %scan3A_519, %mul3A_1115 : i32
        %add3A_1117 = arith.constant 14 : i32
        %add3A_1118 = arith.addi %mul3A_1116, %add3A_1117 : i32
        %get3A_1119 = arith.constant 1 : i32
        %get3A_1120 = arith.index_cast %get3A_1119 : i32 to index
        %get3A_1121 = arith.index_cast %add3A_1118 : i32 to index
        %get3A_1122 = arith.constant 32 : index
        %get3A_1123 = tpu.vector_load %arg8[%get3A_1120, %get3A_1121, %get3A_1122] {strides = array<i32>} : memref<2x256x128xf32, #tpu.memory_space<vmem>>, vector<16xf32>,
        %sub3A_1124 = arith.subf %get3A_531, %get3A_1123 : vector<16xf32>
        %mul3A_1125 = arith.mulf %sub3A_1124, %sub3A_1124 : vector<16xf32>
        %add3A_1126 = arith.addf %add3A_931, %mul3A_1125 : vector<16xf32>
        %mul3A_1127 = arith.constant 16 : i32
        %mul3A_1128 = arith.muli %scan3A_519, %mul3A_1127 : i32
        %add3A_1129 = arith.constant 15 : i32
        %add3A_1130 = arith.addi %mul3A_1128, %add3A_1129 : i32
        %get3A_1131 = arith.constant 1 : i32
        %get3A_1132 = arith.index_cast %get3A_1131 : i32 to index
        %get3A_1133 = arith.index_cast %add3A_1130 : i32 to index
        %get3A_1134 = arith.constant 32 : index
        %get3A_1135 = tpu.vector_load %arg8[%get3A_1132, %get3A_1133, %get3A_1134] {strides = array<i32>} : memref<2x256x128xf32, #tpu.memory_space<vmem>>, vector<16xf32>,
        %sub3A_1136 = arith.subf %get3A_531, %get3A_1135 : vector<16xf32>
        %mul3A_1137 = arith.mulf %sub3A_1136, %sub3A_1136 : vector<16xf32>
        %add3A_1138 = arith.addf %add3A_943, %mul3A_1137 : vector<16xf32>
        %sub3A_1139 = arith.subf %get3A_534, %get3A_558 : vector<16xf32>
        %mul3A_1140 = arith.mulf %sub3A_1139, %sub3A_1139 : vector<16xf32>
        %add3A_1141 = arith.addf %add3A_946, %mul3A_1140 : vector<16xf32>
        %mul3A_1142 = arith.constant 16 : i32
        %mul3A_1143 = arith.muli %scan3A_519, %mul3A_1142 : i32
        %add3A_1144 = arith.constant 0 : i32
        %add3A_1145 = arith.addi %mul3A_1143, %add3A_1144 : i32
        %get3A_1146 = arith.constant 1 : i32
        %get3A_1147 = arith.index_cast %get3A_1146 : i32 to index
        %get3A_1148 = arith.index_cast %add3A_1145 : i32 to index
        %get3A_1149 = arith.constant 48 : index
        %get3A_1150 = tpu.vector_load %arg8[%get3A_1147, %get3A_1148, %get3A_1149] {strides = array<i32>} : memref<2x256x128xf32, #tpu.memory_space<vmem>>, vector<16xf32>,
        %sub3A_1151 = arith.subf %get3A_534, %get3A_1150 : vector<16xf32>
        %mul3A_1152 = arith.mulf %sub3A_1151, %sub3A_1151 : vector<16xf32>
        %add3A_1153 = arith.addf %add3A_958, %mul3A_1152 : vector<16xf32>
        %mul3A_1154 = arith.constant 16 : i32
        %mul3A_1155 = arith.muli %scan3A_519, %mul3A_1154 : i32
        %add3A_1156 = arith.constant 1 : i32
        %add3A_1157 = arith.addi %mul3A_1155, %add3A_1156 : i32
        %get3A_1158 = arith.constant 1 : i32
        %get3A_1159 = arith.index_cast %get3A_1158 : i32 to index
        %get3A_1160 = arith.index_cast %add3A_1157 : i32 to index
        %get3A_1161 = arith.constant 48 : index
        %get3A_1162 = tpu.vector_load %arg8[%get3A_1159, %get3A_1160, %get3A_1161] {strides = array<i32>} : memref<2x256x128xf32, #tpu.memory_space<vmem>>, vector<16xf32>,
        %sub3A_1163 = arith.subf %get3A_534, %get3A_1162 : vector<16xf32>
        %mul3A_1164 = arith.mulf %sub3A_1163, %sub3A_1163 : vector<16xf32>
        %add3A_1165 = arith.addf %add3A_970, %mul3A_1164 : vector<16xf32>
        %mul3A_1166 = arith.constant 16 : i32
        %mul3A_1167 = arith.muli %scan3A_519, %mul3A_1166 : i32
        %add3A_1168 = arith.constant 2 : i32
        %add3A_1169 = arith.addi %mul3A_1167, %add3A_1168 : i32
        %get3A_1170 = arith.constant 1 : i32
        %get3A_1171 = arith.index_cast %get3A_1170 : i32 to index
        %get3A_1172 = arith.index_cast %add3A_1169 : i32 to index
        %get3A_1173 = arith.constant 48 : index
        %get3A_1174 = tpu.vector_load %arg8[%get3A_1171, %get3A_1172, %get3A_1173] {strides = array<i32>} : memref<2x256x128xf32, #tpu.memory_space<vmem>>, vector<16xf32>,
        %sub3A_1175 = arith.subf %get3A_534, %get3A_1174 : vector<16xf32>
        %mul3A_1176 = arith.mulf %sub3A_1175, %sub3A_1175 : vector<16xf32>
        %add3A_1177 = arith.addf %add3A_982, %mul3A_1176 : vector<16xf32>
        %mul3A_1178 = arith.constant 16 : i32
        %mul3A_1179 = arith.muli %scan3A_519, %mul3A_1178 : i32
        %add3A_1180 = arith.constant 3 : i32
        %add3A_1181 = arith.addi %mul3A_1179, %add3A_1180 : i32
        %get3A_1182 = arith.constant 1 : i32
        %get3A_1183 = arith.index_cast %get3A_1182 : i32 to index
        %get3A_1184 = arith.index_cast %add3A_1181 : i32 to index
        %get3A_1185 = arith.constant 48 : index
        %get3A_1186 = tpu.vector_load %arg8[%get3A_1183, %get3A_1184, %get3A_1185] {strides = array<i32>} : memref<2x256x128xf32, #tpu.memory_space<vmem>>, vector<16xf32>,
        %sub3A_1187 = arith.subf %get3A_534, %get3A_1186 : vector<16xf32>
        %mul3A_1188 = arith.mulf %sub3A_1187, %sub3A_1187 : vector<16xf32>
        %add3A_1189 = arith.addf %add3A_994, %mul3A_1188 : vector<16xf32>
        %mul3A_1190 = arith.constant 16 : i32
        %mul3A_1191 = arith.muli %scan3A_519, %mul3A_1190 : i32
        %add3A_1192 = arith.constant 4 : i32
        %add3A_1193 = arith.addi %mul3A_1191, %add3A_1192 : i32
        %get3A_1194 = arith.constant 1 : i32
        %get3A_1195 = arith.index_cast %get3A_1194 : i32 to index
        %get3A_1196 = arith.index_cast %add3A_1193 : i32 to index
        %get3A_1197 = arith.constant 48 : index
        %get3A_1198 = tpu.vector_load %arg8[%get3A_1195, %get3A_1196, %get3A_1197] {strides = array<i32>} : memref<2x256x128xf32, #tpu.memory_space<vmem>>, vector<16xf32>,
        %sub3A_1199 = arith.subf %get3A_534, %get3A_1198 : vector<16xf32>
        %mul3A_1200 = arith.mulf %sub3A_1199, %sub3A_1199 : vector<16xf32>
        %add3A_1201 = arith.addf %add3A_1006, %mul3A_1200 : vector<16xf32>
        %mul3A_1202 = arith.constant 16 : i32
        %mul3A_1203 = arith.muli %scan3A_519, %mul3A_1202 : i32
        %add3A_1204 = arith.constant 5 : i32
        %add3A_1205 = arith.addi %mul3A_1203, %add3A_1204 : i32
        %get3A_1206 = arith.constant 1 : i32
        %get3A_1207 = arith.index_cast %get3A_1206 : i32 to index
        %get3A_1208 = arith.index_cast %add3A_1205 : i32 to index
        %get3A_1209 = arith.constant 48 : index
        %get3A_1210 = tpu.vector_load %arg8[%get3A_1207, %get3A_1208, %get3A_1209] {strides = array<i32>} : memref<2x256x128xf32, #tpu.memory_space<vmem>>, vector<16xf32>,
        %sub3A_1211 = arith.subf %get3A_534, %get3A_1210 : vector<16xf32>
        %mul3A_1212 = arith.mulf %sub3A_1211, %sub3A_1211 : vector<16xf32>
        %add3A_1213 = arith.addf %add3A_1018, %mul3A_1212 : vector<16xf32>
        %mul3A_1214 = arith.constant 16 : i32
        %mul3A_1215 = arith.muli %scan3A_519, %mul3A_1214 : i32
        %add3A_1216 = arith.constant 6 : i32
        %add3A_1217 = arith.addi %mul3A_1215, %add3A_1216 : i32
        %get3A_1218 = arith.constant 1 : i32
        %get3A_1219 = arith.index_cast %get3A_1218 : i32 to index
        %get3A_1220 = arith.index_cast %add3A_1217 : i32 to index
        %get3A_1221 = arith.constant 48 : index
        %get3A_1222 = tpu.vector_load %arg8[%get3A_1219, %get3A_1220, %get3A_1221] {strides = array<i32>} : memref<2x256x128xf32, #tpu.memory_space<vmem>>, vector<16xf32>,
        %sub3A_1223 = arith.subf %get3A_534, %get3A_1222 : vector<16xf32>
        %mul3A_1224 = arith.mulf %sub3A_1223, %sub3A_1223 : vector<16xf32>
        %add3A_1225 = arith.addf %add3A_1030, %mul3A_1224 : vector<16xf32>
        %mul3A_1226 = arith.constant 16 : i32
        %mul3A_1227 = arith.muli %scan3A_519, %mul3A_1226 : i32
        %add3A_1228 = arith.constant 7 : i32
        %add3A_1229 = arith.addi %mul3A_1227, %add3A_1228 : i32
        %get3A_1230 = arith.constant 1 : i32
        %get3A_1231 = arith.index_cast %get3A_1230 : i32 to index
        %get3A_1232 = arith.index_cast %add3A_1229 : i32 to index
        %get3A_1233 = arith.constant 48 : index
        %get3A_1234 = tpu.vector_load %arg8[%get3A_1231, %get3A_1232, %get3A_1233] {strides = array<i32>} : memref<2x256x128xf32, #tpu.memory_space<vmem>>, vector<16xf32>,
        %sub3A_1235 = arith.subf %get3A_534, %get3A_1234 : vector<16xf32>
        %mul3A_1236 = arith.mulf %sub3A_1235, %sub3A_1235 : vector<16xf32>
        %add3A_1237 = arith.addf %add3A_1042, %mul3A_1236 : vector<16xf32>
        %mul3A_1238 = arith.constant 16 : i32
        %mul3A_1239 = arith.muli %scan3A_519, %mul3A_1238 : i32
        %add3A_1240 = arith.constant 8 : i32
        %add3A_1241 = arith.addi %mul3A_1239, %add3A_1240 : i32
        %get3A_1242 = arith.constant 1 : i32
        %get3A_1243 = arith.index_cast %get3A_1242 : i32 to index
        %get3A_1244 = arith.index_cast %add3A_1241 : i32 to index
        %get3A_1245 = arith.constant 48 : index
        %get3A_1246 = tpu.vector_load %arg8[%get3A_1243, %get3A_1244, %get3A_1245] {strides = array<i32>} : memref<2x256x128xf32, #tpu.memory_space<vmem>>, vector<16xf32>,
        %sub3A_1247 = arith.subf %get3A_534, %get3A_1246 : vector<16xf32>
        %mul3A_1248 = arith.mulf %sub3A_1247, %sub3A_1247 : vector<16xf32>
        %add3A_1249 = arith.addf %add3A_1054, %mul3A_1248 : vector<16xf32>
        %mul3A_1250 = arith.constant 16 : i32
        %mul3A_1251 = arith.muli %scan3A_519, %mul3A_1250 : i32
        %add3A_1252 = arith.constant 9 : i32
        %add3A_1253 = arith.addi %mul3A_1251, %add3A_1252 : i32
        %get3A_1254 = arith.constant 1 : i32
        %get3A_1255 = arith.index_cast %get3A_1254 : i32 to index
        %get3A_1256 = arith.index_cast %add3A_1253 : i32 to index
        %get3A_1257 = arith.constant 48 : index
        %get3A_1258 = tpu.vector_load %arg8[%get3A_1255, %get3A_1256, %get3A_1257] {strides = array<i32>} : memref<2x256x128xf32, #tpu.memory_space<vmem>>, vector<16xf32>,
        %sub3A_1259 = arith.subf %get3A_534, %get3A_1258 : vector<16xf32>
        %mul3A_1260 = arith.mulf %sub3A_1259, %sub3A_1259 : vector<16xf32>
        %add3A_1261 = arith.addf %add3A_1066, %mul3A_1260 : vector<16xf32>
        %mul3A_1262 = arith.constant 16 : i32
        %mul3A_1263 = arith.muli %scan3A_519, %mul3A_1262 : i32
        %add3A_1264 = arith.constant 10 : i32
        %add3A_1265 = arith.addi %mul3A_1263, %add3A_1264 : i32
        %get3A_1266 = arith.constant 1 : i32
        %get3A_1267 = arith.index_cast %get3A_1266 : i32 to index
        %get3A_1268 = arith.index_cast %add3A_1265 : i32 to index
        %get3A_1269 = arith.constant 48 : index
        %get3A_1270 = tpu.vector_load %arg8[%get3A_1267, %get3A_1268, %get3A_1269] {strides = array<i32>} : memref<2x256x128xf32, #tpu.memory_space<vmem>>, vector<16xf32>,
        %sub3A_1271 = arith.subf %get3A_534, %get3A_1270 : vector<16xf32>
        %mul3A_1272 = arith.mulf %sub3A_1271, %sub3A_1271 : vector<16xf32>
        %add3A_1273 = arith.addf %add3A_1078, %mul3A_1272 : vector<16xf32>
        %mul3A_1274 = arith.constant 16 : i32
        %mul3A_1275 = arith.muli %scan3A_519, %mul3A_1274 : i32
        %add3A_1276 = arith.constant 11 : i32
        %add3A_1277 = arith.addi %mul3A_1275, %add3A_1276 : i32
        %get3A_1278 = arith.constant 1 : i32
        %get3A_1279 = arith.index_cast %get3A_1278 : i32 to index
        %get3A_1280 = arith.index_cast %add3A_1277 : i32 to index
        %get3A_1281 = arith.constant 48 : index
        %get3A_1282 = tpu.vector_load %arg8[%get3A_1279, %get3A_1280, %get3A_1281] {strides = array<i32>} : memref<2x256x128xf32, #tpu.memory_space<vmem>>, vector<16xf32>,
        %sub3A_1283 = arith.subf %get3A_534, %get3A_1282 : vector<16xf32>
        %mul3A_1284 = arith.mulf %sub3A_1283, %sub3A_1283 : vector<16xf32>
        %add3A_1285 = arith.addf %add3A_1090, %mul3A_1284 : vector<16xf32>
        %mul3A_1286 = arith.constant 16 : i32
        %mul3A_1287 = arith.muli %scan3A_519, %mul3A_1286 : i32
        %add3A_1288 = arith.constant 12 : i32
        %add3A_1289 = arith.addi %mul3A_1287, %add3A_1288 : i32
        %get3A_1290 = arith.constant 1 : i32
        %get3A_1291 = arith.index_cast %get3A_1290 : i32 to index
        %get3A_1292 = arith.index_cast %add3A_1289 : i32 to index
        %get3A_1293 = arith.constant 48 : index
        %get3A_1294 = tpu.vector_load %arg8[%get3A_1291, %get3A_1292, %get3A_1293] {strides = array<i32>} : memref<2x256x128xf32, #tpu.memory_space<vmem>>, vector<16xf32>,
        %sub3A_1295 = arith.subf %get3A_534, %get3A_1294 : vector<16xf32>
        %mul3A_1296 = arith.mulf %sub3A_1295, %sub3A_1295 : vector<16xf32>
        %add3A_1297 = arith.addf %add3A_1102, %mul3A_1296 : vector<16xf32>
        %mul3A_1298 = arith.constant 16 : i32
        %mul3A_1299 = arith.muli %scan3A_519, %mul3A_1298 : i32
        %add3A_1300 = arith.constant 13 : i32
        %add3A_1301 = arith.addi %mul3A_1299, %add3A_1300 : i32
        %get3A_1302 = arith.constant 1 : i32
        %get3A_1303 = arith.index_cast %get3A_1302 : i32 to index
        %get3A_1304 = arith.index_cast %add3A_1301 : i32 to index
        %get3A_1305 = arith.constant 48 : index
        %get3A_1306 = tpu.vector_load %arg8[%get3A_1303, %get3A_1304, %get3A_1305] {strides = array<i32>} : memref<2x256x128xf32, #tpu.memory_space<vmem>>, vector<16xf32>,
        %sub3A_1307 = arith.subf %get3A_534, %get3A_1306 : vector<16xf32>
        %mul3A_1308 = arith.mulf %sub3A_1307, %sub3A_1307 : vector<16xf32>
        %add3A_1309 = arith.addf %add3A_1114, %mul3A_1308 : vector<16xf32>
        %mul3A_1310 = arith.constant 16 : i32
        %mul3A_1311 = arith.muli %scan3A_519, %mul3A_1310 : i32
        %add3A_1312 = arith.constant 14 : i32
        %add3A_1313 = arith.addi %mul3A_1311, %add3A_1312 : i32
        %get3A_1314 = arith.constant 1 : i32
        %get3A_1315 = arith.index_cast %get3A_1314 : i32 to index
        %get3A_1316 = arith.index_cast %add3A_1313 : i32 to index
        %get3A_1317 = arith.constant 48 : index
        %get3A_1318 = tpu.vector_load %arg8[%get3A_1315, %get3A_1316, %get3A_1317] {strides = array<i32>} : memref<2x256x128xf32, #tpu.memory_space<vmem>>, vector<16xf32>,
        %sub3A_1319 = arith.subf %get3A_534, %get3A_1318 : vector<16xf32>
        %mul3A_1320 = arith.mulf %sub3A_1319, %sub3A_1319 : vector<16xf32>
        %add3A_1321 = arith.addf %add3A_1126, %mul3A_1320 : vector<16xf32>
        %mul3A_1322 = arith.constant 16 : i32
        %mul3A_1323 = arith.muli %scan3A_519, %mul3A_1322 : i32
        %add3A_1324 = arith.constant 15 : i32
        %add3A_1325 = arith.addi %mul3A_1323, %add3A_1324 : i32
        %get3A_1326 = arith.constant 1 : i32
        %get3A_1327 = arith.index_cast %get3A_1326 : i32 to index
        %get3A_1328 = arith.index_cast %add3A_1325 : i32 to index
        %get3A_1329 = arith.constant 48 : index
        %get3A_1330 = tpu.vector_load %arg8[%get3A_1327, %get3A_1328, %get3A_1329] {strides = array<i32>} : memref<2x256x128xf32, #tpu.memory_space<vmem>>, vector<16xf32>,
        %sub3A_1331 = arith.subf %get3A_534, %get3A_1330 : vector<16xf32>
        %mul3A_1332 = arith.mulf %sub3A_1331, %sub3A_1331 : vector<16xf32>
        %add3A_1333 = arith.addf %add3A_1138, %mul3A_1332 : vector<16xf32>
        %sub3A_1334 = arith.subf %get3A_537, %get3A_561 : vector<16xf32>
        %mul3A_1335 = arith.mulf %sub3A_1334, %sub3A_1334 : vector<16xf32>
        %add3A_1336 = arith.addf %add3A_1141, %mul3A_1335 : vector<16xf32>
        %mul3A_1337 = arith.constant 16 : i32
        %mul3A_1338 = arith.muli %scan3A_519, %mul3A_1337 : i32
        %add3A_1339 = arith.constant 0 : i32
        %add3A_1340 = arith.addi %mul3A_1338, %add3A_1339 : i32
        %get3A_1341 = arith.constant 1 : i32
        %get3A_1342 = arith.index_cast %get3A_1341 : i32 to index
        %get3A_1343 = arith.index_cast %add3A_1340 : i32 to index
        %get3A_1344 = arith.constant 64 : index
        %get3A_1345 = tpu.vector_load %arg8[%get3A_1342, %get3A_1343, %get3A_1344] {strides = array<i32>} : memref<2x256x128xf32, #tpu.memory_space<vmem>>, vector<16xf32>,
        %sub3A_1346 = arith.subf %get3A_537, %get3A_1345 : vector<16xf32>
        %mul3A_1347 = arith.mulf %sub3A_1346, %sub3A_1346 : vector<16xf32>
        %add3A_1348 = arith.addf %add3A_1153, %mul3A_1347 : vector<16xf32>
        %mul3A_1349 = arith.constant 16 : i32
        %mul3A_1350 = arith.muli %scan3A_519, %mul3A_1349 : i32
        %add3A_1351 = arith.constant 1 : i32
        %add3A_1352 = arith.addi %mul3A_1350, %add3A_1351 : i32
        %get3A_1353 = arith.constant 1 : i32
        %get3A_1354 = arith.index_cast %get3A_1353 : i32 to index
        %get3A_1355 = arith.index_cast %add3A_1352 : i32 to index
        %get3A_1356 = arith.constant 64 : index
        %get3A_1357 = tpu.vector_load %arg8[%get3A_1354, %get3A_1355, %get3A_1356] {strides = array<i32>} : memref<2x256x128xf32, #tpu.memory_space<vmem>>, vector<16xf32>,
        %sub3A_1358 = arith.subf %get3A_537, %get3A_1357 : vector<16xf32>
        %mul3A_1359 = arith.mulf %sub3A_1358, %sub3A_1358 : vector<16xf32>
        %add3A_1360 = arith.addf %add3A_1165, %mul3A_1359 : vector<16xf32>
        %mul3A_1361 = arith.constant 16 : i32
        %mul3A_1362 = arith.muli %scan3A_519, %mul3A_1361 : i32
        %add3A_1363 = arith.constant 2 : i32
        %add3A_1364 = arith.addi %mul3A_1362, %add3A_1363 : i32
        %get3A_1365 = arith.constant 1 : i32
        %get3A_1366 = arith.index_cast %get3A_1365 : i32 to index
        %get3A_1367 = arith.index_cast %add3A_1364 : i32 to index
        %get3A_1368 = arith.constant 64 : index
        %get3A_1369 = tpu.vector_load %arg8[%get3A_1366, %get3A_1367, %get3A_1368] {strides = array<i32>} : memref<2x256x128xf32, #tpu.memory_space<vmem>>, vector<16xf32>,
        %sub3A_1370 = arith.subf %get3A_537, %get3A_1369 : vector<16xf32>
        %mul3A_1371 = arith.mulf %sub3A_1370, %sub3A_1370 : vector<16xf32>
        %add3A_1372 = arith.addf %add3A_1177, %mul3A_1371 : vector<16xf32>
        %mul3A_1373 = arith.constant 16 : i32
        %mul3A_1374 = arith.muli %scan3A_519, %mul3A_1373 : i32
        %add3A_1375 = arith.constant 3 : i32
        %add3A_1376 = arith.addi %mul3A_1374, %add3A_1375 : i32
        %get3A_1377 = arith.constant 1 : i32
        %get3A_1378 = arith.index_cast %get3A_1377 : i32 to index
        %get3A_1379 = arith.index_cast %add3A_1376 : i32 to index
        %get3A_1380 = arith.constant 64 : index
        %get3A_1381 = tpu.vector_load %arg8[%get3A_1378, %get3A_1379, %get3A_1380] {strides = array<i32>} : memref<2x256x128xf32, #tpu.memory_space<vmem>>, vector<16xf32>,
        %sub3A_1382 = arith.subf %get3A_537, %get3A_1381 : vector<16xf32>
        %mul3A_1383 = arith.mulf %sub3A_1382, %sub3A_1382 : vector<16xf32>
        %add3A_1384 = arith.addf %add3A_1189, %mul3A_1383 : vector<16xf32>
        %mul3A_1385 = arith.constant 16 : i32
        %mul3A_1386 = arith.muli %scan3A_519, %mul3A_1385 : i32
        %add3A_1387 = arith.constant 4 : i32
        %add3A_1388 = arith.addi %mul3A_1386, %add3A_1387 : i32
        %get3A_1389 = arith.constant 1 : i32
        %get3A_1390 = arith.index_cast %get3A_1389 : i32 to index
        %get3A_1391 = arith.index_cast %add3A_1388 : i32 to index
        %get3A_1392 = arith.constant 64 : index
        %get3A_1393 = tpu.vector_load %arg8[%get3A_1390, %get3A_1391, %get3A_1392] {strides = array<i32>} : memref<2x256x128xf32, #tpu.memory_space<vmem>>, vector<16xf32>,
        %sub3A_1394 = arith.subf %get3A_537, %get3A_1393 : vector<16xf32>
        %mul3A_1395 = arith.mulf %sub3A_1394, %sub3A_1394 : vector<16xf32>
        %add3A_1396 = arith.addf %add3A_1201, %mul3A_1395 : vector<16xf32>
        %mul3A_1397 = arith.constant 16 : i32
        %mul3A_1398 = arith.muli %scan3A_519, %mul3A_1397 : i32
        %add3A_1399 = arith.constant 5 : i32
        %add3A_1400 = arith.addi %mul3A_1398, %add3A_1399 : i32
        %get3A_1401 = arith.constant 1 : i32
        %get3A_1402 = arith.index_cast %get3A_1401 : i32 to index
        %get3A_1403 = arith.index_cast %add3A_1400 : i32 to index
        %get3A_1404 = arith.constant 64 : index
        %get3A_1405 = tpu.vector_load %arg8[%get3A_1402, %get3A_1403, %get3A_1404] {strides = array<i32>} : memref<2x256x128xf32, #tpu.memory_space<vmem>>, vector<16xf32>,
        %sub3A_1406 = arith.subf %get3A_537, %get3A_1405 : vector<16xf32>
        %mul3A_1407 = arith.mulf %sub3A_1406, %sub3A_1406 : vector<16xf32>
        %add3A_1408 = arith.addf %add3A_1213, %mul3A_1407 : vector<16xf32>
        %mul3A_1409 = arith.constant 16 : i32
        %mul3A_1410 = arith.muli %scan3A_519, %mul3A_1409 : i32
        %add3A_1411 = arith.constant 6 : i32
        %add3A_1412 = arith.addi %mul3A_1410, %add3A_1411 : i32
        %get3A_1413 = arith.constant 1 : i32
        %get3A_1414 = arith.index_cast %get3A_1413 : i32 to index
        %get3A_1415 = arith.index_cast %add3A_1412 : i32 to index
        %get3A_1416 = arith.constant 64 : index
        %get3A_1417 = tpu.vector_load %arg8[%get3A_1414, %get3A_1415, %get3A_1416] {strides = array<i32>} : memref<2x256x128xf32, #tpu.memory_space<vmem>>, vector<16xf32>,
        %sub3A_1418 = arith.subf %get3A_537, %get3A_1417 : vector<16xf32>
        %mul3A_1419 = arith.mulf %sub3A_1418, %sub3A_1418 : vector<16xf32>
        %add3A_1420 = arith.addf %add3A_1225, %mul3A_1419 : vector<16xf32>
        %mul3A_1421 = arith.constant 16 : i32
        %mul3A_1422 = arith.muli %scan3A_519, %mul3A_1421 : i32
        %add3A_1423 = arith.constant 7 : i32
        %add3A_1424 = arith.addi %mul3A_1422, %add3A_1423 : i32
        %get3A_1425 = arith.constant 1 : i32
        %get3A_1426 = arith.index_cast %get3A_1425 : i32 to index
        %get3A_1427 = arith.index_cast %add3A_1424 : i32 to index
        %get3A_1428 = arith.constant 64 : index
        %get3A_1429 = tpu.vector_load %arg8[%get3A_1426, %get3A_1427, %get3A_1428] {strides = array<i32>} : memref<2x256x128xf32, #tpu.memory_space<vmem>>, vector<16xf32>,
        %sub3A_1430 = arith.subf %get3A_537, %get3A_1429 : vector<16xf32>
        %mul3A_1431 = arith.mulf %sub3A_1430, %sub3A_1430 : vector<16xf32>
        %add3A_1432 = arith.addf %add3A_1237, %mul3A_1431 : vector<16xf32>
        %mul3A_1433 = arith.constant 16 : i32
        %mul3A_1434 = arith.muli %scan3A_519, %mul3A_1433 : i32
        %add3A_1435 = arith.constant 8 : i32
        %add3A_1436 = arith.addi %mul3A_1434, %add3A_1435 : i32
        %get3A_1437 = arith.constant 1 : i32
        %get3A_1438 = arith.index_cast %get3A_1437 : i32 to index
        %get3A_1439 = arith.index_cast %add3A_1436 : i32 to index
        %get3A_1440 = arith.constant 64 : index
        %get3A_1441 = tpu.vector_load %arg8[%get3A_1438, %get3A_1439, %get3A_1440] {strides = array<i32>} : memref<2x256x128xf32, #tpu.memory_space<vmem>>, vector<16xf32>,
        %sub3A_1442 = arith.subf %get3A_537, %get3A_1441 : vector<16xf32>
        %mul3A_1443 = arith.mulf %sub3A_1442, %sub3A_1442 : vector<16xf32>
        %add3A_1444 = arith.addf %add3A_1249, %mul3A_1443 : vector<16xf32>
        %mul3A_1445 = arith.constant 16 : i32
        %mul3A_1446 = arith.muli %scan3A_519, %mul3A_1445 : i32
        %add3A_1447 = arith.constant 9 : i32
        %add3A_1448 = arith.addi %mul3A_1446, %add3A_1447 : i32
        %get3A_1449 = arith.constant 1 : i32
        %get3A_1450 = arith.index_cast %get3A_1449 : i32 to index
        %get3A_1451 = arith.index_cast %add3A_1448 : i32 to index
        %get3A_1452 = arith.constant 64 : index
        %get3A_1453 = tpu.vector_load %arg8[%get3A_1450, %get3A_1451, %get3A_1452] {strides = array<i32>} : memref<2x256x128xf32, #tpu.memory_space<vmem>>, vector<16xf32>,
        %sub3A_1454 = arith.subf %get3A_537, %get3A_1453 : vector<16xf32>
        %mul3A_1455 = arith.mulf %sub3A_1454, %sub3A_1454 : vector<16xf32>
        %add3A_1456 = arith.addf %add3A_1261, %mul3A_1455 : vector<16xf32>
        %mul3A_1457 = arith.constant 16 : i32
        %mul3A_1458 = arith.muli %scan3A_519, %mul3A_1457 : i32
        %add3A_1459 = arith.constant 10 : i32
        %add3A_1460 = arith.addi %mul3A_1458, %add3A_1459 : i32
        %get3A_1461 = arith.constant 1 : i32
        %get3A_1462 = arith.index_cast %get3A_1461 : i32 to index
        %get3A_1463 = arith.index_cast %add3A_1460 : i32 to index
        %get3A_1464 = arith.constant 64 : index
        %get3A_1465 = tpu.vector_load %arg8[%get3A_1462, %get3A_1463, %get3A_1464] {strides = array<i32>} : memref<2x256x128xf32, #tpu.memory_space<vmem>>, vector<16xf32>,
        %sub3A_1466 = arith.subf %get3A_537, %get3A_1465 : vector<16xf32>
        %mul3A_1467 = arith.mulf %sub3A_1466, %sub3A_1466 : vector<16xf32>
        %add3A_1468 = arith.addf %add3A_1273, %mul3A_1467 : vector<16xf32>
        %mul3A_1469 = arith.constant 16 : i32
        %mul3A_1470 = arith.muli %scan3A_519, %mul3A_1469 : i32
        %add3A_1471 = arith.constant 11 : i32
        %add3A_1472 = arith.addi %mul3A_1470, %add3A_1471 : i32
        %get3A_1473 = arith.constant 1 : i32
        %get3A_1474 = arith.index_cast %get3A_1473 : i32 to index
        %get3A_1475 = arith.index_cast %add3A_1472 : i32 to index
        %get3A_1476 = arith.constant 64 : index
        %get3A_1477 = tpu.vector_load %arg8[%get3A_1474, %get3A_1475, %get3A_1476] {strides = array<i32>} : memref<2x256x128xf32, #tpu.memory_space<vmem>>, vector<16xf32>,
        %sub3A_1478 = arith.subf %get3A_537, %get3A_1477 : vector<16xf32>
        %mul3A_1479 = arith.mulf %sub3A_1478, %sub3A_1478 : vector<16xf32>
        %add3A_1480 = arith.addf %add3A_1285, %mul3A_1479 : vector<16xf32>
        %mul3A_1481 = arith.constant 16 : i32
        %mul3A_1482 = arith.muli %scan3A_519, %mul3A_1481 : i32
        %add3A_1483 = arith.constant 12 : i32
        %add3A_1484 = arith.addi %mul3A_1482, %add3A_1483 : i32
        %get3A_1485 = arith.constant 1 : i32
        %get3A_1486 = arith.index_cast %get3A_1485 : i32 to index
        %get3A_1487 = arith.index_cast %add3A_1484 : i32 to index
        %get3A_1488 = arith.constant 64 : index
        %get3A_1489 = tpu.vector_load %arg8[%get3A_1486, %get3A_1487, %get3A_1488] {strides = array<i32>} : memref<2x256x128xf32, #tpu.memory_space<vmem>>, vector<16xf32>,
        %sub3A_1490 = arith.subf %get3A_537, %get3A_1489 : vector<16xf32>
        %mul3A_1491 = arith.mulf %sub3A_1490, %sub3A_1490 : vector<16xf32>
        %add3A_1492 = arith.addf %add3A_1297, %mul3A_1491 : vector<16xf32>
        %mul3A_1493 = arith.constant 16 : i32
        %mul3A_1494 = arith.muli %scan3A_519, %mul3A_1493 : i32
        %add3A_1495 = arith.constant 13 : i32
        %add3A_1496 = arith.addi %mul3A_1494, %add3A_1495 : i32
        %get3A_1497 = arith.constant 1 : i32
        %get3A_1498 = arith.index_cast %get3A_1497 : i32 to index
        %get3A_1499 = arith.index_cast %add3A_1496 : i32 to index
        %get3A_1500 = arith.constant 64 : index
        %get3A_1501 = tpu.vector_load %arg8[%get3A_1498, %get3A_1499, %get3A_1500] {strides = array<i32>} : memref<2x256x128xf32, #tpu.memory_space<vmem>>, vector<16xf32>,
        %sub3A_1502 = arith.subf %get3A_537, %get3A_1501 : vector<16xf32>
        %mul3A_1503 = arith.mulf %sub3A_1502, %sub3A_1502 : vector<16xf32>
        %add3A_1504 = arith.addf %add3A_1309, %mul3A_1503 : vector<16xf32>
        %mul3A_1505 = arith.constant 16 : i32
        %mul3A_1506 = arith.muli %scan3A_519, %mul3A_1505 : i32
        %add3A_1507 = arith.constant 14 : i32
        %add3A_1508 = arith.addi %mul3A_1506, %add3A_1507 : i32
        %get3A_1509 = arith.constant 1 : i32
        %get3A_1510 = arith.index_cast %get3A_1509 : i32 to index
        %get3A_1511 = arith.index_cast %add3A_1508 : i32 to index
        %get3A_1512 = arith.constant 64 : index
        %get3A_1513 = tpu.vector_load %arg8[%get3A_1510, %get3A_1511, %get3A_1512] {strides = array<i32>} : memref<2x256x128xf32, #tpu.memory_space<vmem>>, vector<16xf32>,
        %sub3A_1514 = arith.subf %get3A_537, %get3A_1513 : vector<16xf32>
        %mul3A_1515 = arith.mulf %sub3A_1514, %sub3A_1514 : vector<16xf32>
        %add3A_1516 = arith.addf %add3A_1321, %mul3A_1515 : vector<16xf32>
        %mul3A_1517 = arith.constant 16 : i32
        %mul3A_1518 = arith.muli %scan3A_519, %mul3A_1517 : i32
        %add3A_1519 = arith.constant 15 : i32
        %add3A_1520 = arith.addi %mul3A_1518, %add3A_1519 : i32
        %get3A_1521 = arith.constant 1 : i32
        %get3A_1522 = arith.index_cast %get3A_1521 : i32 to index
        %get3A_1523 = arith.index_cast %add3A_1520 : i32 to index
        %get3A_1524 = arith.constant 64 : index
        %get3A_1525 = tpu.vector_load %arg8[%get3A_1522, %get3A_1523, %get3A_1524] {strides = array<i32>} : memref<2x256x128xf32, #tpu.memory_space<vmem>>, vector<16xf32>,
        %sub3A_1526 = arith.subf %get3A_537, %get3A_1525 : vector<16xf32>
        %mul3A_1527 = arith.mulf %sub3A_1526, %sub3A_1526 : vector<16xf32>
        %add3A_1528 = arith.addf %add3A_1333, %mul3A_1527 : vector<16xf32>
        %sub3A_1529 = arith.subf %get3A_540, %get3A_564 : vector<16xf32>
        %mul3A_1530 = arith.mulf %sub3A_1529, %sub3A_1529 : vector<16xf32>
        %add3A_1531 = arith.addf %add3A_1336, %mul3A_1530 : vector<16xf32>
        %mul3A_1532 = arith.constant 16 : i32
        %mul3A_1533 = arith.muli %scan3A_519, %mul3A_1532 : i32
        %add3A_1534 = arith.constant 0 : i32
        %add3A_1535 = arith.addi %mul3A_1533, %add3A_1534 : i32
        %get3A_1536 = arith.constant 1 : i32
        %get3A_1537 = arith.index_cast %get3A_1536 : i32 to index
        %get3A_1538 = arith.index_cast %add3A_1535 : i32 to index
        %get3A_1539 = arith.constant 80 : index
        %get3A_1540 = tpu.vector_load %arg8[%get3A_1537, %get3A_1538, %get3A_1539] {strides = array<i32>} : memref<2x256x128xf32, #tpu.memory_space<vmem>>, vector<16xf32>,
        %sub3A_1541 = arith.subf %get3A_540, %get3A_1540 : vector<16xf32>
        %mul3A_1542 = arith.mulf %sub3A_1541, %sub3A_1541 : vector<16xf32>
        %add3A_1543 = arith.addf %add3A_1348, %mul3A_1542 : vector<16xf32>
        %mul3A_1544 = arith.constant 16 : i32
        %mul3A_1545 = arith.muli %scan3A_519, %mul3A_1544 : i32
        %add3A_1546 = arith.constant 1 : i32
        %add3A_1547 = arith.addi %mul3A_1545, %add3A_1546 : i32
        %get3A_1548 = arith.constant 1 : i32
        %get3A_1549 = arith.index_cast %get3A_1548 : i32 to index
        %get3A_1550 = arith.index_cast %add3A_1547 : i32 to index
        %get3A_1551 = arith.constant 80 : index
        %get3A_1552 = tpu.vector_load %arg8[%get3A_1549, %get3A_1550, %get3A_1551] {strides = array<i32>} : memref<2x256x128xf32, #tpu.memory_space<vmem>>, vector<16xf32>,
        %sub3A_1553 = arith.subf %get3A_540, %get3A_1552 : vector<16xf32>
        %mul3A_1554 = arith.mulf %sub3A_1553, %sub3A_1553 : vector<16xf32>
        %add3A_1555 = arith.addf %add3A_1360, %mul3A_1554 : vector<16xf32>
        %mul3A_1556 = arith.constant 16 : i32
        %mul3A_1557 = arith.muli %scan3A_519, %mul3A_1556 : i32
        %add3A_1558 = arith.constant 2 : i32
        %add3A_1559 = arith.addi %mul3A_1557, %add3A_1558 : i32
        %get3A_1560 = arith.constant 1 : i32
        %get3A_1561 = arith.index_cast %get3A_1560 : i32 to index
        %get3A_1562 = arith.index_cast %add3A_1559 : i32 to index
        %get3A_1563 = arith.constant 80 : index
        %get3A_1564 = tpu.vector_load %arg8[%get3A_1561, %get3A_1562, %get3A_1563] {strides = array<i32>} : memref<2x256x128xf32, #tpu.memory_space<vmem>>, vector<16xf32>,
        %sub3A_1565 = arith.subf %get3A_540, %get3A_1564 : vector<16xf32>
        %mul3A_1566 = arith.mulf %sub3A_1565, %sub3A_1565 : vector<16xf32>
        %add3A_1567 = arith.addf %add3A_1372, %mul3A_1566 : vector<16xf32>
        %mul3A_1568 = arith.constant 16 : i32
        %mul3A_1569 = arith.muli %scan3A_519, %mul3A_1568 : i32
        %add3A_1570 = arith.constant 3 : i32
        %add3A_1571 = arith.addi %mul3A_1569, %add3A_1570 : i32
        %get3A_1572 = arith.constant 1 : i32
        %get3A_1573 = arith.index_cast %get3A_1572 : i32 to index
        %get3A_1574 = arith.index_cast %add3A_1571 : i32 to index
        %get3A_1575 = arith.constant 80 : index
        %get3A_1576 = tpu.vector_load %arg8[%get3A_1573, %get3A_1574, %get3A_1575] {strides = array<i32>} : memref<2x256x128xf32, #tpu.memory_space<vmem>>, vector<16xf32>,
        %sub3A_1577 = arith.subf %get3A_540, %get3A_1576 : vector<16xf32>
        %mul3A_1578 = arith.mulf %sub3A_1577, %sub3A_1577 : vector<16xf32>
        %add3A_1579 = arith.addf %add3A_1384, %mul3A_1578 : vector<16xf32>
        %mul3A_1580 = arith.constant 16 : i32
        %mul3A_1581 = arith.muli %scan3A_519, %mul3A_1580 : i32
        %add3A_1582 = arith.constant 4 : i32
        %add3A_1583 = arith.addi %mul3A_1581, %add3A_1582 : i32
        %get3A_1584 = arith.constant 1 : i32
        %get3A_1585 = arith.index_cast %get3A_1584 : i32 to index
        %get3A_1586 = arith.index_cast %add3A_1583 : i32 to index
        %get3A_1587 = arith.constant 80 : index
        %get3A_1588 = tpu.vector_load %arg8[%get3A_1585, %get3A_1586, %get3A_1587] {strides = array<i32>} : memref<2x256x128xf32, #tpu.memory_space<vmem>>, vector<16xf32>,
        %sub3A_1589 = arith.subf %get3A_540, %get3A_1588 : vector<16xf32>
        %mul3A_1590 = arith.mulf %sub3A_1589, %sub3A_1589 : vector<16xf32>
        %add3A_1591 = arith.addf %add3A_1396, %mul3A_1590 : vector<16xf32>
        %mul3A_1592 = arith.constant 16 : i32
        %mul3A_1593 = arith.muli %scan3A_519, %mul3A_1592 : i32
        %add3A_1594 = arith.constant 5 : i32
        %add3A_1595 = arith.addi %mul3A_1593, %add3A_1594 : i32
        %get3A_1596 = arith.constant 1 : i32
        %get3A_1597 = arith.index_cast %get3A_1596 : i32 to index
        %get3A_1598 = arith.index_cast %add3A_1595 : i32 to index
        %get3A_1599 = arith.constant 80 : index
        %get3A_1600 = tpu.vector_load %arg8[%get3A_1597, %get3A_1598, %get3A_1599] {strides = array<i32>} : memref<2x256x128xf32, #tpu.memory_space<vmem>>, vector<16xf32>,
        %sub3A_1601 = arith.subf %get3A_540, %get3A_1600 : vector<16xf32>
        %mul3A_1602 = arith.mulf %sub3A_1601, %sub3A_1601 : vector<16xf32>
        %add3A_1603 = arith.addf %add3A_1408, %mul3A_1602 : vector<16xf32>
        %mul3A_1604 = arith.constant 16 : i32
        %mul3A_1605 = arith.muli %scan3A_519, %mul3A_1604 : i32
        %add3A_1606 = arith.constant 6 : i32
        %add3A_1607 = arith.addi %mul3A_1605, %add3A_1606 : i32
        %get3A_1608 = arith.constant 1 : i32
        %get3A_1609 = arith.index_cast %get3A_1608 : i32 to index
        %get3A_1610 = arith.index_cast %add3A_1607 : i32 to index
        %get3A_1611 = arith.constant 80 : index
        %get3A_1612 = tpu.vector_load %arg8[%get3A_1609, %get3A_1610, %get3A_1611] {strides = array<i32>} : memref<2x256x128xf32, #tpu.memory_space<vmem>>, vector<16xf32>,
        %sub3A_1613 = arith.subf %get3A_540, %get3A_1612 : vector<16xf32>
        %mul3A_1614 = arith.mulf %sub3A_1613, %sub3A_1613 : vector<16xf32>
        %add3A_1615 = arith.addf %add3A_1420, %mul3A_1614 : vector<16xf32>
        %mul3A_1616 = arith.constant 16 : i32
        %mul3A_1617 = arith.muli %scan3A_519, %mul3A_1616 : i32
        %add3A_1618 = arith.constant 7 : i32
        %add3A_1619 = arith.addi %mul3A_1617, %add3A_1618 : i32
        %get3A_1620 = arith.constant 1 : i32
        %get3A_1621 = arith.index_cast %get3A_1620 : i32 to index
        %get3A_1622 = arith.index_cast %add3A_1619 : i32 to index
        %get3A_1623 = arith.constant 80 : index
        %get3A_1624 = tpu.vector_load %arg8[%get3A_1621, %get3A_1622, %get3A_1623] {strides = array<i32>} : memref<2x256x128xf32, #tpu.memory_space<vmem>>, vector<16xf32>,
        %sub3A_1625 = arith.subf %get3A_540, %get3A_1624 : vector<16xf32>
        %mul3A_1626 = arith.mulf %sub3A_1625, %sub3A_1625 : vector<16xf32>
        %add3A_1627 = arith.addf %add3A_1432, %mul3A_1626 : vector<16xf32>
        %mul3A_1628 = arith.constant 16 : i32
        %mul3A_1629 = arith.muli %scan3A_519, %mul3A_1628 : i32
        %add3A_1630 = arith.constant 8 : i32
        %add3A_1631 = arith.addi %mul3A_1629, %add3A_1630 : i32
        %get3A_1632 = arith.constant 1 : i32
        %get3A_1633 = arith.index_cast %get3A_1632 : i32 to index
        %get3A_1634 = arith.index_cast %add3A_1631 : i32 to index
        %get3A_1635 = arith.constant 80 : index
        %get3A_1636 = tpu.vector_load %arg8[%get3A_1633, %get3A_1634, %get3A_1635] {strides = array<i32>} : memref<2x256x128xf32, #tpu.memory_space<vmem>>, vector<16xf32>,
        %sub3A_1637 = arith.subf %get3A_540, %get3A_1636 : vector<16xf32>
        %mul3A_1638 = arith.mulf %sub3A_1637, %sub3A_1637 : vector<16xf32>
        %add3A_1639 = arith.addf %add3A_1444, %mul3A_1638 : vector<16xf32>
        %mul3A_1640 = arith.constant 16 : i32
        %mul3A_1641 = arith.muli %scan3A_519, %mul3A_1640 : i32
        %add3A_1642 = arith.constant 9 : i32
        %add3A_1643 = arith.addi %mul3A_1641, %add3A_1642 : i32
        %get3A_1644 = arith.constant 1 : i32
        %get3A_1645 = arith.index_cast %get3A_1644 : i32 to index
        %get3A_1646 = arith.index_cast %add3A_1643 : i32 to index
        %get3A_1647 = arith.constant 80 : index
        %get3A_1648 = tpu.vector_load %arg8[%get3A_1645, %get3A_1646, %get3A_1647] {strides = array<i32>} : memref<2x256x128xf32, #tpu.memory_space<vmem>>, vector<16xf32>,
        %sub3A_1649 = arith.subf %get3A_540, %get3A_1648 : vector<16xf32>
        %mul3A_1650 = arith.mulf %sub3A_1649, %sub3A_1649 : vector<16xf32>
        %add3A_1651 = arith.addf %add3A_1456, %mul3A_1650 : vector<16xf32>
        %mul3A_1652 = arith.constant 16 : i32
        %mul3A_1653 = arith.muli %scan3A_519, %mul3A_1652 : i32
        %add3A_1654 = arith.constant 10 : i32
        %add3A_1655 = arith.addi %mul3A_1653, %add3A_1654 : i32
        %get3A_1656 = arith.constant 1 : i32
        %get3A_1657 = arith.index_cast %get3A_1656 : i32 to index
        %get3A_1658 = arith.index_cast %add3A_1655 : i32 to index
        %get3A_1659 = arith.constant 80 : index
        %get3A_1660 = tpu.vector_load %arg8[%get3A_1657, %get3A_1658, %get3A_1659] {strides = array<i32>} : memref<2x256x128xf32, #tpu.memory_space<vmem>>, vector<16xf32>,
        %sub3A_1661 = arith.subf %get3A_540, %get3A_1660 : vector<16xf32>
        %mul3A_1662 = arith.mulf %sub3A_1661, %sub3A_1661 : vector<16xf32>
        %add3A_1663 = arith.addf %add3A_1468, %mul3A_1662 : vector<16xf32>
        %mul3A_1664 = arith.constant 16 : i32
        %mul3A_1665 = arith.muli %scan3A_519, %mul3A_1664 : i32
        %add3A_1666 = arith.constant 11 : i32
        %add3A_1667 = arith.addi %mul3A_1665, %add3A_1666 : i32
        %get3A_1668 = arith.constant 1 : i32
        %get3A_1669 = arith.index_cast %get3A_1668 : i32 to index
        %get3A_1670 = arith.index_cast %add3A_1667 : i32 to index
        %get3A_1671 = arith.constant 80 : index
        %get3A_1672 = tpu.vector_load %arg8[%get3A_1669, %get3A_1670, %get3A_1671] {strides = array<i32>} : memref<2x256x128xf32, #tpu.memory_space<vmem>>, vector<16xf32>,
        %sub3A_1673 = arith.subf %get3A_540, %get3A_1672 : vector<16xf32>
        %mul3A_1674 = arith.mulf %sub3A_1673, %sub3A_1673 : vector<16xf32>
        %add3A_1675 = arith.addf %add3A_1480, %mul3A_1674 : vector<16xf32>
        %mul3A_1676 = arith.constant 16 : i32
        %mul3A_1677 = arith.muli %scan3A_519, %mul3A_1676 : i32
        %add3A_1678 = arith.constant 12 : i32
        %add3A_1679 = arith.addi %mul3A_1677, %add3A_1678 : i32
        %get3A_1680 = arith.constant 1 : i32
        %get3A_1681 = arith.index_cast %get3A_1680 : i32 to index
        %get3A_1682 = arith.index_cast %add3A_1679 : i32 to index
        %get3A_1683 = arith.constant 80 : index
        %get3A_1684 = tpu.vector_load %arg8[%get3A_1681, %get3A_1682, %get3A_1683] {strides = array<i32>} : memref<2x256x128xf32, #tpu.memory_space<vmem>>, vector<16xf32>,
        %sub3A_1685 = arith.subf %get3A_540, %get3A_1684 : vector<16xf32>
        %mul3A_1686 = arith.mulf %sub3A_1685, %sub3A_1685 : vector<16xf32>
        %add3A_1687 = arith.addf %add3A_1492, %mul3A_1686 : vector<16xf32>
        %mul3A_1688 = arith.constant 16 : i32
        %mul3A_1689 = arith.muli %scan3A_519, %mul3A_1688 : i32
        %add3A_1690 = arith.constant 13 : i32
        %add3A_1691 = arith.addi %mul3A_1689, %add3A_1690 : i32
        %get3A_1692 = arith.constant 1 : i32
        %get3A_1693 = arith.index_cast %get3A_1692 : i32 to index
        %get3A_1694 = arith.index_cast %add3A_1691 : i32 to index
        %get3A_1695 = arith.constant 80 : index
        %get3A_1696 = tpu.vector_load %arg8[%get3A_1693, %get3A_1694, %get3A_1695] {strides = array<i32>} : memref<2x256x128xf32, #tpu.memory_space<vmem>>, vector<16xf32>,
        %sub3A_1697 = arith.subf %get3A_540, %get3A_1696 : vector<16xf32>
        %mul3A_1698 = arith.mulf %sub3A_1697, %sub3A_1697 : vector<16xf32>
        %add3A_1699 = arith.addf %add3A_1504, %mul3A_1698 : vector<16xf32>
        %mul3A_1700 = arith.constant 16 : i32
        %mul3A_1701 = arith.muli %scan3A_519, %mul3A_1700 : i32
        %add3A_1702 = arith.constant 14 : i32
        %add3A_1703 = arith.addi %mul3A_1701, %add3A_1702 : i32
        %get3A_1704 = arith.constant 1 : i32
        %get3A_1705 = arith.index_cast %get3A_1704 : i32 to index
        %get3A_1706 = arith.index_cast %add3A_1703 : i32 to index
        %get3A_1707 = arith.constant 80 : index
        %get3A_1708 = tpu.vector_load %arg8[%get3A_1705, %get3A_1706, %get3A_1707] {strides = array<i32>} : memref<2x256x128xf32, #tpu.memory_space<vmem>>, vector<16xf32>,
        %sub3A_1709 = arith.subf %get3A_540, %get3A_1708 : vector<16xf32>
        %mul3A_1710 = arith.mulf %sub3A_1709, %sub3A_1709 : vector<16xf32>
        %add3A_1711 = arith.addf %add3A_1516, %mul3A_1710 : vector<16xf32>
        %mul3A_1712 = arith.constant 16 : i32
        %mul3A_1713 = arith.muli %scan3A_519, %mul3A_1712 : i32
        %add3A_1714 = arith.constant 15 : i32
        %add3A_1715 = arith.addi %mul3A_1713, %add3A_1714 : i32
        %get3A_1716 = arith.constant 1 : i32
        %get3A_1717 = arith.index_cast %get3A_1716 : i32 to index
        %get3A_1718 = arith.index_cast %add3A_1715 : i32 to index
        %get3A_1719 = arith.constant 80 : index
        %get3A_1720 = tpu.vector_load %arg8[%get3A_1717, %get3A_1718, %get3A_1719] {strides = array<i32>} : memref<2x256x128xf32, #tpu.memory_space<vmem>>, vector<16xf32>,
        %sub3A_1721 = arith.subf %get3A_540, %get3A_1720 : vector<16xf32>
        %mul3A_1722 = arith.mulf %sub3A_1721, %sub3A_1721 : vector<16xf32>
        %add3A_1723 = arith.addf %add3A_1528, %mul3A_1722 : vector<16xf32>
        %sub3A_1724 = arith.subf %get3A_543, %get3A_567 : vector<16xf32>
        %mul3A_1725 = arith.mulf %sub3A_1724, %sub3A_1724 : vector<16xf32>
        %add3A_1726 = arith.addf %add3A_1531, %mul3A_1725 : vector<16xf32>
        %mul3A_1727 = arith.constant 16 : i32
        %mul3A_1728 = arith.muli %scan3A_519, %mul3A_1727 : i32
        %add3A_1729 = arith.constant 0 : i32
        %add3A_1730 = arith.addi %mul3A_1728, %add3A_1729 : i32
        %get3A_1731 = arith.constant 1 : i32
        %get3A_1732 = arith.index_cast %get3A_1731 : i32 to index
        %get3A_1733 = arith.index_cast %add3A_1730 : i32 to index
        %get3A_1734 = arith.constant 96 : index
        %get3A_1735 = tpu.vector_load %arg8[%get3A_1732, %get3A_1733, %get3A_1734] {strides = array<i32>} : memref<2x256x128xf32, #tpu.memory_space<vmem>>, vector<16xf32>,
        %sub3A_1736 = arith.subf %get3A_543, %get3A_1735 : vector<16xf32>
        %mul3A_1737 = arith.mulf %sub3A_1736, %sub3A_1736 : vector<16xf32>
        %add3A_1738 = arith.addf %add3A_1543, %mul3A_1737 : vector<16xf32>
        %mul3A_1739 = arith.constant 16 : i32
        %mul3A_1740 = arith.muli %scan3A_519, %mul3A_1739 : i32
        %add3A_1741 = arith.constant 1 : i32
        %add3A_1742 = arith.addi %mul3A_1740, %add3A_1741 : i32
        %get3A_1743 = arith.constant 1 : i32
        %get3A_1744 = arith.index_cast %get3A_1743 : i32 to index
        %get3A_1745 = arith.index_cast %add3A_1742 : i32 to index
        %get3A_1746 = arith.constant 96 : index
        %get3A_1747 = tpu.vector_load %arg8[%get3A_1744, %get3A_1745, %get3A_1746] {strides = array<i32>} : memref<2x256x128xf32, #tpu.memory_space<vmem>>, vector<16xf32>,
        %sub3A_1748 = arith.subf %get3A_543, %get3A_1747 : vector<16xf32>
        %mul3A_1749 = arith.mulf %sub3A_1748, %sub3A_1748 : vector<16xf32>
        %add3A_1750 = arith.addf %add3A_1555, %mul3A_1749 : vector<16xf32>
        %mul3A_1751 = arith.constant 16 : i32
        %mul3A_1752 = arith.muli %scan3A_519, %mul3A_1751 : i32
        %add3A_1753 = arith.constant 2 : i32
        %add3A_1754 = arith.addi %mul3A_1752, %add3A_1753 : i32
        %get3A_1755 = arith.constant 1 : i32
        %get3A_1756 = arith.index_cast %get3A_1755 : i32 to index
        %get3A_1757 = arith.index_cast %add3A_1754 : i32 to index
        %get3A_1758 = arith.constant 96 : index
        %get3A_1759 = tpu.vector_load %arg8[%get3A_1756, %get3A_1757, %get3A_1758] {strides = array<i32>} : memref<2x256x128xf32, #tpu.memory_space<vmem>>, vector<16xf32>,
        %sub3A_1760 = arith.subf %get3A_543, %get3A_1759 : vector<16xf32>
        %mul3A_1761 = arith.mulf %sub3A_1760, %sub3A_1760 : vector<16xf32>
        %add3A_1762 = arith.addf %add3A_1567, %mul3A_1761 : vector<16xf32>
        %mul3A_1763 = arith.constant 16 : i32
        %mul3A_1764 = arith.muli %scan3A_519, %mul3A_1763 : i32
        %add3A_1765 = arith.constant 3 : i32
        %add3A_1766 = arith.addi %mul3A_1764, %add3A_1765 : i32
        %get3A_1767 = arith.constant 1 : i32
        %get3A_1768 = arith.index_cast %get3A_1767 : i32 to index
        %get3A_1769 = arith.index_cast %add3A_1766 : i32 to index
        %get3A_1770 = arith.constant 96 : index
        %get3A_1771 = tpu.vector_load %arg8[%get3A_1768, %get3A_1769, %get3A_1770] {strides = array<i32>} : memref<2x256x128xf32, #tpu.memory_space<vmem>>, vector<16xf32>,
        %sub3A_1772 = arith.subf %get3A_543, %get3A_1771 : vector<16xf32>
        %mul3A_1773 = arith.mulf %sub3A_1772, %sub3A_1772 : vector<16xf32>
        %add3A_1774 = arith.addf %add3A_1579, %mul3A_1773 : vector<16xf32>
        %mul3A_1775 = arith.constant 16 : i32
        %mul3A_1776 = arith.muli %scan3A_519, %mul3A_1775 : i32
        %add3A_1777 = arith.constant 4 : i32
        %add3A_1778 = arith.addi %mul3A_1776, %add3A_1777 : i32
        %get3A_1779 = arith.constant 1 : i32
        %get3A_1780 = arith.index_cast %get3A_1779 : i32 to index
        %get3A_1781 = arith.index_cast %add3A_1778 : i32 to index
        %get3A_1782 = arith.constant 96 : index
        %get3A_1783 = tpu.vector_load %arg8[%get3A_1780, %get3A_1781, %get3A_1782] {strides = array<i32>} : memref<2x256x128xf32, #tpu.memory_space<vmem>>, vector<16xf32>,
        %sub3A_1784 = arith.subf %get3A_543, %get3A_1783 : vector<16xf32>
        %mul3A_1785 = arith.mulf %sub3A_1784, %sub3A_1784 : vector<16xf32>
        %add3A_1786 = arith.addf %add3A_1591, %mul3A_1785 : vector<16xf32>
        %mul3A_1787 = arith.constant 16 : i32
        %mul3A_1788 = arith.muli %scan3A_519, %mul3A_1787 : i32
        %add3A_1789 = arith.constant 5 : i32
        %add3A_1790 = arith.addi %mul3A_1788, %add3A_1789 : i32
        %get3A_1791 = arith.constant 1 : i32
        %get3A_1792 = arith.index_cast %get3A_1791 : i32 to index
        %get3A_1793 = arith.index_cast %add3A_1790 : i32 to index
        %get3A_1794 = arith.constant 96 : index
        %get3A_1795 = tpu.vector_load %arg8[%get3A_1792, %get3A_1793, %get3A_1794] {strides = array<i32>} : memref<2x256x128xf32, #tpu.memory_space<vmem>>, vector<16xf32>,
        %sub3A_1796 = arith.subf %get3A_543, %get3A_1795 : vector<16xf32>
        %mul3A_1797 = arith.mulf %sub3A_1796, %sub3A_1796 : vector<16xf32>
        %add3A_1798 = arith.addf %add3A_1603, %mul3A_1797 : vector<16xf32>
        %mul3A_1799 = arith.constant 16 : i32
        %mul3A_1800 = arith.muli %scan3A_519, %mul3A_1799 : i32
        %add3A_1801 = arith.constant 6 : i32
        %add3A_1802 = arith.addi %mul3A_1800, %add3A_1801 : i32
        %get3A_1803 = arith.constant 1 : i32
        %get3A_1804 = arith.index_cast %get3A_1803 : i32 to index
        %get3A_1805 = arith.index_cast %add3A_1802 : i32 to index
        %get3A_1806 = arith.constant 96 : index
        %get3A_1807 = tpu.vector_load %arg8[%get3A_1804, %get3A_1805, %get3A_1806] {strides = array<i32>} : memref<2x256x128xf32, #tpu.memory_space<vmem>>, vector<16xf32>,
        %sub3A_1808 = arith.subf %get3A_543, %get3A_1807 : vector<16xf32>
        %mul3A_1809 = arith.mulf %sub3A_1808, %sub3A_1808 : vector<16xf32>
        %add3A_1810 = arith.addf %add3A_1615, %mul3A_1809 : vector<16xf32>
        %mul3A_1811 = arith.constant 16 : i32
        %mul3A_1812 = arith.muli %scan3A_519, %mul3A_1811 : i32
        %add3A_1813 = arith.constant 7 : i32
        %add3A_1814 = arith.addi %mul3A_1812, %add3A_1813 : i32
        %get3A_1815 = arith.constant 1 : i32
        %get3A_1816 = arith.index_cast %get3A_1815 : i32 to index
        %get3A_1817 = arith.index_cast %add3A_1814 : i32 to index
        %get3A_1818 = arith.constant 96 : index
        %get3A_1819 = tpu.vector_load %arg8[%get3A_1816, %get3A_1817, %get3A_1818] {strides = array<i32>} : memref<2x256x128xf32, #tpu.memory_space<vmem>>, vector<16xf32>,
        %sub3A_1820 = arith.subf %get3A_543, %get3A_1819 : vector<16xf32>
        %mul3A_1821 = arith.mulf %sub3A_1820, %sub3A_1820 : vector<16xf32>
        %add3A_1822 = arith.addf %add3A_1627, %mul3A_1821 : vector<16xf32>
        %mul3A_1823 = arith.constant 16 : i32
        %mul3A_1824 = arith.muli %scan3A_519, %mul3A_1823 : i32
        %add3A_1825 = arith.constant 8 : i32
        %add3A_1826 = arith.addi %mul3A_1824, %add3A_1825 : i32
        %get3A_1827 = arith.constant 1 : i32
        %get3A_1828 = arith.index_cast %get3A_1827 : i32 to index
        %get3A_1829 = arith.index_cast %add3A_1826 : i32 to index
        %get3A_1830 = arith.constant 96 : index
        %get3A_1831 = tpu.vector_load %arg8[%get3A_1828, %get3A_1829, %get3A_1830] {strides = array<i32>} : memref<2x256x128xf32, #tpu.memory_space<vmem>>, vector<16xf32>,
        %sub3A_1832 = arith.subf %get3A_543, %get3A_1831 : vector<16xf32>
        %mul3A_1833 = arith.mulf %sub3A_1832, %sub3A_1832 : vector<16xf32>
        %add3A_1834 = arith.addf %add3A_1639, %mul3A_1833 : vector<16xf32>
        %mul3A_1835 = arith.constant 16 : i32
        %mul3A_1836 = arith.muli %scan3A_519, %mul3A_1835 : i32
        %add3A_1837 = arith.constant 9 : i32
        %add3A_1838 = arith.addi %mul3A_1836, %add3A_1837 : i32
        %get3A_1839 = arith.constant 1 : i32
        %get3A_1840 = arith.index_cast %get3A_1839 : i32 to index
        %get3A_1841 = arith.index_cast %add3A_1838 : i32 to index
        %get3A_1842 = arith.constant 96 : index
        %get3A_1843 = tpu.vector_load %arg8[%get3A_1840, %get3A_1841, %get3A_1842] {strides = array<i32>} : memref<2x256x128xf32, #tpu.memory_space<vmem>>, vector<16xf32>,
        %sub3A_1844 = arith.subf %get3A_543, %get3A_1843 : vector<16xf32>
        %mul3A_1845 = arith.mulf %sub3A_1844, %sub3A_1844 : vector<16xf32>
        %add3A_1846 = arith.addf %add3A_1651, %mul3A_1845 : vector<16xf32>
        %mul3A_1847 = arith.constant 16 : i32
        %mul3A_1848 = arith.muli %scan3A_519, %mul3A_1847 : i32
        %add3A_1849 = arith.constant 10 : i32
        %add3A_1850 = arith.addi %mul3A_1848, %add3A_1849 : i32
        %get3A_1851 = arith.constant 1 : i32
        %get3A_1852 = arith.index_cast %get3A_1851 : i32 to index
        %get3A_1853 = arith.index_cast %add3A_1850 : i32 to index
        %get3A_1854 = arith.constant 96 : index
        %get3A_1855 = tpu.vector_load %arg8[%get3A_1852, %get3A_1853, %get3A_1854] {strides = array<i32>} : memref<2x256x128xf32, #tpu.memory_space<vmem>>, vector<16xf32>,
        %sub3A_1856 = arith.subf %get3A_543, %get3A_1855 : vector<16xf32>
        %mul3A_1857 = arith.mulf %sub3A_1856, %sub3A_1856 : vector<16xf32>
        %add3A_1858 = arith.addf %add3A_1663, %mul3A_1857 : vector<16xf32>
        %mul3A_1859 = arith.constant 16 : i32
        %mul3A_1860 = arith.muli %scan3A_519, %mul3A_1859 : i32
        %add3A_1861 = arith.constant 11 : i32
        %add3A_1862 = arith.addi %mul3A_1860, %add3A_1861 : i32
        %get3A_1863 = arith.constant 1 : i32
        %get3A_1864 = arith.index_cast %get3A_1863 : i32 to index
        %get3A_1865 = arith.index_cast %add3A_1862 : i32 to index
        %get3A_1866 = arith.constant 96 : index
        %get3A_1867 = tpu.vector_load %arg8[%get3A_1864, %get3A_1865, %get3A_1866] {strides = array<i32>} : memref<2x256x128xf32, #tpu.memory_space<vmem>>, vector<16xf32>,
        %sub3A_1868 = arith.subf %get3A_543, %get3A_1867 : vector<16xf32>
        %mul3A_1869 = arith.mulf %sub3A_1868, %sub3A_1868 : vector<16xf32>
        %add3A_1870 = arith.addf %add3A_1675, %mul3A_1869 : vector<16xf32>
        %mul3A_1871 = arith.constant 16 : i32
        %mul3A_1872 = arith.muli %scan3A_519, %mul3A_1871 : i32
        %add3A_1873 = arith.constant 12 : i32
        %add3A_1874 = arith.addi %mul3A_1872, %add3A_1873 : i32
        %get3A_1875 = arith.constant 1 : i32
        %get3A_1876 = arith.index_cast %get3A_1875 : i32 to index
        %get3A_1877 = arith.index_cast %add3A_1874 : i32 to index
        %get3A_1878 = arith.constant 96 : index
        %get3A_1879 = tpu.vector_load %arg8[%get3A_1876, %get3A_1877, %get3A_1878] {strides = array<i32>} : memref<2x256x128xf32, #tpu.memory_space<vmem>>, vector<16xf32>,
        %sub3A_1880 = arith.subf %get3A_543, %get3A_1879 : vector<16xf32>
        %mul3A_1881 = arith.mulf %sub3A_1880, %sub3A_1880 : vector<16xf32>
        %add3A_1882 = arith.addf %add3A_1687, %mul3A_1881 : vector<16xf32>
        %mul3A_1883 = arith.constant 16 : i32
        %mul3A_1884 = arith.muli %scan3A_519, %mul3A_1883 : i32
        %add3A_1885 = arith.constant 13 : i32
        %add3A_1886 = arith.addi %mul3A_1884, %add3A_1885 : i32
        %get3A_1887 = arith.constant 1 : i32
        %get3A_1888 = arith.index_cast %get3A_1887 : i32 to index
        %get3A_1889 = arith.index_cast %add3A_1886 : i32 to index
        %get3A_1890 = arith.constant 96 : index
        %get3A_1891 = tpu.vector_load %arg8[%get3A_1888, %get3A_1889, %get3A_1890] {strides = array<i32>} : memref<2x256x128xf32, #tpu.memory_space<vmem>>, vector<16xf32>,
        %sub3A_1892 = arith.subf %get3A_543, %get3A_1891 : vector<16xf32>
        %mul3A_1893 = arith.mulf %sub3A_1892, %sub3A_1892 : vector<16xf32>
        %add3A_1894 = arith.addf %add3A_1699, %mul3A_1893 : vector<16xf32>
        %mul3A_1895 = arith.constant 16 : i32
        %mul3A_1896 = arith.muli %scan3A_519, %mul3A_1895 : i32
        %add3A_1897 = arith.constant 14 : i32
        %add3A_1898 = arith.addi %mul3A_1896, %add3A_1897 : i32
        %get3A_1899 = arith.constant 1 : i32
        %get3A_1900 = arith.index_cast %get3A_1899 : i32 to index
        %get3A_1901 = arith.index_cast %add3A_1898 : i32 to index
        %get3A_1902 = arith.constant 96 : index
        %get3A_1903 = tpu.vector_load %arg8[%get3A_1900, %get3A_1901, %get3A_1902] {strides = array<i32>} : memref<2x256x128xf32, #tpu.memory_space<vmem>>, vector<16xf32>,
        %sub3A_1904 = arith.subf %get3A_543, %get3A_1903 : vector<16xf32>
        %mul3A_1905 = arith.mulf %sub3A_1904, %sub3A_1904 : vector<16xf32>
        %add3A_1906 = arith.addf %add3A_1711, %mul3A_1905 : vector<16xf32>
        %mul3A_1907 = arith.constant 16 : i32
        %mul3A_1908 = arith.muli %scan3A_519, %mul3A_1907 : i32
        %add3A_1909 = arith.constant 15 : i32
        %add3A_1910 = arith.addi %mul3A_1908, %add3A_1909 : i32
        %get3A_1911 = arith.constant 1 : i32
        %get3A_1912 = arith.index_cast %get3A_1911 : i32 to index
        %get3A_1913 = arith.index_cast %add3A_1910 : i32 to index
        %get3A_1914 = arith.constant 96 : index
        %get3A_1915 = tpu.vector_load %arg8[%get3A_1912, %get3A_1913, %get3A_1914] {strides = array<i32>} : memref<2x256x128xf32, #tpu.memory_space<vmem>>, vector<16xf32>,
        %sub3A_1916 = arith.subf %get3A_543, %get3A_1915 : vector<16xf32>
        %mul3A_1917 = arith.mulf %sub3A_1916, %sub3A_1916 : vector<16xf32>
        %add3A_1918 = arith.addf %add3A_1723, %mul3A_1917 : vector<16xf32>
        %sub3A_1919 = arith.subf %get3A_546, %get3A_570 : vector<16xf32>
        %mul3A_1920 = arith.mulf %sub3A_1919, %sub3A_1919 : vector<16xf32>
        %add3A_1921 = arith.addf %add3A_1726, %mul3A_1920 : vector<16xf32>
        %mul3A_1922 = arith.constant 16 : i32
        %mul3A_1923 = arith.muli %scan3A_519, %mul3A_1922 : i32
        %add3A_1924 = arith.constant 0 : i32
        %add3A_1925 = arith.addi %mul3A_1923, %add3A_1924 : i32
        %get3A_1926 = arith.constant 1 : i32
        %get3A_1927 = arith.index_cast %get3A_1926 : i32 to index
        %get3A_1928 = arith.index_cast %add3A_1925 : i32 to index
        %get3A_1929 = arith.constant 112 : index
        %get3A_1930 = tpu.vector_load %arg8[%get3A_1927, %get3A_1928, %get3A_1929] {strides = array<i32>} : memref<2x256x128xf32, #tpu.memory_space<vmem>>, vector<16xf32>,
        %sub3A_1931 = arith.subf %get3A_546, %get3A_1930 : vector<16xf32>
        %mul3A_1932 = arith.mulf %sub3A_1931, %sub3A_1931 : vector<16xf32>
        %add3A_1933 = arith.addf %add3A_1738, %mul3A_1932 : vector<16xf32>
        %mul3A_1934 = arith.constant 16 : i32
        %mul3A_1935 = arith.muli %scan3A_519, %mul3A_1934 : i32
        %add3A_1936 = arith.constant 1 : i32
        %add3A_1937 = arith.addi %mul3A_1935, %add3A_1936 : i32
        %get3A_1938 = arith.constant 1 : i32
        %get3A_1939 = arith.index_cast %get3A_1938 : i32 to index
        %get3A_1940 = arith.index_cast %add3A_1937 : i32 to index
        %get3A_1941 = arith.constant 112 : index
        %get3A_1942 = tpu.vector_load %arg8[%get3A_1939, %get3A_1940, %get3A_1941] {strides = array<i32>} : memref<2x256x128xf32, #tpu.memory_space<vmem>>, vector<16xf32>,
        %sub3A_1943 = arith.subf %get3A_546, %get3A_1942 : vector<16xf32>
        %mul3A_1944 = arith.mulf %sub3A_1943, %sub3A_1943 : vector<16xf32>
        %add3A_1945 = arith.addf %add3A_1750, %mul3A_1944 : vector<16xf32>
        %mul3A_1946 = arith.constant 16 : i32
        %mul3A_1947 = arith.muli %scan3A_519, %mul3A_1946 : i32
        %add3A_1948 = arith.constant 2 : i32
        %add3A_1949 = arith.addi %mul3A_1947, %add3A_1948 : i32
        %get3A_1950 = arith.constant 1 : i32
        %get3A_1951 = arith.index_cast %get3A_1950 : i32 to index
        %get3A_1952 = arith.index_cast %add3A_1949 : i32 to index
        %get3A_1953 = arith.constant 112 : index
        %get3A_1954 = tpu.vector_load %arg8[%get3A_1951, %get3A_1952, %get3A_1953] {strides = array<i32>} : memref<2x256x128xf32, #tpu.memory_space<vmem>>, vector<16xf32>,
        %sub3A_1955 = arith.subf %get3A_546, %get3A_1954 : vector<16xf32>
        %mul3A_1956 = arith.mulf %sub3A_1955, %sub3A_1955 : vector<16xf32>
        %add3A_1957 = arith.addf %add3A_1762, %mul3A_1956 : vector<16xf32>
        %mul3A_1958 = arith.constant 16 : i32
        %mul3A_1959 = arith.muli %scan3A_519, %mul3A_1958 : i32
        %add3A_1960 = arith.constant 3 : i32
        %add3A_1961 = arith.addi %mul3A_1959, %add3A_1960 : i32
        %get3A_1962 = arith.constant 1 : i32
        %get3A_1963 = arith.index_cast %get3A_1962 : i32 to index
        %get3A_1964 = arith.index_cast %add3A_1961 : i32 to index
        %get3A_1965 = arith.constant 112 : index
        %get3A_1966 = tpu.vector_load %arg8[%get3A_1963, %get3A_1964, %get3A_1965] {strides = array<i32>} : memref<2x256x128xf32, #tpu.memory_space<vmem>>, vector<16xf32>,
        %sub3A_1967 = arith.subf %get3A_546, %get3A_1966 : vector<16xf32>
        %mul3A_1968 = arith.mulf %sub3A_1967, %sub3A_1967 : vector<16xf32>
        %add3A_1969 = arith.addf %add3A_1774, %mul3A_1968 : vector<16xf32>
        %mul3A_1970 = arith.constant 16 : i32
        %mul3A_1971 = arith.muli %scan3A_519, %mul3A_1970 : i32
        %add3A_1972 = arith.constant 4 : i32
        %add3A_1973 = arith.addi %mul3A_1971, %add3A_1972 : i32
        %get3A_1974 = arith.constant 1 : i32
        %get3A_1975 = arith.index_cast %get3A_1974 : i32 to index
        %get3A_1976 = arith.index_cast %add3A_1973 : i32 to index
        %get3A_1977 = arith.constant 112 : index
        %get3A_1978 = tpu.vector_load %arg8[%get3A_1975, %get3A_1976, %get3A_1977] {strides = array<i32>} : memref<2x256x128xf32, #tpu.memory_space<vmem>>, vector<16xf32>,
        %sub3A_1979 = arith.subf %get3A_546, %get3A_1978 : vector<16xf32>
        %mul3A_1980 = arith.mulf %sub3A_1979, %sub3A_1979 : vector<16xf32>
        %add3A_1981 = arith.addf %add3A_1786, %mul3A_1980 : vector<16xf32>
        %mul3A_1982 = arith.constant 16 : i32
        %mul3A_1983 = arith.muli %scan3A_519, %mul3A_1982 : i32
        %add3A_1984 = arith.constant 5 : i32
        %add3A_1985 = arith.addi %mul3A_1983, %add3A_1984 : i32
        %get3A_1986 = arith.constant 1 : i32
        %get3A_1987 = arith.index_cast %get3A_1986 : i32 to index
        %get3A_1988 = arith.index_cast %add3A_1985 : i32 to index
        %get3A_1989 = arith.constant 112 : index
        %get3A_1990 = tpu.vector_load %arg8[%get3A_1987, %get3A_1988, %get3A_1989] {strides = array<i32>} : memref<2x256x128xf32, #tpu.memory_space<vmem>>, vector<16xf32>,
        %sub3A_1991 = arith.subf %get3A_546, %get3A_1990 : vector<16xf32>
        %mul3A_1992 = arith.mulf %sub3A_1991, %sub3A_1991 : vector<16xf32>
        %add3A_1993 = arith.addf %add3A_1798, %mul3A_1992 : vector<16xf32>
        %mul3A_1994 = arith.constant 16 : i32
        %mul3A_1995 = arith.muli %scan3A_519, %mul3A_1994 : i32
        %add3A_1996 = arith.constant 6 : i32
        %add3A_1997 = arith.addi %mul3A_1995, %add3A_1996 : i32
        %get3A_1998 = arith.constant 1 : i32
        %get3A_1999 = arith.index_cast %get3A_1998 : i32 to index
        %get3A_2000 = arith.index_cast %add3A_1997 : i32 to index
        %get3A_2001 = arith.constant 112 : index
        %get3A_2002 = tpu.vector_load %arg8[%get3A_1999, %get3A_2000, %get3A_2001] {strides = array<i32>} : memref<2x256x128xf32, #tpu.memory_space<vmem>>, vector<16xf32>,
        %sub3A_2003 = arith.subf %get3A_546, %get3A_2002 : vector<16xf32>
        %mul3A_2004 = arith.mulf %sub3A_2003, %sub3A_2003 : vector<16xf32>
        %add3A_2005 = arith.addf %add3A_1810, %mul3A_2004 : vector<16xf32>
        %mul3A_2006 = arith.constant 16 : i32
        %mul3A_2007 = arith.muli %scan3A_519, %mul3A_2006 : i32
        %add3A_2008 = arith.constant 7 : i32
        %add3A_2009 = arith.addi %mul3A_2007, %add3A_2008 : i32
        %get3A_2010 = arith.constant 1 : i32
        %get3A_2011 = arith.index_cast %get3A_2010 : i32 to index
        %get3A_2012 = arith.index_cast %add3A_2009 : i32 to index
        %get3A_2013 = arith.constant 112 : index
        %get3A_2014 = tpu.vector_load %arg8[%get3A_2011, %get3A_2012, %get3A_2013] {strides = array<i32>} : memref<2x256x128xf32, #tpu.memory_space<vmem>>, vector<16xf32>,
        %sub3A_2015 = arith.subf %get3A_546, %get3A_2014 : vector<16xf32>
        %mul3A_2016 = arith.mulf %sub3A_2015, %sub3A_2015 : vector<16xf32>
        %add3A_2017 = arith.addf %add3A_1822, %mul3A_2016 : vector<16xf32>
        %mul3A_2018 = arith.constant 16 : i32
        %mul3A_2019 = arith.muli %scan3A_519, %mul3A_2018 : i32
        %add3A_2020 = arith.constant 8 : i32
        %add3A_2021 = arith.addi %mul3A_2019, %add3A_2020 : i32
        %get3A_2022 = arith.constant 1 : i32
        %get3A_2023 = arith.index_cast %get3A_2022 : i32 to index
        %get3A_2024 = arith.index_cast %add3A_2021 : i32 to index
        %get3A_2025 = arith.constant 112 : index
        %get3A_2026 = tpu.vector_load %arg8[%get3A_2023, %get3A_2024, %get3A_2025] {strides = array<i32>} : memref<2x256x128xf32, #tpu.memory_space<vmem>>, vector<16xf32>,
        %sub3A_2027 = arith.subf %get3A_546, %get3A_2026 : vector<16xf32>
        %mul3A_2028 = arith.mulf %sub3A_2027, %sub3A_2027 : vector<16xf32>
        %add3A_2029 = arith.addf %add3A_1834, %mul3A_2028 : vector<16xf32>
        %mul3A_2030 = arith.constant 16 : i32
        %mul3A_2031 = arith.muli %scan3A_519, %mul3A_2030 : i32
        %add3A_2032 = arith.constant 9 : i32
        %add3A_2033 = arith.addi %mul3A_2031, %add3A_2032 : i32
        %get3A_2034 = arith.constant 1 : i32
        %get3A_2035 = arith.index_cast %get3A_2034 : i32 to index
        %get3A_2036 = arith.index_cast %add3A_2033 : i32 to index
        %get3A_2037 = arith.constant 112 : index
        %get3A_2038 = tpu.vector_load %arg8[%get3A_2035, %get3A_2036, %get3A_2037] {strides = array<i32>} : memref<2x256x128xf32, #tpu.memory_space<vmem>>, vector<16xf32>,
        %sub3A_2039 = arith.subf %get3A_546, %get3A_2038 : vector<16xf32>
        %mul3A_2040 = arith.mulf %sub3A_2039, %sub3A_2039 : vector<16xf32>
        %add3A_2041 = arith.addf %add3A_1846, %mul3A_2040 : vector<16xf32>
        %mul3A_2042 = arith.constant 16 : i32
        %mul3A_2043 = arith.muli %scan3A_519, %mul3A_2042 : i32
        %add3A_2044 = arith.constant 10 : i32
        %add3A_2045 = arith.addi %mul3A_2043, %add3A_2044 : i32
        %get3A_2046 = arith.constant 1 : i32
        %get3A_2047 = arith.index_cast %get3A_2046 : i32 to index
        %get3A_2048 = arith.index_cast %add3A_2045 : i32 to index
        %get3A_2049 = arith.constant 112 : index
        %get3A_2050 = tpu.vector_load %arg8[%get3A_2047, %get3A_2048, %get3A_2049] {strides = array<i32>} : memref<2x256x128xf32, #tpu.memory_space<vmem>>, vector<16xf32>,
        %sub3A_2051 = arith.subf %get3A_546, %get3A_2050 : vector<16xf32>
        %mul3A_2052 = arith.mulf %sub3A_2051, %sub3A_2051 : vector<16xf32>
        %add3A_2053 = arith.addf %add3A_1858, %mul3A_2052 : vector<16xf32>
        %mul3A_2054 = arith.constant 16 : i32
        %mul3A_2055 = arith.muli %scan3A_519, %mul3A_2054 : i32
        %add3A_2056 = arith.constant 11 : i32
        %add3A_2057 = arith.addi %mul3A_2055, %add3A_2056 : i32
        %get3A_2058 = arith.constant 1 : i32
        %get3A_2059 = arith.index_cast %get3A_2058 : i32 to index
        %get3A_2060 = arith.index_cast %add3A_2057 : i32 to index
        %get3A_2061 = arith.constant 112 : index
        %get3A_2062 = tpu.vector_load %arg8[%get3A_2059, %get3A_2060, %get3A_2061] {strides = array<i32>} : memref<2x256x128xf32, #tpu.memory_space<vmem>>, vector<16xf32>,
        %sub3A_2063 = arith.subf %get3A_546, %get3A_2062 : vector<16xf32>
        %mul3A_2064 = arith.mulf %sub3A_2063, %sub3A_2063 : vector<16xf32>
        %add3A_2065 = arith.addf %add3A_1870, %mul3A_2064 : vector<16xf32>
        %mul3A_2066 = arith.constant 16 : i32
        %mul3A_2067 = arith.muli %scan3A_519, %mul3A_2066 : i32
        %add3A_2068 = arith.constant 12 : i32
        %add3A_2069 = arith.addi %mul3A_2067, %add3A_2068 : i32
        %get3A_2070 = arith.constant 1 : i32
        %get3A_2071 = arith.index_cast %get3A_2070 : i32 to index
        %get3A_2072 = arith.index_cast %add3A_2069 : i32 to index
        %get3A_2073 = arith.constant 112 : index
        %get3A_2074 = tpu.vector_load %arg8[%get3A_2071, %get3A_2072, %get3A_2073] {strides = array<i32>} : memref<2x256x128xf32, #tpu.memory_space<vmem>>, vector<16xf32>,
        %sub3A_2075 = arith.subf %get3A_546, %get3A_2074 : vector<16xf32>
        %mul3A_2076 = arith.mulf %sub3A_2075, %sub3A_2075 : vector<16xf32>
        %add3A_2077 = arith.addf %add3A_1882, %mul3A_2076 : vector<16xf32>
        %mul3A_2078 = arith.constant 16 : i32
        %mul3A_2079 = arith.muli %scan3A_519, %mul3A_2078 : i32
        %add3A_2080 = arith.constant 13 : i32
        %add3A_2081 = arith.addi %mul3A_2079, %add3A_2080 : i32
        %get3A_2082 = arith.constant 1 : i32
        %get3A_2083 = arith.index_cast %get3A_2082 : i32 to index
        %get3A_2084 = arith.index_cast %add3A_2081 : i32 to index
        %get3A_2085 = arith.constant 112 : index
        %get3A_2086 = tpu.vector_load %arg8[%get3A_2083, %get3A_2084, %get3A_2085] {strides = array<i32>} : memref<2x256x128xf32, #tpu.memory_space<vmem>>, vector<16xf32>,
        %sub3A_2087 = arith.subf %get3A_546, %get3A_2086 : vector<16xf32>
        %mul3A_2088 = arith.mulf %sub3A_2087, %sub3A_2087 : vector<16xf32>
        %add3A_2089 = arith.addf %add3A_1894, %mul3A_2088 : vector<16xf32>
        %mul3A_2090 = arith.constant 16 : i32
        %mul3A_2091 = arith.muli %scan3A_519, %mul3A_2090 : i32
        %add3A_2092 = arith.constant 14 : i32
        %add3A_2093 = arith.addi %mul3A_2091, %add3A_2092 : i32
        %get3A_2094 = arith.constant 1 : i32
        %get3A_2095 = arith.index_cast %get3A_2094 : i32 to index
        %get3A_2096 = arith.index_cast %add3A_2093 : i32 to index
        %get3A_2097 = arith.constant 112 : index
        %get3A_2098 = tpu.vector_load %arg8[%get3A_2095, %get3A_2096, %get3A_2097] {strides = array<i32>} : memref<2x256x128xf32, #tpu.memory_space<vmem>>, vector<16xf32>,
        %sub3A_2099 = arith.subf %get3A_546, %get3A_2098 : vector<16xf32>
        %mul3A_2100 = arith.mulf %sub3A_2099, %sub3A_2099 : vector<16xf32>
        %add3A_2101 = arith.addf %add3A_1906, %mul3A_2100 : vector<16xf32>
        %mul3A_2102 = arith.constant 16 : i32
        %mul3A_2103 = arith.muli %scan3A_519, %mul3A_2102 : i32
        %add3A_2104 = arith.constant 15 : i32
        %add3A_2105 = arith.addi %mul3A_2103, %add3A_2104 : i32
        %get3A_2106 = arith.constant 1 : i32
        %get3A_2107 = arith.index_cast %get3A_2106 : i32 to index
        %get3A_2108 = arith.index_cast %add3A_2105 : i32 to index
        %get3A_2109 = arith.constant 112 : index
        %get3A_2110 = tpu.vector_load %arg8[%get3A_2107, %get3A_2108, %get3A_2109] {strides = array<i32>} : memref<2x256x128xf32, #tpu.memory_space<vmem>>, vector<16xf32>,
        %sub3A_2111 = arith.subf %get3A_546, %get3A_2110 : vector<16xf32>
        %mul3A_2112 = arith.mulf %sub3A_2111, %sub3A_2111 : vector<16xf32>
        %add3A_2113 = arith.addf %add3A_1918, %mul3A_2112 : vector<16xf32>
        %mul3A_2114 = arith.constant 17 : i32
        %mul3A_2115 = arith.muli %scan3A_519, %mul3A_2114 : i32
        %add3A_2116 = vector.broadcast %mul3A_2115 : i32 to vector<16xi32>
        %add3A_2117 = arith.addi %iota3A, %add3A_2116 : vector<16xi32>
        tpu.vector_store_idx %arg10[%add3A_2117], %add3A_1921 : memref<272xf32, #tpu.memory_space<vmem>>[vector<16xi32>], vector<16xf32>,
        %add3A_2118 = arith.constant 0 : i32
        %add3A_2119 = vector.broadcast %add3A_2118 : i32 to vector<16xi32>
        %add3A_2120 = arith.addi %iota3A, %add3A_2119 : vector<16xi32>
        tpu.vector_store_idx %arg9[%add3A_2120], %add3A_1933 : memref<272xf32, #tpu.memory_space<vmem>>[vector<16xi32>], vector<16xf32>,
        %add3A_2121 = arith.constant 17 : i32
        %add3A_2122 = vector.broadcast %add3A_2121 : i32 to vector<16xi32>
        %add3A_2123 = arith.addi %iota3A, %add3A_2122 : vector<16xi32>
        tpu.vector_store_idx %arg9[%add3A_2123], %add3A_1945 : memref<272xf32, #tpu.memory_space<vmem>>[vector<16xi32>], vector<16xf32>,
        %add3A_2124 = arith.constant 34 : i32
        %add3A_2125 = vector.broadcast %add3A_2124 : i32 to vector<16xi32>
        %add3A_2126 = arith.addi %iota3A, %add3A_2125 : vector<16xi32>
        tpu.vector_store_idx %arg9[%add3A_2126], %add3A_1957 : memref<272xf32, #tpu.memory_space<vmem>>[vector<16xi32>], vector<16xf32>,
        %add3A_2127 = arith.constant 51 : i32
        %add3A_2128 = vector.broadcast %add3A_2127 : i32 to vector<16xi32>
        %add3A_2129 = arith.addi %iota3A, %add3A_2128 : vector<16xi32>
        tpu.vector_store_idx %arg9[%add3A_2129], %add3A_1969 : memref<272xf32, #tpu.memory_space<vmem>>[vector<16xi32>], vector<16xf32>,
        %add3A_2130 = arith.constant 68 : i32
        %add3A_2131 = vector.broadcast %add3A_2130 : i32 to vector<16xi32>
        %add3A_2132 = arith.addi %iota3A, %add3A_2131 : vector<16xi32>
        tpu.vector_store_idx %arg9[%add3A_2132], %add3A_1981 : memref<272xf32, #tpu.memory_space<vmem>>[vector<16xi32>], vector<16xf32>,
        %add3A_2133 = arith.constant 85 : i32
        %add3A_2134 = vector.broadcast %add3A_2133 : i32 to vector<16xi32>
        %add3A_2135 = arith.addi %iota3A, %add3A_2134 : vector<16xi32>
        tpu.vector_store_idx %arg9[%add3A_2135], %add3A_1993 : memref<272xf32, #tpu.memory_space<vmem>>[vector<16xi32>], vector<16xf32>,
        %add3A_2136 = arith.constant 102 : i32
        %add3A_2137 = vector.broadcast %add3A_2136 : i32 to vector<16xi32>
        %add3A_2138 = arith.addi %iota3A, %add3A_2137 : vector<16xi32>
        tpu.vector_store_idx %arg9[%add3A_2138], %add3A_2005 : memref<272xf32, #tpu.memory_space<vmem>>[vector<16xi32>], vector<16xf32>,
        %add3A_2139 = arith.constant 119 : i32
        %add3A_2140 = vector.broadcast %add3A_2139 : i32 to vector<16xi32>
        %add3A_2141 = arith.addi %iota3A, %add3A_2140 : vector<16xi32>
        tpu.vector_store_idx %arg9[%add3A_2141], %add3A_2017 : memref<272xf32, #tpu.memory_space<vmem>>[vector<16xi32>], vector<16xf32>,
        %add3A_2142 = arith.constant 136 : i32
        %add3A_2143 = vector.broadcast %add3A_2142 : i32 to vector<16xi32>
        %add3A_2144 = arith.addi %iota3A, %add3A_2143 : vector<16xi32>
        tpu.vector_store_idx %arg9[%add3A_2144], %add3A_2029 : memref<272xf32, #tpu.memory_space<vmem>>[vector<16xi32>], vector<16xf32>,
        %add3A_2145 = arith.constant 153 : i32
        %add3A_2146 = vector.broadcast %add3A_2145 : i32 to vector<16xi32>
        %add3A_2147 = arith.addi %iota3A, %add3A_2146 : vector<16xi32>
        tpu.vector_store_idx %arg9[%add3A_2147], %add3A_2041 : memref<272xf32, #tpu.memory_space<vmem>>[vector<16xi32>], vector<16xf32>,
        %add3A_2148 = arith.constant 170 : i32
        %add3A_2149 = vector.broadcast %add3A_2148 : i32 to vector<16xi32>
        %add3A_2150 = arith.addi %iota3A, %add3A_2149 : vector<16xi32>
        tpu.vector_store_idx %arg9[%add3A_2150], %add3A_2053 : memref<272xf32, #tpu.memory_space<vmem>>[vector<16xi32>], vector<16xf32>,
        %add3A_2151 = arith.constant 187 : i32
        %add3A_2152 = vector.broadcast %add3A_2151 : i32 to vector<16xi32>
        %add3A_2153 = arith.addi %iota3A, %add3A_2152 : vector<16xi32>
        tpu.vector_store_idx %arg9[%add3A_2153], %add3A_2065 : memref<272xf32, #tpu.memory_space<vmem>>[vector<16xi32>], vector<16xf32>,
        %add3A_2154 = arith.constant 204 : i32
        %add3A_2155 = vector.broadcast %add3A_2154 : i32 to vector<16xi32>
        %add3A_2156 = arith.addi %iota3A, %add3A_2155 : vector<16xi32>
        tpu.vector_store_idx %arg9[%add3A_2156], %add3A_2077 : memref<272xf32, #tpu.memory_space<vmem>>[vector<16xi32>], vector<16xf32>,
        %add3A_2157 = arith.constant 221 : i32
        %add3A_2158 = vector.broadcast %add3A_2157 : i32 to vector<16xi32>
        %add3A_2159 = arith.addi %iota3A, %add3A_2158 : vector<16xi32>
        tpu.vector_store_idx %arg9[%add3A_2159], %add3A_2089 : memref<272xf32, #tpu.memory_space<vmem>>[vector<16xi32>], vector<16xf32>,
        %add3A_2160 = arith.constant 238 : i32
        %add3A_2161 = vector.broadcast %add3A_2160 : i32 to vector<16xi32>
        %add3A_2162 = arith.addi %iota3A, %add3A_2161 : vector<16xi32>
        tpu.vector_store_idx %arg9[%add3A_2162], %add3A_2101 : memref<272xf32, #tpu.memory_space<vmem>>[vector<16xi32>], vector<16xf32>,
        %add3A_2163 = arith.constant 255 : i32
        %add3A_2164 = vector.broadcast %add3A_2163 : i32 to vector<16xi32>
        %add3A_2165 = arith.addi %iota3A, %add3A_2164 : vector<16xi32>
        tpu.vector_store_idx %arg9[%add3A_2165], %add3A_2113 : memref<272xf32, #tpu.memory_space<vmem>>[vector<16xi32>], vector<16xf32>,
        %gather3A_2166 = tpu.vector_load_idx %arg9[%mul3A_71] : memref<272xf32, #tpu.memory_space<vmem>>[vector<16xi32>], vector<16xf32>,
        %add3A_2167 = arith.constant 1 : i32
        %add3A_2168 = vector.broadcast %add3A_2167 : i32 to vector<16xi32>
        %add3A_2169 = arith.addi %mul3A_71, %add3A_2168 : vector<16xi32>
        %gather3A_2170 = tpu.vector_load_idx %arg9[%add3A_2169] : memref<272xf32, #tpu.memory_space<vmem>>[vector<16xi32>], vector<16xf32>,
        %add3A_2171 = arith.addf %gather3A_2166, %gather3A_2170 : vector<16xf32>
        %add3A_2172 = arith.constant 2 : i32
        %add3A_2173 = vector.broadcast %add3A_2172 : i32 to vector<16xi32>
        %add3A_2174 = arith.addi %mul3A_71, %add3A_2173 : vector<16xi32>
        %gather3A_2175 = tpu.vector_load_idx %arg9[%add3A_2174] : memref<272xf32, #tpu.memory_space<vmem>>[vector<16xi32>], vector<16xf32>,
        %add3A_2176 = arith.addf %add3A_2171, %gather3A_2175 : vector<16xf32>
        %add3A_2177 = arith.constant 3 : i32
        %add3A_2178 = vector.broadcast %add3A_2177 : i32 to vector<16xi32>
        %add3A_2179 = arith.addi %mul3A_71, %add3A_2178 : vector<16xi32>
        %gather3A_2180 = tpu.vector_load_idx %arg9[%add3A_2179] : memref<272xf32, #tpu.memory_space<vmem>>[vector<16xi32>], vector<16xf32>,
        %add3A_2181 = arith.addf %add3A_2176, %gather3A_2180 : vector<16xf32>
        %add3A_2182 = arith.constant 4 : i32
        %add3A_2183 = vector.broadcast %add3A_2182 : i32 to vector<16xi32>
        %add3A_2184 = arith.addi %mul3A_71, %add3A_2183 : vector<16xi32>
        %gather3A_2185 = tpu.vector_load_idx %arg9[%add3A_2184] : memref<272xf32, #tpu.memory_space<vmem>>[vector<16xi32>], vector<16xf32>,
        %add3A_2186 = arith.addf %add3A_2181, %gather3A_2185 : vector<16xf32>
        %add3A_2187 = arith.constant 5 : i32
        %add3A_2188 = vector.broadcast %add3A_2187 : i32 to vector<16xi32>
        %add3A_2189 = arith.addi %mul3A_71, %add3A_2188 : vector<16xi32>
        %gather3A_2190 = tpu.vector_load_idx %arg9[%add3A_2189] : memref<272xf32, #tpu.memory_space<vmem>>[vector<16xi32>], vector<16xf32>,
        %add3A_2191 = arith.addf %add3A_2186, %gather3A_2190 : vector<16xf32>
        %add3A_2192 = arith.constant 6 : i32
        %add3A_2193 = vector.broadcast %add3A_2192 : i32 to vector<16xi32>
        %add3A_2194 = arith.addi %mul3A_71, %add3A_2193 : vector<16xi32>
        %gather3A_2195 = tpu.vector_load_idx %arg9[%add3A_2194] : memref<272xf32, #tpu.memory_space<vmem>>[vector<16xi32>], vector<16xf32>,
        %add3A_2196 = arith.addf %add3A_2191, %gather3A_2195 : vector<16xf32>
        %add3A_2197 = arith.constant 7 : i32
        %add3A_2198 = vector.broadcast %add3A_2197 : i32 to vector<16xi32>
        %add3A_2199 = arith.addi %mul3A_71, %add3A_2198 : vector<16xi32>
        %gather3A_2200 = tpu.vector_load_idx %arg9[%add3A_2199] : memref<272xf32, #tpu.memory_space<vmem>>[vector<16xi32>], vector<16xf32>,
        %add3A_2201 = arith.addf %add3A_2196, %gather3A_2200 : vector<16xf32>
        %add3A_2202 = arith.constant 8 : i32
        %add3A_2203 = vector.broadcast %add3A_2202 : i32 to vector<16xi32>
        %add3A_2204 = arith.addi %mul3A_71, %add3A_2203 : vector<16xi32>
        %gather3A_2205 = tpu.vector_load_idx %arg9[%add3A_2204] : memref<272xf32, #tpu.memory_space<vmem>>[vector<16xi32>], vector<16xf32>,
        %add3A_2206 = arith.addf %add3A_2201, %gather3A_2205 : vector<16xf32>
        %add3A_2207 = arith.constant 9 : i32
        %add3A_2208 = vector.broadcast %add3A_2207 : i32 to vector<16xi32>
        %add3A_2209 = arith.addi %mul3A_71, %add3A_2208 : vector<16xi32>
        %gather3A_2210 = tpu.vector_load_idx %arg9[%add3A_2209] : memref<272xf32, #tpu.memory_space<vmem>>[vector<16xi32>], vector<16xf32>,
        %add3A_2211 = arith.addf %add3A_2206, %gather3A_2210 : vector<16xf32>
        %add3A_2212 = arith.constant 10 : i32
        %add3A_2213 = vector.broadcast %add3A_2212 : i32 to vector<16xi32>
        %add3A_2214 = arith.addi %mul3A_71, %add3A_2213 : vector<16xi32>
        %gather3A_2215 = tpu.vector_load_idx %arg9[%add3A_2214] : memref<272xf32, #tpu.memory_space<vmem>>[vector<16xi32>], vector<16xf32>,
        %add3A_2216 = arith.addf %add3A_2211, %gather3A_2215 : vector<16xf32>
        %add3A_2217 = arith.constant 11 : i32
        %add3A_2218 = vector.broadcast %add3A_2217 : i32 to vector<16xi32>
        %add3A_2219 = arith.addi %mul3A_71, %add3A_2218 : vector<16xi32>
        %gather3A_2220 = tpu.vector_load_idx %arg9[%add3A_2219] : memref<272xf32, #tpu.memory_space<vmem>>[vector<16xi32>], vector<16xf32>,
        %add3A_2221 = arith.addf %add3A_2216, %gather3A_2220 : vector<16xf32>
        %add3A_2222 = arith.constant 12 : i32
        %add3A_2223 = vector.broadcast %add3A_2222 : i32 to vector<16xi32>
        %add3A_2224 = arith.addi %mul3A_71, %add3A_2223 : vector<16xi32>
        %gather3A_2225 = tpu.vector_load_idx %arg9[%add3A_2224] : memref<272xf32, #tpu.memory_space<vmem>>[vector<16xi32>], vector<16xf32>,
        %add3A_2226 = arith.addf %add3A_2221, %gather3A_2225 : vector<16xf32>
        %add3A_2227 = arith.constant 13 : i32
        %add3A_2228 = vector.broadcast %add3A_2227 : i32 to vector<16xi32>
        %add3A_2229 = arith.addi %mul3A_71, %add3A_2228 : vector<16xi32>
        %gather3A_2230 = tpu.vector_load_idx %arg9[%add3A_2229] : memref<272xf32, #tpu.memory_space<vmem>>[vector<16xi32>], vector<16xf32>,
        %add3A_2231 = arith.addf %add3A_2226, %gather3A_2230 : vector<16xf32>
        %add3A_2232 = arith.constant 14 : i32
        %add3A_2233 = vector.broadcast %add3A_2232 : i32 to vector<16xi32>
        %add3A_2234 = arith.addi %mul3A_71, %add3A_2233 : vector<16xi32>
        %gather3A_2235 = tpu.vector_load_idx %arg9[%add3A_2234] : memref<272xf32, #tpu.memory_space<vmem>>[vector<16xi32>], vector<16xf32>,
        %add3A_2236 = arith.addf %add3A_2231, %gather3A_2235 : vector<16xf32>
        %add3A_2237 = arith.constant 15 : i32
        %add3A_2238 = vector.broadcast %add3A_2237 : i32 to vector<16xi32>
        %add3A_2239 = arith.addi %mul3A_71, %add3A_2238 : vector<16xi32>
        %gather3A_2240 = tpu.vector_load_idx %arg9[%add3A_2239] : memref<272xf32, #tpu.memory_space<vmem>>[vector<16xi32>], vector<16xf32>,
        %add3A_2241 = arith.addf %add3A_2236, %gather3A_2240 : vector<16xf32>
        %add3A_2242 = arith.constant 1.000000e+00 : f32
        %add3A_2243 = vector.broadcast %add3A_2242 : f32 to vector<16xf32>
        %add3A_2244 = arith.addf %add3A_2243, %add3A_2241 : vector<16xf32>
        %div3A_2245 = arith.constant 1.000000e+00 : f32
        %div3A_2246 = vector.broadcast %div3A_2245 : f32 to vector<16xf32>
        %div3A_2247 = arith.divf %div3A_2246, %add3A_2244 : vector<16xf32>
        %sub3A_2248 = arith.constant 1.000000e+00 : f32
        %sub3A_2249 = vector.broadcast %sub3A_2248 : f32 to vector<16xf32>
        %sub3A_2250 = arith.subf %sub3A_2249, %div3A_2247 : vector<16xf32>
        %max3A_2251 = arith.constant 9.99999974E-5 : f32
        %max3A_2252 = vector.broadcast %max3A_2251 : f32 to vector<16xf32>
        %max3A_2253 = arith.maximumf %sub3A_2250, %max3A_2252 : vector<16xf32>
        %min3A_2254 = arith.constant 1.000000e+00 : f32
        %min3A_2255 = vector.broadcast %min3A_2254 : f32 to vector<16xf32>
        %min3A_2256 = arith.minimumf %max3A_2253, %min3A_2255 : vector<16xf32>
        %bitcast_convert_type3A_2257 = tpu.bitcast %min3A_2256 : vector<16xf32> -> vector<16xi32>
        %shift_right_logical3A_2258 = arith.constant 23 : i32
        %shift_right_logical3A_2259 = vector.broadcast %shift_right_logical3A_2258 : i32 to vector<16xi32>
        %shift_right_logical3A_2260 = arith.shrui %bitcast_convert_type3A_2257, %shift_right_logical3A_2259 : vector<16xi32>
        %sub3A_2261 = arith.constant 127 : i32
        %sub3A_2262 = vector.broadcast %sub3A_2261 : i32 to vector<16xi32>
        %sub3A_2263 = arith.subi %shift_right_logical3A_2260, %sub3A_2262 : vector<16xi32>
        %and3A_2264 = arith.constant 8388607 : i32
        %and3A_2265 = vector.broadcast %and3A_2264 : i32 to vector<16xi32>
        %and3A_2266 = arith.andi %bitcast_convert_type3A_2257, %and3A_2265 : vector<16xi32>
        %or3A_2267 = arith.constant 1065353216 : i32
        %or3A_2268 = vector.broadcast %or3A_2267 : i32 to vector<16xi32>
        %or3A_2269 = arith.ori %and3A_2266, %or3A_2268 : vector<16xi32>
        %bitcast_convert_type3A_2270 = tpu.bitcast %or3A_2269 : vector<16xi32> -> vector<16xf32>
        %gt3A_2271 = arith.constant 1.41421354 : f32
        %gt3A_2272 = vector.broadcast %gt3A_2271 : f32 to vector<16xf32>
        %gt3A_2273 = arith.cmpf ogt, %bitcast_convert_type3A_2270, %gt3A_2272 : vector<16xf32>
        %mul3A_2274 = arith.constant 5.000000e-01 : f32
        %mul3A_2275 = vector.broadcast %mul3A_2274 : f32 to vector<16xf32>
        %mul3A_2276 = arith.mulf %bitcast_convert_type3A_2270, %mul3A_2275 : vector<16xf32>
        %select_n3A_2277 = arith.select %gt3A_2273, %mul3A_2276, %bitcast_convert_type3A_2270 : vector<16xi1>, vector<16xf32>
        %jit3A_2278 = arith.constant 1 : i32
        %jit3A_2279 = arith.constant 0 : i32
        %broadcast_in_dim3A_2280 = vector.broadcast %jit3A_2278 : i32 to vector<16xi32>
        %broadcast_in_dim3A_2281 = vector.broadcast %jit3A_2279 : i32 to vector<16xi32>
        %select_n3A_2282 = arith.select %gt3A_2273, %broadcast_in_dim3A_2280, %broadcast_in_dim3A_2281 : vector<16xi1>, vector<16xi32>
        %add3A_2283 = arith.addi %sub3A_2263, %select_n3A_2282 : vector<16xi32>
        %sub3A_2284 = arith.constant 1.000000e+00 : f32
        %sub3A_2285 = vector.broadcast %sub3A_2284 : f32 to vector<16xf32>
        %sub3A_2286 = arith.subf %select_n3A_2277, %sub3A_2285 : vector<16xf32>
        %add3A_2287 = arith.constant 1.000000e+00 : f32
        %add3A_2288 = vector.broadcast %add3A_2287 : f32 to vector<16xf32>
        %add3A_2289 = arith.addf %select_n3A_2277, %add3A_2288 : vector<16xf32>
        %div3A_2290 = arith.divf %sub3A_2286, %add3A_2289 : vector<16xf32>
        %mul3A_2291 = arith.mulf %div3A_2290, %div3A_2290 : vector<16xf32>
        %mul3A_2292 = arith.constant 0.111111112 : f32
        %mul3A_2293 = vector.broadcast %mul3A_2292 : f32 to vector<16xf32>
        %mul3A_2294 = arith.mulf %mul3A_2291, %mul3A_2293 : vector<16xf32>
        %add3A_2295 = arith.constant 0.142857149 : f32
        %add3A_2296 = vector.broadcast %add3A_2295 : f32 to vector<16xf32>
        %add3A_2297 = arith.addf %mul3A_2294, %add3A_2296 : vector<16xf32>
        %mul3A_2298 = arith.mulf %mul3A_2291, %add3A_2297 : vector<16xf32>
        %add3A_2299 = arith.constant 2.000000e-01 : f32
        %add3A_2300 = vector.broadcast %add3A_2299 : f32 to vector<16xf32>
        %add3A_2301 = arith.addf %mul3A_2298, %add3A_2300 : vector<16xf32>
        %mul3A_2302 = arith.mulf %mul3A_2291, %add3A_2301 : vector<16xf32>
        %add3A_2303 = arith.constant 0.333333343 : f32
        %add3A_2304 = vector.broadcast %add3A_2303 : f32 to vector<16xf32>
        %add3A_2305 = arith.addf %mul3A_2302, %add3A_2304 : vector<16xf32>
        %mul3A_2306 = arith.mulf %mul3A_2291, %add3A_2305 : vector<16xf32>
        %add3A_2307 = arith.constant 1.000000e+00 : f32
        %add3A_2308 = vector.broadcast %add3A_2307 : f32 to vector<16xf32>
        %add3A_2309 = arith.addf %mul3A_2306, %add3A_2308 : vector<16xf32>
        %convert_element_type3A_2310 = arith.sitofp %add3A_2283 : vector<16xi32> to vector<16xf32>
        %mul3A_2311 = arith.constant 0.693147182 : f32
        %mul3A_2312 = vector.broadcast %mul3A_2311 : f32 to vector<16xf32>
        %mul3A_2313 = arith.mulf %convert_element_type3A_2310, %mul3A_2312 : vector<16xf32>
        %mul3A_2314 = arith.constant 2.000000e+00 : f32
        %mul3A_2315 = vector.broadcast %mul3A_2314 : f32 to vector<16xf32>
        %mul3A_2316 = arith.mulf %mul3A_2315, %div3A_2290 : vector<16xf32>
        %mul3A_2317 = arith.mulf %mul3A_2316, %add3A_2309 : vector<16xf32>
        %add3A_2318 = arith.addf %mul3A_2313, %mul3A_2317 : vector<16xf32>
        %neg3A_2319 = arith.constant 0.000000e+00 : f32
        %neg3A_2320 = vector.broadcast %neg3A_2319 : f32 to vector<16xf32>
        %neg3A_2321 = arith.subf %neg3A_2320, %add3A_2318 : vector<16xf32>
        %add3A_2322 = arith.addf %scan3A_520, %neg3A_2321 : vector<16xf32>
        scf.yield %add3A_2322 : vector<16xf32>
      }
      %scan3A_332 = arith.constant 16 : i32
      %gather3A_333 = tpu.vector_load_idx %arg10[%mul3A_71] : memref<272xf32, #tpu.memory_space<vmem>>[vector<16xi32>], vector<16xf32>,
      %add3A_334 = arith.constant 1 : i32
      %add3A_335 = vector.broadcast %add3A_334 : i32 to vector<16xi32>
      %add3A_336 = arith.addi %mul3A_71, %add3A_335 : vector<16xi32>
      %gather3A_337 = tpu.vector_load_idx %arg10[%add3A_336] : memref<272xf32, #tpu.memory_space<vmem>>[vector<16xi32>], vector<16xf32>,
      %add3A_338 = arith.addf %gather3A_333, %gather3A_337 : vector<16xf32>
      %add3A_339 = arith.constant 2 : i32
      %add3A_340 = vector.broadcast %add3A_339 : i32 to vector<16xi32>
      %add3A_341 = arith.addi %mul3A_71, %add3A_340 : vector<16xi32>
      %gather3A_342 = tpu.vector_load_idx %arg10[%add3A_341] : memref<272xf32, #tpu.memory_space<vmem>>[vector<16xi32>], vector<16xf32>,
      %add3A_343 = arith.addf %add3A_338, %gather3A_342 : vector<16xf32>
      %add3A_344 = arith.constant 3 : i32
      %add3A_345 = vector.broadcast %add3A_344 : i32 to vector<16xi32>
      %add3A_346 = arith.addi %mul3A_71, %add3A_345 : vector<16xi32>
      %gather3A_347 = tpu.vector_load_idx %arg10[%add3A_346] : memref<272xf32, #tpu.memory_space<vmem>>[vector<16xi32>], vector<16xf32>,
      %add3A_348 = arith.addf %add3A_343, %gather3A_347 : vector<16xf32>
      %add3A_349 = arith.constant 4 : i32
      %add3A_350 = vector.broadcast %add3A_349 : i32 to vector<16xi32>
      %add3A_351 = arith.addi %mul3A_71, %add3A_350 : vector<16xi32>
      %gather3A_352 = tpu.vector_load_idx %arg10[%add3A_351] : memref<272xf32, #tpu.memory_space<vmem>>[vector<16xi32>], vector<16xf32>,
      %add3A_353 = arith.addf %add3A_348, %gather3A_352 : vector<16xf32>
      %add3A_354 = arith.constant 5 : i32
      %add3A_355 = vector.broadcast %add3A_354 : i32 to vector<16xi32>
      %add3A_356 = arith.addi %mul3A_71, %add3A_355 : vector<16xi32>
      %gather3A_357 = tpu.vector_load_idx %arg10[%add3A_356] : memref<272xf32, #tpu.memory_space<vmem>>[vector<16xi32>], vector<16xf32>,
      %add3A_358 = arith.addf %add3A_353, %gather3A_357 : vector<16xf32>
      %add3A_359 = arith.constant 6 : i32
      %add3A_360 = vector.broadcast %add3A_359 : i32 to vector<16xi32>
      %add3A_361 = arith.addi %mul3A_71, %add3A_360 : vector<16xi32>
      %gather3A_362 = tpu.vector_load_idx %arg10[%add3A_361] : memref<272xf32, #tpu.memory_space<vmem>>[vector<16xi32>], vector<16xf32>,
      %add3A_363 = arith.addf %add3A_358, %gather3A_362 : vector<16xf32>
      %add3A_364 = arith.constant 7 : i32
      %add3A_365 = vector.broadcast %add3A_364 : i32 to vector<16xi32>
      %add3A_366 = arith.addi %mul3A_71, %add3A_365 : vector<16xi32>
      %gather3A_367 = tpu.vector_load_idx %arg10[%add3A_366] : memref<272xf32, #tpu.memory_space<vmem>>[vector<16xi32>], vector<16xf32>,
      %add3A_368 = arith.addf %add3A_363, %gather3A_367 : vector<16xf32>
      %add3A_369 = arith.constant 8 : i32
      %add3A_370 = vector.broadcast %add3A_369 : i32 to vector<16xi32>
      %add3A_371 = arith.addi %mul3A_71, %add3A_370 : vector<16xi32>
      %gather3A_372 = tpu.vector_load_idx %arg10[%add3A_371] : memref<272xf32, #tpu.memory_space<vmem>>[vector<16xi32>], vector<16xf32>,
      %add3A_373 = arith.addf %add3A_368, %gather3A_372 : vector<16xf32>
      %add3A_374 = arith.constant 9 : i32
      %add3A_375 = vector.broadcast %add3A_374 : i32 to vector<16xi32>
      %add3A_376 = arith.addi %mul3A_71, %add3A_375 : vector<16xi32>
      %gather3A_377 = tpu.vector_load_idx %arg10[%add3A_376] : memref<272xf32, #tpu.memory_space<vmem>>[vector<16xi32>], vector<16xf32>,
      %add3A_378 = arith.addf %add3A_373, %gather3A_377 : vector<16xf32>
      %add3A_379 = arith.constant 10 : i32
      %add3A_380 = vector.broadcast %add3A_379 : i32 to vector<16xi32>
      %add3A_381 = arith.addi %mul3A_71, %add3A_380 : vector<16xi32>
      %gather3A_382 = tpu.vector_load_idx %arg10[%add3A_381] : memref<272xf32, #tpu.memory_space<vmem>>[vector<16xi32>], vector<16xf32>,
      %add3A_383 = arith.addf %add3A_378, %gather3A_382 : vector<16xf32>
      %add3A_384 = arith.constant 11 : i32
      %add3A_385 = vector.broadcast %add3A_384 : i32 to vector<16xi32>
      %add3A_386 = arith.addi %mul3A_71, %add3A_385 : vector<16xi32>
      %gather3A_387 = tpu.vector_load_idx %arg10[%add3A_386] : memref<272xf32, #tpu.memory_space<vmem>>[vector<16xi32>], vector<16xf32>,
      %add3A_388 = arith.addf %add3A_383, %gather3A_387 : vector<16xf32>
      %add3A_389 = arith.constant 12 : i32
      %add3A_390 = vector.broadcast %add3A_389 : i32 to vector<16xi32>
      %add3A_391 = arith.addi %mul3A_71, %add3A_390 : vector<16xi32>
      %gather3A_392 = tpu.vector_load_idx %arg10[%add3A_391] : memref<272xf32, #tpu.memory_space<vmem>>[vector<16xi32>], vector<16xf32>,
      %add3A_393 = arith.addf %add3A_388, %gather3A_392 : vector<16xf32>
      %add3A_394 = arith.constant 13 : i32
      %add3A_395 = vector.broadcast %add3A_394 : i32 to vector<16xi32>
      %add3A_396 = arith.addi %mul3A_71, %add3A_395 : vector<16xi32>
      %gather3A_397 = tpu.vector_load_idx %arg10[%add3A_396] : memref<272xf32, #tpu.memory_space<vmem>>[vector<16xi32>], vector<16xf32>,
      %add3A_398 = arith.addf %add3A_393, %gather3A_397 : vector<16xf32>
      %add3A_399 = arith.constant 14 : i32
      %add3A_400 = vector.broadcast %add3A_399 : i32 to vector<16xi32>
      %add3A_401 = arith.addi %mul3A_71, %add3A_400 : vector<16xi32>
      %gather3A_402 = tpu.vector_load_idx %arg10[%add3A_401] : memref<272xf32, #tpu.memory_space<vmem>>[vector<16xi32>], vector<16xf32>,
      %add3A_403 = arith.addf %add3A_398, %gather3A_402 : vector<16xf32>
      %add3A_404 = arith.constant 15 : i32
      %add3A_405 = vector.broadcast %add3A_404 : i32 to vector<16xi32>
      %add3A_406 = arith.addi %mul3A_71, %add3A_405 : vector<16xi32>
      %gather3A_407 = tpu.vector_load_idx %arg10[%add3A_406] : memref<272xf32, #tpu.memory_space<vmem>>[vector<16xi32>], vector<16xf32>,
      %add3A_408 = arith.addf %add3A_403, %gather3A_407 : vector<16xf32>
      %add3A_409 = arith.constant 1.000000e+00 : f32
      %add3A_410 = vector.broadcast %add3A_409 : f32 to vector<16xf32>
      %add3A_411 = arith.addf %add3A_410, %add3A_408 : vector<16xf32>
      %div3A_412 = arith.constant 1.000000e+00 : f32
      %div3A_413 = vector.broadcast %div3A_412 : f32 to vector<16xf32>
      %div3A_414 = arith.divf %div3A_413, %add3A_411 : vector<16xf32>
      %max3A_415 = arith.constant 9.99999974E-5 : f32
      %max3A_416 = vector.broadcast %max3A_415 : f32 to vector<16xf32>
      %max3A_417 = arith.maximumf %div3A_414, %max3A_416 : vector<16xf32>
      %min3A_418 = arith.constant 1.000000e+00 : f32
      %min3A_419 = vector.broadcast %min3A_418 : f32 to vector<16xf32>
      %min3A_420 = arith.minimumf %max3A_417, %min3A_419 : vector<16xf32>
      %bitcast_convert_type3A_421 = tpu.bitcast %min3A_420 : vector<16xf32> -> vector<16xi32>
      %shift_right_logical3A_422 = arith.constant 23 : i32
      %shift_right_logical3A_423 = vector.broadcast %shift_right_logical3A_422 : i32 to vector<16xi32>
      %shift_right_logical3A_424 = arith.shrui %bitcast_convert_type3A_421, %shift_right_logical3A_423 : vector<16xi32>
      %sub3A_425 = arith.constant 127 : i32
      %sub3A_426 = vector.broadcast %sub3A_425 : i32 to vector<16xi32>
      %sub3A_427 = arith.subi %shift_right_logical3A_424, %sub3A_426 : vector<16xi32>
      %and3A_428 = arith.constant 8388607 : i32
      %and3A_429 = vector.broadcast %and3A_428 : i32 to vector<16xi32>
      %and3A_430 = arith.andi %bitcast_convert_type3A_421, %and3A_429 : vector<16xi32>
      %or3A_431 = arith.constant 1065353216 : i32
      %or3A_432 = vector.broadcast %or3A_431 : i32 to vector<16xi32>
      %or3A_433 = arith.ori %and3A_430, %or3A_432 : vector<16xi32>
      %bitcast_convert_type3A_434 = tpu.bitcast %or3A_433 : vector<16xi32> -> vector<16xf32>
      %gt3A_435 = arith.constant 1.41421354 : f32
      %gt3A_436 = vector.broadcast %gt3A_435 : f32 to vector<16xf32>
      %gt3A_437 = arith.cmpf ogt, %bitcast_convert_type3A_434, %gt3A_436 : vector<16xf32>
      %mul3A_438 = arith.constant 5.000000e-01 : f32
      %mul3A_439 = vector.broadcast %mul3A_438 : f32 to vector<16xf32>
      %mul3A_440 = arith.mulf %bitcast_convert_type3A_434, %mul3A_439 : vector<16xf32>
      %select_n3A_441 = arith.select %gt3A_437, %mul3A_440, %bitcast_convert_type3A_434 : vector<16xi1>, vector<16xf32>
      %jit3A_442 = arith.constant 1 : i32
      %jit3A_443 = arith.constant 0 : i32
      %broadcast_in_dim3A_444 = vector.broadcast %jit3A_442 : i32 to vector<16xi32>
      %broadcast_in_dim3A_445 = vector.broadcast %jit3A_443 : i32 to vector<16xi32>
      %select_n3A_446 = arith.select %gt3A_437, %broadcast_in_dim3A_444, %broadcast_in_dim3A_445 : vector<16xi1>, vector<16xi32>
      %add3A_447 = arith.addi %sub3A_427, %select_n3A_446 : vector<16xi32>
      %sub3A_448 = arith.constant 1.000000e+00 : f32
      %sub3A_449 = vector.broadcast %sub3A_448 : f32 to vector<16xf32>
      %sub3A_450 = arith.subf %select_n3A_441, %sub3A_449 : vector<16xf32>
      %add3A_451 = arith.constant 1.000000e+00 : f32
      %add3A_452 = vector.broadcast %add3A_451 : f32 to vector<16xf32>
      %add3A_453 = arith.addf %select_n3A_441, %add3A_452 : vector<16xf32>
      %div3A_454 = arith.divf %sub3A_450, %add3A_453 : vector<16xf32>
      %mul3A_455 = arith.mulf %div3A_454, %div3A_454 : vector<16xf32>
      %mul3A_456 = arith.constant 0.111111112 : f32
      %mul3A_457 = vector.broadcast %mul3A_456 : f32 to vector<16xf32>
      %mul3A_458 = arith.mulf %mul3A_455, %mul3A_457 : vector<16xf32>
      %add3A_459 = arith.constant 0.142857149 : f32
      %add3A_460 = vector.broadcast %add3A_459 : f32 to vector<16xf32>
      %add3A_461 = arith.addf %mul3A_458, %add3A_460 : vector<16xf32>
      %mul3A_462 = arith.mulf %mul3A_455, %add3A_461 : vector<16xf32>
      %add3A_463 = arith.constant 2.000000e-01 : f32
      %add3A_464 = vector.broadcast %add3A_463 : f32 to vector<16xf32>
      %add3A_465 = arith.addf %mul3A_462, %add3A_464 : vector<16xf32>
      %mul3A_466 = arith.mulf %mul3A_455, %add3A_465 : vector<16xf32>
      %add3A_467 = arith.constant 0.333333343 : f32
      %add3A_468 = vector.broadcast %add3A_467 : f32 to vector<16xf32>
      %add3A_469 = arith.addf %mul3A_466, %add3A_468 : vector<16xf32>
      %mul3A_470 = arith.mulf %mul3A_455, %add3A_469 : vector<16xf32>
      %add3A_471 = arith.constant 1.000000e+00 : f32
      %add3A_472 = vector.broadcast %add3A_471 : f32 to vector<16xf32>
      %add3A_473 = arith.addf %mul3A_470, %add3A_472 : vector<16xf32>
      %convert_element_type3A_474 = arith.sitofp %add3A_447 : vector<16xi32> to vector<16xf32>
      %mul3A_475 = arith.constant 0.693147182 : f32
      %mul3A_476 = vector.broadcast %mul3A_475 : f32 to vector<16xf32>
      %mul3A_477 = arith.mulf %convert_element_type3A_474, %mul3A_476 : vector<16xf32>
      %mul3A_478 = arith.constant 2.000000e+00 : f32
      %mul3A_479 = vector.broadcast %mul3A_478 : f32 to vector<16xf32>
      %mul3A_480 = arith.mulf %mul3A_479, %div3A_454 : vector<16xf32>
      %mul3A_481 = arith.mulf %mul3A_480, %add3A_473 : vector<16xf32>
      %add3A_482 = arith.addf %mul3A_477, %mul3A_481 : vector<16xf32>
      %neg3A_483 = arith.constant 0.000000e+00 : f32
      %neg3A_484 = vector.broadcast %neg3A_483 : f32 to vector<16xf32>
      %neg3A_485 = arith.subf %neg3A_484, %add3A_482 : vector<16xf32>
      %add3A_486 = arith.addf %scan3A_331, %neg3A_485 : vector<16xf32>
      %add3A_487 = arith.constant 2 : i32
      %add3A_488 = arith.addi %add3A_311, %add3A_487 : i32
      %and3A_489 = arith.constant 7 : i32
      %and3A_490 = arith.andi %add3A_488, %and3A_489 : i32
      %mul3A_491 = arith.constant 2 : i32
      %mul3A_492 = arith.muli %mul3A_491, %and3A_490 : i32
      %dma_start3A_493 = arith.constant 1 : i32
      %dma_start3A_494 = arith.constant 0 : i32
      %dma_start3A_495 = arith.constant 0 : i32
      %dma_start3A_496 = tpu.memref_slice %arg8[%dma_start3A_493, %dma_start3A_494, %dma_start3A_495] : memref<2x256x128xf32, #tpu.memory_space<vmem>> -> memref<1x128x128xf32, #tpu.memory_space<vmem>>
      %dma_start3A_497 = tpu.memref_squeeze %dma_start3A_496 : memref<1x128x128xf32, #tpu.memory_space<vmem>> -> memref<128x128xf32, #tpu.memory_space<vmem>>
      %dma_start3A_498 = arith.constant 0 : i32
      %dma_start3A_499 = tpu.memref_slice %arg7[%mul3A_492, %dma_start3A_498] : memref<16x128xi32, #tpu.memory_space<vmem>> -> memref<1x128xi32, #tpu.memory_space<vmem>>
      %dma_start3A_500 = tpu.memref_squeeze %dma_start3A_499 : memref<1x128xi32, #tpu.memory_space<vmem>> -> memref<128xi32, #tpu.memory_space<vmem>>
      %dma_start3A_501 = arith.constant 0 : i32
      %dma_start3A_502 = arith.constant 0 : i32
      %dma_start3A_503 = tpu.memref_slice %arg2[%dma_start3A_501, %dma_start3A_502] : memref<8192x128xf32, #tpu.memory_space<hbm>> -> memref<8192x128xf32, #tpu.memory_space<hbm>>
      tpu.enqueue_indirect_dma source(%dma_start3A_503 : memref<8192x128xf32, #tpu.memory_space<hbm>>) target(%dma_start3A_497 : memref<128x128xf32, #tpu.memory_space<vmem>>) offsets(%dma_start3A_500 : memref<128xi32, #tpu.memory_space<vmem>>) semaphore(%arg13 : memref<!tpu.dma_semaphore, #tpu.memory_space<semaphore_mem>>)
      %mul3A_504 = arith.constant 2 : i32
      %mul3A_505 = arith.muli %mul3A_504, %and3A_490 : i32
      %add3A_506 = arith.constant 1 : i32
      %add3A_507 = arith.addi %mul3A_505, %add3A_506 : i32
      %dma_start3A_508 = arith.constant 1 : i32
      %dma_start3A_509 = arith.constant 128 : i32
      %dma_start3A_510 = arith.constant 0 : i32
      %dma_start3A_511 = tpu.memref_slice %arg8[%dma_start3A_508, %dma_start3A_509, %dma_start3A_510] : memref<2x256x128xf32, #tpu.memory_space<vmem>> -> memref<1x128x128xf32, #tpu.memory_space<vmem>>
      %dma_start3A_512 = tpu.memref_squeeze %dma_start3A_511 : memref<1x128x128xf32, #tpu.memory_space<vmem>> -> memref<128x128xf32, #tpu.memory_space<vmem>>
      %dma_start3A_513 = arith.constant 0 : i32
      %dma_start3A_514 = tpu.memref_slice %arg7[%add3A_507, %dma_start3A_513] : memref<16x128xi32, #tpu.memory_space<vmem>> -> memref<1x128xi32, #tpu.memory_space<vmem>>
      %dma_start3A_515 = tpu.memref_squeeze %dma_start3A_514 : memref<1x128xi32, #tpu.memory_space<vmem>> -> memref<128xi32, #tpu.memory_space<vmem>>
      %dma_start3A_516 = arith.constant 0 : i32
      %dma_start3A_517 = arith.constant 0 : i32
      %dma_start3A_518 = tpu.memref_slice %arg2[%dma_start3A_516, %dma_start3A_517] : memref<8192x128xf32, #tpu.memory_space<hbm>> -> memref<8192x128xf32, #tpu.memory_space<hbm>>
      tpu.enqueue_indirect_dma source(%dma_start3A_518 : memref<8192x128xf32, #tpu.memory_space<hbm>>) target(%dma_start3A_512 : memref<128x128xf32, #tpu.memory_space<vmem>>) offsets(%dma_start3A_515 : memref<128xi32, #tpu.memory_space<vmem>>) semaphore(%arg13 : memref<!tpu.dma_semaphore, #tpu.memory_space<semaphore_mem>>)
      scf.yield %add3A_486 : vector<16xf32>
    }
    %scan3A_77 = arith.constant 4 : i32
    %dma_wait3A_78 = arith.constant 0 : i32
    %dma_wait3A_79 = arith.constant 0 : i32
    %dma_wait3A_80 = arith.constant 0 : i32
    %dma_wait3A_81 = tpu.memref_slice %arg8[%dma_wait3A_78, %dma_wait3A_79, %dma_wait3A_80] : memref<2x256x128xf32, #tpu.memory_space<vmem>> -> memref<1x256x128xf32, #tpu.memory_space<vmem>>
    %dma_wait3A_82 = tpu.memref_squeeze %dma_wait3A_81 : memref<1x256x128xf32, #tpu.memory_space<vmem>> -> memref<256x128xf32, #tpu.memory_space<vmem>>
    %dma_wait3A_83 = arith.constant 0 : i32
    %dma_wait3A_84 = arith.constant 0 : i32
    %dma_wait3A_85 = tpu.memref_slice %arg2[%dma_wait3A_83, %dma_wait3A_84] : memref<8192x128xf32, #tpu.memory_space<hbm>> -> memref<256x128xf32, #tpu.memory_space<hbm>>
    %dma_wait3A_86 = arith.constant 0 : i32
    %dma_wait3A_87 = arith.constant 0 : i32
    %dma_wait3A_88 = tpu.memref_slice %arg8[%dma_wait3A_78, %dma_wait3A_86, %dma_wait3A_87] : memref<2x256x128xf32, #tpu.memory_space<vmem>> -> memref<1x256x128xf32, #tpu.memory_space<vmem>>
    %dma_wait3A_89 = tpu.memref_squeeze %dma_wait3A_88 : memref<1x256x128xf32, #tpu.memory_space<vmem>> -> memref<256x128xf32, #tpu.memory_space<vmem>>
    %dma_wait3A_90 = arith.constant 0 : i32
    %dma_wait3A_91 = arith.constant 0 : i32
    %dma_wait3A_92 = tpu.memref_slice %arg2[%dma_wait3A_90, %dma_wait3A_91] : memref<8192x128xf32, #tpu.memory_space<hbm>> -> memref<256x128xf32, #tpu.memory_space<hbm>>
    tpu.wait_dma2 semaphore(%arg12 : memref<!tpu.dma_semaphore, #tpu.memory_space<semaphore_mem>>) src(%dma_wait3A_92 : memref<256x128xf32, #tpu.memory_space<hbm>>) dst(%dma_wait3A_89 : memref<256x128xf32, #tpu.memory_space<vmem>>)
    %dma_wait3A_93 = arith.constant 1 : i32
    %dma_wait3A_94 = arith.constant 0 : i32
    %dma_wait3A_95 = arith.constant 0 : i32
    %dma_wait3A_96 = tpu.memref_slice %arg8[%dma_wait3A_93, %dma_wait3A_94, %dma_wait3A_95] : memref<2x256x128xf32, #tpu.memory_space<vmem>> -> memref<1x256x128xf32, #tpu.memory_space<vmem>>
    %dma_wait3A_97 = tpu.memref_squeeze %dma_wait3A_96 : memref<1x256x128xf32, #tpu.memory_space<vmem>> -> memref<256x128xf32, #tpu.memory_space<vmem>>
    %dma_wait3A_98 = arith.constant 0 : i32
    %dma_wait3A_99 = arith.constant 0 : i32
    %dma_wait3A_100 = tpu.memref_slice %arg2[%dma_wait3A_98, %dma_wait3A_99] : memref<8192x128xf32, #tpu.memory_space<hbm>> -> memref<256x128xf32, #tpu.memory_space<hbm>>
    %dma_wait3A_101 = arith.constant 0 : i32
    %dma_wait3A_102 = arith.constant 0 : i32
    %dma_wait3A_103 = tpu.memref_slice %arg8[%dma_wait3A_93, %dma_wait3A_101, %dma_wait3A_102] : memref<2x256x128xf32, #tpu.memory_space<vmem>> -> memref<1x256x128xf32, #tpu.memory_space<vmem>>
    %dma_wait3A_104 = tpu.memref_squeeze %dma_wait3A_103 : memref<1x256x128xf32, #tpu.memory_space<vmem>> -> memref<256x128xf32, #tpu.memory_space<vmem>>
    %dma_wait3A_105 = arith.constant 0 : i32
    %dma_wait3A_106 = arith.constant 0 : i32
    %dma_wait3A_107 = tpu.memref_slice %arg2[%dma_wait3A_105, %dma_wait3A_106] : memref<8192x128xf32, #tpu.memory_space<hbm>> -> memref<256x128xf32, #tpu.memory_space<hbm>>
    tpu.wait_dma2 semaphore(%arg13 : memref<!tpu.dma_semaphore, #tpu.memory_space<semaphore_mem>>) src(%dma_wait3A_107 : memref<256x128xf32, #tpu.memory_space<hbm>>) dst(%dma_wait3A_104 : memref<256x128xf32, #tpu.memory_space<vmem>>)
    %swap3A = arith.constant 0 : index
    %swap3A_108 = tpu.vector_load %arg11[%swap3A] {strides = array<i32>} : memref<16xf32, #tpu.memory_space<vmem>>, vector<16xf32>,
    tpu.vector_store %arg11[%swap3A], %scan3A_76 {strides = array<i32>} : memref<16xf32, #tpu.memory_space<vmem>>, vector<16xf32>,
    "tpu.region"() ({
      %run_scoped3A = tpu.sem_alloc : memref<!tpu.dma_semaphore, #tpu.memory_space<semaphore_mem>>
      %dma_start3A_109 = arith.constant 0 : i32
      %dma_start3A_110 = tpu.memref_slice %arg4[%add3A, %dma_start3A_109] : memref<32x16xf32, #tpu.memory_space<hbm>> -> memref<1x16xf32, #tpu.memory_space<hbm>>
      %dma_start3A_111 = tpu.memref_squeeze %dma_start3A_110 : memref<1x16xf32, #tpu.memory_space<hbm>> -> memref<16xf32, #tpu.memory_space<hbm>>
      %dma_start3A_112 = arith.constant 0 : i32
      %dma_start3A_113 = tpu.memref_slice %arg4[%add3A, %dma_start3A_112] : memref<32x16xf32, #tpu.memory_space<hbm>> -> memref<1x16xf32, #tpu.memory_space<hbm>>
      %dma_start3A_114 = tpu.memref_squeeze %dma_start3A_113 : memref<1x16xf32, #tpu.memory_space<hbm>> -> memref<16xf32, #tpu.memory_space<hbm>>
      tpu.enqueue_dma source(%arg11 : memref<16xf32, #tpu.memory_space<vmem>>) target(%dma_start3A_114 : memref<16xf32, #tpu.memory_space<hbm>>) target_semaphore(%run_scoped3A : memref<!tpu.dma_semaphore, #tpu.memory_space<semaphore_mem>>)
      %dma_wait3A_115 = arith.constant 0 : i32
      %dma_wait3A_116 = tpu.memref_slice %arg4[%add3A, %dma_wait3A_115] : memref<32x16xf32, #tpu.memory_space<hbm>> -> memref<1x16xf32, #tpu.memory_space<hbm>>
      %dma_wait3A_117 = tpu.memref_squeeze %dma_wait3A_116 : memref<1x16xf32, #tpu.memory_space<hbm>> -> memref<16xf32, #tpu.memory_space<hbm>>
      %dma_wait3A_118 = arith.constant 0 : i32
      %dma_wait3A_119 = tpu.memref_slice %arg4[%add3A, %dma_wait3A_118] : memref<32x16xf32, #tpu.memory_space<hbm>> -> memref<1x16xf32, #tpu.memory_space<hbm>>
      %dma_wait3A_120 = tpu.memref_squeeze %dma_wait3A_119 : memref<1x16xf32, #tpu.memory_space<hbm>> -> memref<16xf32, #tpu.memory_space<hbm>>
      tpu.wait_dma2 semaphore(%run_scoped3A : memref<!tpu.dma_semaphore, #tpu.memory_space<semaphore_mem>>) src(%arg11 : memref<16xf32, #tpu.memory_space<vmem>>) dst(%dma_wait3A_120 : memref<16xf32, #tpu.memory_space<hbm>>)
      tpu.yield
    }) : () -> ()
    return
  }
}

</mosaic_0001>

<sc_bundles>
// kernel: kernel.3.cloned.1.call-start
scs
__scs_entry_jumppad:
0x0: {  	(pc) =	sbr.rel $0x88, $3  }
0x1: {  	(tag) =	ssettag $0x0;
	lr =	simm.s32 $0x1  }
0x2: {  	[smem:$0x3FA0] =	sst lr;
	_ =	strace $0xD0000000  }
0x3: {  	_ = 	snop  }
0x4: {  	_ = 	snop  }
0x5: {  	_ = 	snop  }
0x6: {  	_ = 	snop  }
0x7: {  	_ = 	snop  }
__scs_overlays_trampoline_lowered:
0x8: {  	[smem:$0x3FAF] =	sst s0  }
0x9: {  	[smem:$0x3FB0] =	sst s1  }
0xa: {  	[smem:$0x3FB1] =	sst s2  }
0xb: {  	[smem:$0x3FB2] =	sst s3  }
0xc: {  	[smem:$0x3FB3] =	sst s4  }
0xd: {  	[smem:$0x3FB4] =	sst s5  }
0xe: {  	[smem:$0x3FB5] =	sst s6  }
0xf: {  	[smem:$0x3FB6] =	sst s7  }
0x10: {  	[smem:$0x3FB7] =	sst s8  }
0x11: {  	[smem:$0x3FB8] =	sst s9;
	s0 =	simm.s32 @!p0 $0x0  }
0x12: {  	s1 =	sld [smem:$0x3F9E];
	s0 =	simm.s32 @p0 $0x1  }
0x13: {  	[smem:$0x3FB9] =	sst s0;
	s0 =	simm.s32 @!p1 $0x0  }
0x14: {  	s2 =	sld [smem:$0x3F9D];
	s0 =	simm.s32 @p1 $0x1  }
0x15: {  	[smem:$0x3FBA] =	sst s0;
	s0 =	simm.s32 @!p2 $0x0  }
0x16: {  	s3 =	sld [smem:$0x3FDB];
	s0 =	simm.s32 @p2 $0x1  }
0x17: {  	s4 =	simm.s32 $0x1BF5;
	[smem:$0x3FBC] =	sst s0  }
0x18: {  	s0 =	sld [smem:$0x3F9F];
	_ =	swait.ge [sflag:s4], $0x0  }
0x19: {  	s7 =	sld [smem:$0x3FA0]  }
0x1a: {  	s8 =	sadd.s32 $0xFFFFE003, lr  }
0x1b: {  	s9 =	sadd.s32 $0xFFFFFEF7, lr;
	s5 =	simm.s32 $0xFFFFFFFF;
	p2 =	slt.u32 s8, $0xFFFFF086  }
0x1c: {  	p1 =	slt.u32 s9, $0xF7A;
	s5 =	simm.s32 @!p2 $0x0  }
0x1d: {  	s5 =	simm.s32 @p1 $0x1;
	p0 =	seq.s32 s7, s2  }
0x1e: {  	s7 =	smul.u32 @!p0 $0xF7A, s2;
	p2 =	seq.s32 @!p0 s5, $0x0  }
0x1f: {  	s9 =	smul.u32 $0xF7A, s1;
	s8 =	simm.s32 @!p0 $0x1BF5;
	p2 =	por !p2, p0  }
0x20: {  	[sflag:s8] =	ssyncset.s32 @!p0 $0xFFFFF086;
	s6 =	sadd.s32 @!p0 s3, s7;
	s7 =	simm.s32 @!p0 $0x108  }
0x21: {  	s3 =	sadd.s32 s3, s9;
	s6 =	sadd.s32 @!p0 $0x88, s6;
	s7 =	simm.s32 @p2 $0x1082  }
0x22: {  	[simem:s7], [sflag:s8] =	dma.local @!p0 [hbm:s6], $0xF7A  }
0x23: {  	s9 =	sor.u32 $0xD0000000, s2;
	s6 =	simm.s32 $0x108;
	_ =	swait.ge @!p0 [sflag:s8], $0x0  }
0x24: {  	s3 =	sadd.s32 $0x88, s3;
	s6 =	simm.s32 @!p1 $0x1082;
	[sflag:s4] =	ssyncset.s32 $0xFFFFF086  }
0x25: {  	[simem:s6], [sflag:s4] =	dma.local [hbm:s3], $0xF7A  }
0x26: {  	[smem:$0x3FA0] =	sst s1;
	(tag) =	ssettag s2;
	_ =	strace s9  }
0x27: {  	s1 =	sld [smem:$0x3FB0]  }
0x28: {  	s2 =	sld [smem:$0x3FB1]  }
0x29: {  	s4 =	sld [smem:$0x3FB3]  }
0x2a: {  	p0 =	seq.s32 s5, $0x0;
	s5 =	sld [smem:$0x3FB4]  }
0x2b: {  	s6 =	sld [smem:$0x3FB5]  }
0x2c: {  	s7 =	sld [smem:$0x3FB6]  }
0x2d: {  	s3 =	simm.s32 $0x108;
	s8 =	sld [smem:$0x3FB7]  }
0x2e: {  	s3 =	simm.s32 @!p0 $0x1082;
	s9 =	sld [smem:$0x3FB8]  }
0x2f: {  	lr =	sadd.s32 s0, s3;
	s0 =	sld [smem:$0x3FAF]  }
0x30: {  	s3 =	sld [smem:$0x3FB2]  }
0x31: {  	[smem:$0x3FBB] =	sst s10  }
0x32: {  	s10 =	sld [smem:$0x3FB9];
	_ =	sdelay $0x3  }
0x33: {  	p0 =	seq.s32 s10, $0x1;
	s10 =	sld [smem:$0x3FBB];
	_ =	sdelay $0x3  }
0x34: {  	[smem:$0x3FBB] =	sst s10  }
0x35: {  	s10 =	sld [smem:$0x3FBA];
	_ =	sdelay $0x3  }
0x36: {  	p1 =	seq.s32 s10, $0x1;
	s10 =	sld [smem:$0x3FBB];
	_ =	sdelay $0x3  }
0x37: {  	[smem:$0x3FBB] =	sst s10  }
0x38: {  	s10 =	sld [smem:$0x3FBC]  }
0x39: {  	_ = 	snop;
	(pc) =	sbr.ind lr, $3  }
0x3a: {  	_ = 	snop  }
0x3b: {  	_ = 	snop  }
0x3c: {  	p2 =	seq.s32 s10, $0x1;
	s10 =	sld [smem:$0x3FBB]  }
0x3d: {  	_ =	shalt  }
0x3e: {  	_ =	shalt  }
0x3f: {  	_ =	shalt  }
0x40: {  	_ =	shalt  }
0x41: {  	_ =	shalt  }
0x42: {  	_ =	shalt  }
0x43: {  	_ =	shalt  }
0x44: {  	_ =	shalt  }
0x45: {  	_ =	shalt  }
0x46: {  	_ =	shalt  }
0x47: {  	_ =	shalt  }
0x48: {  	_ =	shalt  }
0x49: {  	_ =	shalt  }
0x4a: {  	_ =	shalt  }
0x4b: {  	_ =	shalt  }
0x4c: {  	_ =	shalt  }
0x4d: {  	_ =	shalt  }
0x4e: {  	_ =	shalt  }
0x4f: {  	_ =	shalt  }
0x50: {  	_ =	shalt  }
0x51: {  	_ =	shalt  }
0x52: {  	_ =	shalt  }
0x53: {  	_ =	shalt  }
0x54: {  	_ =	shalt  }
0x55: {  	_ =	shalt  }
0x56: {  	_ =	shalt  }
0x57: {  	_ =	shalt  }
0x58: {  	_ =	shalt  }
0x59: {  	_ =	shalt  }
0x5a: {  	_ =	shalt  }
0x5b: {  	_ =	shalt  }
0x5c: {  	_ =	shalt  }
0x5d: {  	_ =	shalt  }
0x5e: {  	_ =	shalt  }
0x5f: {  	_ =	shalt  }
0x60: {  	_ =	shalt  }
0x61: {  	_ =	shalt  }
0x62: {  	_ =	shalt  }
0x63: {  	_ =	shalt  }
0x64: {  	_ =	shalt  }
0x65: {  	_ =	shalt  }
0x66: {  	_ =	shalt  }
0x67: {  	_ =	shalt  }
0x68: {  	_ =	shalt  }
0x69: {  	_ =	shalt  }
0x6a: {  	_ =	shalt  }
0x6b: {  	_ =	shalt  }
0x6c: {  	_ =	shalt  }
0x6d: {  	_ =	shalt  }
0x6e: {  	_ =	shalt  }
0x6f: {  	_ =	shalt  }
0x70: {  	_ =	shalt  }
0x71: {  	_ =	shalt  }
0x72: {  	_ =	shalt  }
0x73: {  	_ =	shalt  }
0x74: {  	_ =	shalt  }
0x75: {  	_ =	shalt  }
0x76: {  	_ =	shalt  }
0x77: {  	_ =	shalt  }
0x78: {  	_ =	shalt  }
0x79: {  	_ =	shalt  }
0x7a: {  	_ =	shalt  }
0x7b: {  	_ =	shalt  }
0x7c: {  	_ =	shalt  }
0x7d: {  	_ =	shalt  }
0x7e: {  	_ =	shalt  }
0x7f: {  	_ =	shalt  }
0x80: {  	_ =	shalt  }
0x81: {  	_ =	shalt  }
0x82: {  	_ =	shalt  }
0x83: {  	_ =	shalt  }
0x84: {  	_ =	shalt  }
0x85: {  	_ =	shalt  }
0x86: {  	_ =	shalt  }
0x87: {  	_ =	shalt  }
.Lfunc_end0:
.L_simem_size_0:
called_computation_lowered:
.L_overlay_start_0:
0x88: {  	s2 =	sld [smem:$0x3FD9]  }
0x89: {  	s3 =	sld [smem:$0x3FFE];
	_ =	sdelay $0x1  }
0x8a: {  	s1 =	srdreg.scid  }
0x8b: {  	s0 =	sand.u32 $0x1, s1  }
0x8c: {  	s17 =	sshll.u32 s0, $0xA;
	s2 =	sadd.s32 s3, s2  }
0x8d: {  	s2 =	sadd.s32 s2, s17  }
0x8e: {  	[smem:$0x3FC7] =	sst s2  }
0x8f: {  	_ = 	snop  }
0x90: {  	s2 =	sld [smem:$0x3FC9];
	(tm) =	ssettm $0x1  }
0x91: {  	s18 =	sld [smem:$0x3FFB];
	_ =	sdelay $0x3  }
0x92: {  	_ =	strace s18  }
0x93: {  	s3 =	sld [smem:$0x3FFC];
	_ =	sdelay $0x3  }
0x94: {  	_ =	strace s3  }
0x95: {  	s3 =	sld [smem:$0x3FFD];
	_ =	sdelay $0x3  }
0x96: {  	_ =	strace s3  }
0x97: {  	_ =	strace $0x8FFFFFFF  }
0x98: {  	s19 =	sld [smem:$0x3FDB];
	_ =	sdelay $0x1  }
0x99: {  	s4 =	simm.s32 $_scs_section_size  }
0x9a: {  	s5 =	simm.s32 $_size__tile_overlayer_lowered;
	s6 =	simm.s32 $_tile_overlayer_lowered  }
0x9b: {  	s22 =	simm.s32 $0x1BFF;
	s21 =	sshll.u32 s6, $0x1;
	s3 =	sadd.s32 s4, s19  }
0x9c: {  	s7 =	simm.s32 $0x0;
	s20 =	sshll.u32 s5, $0x1;
	s5 =	sadd.s32 s21, s3  }
0x9d: {  	[timem:s7], [sflag:s22] =	dma.local [hbm:s5], s20  }
0x9e: {  	_ =	swait.ge [sflag:s22], s20  }
0x9f: {  	s4 =	ssub.s32 $0x0, s20;
	[sflag:s22] =	ssyncset.done $0x0  }
0xa0: {  	[sflag:s22] =	ssyncadd.s32 s4;
	_ =	sdelay $0x1  }
0xa1: {  	s23 =	simm.s32 $0x1B8B  }
0xa2: {  	_ =	swait.ge [sflag:s23], $0x1  }
0xa3: {  	[sflag:s23] =	ssyncset.done $0x0  }
0xa4: {  	s25 =	simm.s32 $0x1B8E;
	s24 =	sld [smem:$0x3FFE];
	[sflag:s23] =	ssyncadd.s32 $0xFFFFFFFF  }
0xa5: {  	s26 =	simm.s32 $execute0_lowered;
	[smem:$0x3FD2] =	sst s25  }
0xa6: {  	s5 =	sshll.u32 s26, $0x1;
	_ =	strace $0x80000046;
	[dreg:$0x1] =	wrdreg $0xFFFFFFFF  }
0xa7: {  	s28 =	simm.s32 $_size_execute0_lowered;
	s3 =	sadd.s32 s3, s5;
	[dreg:$0x0] =	wrdreg $0x0  }
0xa8: {  	s5 =	sshll.u32 s28, $0x1;
	[dreg:$0x2] =	wrdreg s3  }
0xa9: {  	[dreg:$0x3] =	wrdreg s5  }
0xaa: {  	[dreg:$0x4] =	wrdreg $0xC0  }
0xab: {  	_ =	task [dreg:s7], $0x5FFFF  }
0xac: {  	[dreg:$0x1] =	wrdreg $0xFFFFFFFF  }
0xad: {  	[dreg:$0x0] =	wrdreg $0x60  }
0xae: {  	[dreg:$0x2] =	wrdreg s2  }
0xaf: {  	[dreg:$0x3] =	wrdreg s24  }
0xb0: {  	[dreg:$0x4] =	wrdreg $0x9  }
0xb1: {  	_ =	task.clear_ibuf [dreg:s7], $0x5FFFF;
	_ =	strace $0x90000046  }
0xb2: {  	s29 =	simm.s32 $0x9;
	_ =	strace $0x80000048  }
0xb3: {  	_ =	swait.ge [sflag:s29], $0x1  }
0xb4: {  	[sflag:s29] =	ssyncadd.s32 $0xFFFFFFFF  }
0xb5: {  	_ =	strace $0x90000048  }
0xb6: {  	_ =	sfence  }
0xb7: {  	s30 =	sld [smem:$0x0];
	_ =	sdelay $0x2  }
0xb8: {  	s31 =	sshll.u32 s1, $0xD;
	s1 =	sshrl.u32 s1, $0x2  }
0xb9: {  	s3 =	sand.u32 $0x4000, s31;
	s1 =	sadd.s32 s1, s30  }
0xba: {  	s0 =	sor.u32 s3, s0;
	s1 =	sshll.u32 s1, $0x11  }
0xbb: {  	s0 =	sor.u32 s1, s0  }
0xbc: {  	s0 =	sadd.s32 $0x8F2B, s0  }
0xbd: {  	[sflag:s0] =	ssyncadd.remote.s32 $0x1  }
0xbe: {  	_ =	sfence.sel $0xFFFF  }
0xbf: {  	[dreg:$0x0] =	wrdreg $0xFFFFFFFF;
	(pc) =	sbr.abs _section_cstart, $3  }
0xc0: {  	[dreg:$0x1] =	wrdreg $0xFFFFFFFF  }
0xc1: {  	_ =	task.clear_ibuf [dreg:s7], $0x2FFFF;
	_ =	strace $0x9FFFFFFF  }
0xc2: {  	(tm) =	ssettm $0x7FFFFFFF  }
0xc3: {  	_ =	shalt  }
tec
execute0_lowered:
.L_overlay_start_1:
0x0: {  	(tag) =	ssettag $0x1  }
0x1: {  	s2 =	rddreg [dreg:$0x0];
	s0 =	srdreg.scid;
	v0 =	vlaneseq.u32  }
0x2: {  	s3 =	stileid.u32;
	s1 =	rddreg [dreg:$0x1];
	s9 =	simm.s32 $0x8000;
	v52 =	vadd.s32 $0x11, v0  }
0x3: {  	s10 =	simm.s32 $0x4;
	s11 =	simm.s32 $0x80;
	s12 =	simm.s32 $0x8800;
	v53 =	vadd.s32 $0x22, v0;
	v49 =	vadd.s32 $0x33, v0;
	v55 =	vadd.s32 $0x44, v0  }
0x4: {  	s14 =	simm.s32 $0xC800;
	s16 =	simm.s32 $0x10800;
	s18 =	simm.s32 $0x14800;
	v42 =	vadd.s32 $0x55, v0;
	v39 =	vadd.s32 $0x66, v0;
	v40 =	vadd.s32 $0x77, v0  }
0x5: {  	s20 =	simm.s32 $0x3;
	s21 =	simm.s32 $0x1;
	s22 =	simm.s32 $0x18980;
	v41 =	vadd.s32 $0x88, v0;
	v43 =	vadd.s32 $0x99, v0;
	v46 =	vadd.s32 $0xAA, v0  }
0x6: {  	s23 =	simm.s32 $0x18800;
	s24 =	simm.s32 $0x2;
	s26 =	simm.s32 $0x0;
	v44 =	vmul.u32 $0x11, v0;
	v36 =	vadd.s32 $0xBB, v0;
	v35 =	vadd.s32 $0xCC, v0  }
0x7: {  	s0 =	sand.u32 $0x1, s0;
	s4 =	sshll.u32 s3, $0x1;
	s3 =	simm.s32 $0x0;
	v37 =	vadd.s32 $0xDD, v0;
	v38 =	vadd.s32 $0xEE, v0;
	v45 =	vadd.s32 $0xFF, v0  }
0x8: {  	s4 =	sor.u32 s0, s4;
	[smem:$0x7FF] =	sst s3;
	s0 =	ssub.s32 $0x2, s0;
	v47 =	vadd.s32 $0x1, v44;
	v48 =	vadd.s32 $0x2, v44;
	v50 =	vadd.s32 $0x3, v44  }
0x9: {  	s5 =	sshll.u32 s4, $0x4;
	_ =	strace $0x80000047;
	s31 =	sshrl.u32 s0, $0x1;
	v51 =	vadd.s32 $0x4, v44;
	v54 =	vadd.s32 $0x5, v44;
	v56 =	vadd.s32 $0x6, v44  }
0xa: {  	s6 =	sshll.u32 s4, $0xB;
	s4 =	sshll.u32 s4, $0x8;
	v57 =	vadd.s32 $0x7, v44;
	v58 =	vadd.s32 $0x8, v44;
	v34 =	vadd.s32 $0xE, v44;
	s7 =	sadd.s32 s5, s1  }
0xb: {  	v59 =	vadd.s32 $0x9, v44;
	v60 =	vadd.s32 $0xA, v44;
	v1 =	vadd.s32 $0xF, v44;
	s0 =	ssub.s32 s0, s31;
	s4 =	sadd.s32 s1, s4;
	s5 =	sadd.s32 s2, s6;
	[tilespmem:$0x1FFE0] =	vst v34  }
0xc: {  	v61 =	vadd.s32 $0xB, v44;
	v62 =	vadd.s32 $0xC, v44;
	v63 =	vadd.s32 $0xD, v44;
	[tilespmem:$0x1FFF0] =	vst v1;
	s6 =	sadd.s32 $0x10000, s5;
	s7 =	sadd.s32 $0x2000, s7;
	s8 =	smax.u32 s0, $0x1  }
.LBB2_1:
0xd: {  	[tilespmem:s9], [sflag:$0x4] =	stream.linear.gather [hbm4b:s4+s3], $0x800, $0x38;
	[tilespmem:$0x18B80] =	vst v63  }
0xe: {  	_ =	swait.ge [sflag:s10], $0x800  }
0xf: {  	[sflag:s10] =	ssyncset.done $0x0  }
0x10: {  	[sflag:s10] =	ssyncadd.s32 $0xFFFFF800  }
0x11: {  	[tilespmem:s12], [sflag:$0x1] =	stream.indirect.gather [hbm4b:s2+s11], $0x80, s9, s11, $0xb8;
	[tilespmem:$0x18B80] =	vst v63  }
0x12: {  	s0 =	simm.s32 $0x8080  }
0x13: {  	[tilespmem:s14], [sflag:$0x1] =	stream.indirect.gather [hbm4b:s2+s11], $0x80, s0, s11, $0xb8;
	[tilespmem:$0x18B80] =	vst v63  }
0x14: {  	s25 =	simm.s32 $0x8100  }
0x15: {  	[tilespmem:s16], [sflag:$0x2] =	stream.indirect.gather [hbm4b:s2+s11], $0x80, s25, s11, $0xb8;
	[tilespmem:$0x18B80] =	vst v63  }
0x16: {  	s30 =	simm.s32 $0x8180  }
0x17: {  	[tilespmem:s18], [sflag:$0x2] =	stream.indirect.gather [hbm4b:s2+s11], $0x80, s30, s11, $0xb8;
	[tilespmem:$0x18B80] =	vst v63  }
0x18: {  	_ = 	snop  }
0x19: {  	[tilespmem:s3], [sflag:$0x3] =	stream.linear.gather [hbm4b:s5+s3], $0x4000, $0x38;
	[tilespmem:$0x18B80] =	vst v63  }
0x1a: {  	s31 =	simm.s32 $0x4000  }
0x1b: {  	[tilespmem:s31], [sflag:$0x3] =	stream.linear.gather [hbm4b:s6+s3], $0x4000, $0x38;
	[tilespmem:$0x18B80] =	vst v63  }
0x1c: {  	_ =	swait.ge [sflag:s20], $0x4000  }
0x1d: {  	[sflag:s20] =	ssyncset.done $0x0  }
0x1e: {  	[sflag:s20] =	ssyncadd.s32 $0xFFFFC000  }
0x1f: {  	s28 =	simm.s32 $0x4040;
	_ =	swait.ge [sflag:s20], $0x4000  }
0x20: {  	s29 =	simm.s32 $0x40;
	s17 =	simm.s32 $0x870;
	[sflag:s20] =	ssyncset.done $0x0  }
0x21: {  	v33 =	vimm.f32 $0.0e+00;
	s15 =	simm.s32 $0x4870;
	s1 =	simm.s32 $0x0;
	[sflag:s20] =	ssyncadd.s32 $0xFFFFC000  }
.LBB2_2:
0x22: {  	_ =	swait.ge [sflag:s21], $0x8000  }
0x23: {  	s0 =	simm.s32 $0x0;
	s13 =	simm.s32 $0x8C00;
	[sflag:s21] =	ssyncset.done $0x0  }
0x24: {  	s30 =	smov.u32 s29;
	s19 =	smov.u32 s28;
	[sflag:s21] =	ssyncadd.s32 $0xFFFF8000  }
.LBB2_3:
0x25: {  	v34 =	vld [tilespmem:s30+$0xFFFFFFC0]  }
0x26: {  	v15 =	vmov v35;
	v35 =	vld [tilespmem:s30+$0xFFFFFFD0]  }
0x27: {  	v14 =	vmov v36;
	v36 =	vld [tilespmem:s19+$0xFFFFFFC0]  }
0x28: {  	v16 =	vmov v37;
	v37 =	vld [tilespmem:s19+$0xFFFFFFD0]  }
0x29: {  	v11 =	vmov v38;
	v38 =	vld [tilespmem:s13+$0xFFFFFC00]  }
0x2a: {  	v8 =	vmov v39;
	v39 =	vld [tilespmem:s13+$0xFFFFFC80]  }
0x2b: {  	v9 =	vmov v40;
	v40 =	vld [tilespmem:s13+$0xFFFFFD00]  }
0x2c: {  	v10 =	vmov v41;
	v41 =	vld [tilespmem:s13+$0xFFFFFD80]  }
0x2d: {  	v7 =	vmov v42;
	v42 =	vld [tilespmem:s13+$0xFFFFFE00]  }
0x2e: {  	v12 =	vmov v43;
	v43 =	vld [tilespmem:s13+$0xFFFFFE80]  }
0x2f: {  	v17 =	vmov v44;
	v44 =	vld [tilespmem:s13+$0xFFFFFF00]  }
0x30: {  	v18 =	vmov v45;
	v45 =	vld [tilespmem:s13+$0xFFFFFF80]  }
0x31: {  	v13 =	vmov v46;
	v46 =	vld [tilespmem:s13+$0x0]  }
0x32: {  	v32 =	vld [tilespmem:s13+$0x80]  }
0x33: {  	v20 =	vmov v48;
	v48 =	vld [tilespmem:s13+$0x100];
	v36 =	vsub.f32 v34, v36  }
0x34: {  	v5 =	vmov v49;
	v49 =	vld [tilespmem:s13+$0x180];
	v38 =	vsub.f32 v34, v38;
	v39 =	vsub.f32 v34, v39  }
0x35: {  	v21 =	vmov v50;
	v50 =	vld [tilespmem:s13+$0x200];
	v40 =	vsub.f32 v34, v40;
	v41 =	vsub.f32 v34, v41  }
0x36: {  	v4 =	vmov v53;
	v53 =	vld [tilespmem:s13+$0xFFFFFC10];
	v42 =	vsub.f32 v34, v42;
	v43 =	vsub.f32 v34, v43  }
0x37: {  	v23 =	vmov v54;
	v54 =	vld [tilespmem:s13+$0xFFFFFC90];
	v44 =	vsub.f32 v34, v44;
	v45 =	vsub.f32 v34, v45  }
0x38: {  	v19 =	vmovc v47;
	v22 =	vmov v51;
	v51 =	vld [tilespmem:s13+$0x280];
	v46 =	vsub.f32 v34, v46;
	v47 =	vsub.f32 v34, v32  }
0x39: {  	v6 =	vmov v55;
	v55 =	vld [tilespmem:s13+$0xFFFFFD10];
	v48 =	vsub.f32 v34, v48;
	v49 =	vsub.f32 v34, v49  }
0x3a: {  	v3 =	vmov v52;
	v52 =	vld [tilespmem:s13+$0x300];
	v50 =	vsub.f32 v34, v50;
	v37 =	vsub.f32 v35, v37  }
0x3b: {  	v27 =	vmovc v59;
	v59 =	vld [tilespmem:s13+$0xFFFFFE90];
	v53 =	vsub.f32 v35, v53;
	v36 =	vmul.f32 v36, v36;
	v38 =	vmul.f32 v38, v38  }
0x3c: {  	v24 =	vmovc v56;
	v32 =	vld [tilespmem:s13+$0x380];
	v54 =	vsub.f32 v35, v54;
	v39 =	vmul.f32 v39, v39;
	v40 =	vmul.f32 v40, v40  }
0x3d: {  	v25 =	vmovc v57;
	v57 =	vld [tilespmem:s13+$0xFFFFFD90];
	v51 =	vsub.f32 v34, v51;
	v41 =	vmul.f32 v41, v41;
	v42 =	vmul.f32 v42, v42  }
0x3e: {  	v26 =	vmovc v58;
	v58 =	vld [tilespmem:s13+$0xFFFFFE10];
	v55 =	vsub.f32 v35, v55;
	v43 =	vmul.f32 v43, v43;
	v44 =	vmul.f32 v44, v44  }
0x3f: {  	v28 =	vmovc v60;
	v60 =	vld [tilespmem:s13+$0xFFFFFF10];
	v52 =	vsub.f32 v34, v52;
	v45 =	vmul.f32 v45, v45;
	v46 =	vmul.f32 v46, v46  }
0x40: {  	v29 =	vmovc v61;
	v61 =	vld [tilespmem:s13+$0xFFFFFF90];
	v56 =	vsub.f32 v35, v59;
	v37 =	vmul.f32 v37, v37;
	v53 =	vmul.f32 v53, v53  }
0x41: {  	v54 =	vmul.f32 v54, v54;
	v34 =	vsub.f32 v34, v32;
	v32 =	vmul.f32 v55, v55;
	v55 =	vld [tilespmem:s13+$0x10]  }
0x42: {  	v30 =	vmovc v62;
	v62 =	vld [tilespmem:s13+$0xFFFFFCA0];
	v47 =	vmul.f32 v47, v47;
	v36 =	vadd.f32 v37, v36;
	v38 =	vadd.f32 v53, v38  }
0x43: {  	v59 =	vld [tilespmem:s13+$0x290];
	v56 =	vmul.f32 v56, v56;
	v37 =	vadd.f32 v32, v40;
	v32 =	vsub.f32 v35, v57  }
0x44: {  	v48 =	vmul.f32 v48, v48;
	v39 =	vadd.f32 v54, v39;
	v53 =	vld [tilespmem:s13+$0x90];
	v54 =	vsub.f32 v35, v58  }
0x45: {  	v58 =	vsub.f32 v35, v60;
	v60 =	vld [tilespmem:s13+$0x190];
	v43 =	vadd.f32 v56, v43;
	v40 =	vmul.f32 v32, v32  }
0x46: {  	v49 =	vmul.f32 v49, v49;
	v32 =	vsub.f32 v35, v61;
	v61 =	vld [tilespmem:s13+$0x210];
	v55 =	vsub.f32 v35, v55  }
0x47: {  	v54 =	vmul.f32 v54, v54;
	v57 =	vld [tilespmem:s13+$0x110];
	v40 =	vadd.f32 v40, v41;
	v41 =	vmul.f32 v58, v58  }
0x48: {  	v59 =	vsub.f32 v35, v59;
	v58 =	vmul.f32 v32, v32;
	v32 =	vmul.f32 v55, v55;
	v55 =	vld [tilespmem:s13+$0x310]  }
0x49: {  	v50 =	vmul.f32 v50, v50;
	v56 =	vld [tilespmem:s30+$0xFFFFFFE0];
	v42 =	vadd.f32 v54, v42;
	v41 =	vadd.f32 v41, v44  }
0x4a: {  	v51 =	vmul.f32 v51, v51;
	v44 =	vadd.f32 v58, v45;
	v45 =	vld [tilespmem:s19+$0xFFFFFFE0];
	v46 =	vadd.f32 v32, v46  }
0x4b: {  	v52 =	vmul.f32 v52, v52;
	v58 =	vld [tilespmem:s13+$0x390];
	v32 =	vsub.f32 v35, v60;
	v60 =	vsub.f32 v35, v61  }
0x4c: {  	v59 =	vmul.f32 v59, v59;
	v53 =	vsub.f32 v35, v53;
	v54 =	vsub.f32 v35, v57;
	v61 =	vld [tilespmem:s13+$0xFFFFFC20]  }
0x4d: {  	v57 =	vmul.f32 v32, v32;
	v32 =	vmul.f32 v60, v60;
	v60 =	vld [tilespmem:s13+$0xFFFFFD20];
	v55 =	vsub.f32 v35, v55  }
0x4e: {  	v51 =	vadd.f32 v59, v51;
	v53 =	vmul.f32 v53, v53;
	v54 =	vmul.f32 v54, v54  }
0x4f: {  	v49 =	vadd.f32 v57, v49;
	v45 =	vsub.f32 v56, v45;
	v57 =	vmul.f32 v55, v55;
	v55 =	vld [tilespmem:s13+$0xFFFFFDA0]  }
0x50: {  	v34 =	vmul.f32 v34, v34;
	v47 =	vadd.f32 v53, v47;
	v53 =	vld [tilespmem:s13+$0xFFFFFE20];
	v35 =	vsub.f32 v35, v58  }
0x51: {  	v48 =	vadd.f32 v54, v48;
	v54 =	vsub.f32 v56, v61;
	v61 =	vld [tilespmem:s13+$0xFFFFFFA0];
	v45 =	vmul.f32 v45, v45  }
0x52: {  	v58 =	vsub.f32 v56, v62;
	v35 =	vmul.f32 v35, v35;
	v59 =	vsub.f32 v56, v60;
	v60 =	vld [tilespmem:s13+$0xFFFFFF20]  }
0x53: {  	v52 =	vadd.f32 v57, v52;
	v54 =	vmul.f32 v54, v54;
	v36 =	vadd.f32 v45, v36;
	v45 =	vld [tilespmem:s13+$0x120]  }
0x54: {  	v57 =	vld [tilespmem:s13+$0xFFFFFEA0];
	v34 =	vadd.f32 v35, v34;
	v35 =	vmul.f32 v58, v58;
	v55 =	vsub.f32 v56, v55  }
0x55: {  	v50 =	vadd.f32 v32, v50;
	v58 =	vmul.f32 v59, v59;
	v38 =	vadd.f32 v54, v38;
	v54 =	vld [tilespmem:s13+$0xA0]  }
0x56: {  	v59 =	vld [tilespmem:s13+$0x20];
	v35 =	vadd.f32 v35, v39;
	v32 =	vsub.f32 v56, v61;
	v62 =	vmul.f32 v55, v55  }
0x57: {  	v31 =	vmov v63;
	v63 =	vld [tilespmem:s19+$0x0];
	v37 =	vadd.f32 v58, v37;
	v55 =	vsub.f32 v56, v60  }
0x58: {  	v61 =	vld [tilespmem:s13+$0x2A0];
	v45 =	vsub.f32 v56, v45;
	v39 =	vadd.f32 v62, v40  }
0x59: {  	v62 =	vsub.f32 v56, v53;
	v53 =	vsub.f32 v56, v57;
	v57 =	vld [tilespmem:s13+$0x1A0]  }
0x5a: {  	v60 =	vld [tilespmem:s13+$0x220];
	v55 =	vmul.f32 v55, v55;
	v54 =	vsub.f32 v56, v54;
	v45 =	vmul.f32 v45, v45  }
0x5b: {  	v58 =	vld [tilespmem:s13+$0xFFFFFC30];
	v59 =	vsub.f32 v56, v59;
	v40 =	vmul.f32 v62, v62;
	v53 =	vmul.f32 v53, v53  }
0x5c: {  	v41 =	vadd.f32 v55, v41;
	v62 =	vmul.f32 v54, v54;
	v54 =	vld [tilespmem:s13+$0x3A0];
	v45 =	vadd.f32 v45, v48  }
0x5d: {  	v40 =	vadd.f32 v40, v42;
	v42 =	vmul.f32 v32, v32;
	v32 =	vmul.f32 v59, v59;
	v59 =	vld [tilespmem:s13+$0x320]  }
0x5e: {  	v55 =	vld [tilespmem:s30+$0xFFFFFFF0];
	v43 =	vadd.f32 v53, v43;
	v53 =	vsub.f32 v56, v57  }
0x5f: {  	v57 =	vsub.f32 v56, v60;
	v60 =	vld [tilespmem:s13+$0xFFFFFDB0];
	v42 =	vadd.f32 v42, v44  }
0x60: {  	v44 =	vadd.f32 v32, v46;
	v46 =	vld [tilespmem:s19+$0xFFFFFFF0];
	v32 =	vsub.f32 v56, v61;
	v53 =	vmul.f32 v53, v53  }
0x61: {  	v47 =	vadd.f32 v62, v47;
	v61 =	vld [tilespmem:s13+$0xFFFFFCB0];
	v57 =	vmul.f32 v57, v57;
	v54 =	vsub.f32 v56, v54  }
0x62: {  	v32 =	vmul.f32 v32, v32;
	v59 =	vsub.f32 v56, v59;
	v56 =	vld [tilespmem:s13+$0xFFFFFD30];
	v49 =	vadd.f32 v53, v49  }
0x63: {  	v50 =	vadd.f32 v57, v50;
	v62 =	vmul.f32 v54, v54;
	v54 =	vld [tilespmem:s13+$0xFFFFFE30];
	v53 =	vsub.f32 v55, v58  }
0x64: {  	v58 =	vld [tilespmem:s13+$0xFFFFFF30];
	v48 =	vadd.f32 v32, v51;
	v32 =	vsub.f32 v55, v60;
	v59 =	vmul.f32 v59, v59  }
0x65: {  	v60 =	vld [tilespmem:s13+$0xFFFFFFB0];
	v34 =	vadd.f32 v62, v34;
	v46 =	vsub.f32 v55, v46;
	v53 =	vmul.f32 v53, v53  }
0x66: {  	v57 =	vsub.f32 v55, v61;
	v51 =	vadd.f32 v59, v52;
	v52 =	vld [tilespmem:s13+$0xFFFFFEB0]  }
0x67: {  	v61 =	vld [tilespmem:s13+$0x30];
	v62 =	vmul.f32 v32, v32;
	v46 =	vmul.f32 v46, v46;
	v38 =	vadd.f32 v53, v38  }
0x68: {  	v57 =	vmul.f32 v57, v57;
	v59 =	vld [tilespmem:s13+$0xB0];
	v56 =	vsub.f32 v55, v56;
	v54 =	vsub.f32 v55, v54  }
0x69: {  	v39 =	vadd.f32 v62, v39;
	v53 =	vsub.f32 v55, v58;
	v58 =	vld [tilespmem:s13+$0x230]  }
0x6a: {  	v36 =	vadd.f32 v46, v36;
	v35 =	vadd.f32 v57, v35;
	v32 =	vmul.f32 v54, v54;
	v54 =	vld [tilespmem:s13+$0x130]  }
0x6b: {  	v46 =	vmul.f32 v56, v56;
	v56 =	vsub.f32 v55, v60;
	v62 =	vsub.f32 v55, v52;
	v52 =	vld [tilespmem:s13+$0x1B0]  }
0x6c: {  	v53 =	vmul.f32 v53, v53;
	v40 =	vadd.f32 v32, v40;
	v32 =	vsub.f32 v55, v61;
	v61 =	vld [tilespmem:s13+$0x2B0]  }
0x6d: {  	v0 =	vld [tilespmem:s13+$0x2E0];
	v37 =	vadd.f32 v46, v37;
	v59 =	vsub.f32 v55, v59;
	v56 =	vmul.f32 v56, v56  }
0x6e: {  	v57 =	vld [tilespmem:s30+$0x0];
	v41 =	vadd.f32 v53, v41;
	v53 =	vsub.f32 v55, v58;
	v46 =	vmul.f32 v62, v62  }
0x6f: {  	v62 =	vld [tilespmem:s13+$0x330];
	v59 =	vmul.f32 v59, v59;
	v42 =	vadd.f32 v56, v42;
	v54 =	vsub.f32 v55, v54  }
0x70: {  	v60 =	vld [tilespmem:s13+$0x3B0];
	v53 =	vmul.f32 v53, v53;
	v43 =	vadd.f32 v46, v43;
	v46 =	vmul.f32 v32, v32  }
0x71: {  	v58 =	vld [tilespmem:s13+$0xFFFFFE40];
	v56 =	vmul.f32 v54, v54;
	v32 =	vsub.f32 v55, v52;
	v61 =	vsub.f32 v55, v61  }
0x72: {  	v52 =	vld [tilespmem:s13+$0xFFFFFC40];
	v50 =	vadd.f32 v53, v50;
	v44 =	vadd.f32 v46, v44  }
0x73: {  	v46 =	vadd.f32 v59, v47;
	v59 =	vld [tilespmem:s13+$0xFFFFFD40];
	v45 =	vadd.f32 v56, v45  }
0x74: {  	v56 =	vld [tilespmem:s13+$0xFFFFFCC0];
	v47 =	vmul.f32 v32, v32;
	v32 =	vsub.f32 v55, v62;
	v54 =	vmul.f32 v61, v61  }
0x75: {  	v55 =	vsub.f32 v55, v60;
	v60 =	vsub.f32 v57, v63;
	v61 =	vld [tilespmem:s13+$0xFFFFFDC0]  }
0x76: {  	v58 =	vsub.f32 v57, v58;
	v32 =	vmul.f32 v32, v32;
	v48 =	vadd.f32 v54, v48;
	v54 =	vld [tilespmem:s13+$0xFFFFFEC0]  }
0x77: {  	v47 =	vadd.f32 v47, v49;
	v55 =	vmul.f32 v55, v55;
	v62 =	vmul.f32 v60, v60;
	v60 =	vld [tilespmem:s13+$0x40]  }
0x78: {  	v63 =	vsub.f32 v57, v52;
	v52 =	vld [tilespmem:s13+$0xFFFFFF40];
	v49 =	vadd.f32 v32, v51  }
0x79: {  	v51 =	vadd.f32 v55, v34;
	v55 =	vsub.f32 v57, v59;
	v59 =	vld [tilespmem:s13+$0x140]  }
0x7a: {  	v58 =	vmul.f32 v58, v58;
	v53 =	vsub.f32 v57, v56;
	v56 =	vld [tilespmem:s13+$0xFFFFFFC0];
	v32 =	vsub.f32 v57, v61  }
0x7b: {  	v34 =	vmul.f32 v63, v63;
	v61 =	vld [tilespmem:s13+$0xC0]  }
0x7c: {  	v1 =	vld [tilespmem:s13+$0xFFFFFE70];
	v40 =	vadd.f32 v58, v40;
	v36 =	vadd.f32 v62, v36;
	v63 =	vmul.f32 v32, v32  }
0x7d: {  	v58 =	vld [tilespmem:s13+$0x240];
	v55 =	vmul.f32 v55, v55;
	v54 =	vsub.f32 v57, v54;
	v38 =	vadd.f32 v34, v38  }
0x7e: {  	v53 =	vmul.f32 v53, v53;
	v34 =	vld [tilespmem:s19+$0x10];
	v39 =	vadd.f32 v63, v39;
	v63 =	vsub.f32 v57, v52  }
0x7f: {  	v62 =	vmul.f32 v54, v54;
	v54 =	vld [tilespmem:s13+$0x1C0];
	v59 =	vsub.f32 v57, v59;
	v52 =	vsub.f32 v57, v56  }
0x80: {  	v56 =	vsub.f32 v57, v60;
	v32 =	vsub.f32 v57, v61;
	v61 =	vld [tilespmem:s13+$0x2C0]  }
0x81: {  	v37 =	vadd.f32 v55, v37;
	v55 =	vld [tilespmem:s30+$0x10];
	v53 =	vadd.f32 v53, v35;
	v35 =	vmul.f32 v63, v63  }
0x82: {  	v43 =	vadd.f32 v62, v43;
	v62 =	vld [tilespmem:s13+$0x340];
	v59 =	vmul.f32 v59, v59;
	v56 =	vmul.f32 v56, v56  }
0x83: {  	v63 =	vld [tilespmem:s13+$0x3C0];
	v60 =	vmul.f32 v32, v32;
	v32 =	vsub.f32 v57, v58;
	v41 =	vadd.f32 v35, v41  }
0x84: {  	v52 =	vmul.f32 v52, v52;
	v54 =	vsub.f32 v57, v54;
	v44 =	vadd.f32 v56, v44;
	v56 =	vld [tilespmem:s13+$0xFFFFFCD0]  }
0x85: {  	v46 =	vadd.f32 v60, v46;
	v60 =	vld [tilespmem:s13+$0xFFFFFD50];
	v58 =	vsub.f32 v57, v61  }
0x86: {  	v45 =	vadd.f32 v59, v45;
	v42 =	vadd.f32 v52, v42;
	v52 =	vmul.f32 v54, v54;
	v54 =	vld [tilespmem:s13+$0xFFFFFC50]  }
0x87: {  	v34 =	vsub.f32 v55, v34;
	v59 =	vsub.f32 v57, v62;
	v62 =	vld [tilespmem:s13+$0xFFFFFE50];
	v58 =	vmul.f32 v58, v58  }
0x88: {  	v61 =	vld [tilespmem:s13+$0xFFFFFDD0];
	v57 =	vsub.f32 v57, v63;
	v47 =	vadd.f32 v52, v47;
	v52 =	vmul.f32 v32, v32  }
0x89: {  	v63 =	vld [tilespmem:s13+$0xFFFFFED0];
	v59 =	vmul.f32 v59, v59;
	v48 =	vadd.f32 v58, v48;
	v32 =	vsub.f32 v55, v56  }
0x8a: {  	v58 =	vld [tilespmem:s13+$0xFFFFFF50];
	v56 =	vsub.f32 v55, v60;
	v50 =	vadd.f32 v52, v50  }
0x8b: {  	v35 =	vld [tilespmem:s30+$0x20];
	v52 =	vmul.f32 v57, v57;
	v57 =	vmul.f32 v34, v34;
	v49 =	vadd.f32 v59, v49  }
0x8c: {  	v59 =	vld [tilespmem:s13+$0x50];
	v54 =	vsub.f32 v55, v54;
	v60 =	vsub.f32 v55, v62  }
0x8d: {  	v62 =	vld [tilespmem:s13+$0xD0];
	v36 =	vadd.f32 v57, v36;
	v57 =	vsub.f32 v55, v61  }
0x8e: {  	v51 =	vadd.f32 v52, v51;
	v52 =	vmul.f32 v32, v32;
	v61 =	vld [tilespmem:s13+$0x1D0];
	v54 =	vmul.f32 v54, v54  }
0x8f: {  	v32 =	vsub.f32 v55, v63;
	v63 =	vld [tilespmem:s13+$0x150];
	v57 =	vmul.f32 v57, v57;
	v58 =	vsub.f32 v55, v58  }
0x90: {  	v56 =	vmul.f32 v56, v56;
	v52 =	vadd.f32 v52, v53;
	v38 =	vadd.f32 v54, v38;
	v54 =	vld [tilespmem:s13+$0xFFFFFFD0]  }
0x91: {  	v53 =	vmul.f32 v60, v60;
	v60 =	vmul.f32 v32, v32;
	v39 =	vadd.f32 v57, v39;
	v57 =	vld [tilespmem:s13+$0x250]  }
0x92: {  	v34 =	vld [tilespmem:s30+$0x30];
	v37 =	vadd.f32 v56, v37;
	v56 =	vsub.f32 v55, v59;
	v32 =	vmul.f32 v58, v58  }
0x93: {  	v58 =	vld [tilespmem:s19+$0x20];
	v43 =	vadd.f32 v60, v43;
	v61 =	vsub.f32 v55, v61  }
0x94: {  	v60 =	vld [tilespmem:s13+$0x2D0];
	v41 =	vadd.f32 v32, v41;
	v32 =	vsub.f32 v55, v62  }
0x95: {  	v56 =	vmul.f32 v56, v56;
	v62 =	vsub.f32 v55, v63;
	v63 =	vld [tilespmem:s13+$0x350];
	v54 =	vsub.f32 v55, v54  }
0x96: {  	v61 =	vmul.f32 v61, v61;
	v59 =	vmul.f32 v32, v32;
	v32 =	vld [tilespmem:s13+$0x3D0];
	v57 =	vsub.f32 v55, v57  }
0x97: {  	v0 =	vsub.f32 v35, v0;
	v40 =	vadd.f32 v53, v40;
	v53 =	vld [tilespmem:s19+$0x30];
	v54 =	vmul.f32 v54, v54  }
0x98: {  	v44 =	vadd.f32 v56, v44;
	v47 =	vadd.f32 v61, v47;
	v56 =	vmul.f32 v57, v57;
	v57 =	vld [tilespmem:s13+$0xFFFFFCE0]  }
0x99: {  	v46 =	vadd.f32 v59, v46;
	v42 =	vadd.f32 v54, v42;
	v54 =	vmul.f32 v62, v62;
	v62 =	vld [tilespmem:s13+$0xFFFFFC60]  }
0x9a: {  	v59 =	vld [tilespmem:s13+$0xFFFFFDE0];
	v50 =	vadd.f32 v56, v50;
	v56 =	vsub.f32 v55, v60  }
0x9b: {  	v60 =	vsub.f32 v55, v63;
	v32 =	vsub.f32 v55, v32;
	v55 =	vld [tilespmem:s13+$0xFFFFFE60]  }
0x9c: {  	v58 =	vsub.f32 v35, v58;
	v45 =	vadd.f32 v54, v45;
	v54 =	vld [tilespmem:s13+$0xFFFFFD60];
	v56 =	vmul.f32 v56, v56  }
0x9d: {  	v63 =	vld [tilespmem:s13+$0xFFFFFF60];
	v60 =	vmul.f32 v60, v60;
	v32 =	vmul.f32 v32, v32;
	v57 =	vsub.f32 v35, v57  }
0x9e: {  	v61 =	vsub.f32 v35, v62;
	v62 =	vld [tilespmem:s13+$0xFFFFFEE0];
	v48 =	vadd.f32 v56, v48;
	v56 =	vmul.f32 v58, v58  }
0x9f: {  	v49 =	vadd.f32 v60, v49;
	v32 =	vadd.f32 v32, v51;
	v60 =	vmul.f32 v57, v57;
	v57 =	vld [tilespmem:s13+$0x60]  }
0xa0: {  	v55 =	vsub.f32 v35, v55;
	v58 =	vmul.f32 v61, v61;
	v61 =	vld [tilespmem:s13+$0xFFFFFFE0];
	v36 =	vadd.f32 v56, v36  }
0xa1: {  	v56 =	vld [tilespmem:s13+$0xE0];
	v51 =	vadd.f32 v60, v52;
	v60 =	vsub.f32 v35, v54  }
0xa2: {  	v54 =	vld [tilespmem:s13+$0x160];
	v55 =	vmul.f32 v55, v55;
	v38 =	vadd.f32 v58, v38;
	v58 =	vsub.f32 v35, v59  }
0xa3: {  	v59 =	vld [tilespmem:s13+$0x1E0];
	v52 =	vmul.f32 v60, v60;
	v60 =	vsub.f32 v35, v62;
	v62 =	vsub.f32 v35, v63  }
0xa4: {  	v63 =	vld [tilespmem:s13+$0x260];
	v40 =	vadd.f32 v55, v40;
	v55 =	vsub.f32 v35, v57  }
0xa5: {  	v58 =	vmul.f32 v58, v58;
	v57 =	vld [tilespmem:s13+$0xFFFFFCF0];
	v61 =	vsub.f32 v35, v61;
	v37 =	vadd.f32 v52, v37  }
0xa6: {  	v52 =	vmul.f32 v60, v60;
	v60 =	vmul.f32 v62, v62;
	v62 =	vld [tilespmem:s13+$0x360];
	v56 =	vsub.f32 v35, v56  }
0xa7: {  	v2 =	vlaneseq.u32;
	v39 =	vadd.f32 v58, v39;
	v58 =	vld [tilespmem:s13+$0x3E0];
	v54 =	vsub.f32 v35, v54  }
0xa8: {  	v55 =	vmul.f32 v55, v55;
	v61 =	vmul.f32 v61, v61;
	v43 =	vadd.f32 v52, v43;
	v52 =	vld [tilespmem:s13+$0xFFFFFC70]  }
0xa9: {  	v41 =	vadd.f32 v60, v41;
	v60 =	vld [tilespmem:s13+$0xFFFFFD70];
	v59 =	vsub.f32 v35, v59;
	v56 =	vmul.f32 v56, v56  }
0xaa: {  	v54 =	vmul.f32 v54, v54;
	v42 =	vadd.f32 v61, v42;
	v61 =	vsub.f32 v35, v63;
	v63 =	vld [tilespmem:s13+$0xFFFFFDF0]  }
0xab: {  	v0 =	vmul.f32 v0, v0;
	v1 =	vsub.f32 v34, v1;
	v46 =	vadd.f32 v56, v46;
	v56 =	vld [tilespmem:s13+$0x70]  }
0xac: {  	v44 =	vadd.f32 v55, v44;
	v55 =	vmul.f32 v59, v59;
	v45 =	vadd.f32 v54, v45;
	v54 =	vld [tilespmem:s13+$0xFFFFFF70]  }
0xad: {  	v53 =	vsub.f32 v34, v53;
	v62 =	vsub.f32 v35, v62;
	v59 =	vmul.f32 v61, v61;
	v61 =	vld [tilespmem:s13+$0xFFFFFEF0]  }
0xae: {  	v2 =	vadd.s32 s0, v2;
	v47 =	vadd.f32 v55, v47;
	v55 =	vld [tilespmem:s13+$0xFFFFFFF0];
	v35 =	vsub.f32 v35, v58  }
0xaf: {  	v0 =	vadd.f32 v0, v48;
	v58 =	vld [tilespmem:s13+$0xF0];
	v48 =	vmul.f32 v62, v62;
	v52 =	vsub.f32 v34, v52  }
0xb0: {  	v53 =	vmul.f32 v53, v53;
	v57 =	vsub.f32 v34, v57;
	v62 =	vld [tilespmem:s13+$0x1F0];
	v35 =	vmul.f32 v35, v35  }
0xb1: {  	v50 =	vadd.f32 v59, v50;
	v59 =	vld [tilespmem:s13+$0x170];
	v48 =	vadd.f32 v48, v49;
	v49 =	vmul.f32 v52, v52  }
0xb2: {  	v52 =	vmul.f32 v57, v57;
	v57 =	vld [tilespmem:s13+$0x270];
	v32 =	vadd.f32 v35, v32;
	v35 =	vadd.f32 v53, v36  }
0xb3: {  	v36 =	vld [tilespmem:s13+$0x2F0];
	v53 =	vsub.f32 v34, v63;
	v38 =	vadd.f32 v49, v38  }
0xb4: {  	v63 =	vlaneseq.u32;
	v49 =	vadd.f32 v52, v51;
	v51 =	vld [tilespmem:s13+$0x370];
	v52 =	vsub.f32 v34, v60  }
0xb5: {  	v1 =	vmul.f32 v1, v1;
	v60 =	vld [tilespmem:s13+$0x3F0];
	[tilespmem:v2+s22+$0x0] =	vst.idx.msk $0xffff, v35;
	v2 =	vsub.f32 v34, v61  }
0xb6: {  	v35 =	vmul.f32 v52, v52;
	v52 =	vmul.f32 v53, v53;
	v53 =	vsub.f32 v34, v54  }
0xb7: {  	v1 =	vadd.f32 v1, v40;
	v54 =	vsub.f32 v34, v55;
	v2 =	vmul.f32 v2, v2  }
0xb8: {  	v35 =	vadd.f32 v35, v37;
	v37 =	vadd.f32 v52, v39;
	v39 =	vmul.f32 v53, v53  }
0xb9: {  	v40 =	vmul.f32 v54, v54;
	[tilespmem:v63+s23+$0x0] =	vst.idx.msk $0xffff, v38;
	v38 =	vsub.f32 v34, v56  }
0xba: {  	v36 =	vsub.f32 v34, v36;
	v2 =	vadd.f32 v2, v43  }
0xbb: {  	[tilespmem:v3+s23+$0x0] =	vst.idx.msk $0xffff, v49;
	v39 =	vadd.f32 v39, v41;
	v40 =	vadd.f32 v40, v42  }
0xbc: {  	v41 =	vsub.f32 v34, v58;
	[tilespmem:v4+s23+$0x0] =	vst.idx.msk $0xffff, v35;
	v35 =	vmul.f32 v38, v38  }
0xbd: {  	v38 =	vsub.f32 v34, v59;
	v36 =	vmul.f32 v36, v36;
	[tilespmem:v5+s23+$0x0] =	vst.idx.msk $0xffff, v37  }
0xbe: {  	v37 =	vmul.f32 v41, v41;
	v41 =	vsub.f32 v34, v62;
	[tilespmem:v6+s23+$0x0] =	vst.idx.msk $0xffff, v1  }
0xbf: {  	v35 =	vadd.f32 v35, v44;
	v1 =	vmul.f32 v38, v38;
	[tilespmem:v7+s23+$0x0] =	vst.idx.msk $0xffff, v2  }
0xc0: {  	v38 =	vsub.f32 v34, v57;
	v37 =	vadd.f32 v37, v46;
	[tilespmem:v8+s23+$0x0] =	vst.idx.msk $0xffff, v39  }
0xc1: {  	v2 =	vmul.f32 v41, v41;
	v1 =	vadd.f32 v1, v45;
	[tilespmem:v9+s23+$0x0] =	vst.idx.msk $0xffff, v40  }
0xc2: {  	[tilespmem:v10+s23+$0x0] =	vst.idx.msk $0xffff, v35;
	v35 =	vmul.f32 v38, v38;
	v38 =	vsub.f32 v34, v51  }
0xc3: {  	v2 =	vadd.f32 v2, v47;
	v34 =	vsub.f32 v34, v60;
	[tilespmem:v12+s23+$0x0] =	vst.idx.msk $0xffff, v37  }
0xc4: {  	v35 =	vadd.f32 v35, v50;
	[tilespmem:v13+s23+$0x0] =	vst.idx.msk $0xffff, v1;
	v1 =	vmul.f32 v38, v38  }
0xc5: {  	v0 =	vadd.f32 v36, v0;
	[tilespmem:v14+s23+$0x0] =	vst.idx.msk $0xffff, v2;
	v2 =	vmul.f32 v34, v34  }
0xc6: {  	v1 =	vadd.f32 v1, v48;
	[tilespmem:v15+s23+$0x0] =	vst.idx.msk $0xffff, v35  }
0xc7: {  	v2 =	vadd.f32 v2, v32;
	[tilespmem:v16+s23+$0x0] =	vst.idx.msk $0xffff, v0  }
0xc8: {  	[tilespmem:v11+s23+$0x0] =	vst.idx.msk $0xffff, v1  }
0xc9: {  	[tilespmem:v18+s23+$0x0] =	vst.idx.msk $0xffff, v2  }
0xca: {  	v0 =	vld.idx.msk [tilespmem:v17+s23+$0x0], $0xffff  }
0xcb: {  	v1 =	vld.idx.msk [tilespmem:v19+s23+$0x0], $0xffff;
	_ =	sdelay $0x1  }
0xcc: {  	v2 =	vld.idx.msk [tilespmem:v20+s23+$0x0], $0xffff;
	_ =	sdelay $0x1  }
0xcd: {  	v32 =	vld.idx.msk [tilespmem:v21+s23+$0x0], $0xffff  }
0xce: {  	v0 =	vadd.f32 v1, v0  }
0xcf: {  	v1 =	vld.idx.msk [tilespmem:v22+s23+$0x0], $0xffff  }
0xd0: {  	v0 =	vadd.f32 v2, v0  }
0xd1: {  	v2 =	vld.idx.msk [tilespmem:v23+s23+$0x0], $0xffff  }
0xd2: {  	v0 =	vadd.f32 v32, v0  }
0xd3: {  	v32 =	vld.idx.msk [tilespmem:v24+s23+$0x0], $0xffff  }
0xd4: {  	v0 =	vadd.f32 v1, v0  }
0xd5: {  	v1 =	vld.idx.msk [tilespmem:v25+s23+$0x0], $0xffff  }
0xd6: {  	v0 =	vadd.f32 v2, v0  }
0xd7: {  	v2 =	vld.idx.msk [tilespmem:v26+s23+$0x0], $0xffff  }
0xd8: {  	v0 =	vadd.f32 v32, v0  }
0xd9: {  	v32 =	vld.idx.msk [tilespmem:v27+s23+$0x0], $0xffff  }
0xda: {  	v0 =	vadd.f32 v1, v0  }
0xdb: {  	v1 =	vld.idx.msk [tilespmem:v28+s23+$0x0], $0xffff  }
0xdc: {  	v0 =	vadd.f32 v2, v0  }
0xdd: {  	v2 =	vld.idx.msk [tilespmem:v29+s23+$0x0], $0xffff  }
0xde: {  	v0 =	vadd.f32 v32, v0  }
0xdf: {  	v32 =	vld.idx.msk [tilespmem:v30+s23+$0x0], $0xffff  }
0xe0: {  	v0 =	vadd.f32 v1, v0;
	_ =	sdelay $0x1  }
0xe1: {  	v0 =	vadd.f32 v2, v0;
	v2 =	vld [tilespmem:$0x1FFE0];
	_ =	sdelay $0x1  }
0xe2: {  	v0 =	vadd.f32 v32, v0;
	v32 =	vld [tilespmem:$0x1FFF0];
	_ =	sdelay $0x3  }
0xe3: {  	v1 =	vld.idx.msk [tilespmem:v31+s23+$0x0], $0xffff;
	_ =	sdelay $0x1  }
0xe4: {  	v2 =	vld.idx.msk [tilespmem:v2+s23+$0x0], $0xffff;
	_ =	sdelay $0x1  }
0xe5: {  	v32 =	vld.idx.msk [tilespmem:v32+s23+$0x0], $0xffff  }
0xe6: {  	v0 =	vadd.f32 v1, v0;
	_ =	sdelay $0x1  }
0xe7: {  	v0 =	vadd.f32 v2, v0;
	_ =	sdelay $0x1  }
0xe8: {  	v0 =	vadd.f32 v32, v0;
	_ =	sdelay $0x1  }
0xe9: {  	v0 =	vadd.f32 $1.000000000e+00, v0;
	_ =	sdelay $0x1  }
0xea: {  	(erf) = vrcp.f32 v0;
	_ =	sdelay $0x8  }
0xeb: {  	v0 =	vpop (erf)  }
0xec: {  	v0 =	vsub.f32 $1.000000000e+00, v0;
	_ =	sdelay $0x1  }
0xed: {  	v0 =	vmax.f32 v0, $9.999999740e-05  }
0xee: {  	v0 =	vmin.f32 v0, $1.000000000e+00  }
0xef: {  	v1 =	vand.u32 $0x7FFFFF, v0  }
0xf0: {  	v1 =	vor.u32 $0x3F800000, v1  }
0xf1: {  	v2 =	vmul.f32 $5.000000000e-01, v1  }
0xf2: {  	vm0 =	vgt.f32 v1, $1.414213540e+00  }
0xf3: {  	v1 =	vsel vm0, v2, v1  }
0xf4: {  	v2 =	vadd.f32 $1.000000000e+00, v1;
	_ =	sdelay $0x1  }
0xf5: {  	(erf) = vrcp.f32 v2;
	_ =	sdelay $0x7  }
0xf6: {  	v1 =	vadd.f32 $-1.000000000e+00, v1  }
0xf7: {  	v2 =	vpop (erf)  }
0xf8: {  	v1 =	vmul.f32 v2, v1;
	_ =	sdelay $0x1  }
0xf9: {  	v2 =	vmul.f32 v1, v1;
	_ =	sdelay $0x1  }
0xfa: {  	v32 =	vmul.f32 $1.111111120e-01, v2;
	_ =	sdelay $0x1  }
0xfb: {  	v32 =	vadd.f32 $1.428571490e-01, v32;
	_ =	sdelay $0x1  }
0xfc: {  	v32 =	vmul.f32 v32, v2;
	_ =	sdelay $0x1  }
0xfd: {  	v32 =	vadd.f32 $2.000000030e-01, v32;
	_ =	sdelay $0x1  }
0xfe: {  	v32 =	vmul.f32 v32, v2;
	_ =	sdelay $0x1  }
0xff: {  	v34 =	vimm.s32 $0x0;
	v32 =	vadd.f32 $3.333333430e-01, v32  }
0x100: {  	v0 =	vshrl.u32 v0, $0x17;
	v34 =	vsel vm0, $0x1, v34  }
0x101: {  	v0 =	vadd.s32 v34, v0;
	v2 =	vmul.f32 v32, v2  }
0x102: {  	v0 =	vadd.s32 $0xFFFFFF81, v0  }
0x103: {  	v0 =	vcvt.s32.f32 v0;
	v1 =	vadd.f32 v1, v1;
	v2 =	vadd.f32 $1.000000000e+00, v2;
	_ =	sdelay $0x1  }
0x104: {  	v61 =	vmovc v29;
	v55 =	vmov v6;
	v0 =	vmul.f32 $6.931471820e-01, v0;
	v1 =	vmul.f32 v2, v1  }
0x105: {  	p0 =	sne.s32 s0, $0xFF;
	v63 =	vmovc v31;
	v56 =	vmovc v24;
	v43 =	vmov v12;
	v49 =	vmov v5;
	v52 =	vmov v3  }
.Ltmp0:
0x106: {  	v53 =	vmovc v4;
	v54 =	vmovc v23;
	v42 =	vmov v7;
	v58 =	vmov v26;
	v0 =	vadd.f32 v1, v0;
	(pc) =	sbr.rel @p0 .LBB2_3-.Ltmp0, $4  }
0x107: {  	v59 =	vmovc v27;
	v62 =	vmovc v30;
	v44 =	vmov v17;
	v57 =	vmov v25;
	v46 =	vmov v13  }
0x108: {  	v45 =	vmovc v18;
	v39 =	vmovc v8;
	v36 =	vmov v14;
	v40 =	vmov v9;
	v0 =	vsub.f32 $0.0e+00, v0  }
0x109: {  	s0 =	sadd.s32 $0x11, s0;
	v41 =	vmovc v10;
	v47 =	vmovc v19;
	v51 =	vmov v22;
	v60 =	vmov v28;
	v37 =	vmov v16  }
0x10a: {  	s30 =	sadd.s32 $0x80, s30;
	s19 =	sadd.s32 $0x80, s19;
	s13 =	sadd.s32 $0x800, s13;
	v50 =	vmovc v21;
	v38 =	vmovc v11;
	v48 =	vmov v20;
	v35 =	vmov v15;
	v33 =	vadd.f32 v0, v33  }
0x10b: {  	_ =	sdelay $0x3  }
0x10c: {  	v0 =	vld.idx.msk [tilespmem:v44+s22+$0x0], $0xffff  }
0x10d: {  	v1 =	vld.idx.msk [tilespmem:v47+s22+$0x0], $0xffff;
	_ =	sdelay $0x1  }
0x10e: {  	v2 =	vld.idx.msk [tilespmem:v48+s22+$0x0], $0xffff;
	_ =	sdelay $0x1  }
0x10f: {  	v32 =	vld.idx.msk [tilespmem:v50+s22+$0x0], $0xffff  }
0x110: {  	v0 =	vadd.f32 v1, v0  }
0x111: {  	v1 =	vld.idx.msk [tilespmem:v51+s22+$0x0], $0xffff  }
0x112: {  	v0 =	vadd.f32 v2, v0  }
0x113: {  	v2 =	vld.idx.msk [tilespmem:v54+s22+$0x0], $0xffff  }
0x114: {  	v0 =	vadd.f32 v32, v0  }
0x115: {  	v56 =	vld.idx.msk [tilespmem:v56+s22+$0x0], $0xffff  }
0x116: {  	v0 =	vadd.f32 v1, v0  }
0x117: {  	v1 =	vld.idx.msk [tilespmem:v57+s22+$0x0], $0xffff  }
0x118: {  	v0 =	vadd.f32 v2, v0  }
0x119: {  	v2 =	vld.idx.msk [tilespmem:v58+s22+$0x0], $0xffff  }
0x11a: {  	v0 =	vadd.f32 v56, v0  }
0x11b: {  	v59 =	vld.idx.msk [tilespmem:v59+s22+$0x0], $0xffff  }
0x11c: {  	v0 =	vadd.f32 v1, v0  }
0x11d: {  	v1 =	vld.idx.msk [tilespmem:v60+s22+$0x0], $0xffff  }
0x11e: {  	v0 =	vadd.f32 v2, v0  }
0x11f: {  	v2 =	vld.idx.msk [tilespmem:v61+s22+$0x0], $0xffff  }
0x120: {  	v0 =	vadd.f32 v59, v0;
	_ =	sdelay $0x1  }
0x121: {  	v0 =	vadd.f32 v1, v0;
	_ =	sdelay $0x1  }
0x122: {  	v0 =	vadd.f32 v2, v0;
	v2 =	vld [tilespmem:$0x1FFE0]  }
0x123: {  	v61 =	vld.idx.msk [tilespmem:v62+s22+$0x0], $0xffff  }
0x124: {  	v62 =	vld [tilespmem:$0x1FFF0];
	_ =	sdelay $0x3  }
0x125: {  	v1 =	vld.idx.msk [tilespmem:v63+s22+$0x0], $0xffff;
	_ =	sdelay $0x1  }
0x126: {  	v2 =	vld.idx.msk [tilespmem:v2+s22+$0x0], $0xffff  }
0x127: {  	v0 =	vadd.f32 v61, v0  }
0x128: {  	v32 =	vld.idx.msk [tilespmem:v62+s22+$0x0], $0xffff  }
0x129: {  	v0 =	vadd.f32 v1, v0;
	_ =	sdelay $0x1  }
0x12a: {  	v0 =	vadd.f32 v2, v0;
	_ =	sdelay $0x1  }
0x12b: {  	v0 =	vadd.f32 v32, v0;
	_ =	sdelay $0x1  }
0x12c: {  	v0 =	vadd.f32 $1.000000000e+00, v0;
	_ =	sdelay $0x1  }
0x12d: {  	(erf) = vrcp.f32 v0;
	_ =	sdelay $0x8  }
0x12e: {  	v0 =	vpop (erf)  }
0x12f: {  	v0 =	vmax.f32 v0, $9.999999740e-05  }
0x130: {  	v0 =	vmin.f32 v0, $1.000000000e+00  }
0x131: {  	v1 =	vand.u32 $0x7FFFFF, v0  }
0x132: {  	v1 =	vor.u32 $0x3F800000, v1  }
0x133: {  	v2 =	vmul.f32 $5.000000000e-01, v1  }
0x134: {  	vm0 =	vgt.f32 v1, $1.414213540e+00  }
0x135: {  	v1 =	vsel vm0, v2, v1  }
0x136: {  	v2 =	vadd.f32 $1.000000000e+00, v1;
	_ =	sdelay $0x1  }
0x137: {  	(erf) = vrcp.f32 v2;
	_ =	sdelay $0x7  }
0x138: {  	v1 =	vadd.f32 $-1.000000000e+00, v1  }
0x139: {  	v2 =	vpop (erf)  }
0x13a: {  	v1 =	vmul.f32 v2, v1;
	_ =	sdelay $0x1  }
0x13b: {  	v2 =	vmul.f32 v1, v1;
	_ =	sdelay $0x1  }
0x13c: {  	v63 =	vmul.f32 $1.111111120e-01, v2;
	_ =	sdelay $0x1  }
0x13d: {  	v32 =	vadd.f32 $1.428571490e-01, v63;
	_ =	sdelay $0x1  }
0x13e: {  	v32 =	vmul.f32 v32, v2;
	_ =	sdelay $0x1  }
0x13f: {  	v32 =	vadd.f32 $2.000000030e-01, v32;
	_ =	sdelay $0x1  }
0x140: {  	v32 =	vmul.f32 v32, v2;
	_ =	sdelay $0x1  }
0x141: {  	v34 =	vimm.s32 $0x0;
	v32 =	vadd.f32 $3.333333430e-01, v32  }
0x142: {  	v0 =	vshrl.u32 v0, $0x17;
	v34 =	vsel vm0, $0x1, v34  }
0x143: {  	s0 =	sshll.u32 s1, $0xB;
	v0 =	vadd.s32 v34, v0;
	v2 =	vmul.f32 v32, v2  }
0x144: {  	s13 =	sadd.s32 $0x800, s0;
	v0 =	vadd.s32 $0xFFFFFF81, v0  }
0x145: {  	s13 =	sand.u32 $0x1800, s13;
	v0 =	vcvt.s32.f32 v0;
	v1 =	vadd.f32 v1, v1;
	v2 =	vadd.f32 $1.000000000e+00, v2  }
0x146: {  	s13 =	sshrl.u32 s13, $0x2  }
0x147: {  	s19 =	sor.u32 $0x8000, s13;
	v0 =	vmul.f32 $6.931471820e-01, v0;
	v1 =	vmul.f32 v2, v1  }
0x148: {  	[tilespmem:s12], [sflag:$0x1] =	stream.indirect.gather [hbm4b:s2+s11], $0x80, s19, s11, $0xb8;
	[tilespmem:$0x18B80] =	vst v63  }
0x149: {  	s13 =	sor.u32 $0x8080, s13;
	v0 =	vadd.f32 v1, v0  }
0x14a: {  	[tilespmem:s14], [sflag:$0x1] =	stream.indirect.gather [hbm4b:s2+s11], $0x80, s13, s11, $0xb8;
	[tilespmem:$0x18B80] =	vst v63  }
0x14b: {  	_ =	swait.ge [sflag:s24], $0x8000;
	v0 =	vsub.f32 $0.0e+00, v0  }
0x14c: {  	s31 =	smov.u32 s15;
	s30 =	smov.u32 s17;
	[sflag:s24] =	ssyncset.done $0x0  }
0x14d: {  	s19 =	simm.s32 $0x0;
	s13 =	simm.s32 $0x0;
	[sflag:s24] =	ssyncadd.s32 $0xFFFF8000;
	v33 =	vadd.f32 v0, v33  }
.LBB2_5:
0x14e: {  	v0 =	vld [tilespmem:s30+$0xFFFFFF90]  }
0x14f: {  	v1 =	vld [tilespmem:s30+$0xFFFFFFA0]  }
0x150: {  	v2 =	vld [tilespmem:s31+$0xFFFFFF90]  }
0x151: {  	v32 =	vld [tilespmem:s31+$0xFFFFFFA0];
	s25 =	sshra.s32 s19, $0x2  }
0x152: {  	v34 =	vld [tilespmem:s25+$0x10800]  }
0x153: {  	v35 =	vld [tilespmem:s25+$0x10880]  }
0x154: {  	v36 =	vld [tilespmem:s25+$0x10900]  }
0x155: {  	v37 =	vld [tilespmem:s25+$0x10980]  }
0x156: {  	v38 =	vld [tilespmem:s25+$0x10A00]  }
0x157: {  	v39 =	vld [tilespmem:s25+$0x10A80]  }
0x158: {  	v40 =	vld [tilespmem:s25+$0x10B00]  }
0x159: {  	v41 =	vld [tilespmem:s25+$0x10B80]  }
0x15a: {  	v42 =	vld [tilespmem:s25+$0x10C00]  }
0x15b: {  	v43 =	vld [tilespmem:s25+$0x10C80]  }
0x15c: {  	v44 =	vld [tilespmem:s25+$0x10D00]  }
0x15d: {  	v45 =	vld [tilespmem:s25+$0x10D80];
	v2 =	vsub.f32 v0, v2  }
0x15e: {  	v46 =	vld [tilespmem:s25+$0x10E00];
	v32 =	vsub.f32 v1, v32;
	v34 =	vsub.f32 v0, v34  }
0x15f: {  	v49 =	vld [tilespmem:s25+$0x10810];
	v35 =	vsub.f32 v0, v35;
	v36 =	vsub.f32 v0, v36  }
0x160: {  	v50 =	vld [tilespmem:s25+$0x10890];
	v37 =	vsub.f32 v0, v37;
	v38 =	vsub.f32 v0, v38  }
0x161: {  	v47 =	vld [tilespmem:s25+$0x10E80];
	v39 =	vsub.f32 v0, v39;
	v40 =	vsub.f32 v0, v40  }
0x162: {  	v51 =	vld [tilespmem:s25+$0x10910];
	v41 =	vsub.f32 v0, v41;
	v42 =	vsub.f32 v0, v42  }
0x163: {  	v48 =	vld [tilespmem:s25+$0x10F00];
	v43 =	vsub.f32 v0, v43;
	v44 =	vsub.f32 v0, v44  }
0x164: {  	v52 =	vld [tilespmem:s25+$0x10F80];
	v45 =	vsub.f32 v0, v45;
	v46 =	vsub.f32 v0, v46  }
0x165: {  	v53 =	vld [tilespmem:s25+$0x10990];
	v49 =	vsub.f32 v1, v49;
	v50 =	vsub.f32 v1, v50  }
0x166: {  	v55 =	vld [tilespmem:s25+$0x10A90];
	v47 =	vsub.f32 v0, v47;
	v2 =	vmul.f32 v2, v2;
	v32 =	vmul.f32 v32, v32  }
0x167: {  	v56 =	vld [tilespmem:s25+$0x10B10];
	v51 =	vsub.f32 v1, v51;
	v34 =	vmul.f32 v34, v34;
	v35 =	vmul.f32 v35, v35  }
0x168: {  	v57 =	vld [tilespmem:s25+$0x10B90];
	v48 =	vsub.f32 v0, v48;
	v36 =	vmul.f32 v36, v36;
	v37 =	vmul.f32 v37, v37  }
0x169: {  	v63 =	vld [tilespmem:s25+$0x10D90];
	v0 =	vsub.f32 v0, v52;
	v38 =	vmul.f32 v38, v38;
	v39 =	vmul.f32 v39, v39  }
0x16a: {  	v59 =	vsub.f32 v1, v53;
	v40 =	vmul.f32 v40, v40;
	v41 =	vmul.f32 v41, v41  }
0x16b: {  	v54 =	vld [tilespmem:s25+$0x10A10];
	v60 =	vsub.f32 v1, v55;
	v42 =	vmul.f32 v42, v42;
	v49 =	vmul.f32 v49, v49  }
0x16c: {  	v53 =	vld [tilespmem:s25+$0x10D10];
	v61 =	vsub.f32 v1, v56;
	v50 =	vmul.f32 v50, v50;
	v58 =	vmul.f32 v51, v51  }
0x16d: {  	v62 =	vsub.f32 v1, v57;
	v51 =	vld [tilespmem:s25+$0x10C10];
	v43 =	vmul.f32 v43, v43;
	v44 =	vmul.f32 v44, v44  }
0x16e: {  	v55 =	vld [tilespmem:s25+$0x10E90];
	v63 =	vsub.f32 v1, v63;
	v45 =	vmul.f32 v45, v45;
	v52 =	vmul.f32 v60, v60  }
0x16f: {  	v57 =	vld [tilespmem:s25+$0x10E10];
	v60 =	vmul.f32 v62, v62;
	v46 =	vmul.f32 v46, v46;
	v2 =	vadd.f32 v32, v2  }
0x170: {  	v47 =	vmul.f32 v47, v47;
	v34 =	vadd.f32 v49, v34;
	v35 =	vadd.f32 v50, v35;
	v49 =	vld [tilespmem:s25+$0x10C90]  }
0x171: {  	v48 =	vmul.f32 v48, v48;
	v32 =	vadd.f32 v58, v36;
	v39 =	vadd.f32 v52, v39;
	v52 =	vld [tilespmem:s30+$0xFFFFFFB0]  }
0x172: {  	v50 =	vsub.f32 v1, v54;
	v36 =	vmul.f32 v59, v59;
	v54 =	vld [tilespmem:s25+$0x10F90];
	v51 =	vsub.f32 v1, v51  }
0x173: {  	v59 =	vmul.f32 v61, v61;
	v58 =	vld [tilespmem:s25+$0x108A0];
	v62 =	vsub.f32 v1, v53;
	v55 =	vsub.f32 v1, v55  }
0x174: {  	v53 =	vmul.f32 v63, v63;
	v36 =	vadd.f32 v36, v37;
	v61 =	vmul.f32 v51, v51;
	v51 =	vld [tilespmem:s25+$0x10F10]  }
0x175: {  	v63 =	vld [tilespmem:s25+$0x10920];
	v50 =	vmul.f32 v50, v50;
	v37 =	vadd.f32 v59, v40;
	v40 =	vadd.f32 v60, v41  }
0x176: {  	v41 =	vld [tilespmem:s31+$0xFFFFFFB0];
	v60 =	vsub.f32 v1, v57;
	v55 =	vmul.f32 v55, v55;
	v45 =	vadd.f32 v53, v45  }
0x177: {  	v59 =	vld [tilespmem:s25+$0x10C20];
	v38 =	vadd.f32 v50, v38;
	v50 =	vmul.f32 v62, v62;
	v49 =	vsub.f32 v1, v49  }
0x178: {  	v62 =	vmul.f32 v60, v60;
	v47 =	vadd.f32 v55, v47;
	v42 =	vadd.f32 v61, v42;
	v61 =	vld [tilespmem:s25+$0x10820]  }
0x179: {  	v0 =	vmul.f32 v0, v0;
	v44 =	vadd.f32 v50, v44;
	v51 =	vsub.f32 v1, v51  }
0x17a: {  	v53 =	vld [tilespmem:s25+$0x10AA0];
	v46 =	vadd.f32 v62, v46;
	v63 =	vsub.f32 v52, v63;
	v49 =	vmul.f32 v49, v49  }
0x17b: {  	v62 =	vsub.f32 v52, v58;
	v41 =	vsub.f32 v52, v41;
	v60 =	vmul.f32 v51, v51;
	v51 =	vld [tilespmem:s25+$0x109A0]  }
0x17c: {  	v57 =	vld [tilespmem:s25+$0x10BA0];
	v55 =	vsub.f32 v52, v59;
	v58 =	vmul.f32 v63, v63;
	v43 =	vadd.f32 v49, v43  }
0x17d: {  	v49 =	vld [tilespmem:s25+$0x10A20];
	v41 =	vmul.f32 v41, v41;
	v1 =	vsub.f32 v1, v54;
	v61 =	vsub.f32 v52, v61  }
0x17e: {  	v32 =	vadd.f32 v58, v32;
	v58 =	vmul.f32 v55, v55;
	v48 =	vadd.f32 v60, v48;
	v60 =	vld [tilespmem:s25+$0x10B20]  }
0x17f: {  	v63 =	vsub.f32 v52, v53;
	v55 =	vld [tilespmem:s25+$0x10F20];
	v1 =	vmul.f32 v1, v1;
	v50 =	vmul.f32 v61, v61  }
0x180: {  	v2 =	vadd.f32 v41, v2;
	v41 =	vld [tilespmem:s25+$0x10D20];
	v51 =	vsub.f32 v52, v51  }
0x181: {  	v0 =	vadd.f32 v1, v0;
	v1 =	vmul.f32 v62, v62;
	v34 =	vadd.f32 v50, v34;
	v50 =	vld [tilespmem:s25+$0x10CA0]  }
0x182: {  	v56 =	vld [tilespmem:s25+$0x10FB0];
	v62 =	vsub.f32 v52, v49;
	v61 =	vmul.f32 v51, v51  }
0x183: {  	v53 =	vld [tilespmem:s25+$0x10DA0];
	v49 =	vmul.f32 v63, v63;
	v1 =	vadd.f32 v1, v35;
	v60 =	vsub.f32 v52, v60  }
0x184: {  	v35 =	vadd.f32 v61, v36;
	v36 =	vmul.f32 v62, v62;
	v61 =	vsub.f32 v52, v57;
	v62 =	vld [tilespmem:s25+$0x10E20]  }
0x185: {  	v55 =	vsub.f32 v52, v55;
	v39 =	vadd.f32 v49, v39;
	v51 =	vmul.f32 v60, v60;
	v57 =	vld [tilespmem:s25+$0x10EA0]  }
0x186: {  	v41 =	vsub.f32 v52, v41;
	v50 =	vsub.f32 v52, v50;
	v60 =	vld [tilespmem:s25+$0x10FA0];
	v63 =	vmul.f32 v61, v61  }
0x187: {  	v54 =	vld [tilespmem:s25+$0x10830];
	v36 =	vadd.f32 v36, v38;
	v37 =	vadd.f32 v51, v37  }
0x188: {  	v55 =	vmul.f32 v55, v55;
	v51 =	vld [tilespmem:s30+$0xFFFFFFC0];
	v61 =	vsub.f32 v52, v53;
	v38 =	vadd.f32 v63, v40  }
0x189: {  	v41 =	vmul.f32 v41, v41;
	v40 =	vadd.f32 v58, v42;
	v42 =	vld [tilespmem:s31+$0xFFFFFFC0];
	v62 =	vsub.f32 v52, v62  }
0x18a: {  	v59 =	vmul.f32 v50, v50;
	v49 =	vmul.f32 v61, v61;
	v61 =	vld [tilespmem:s25+$0x109B0];
	v63 =	vsub.f32 v52, v57  }
0x18b: {  	v41 =	vadd.f32 v41, v44;
	v57 =	vld [tilespmem:s25+$0x108B0];
	v50 =	vsub.f32 v52, v60;
	v53 =	vmul.f32 v62, v62  }
0x18c: {  	v43 =	vadd.f32 v59, v43;
	v52 =	vld [tilespmem:s25+$0x10930];
	v45 =	vadd.f32 v49, v45;
	v60 =	vmul.f32 v63, v63  }
0x18d: {  	v62 =	vmul.f32 v50, v50;
	v50 =	vld [tilespmem:s25+$0x10A30];
	v63 =	vsub.f32 v51, v54;
	v46 =	vadd.f32 v53, v46  }
0x18e: {  	v54 =	vld [tilespmem:s25+$0x10B30];
	v44 =	vadd.f32 v60, v47;
	v47 =	vadd.f32 v55, v48  }
0x18f: {  	v42 =	vsub.f32 v51, v42;
	v48 =	vld [tilespmem:s25+$0x10AB0];
	v61 =	vsub.f32 v51, v61  }
0x190: {  	v0 =	vadd.f32 v62, v0;
	v62 =	vld [tilespmem:s25+$0x10BB0];
	v49 =	vmul.f32 v63, v63;
	v60 =	vsub.f32 v51, v57  }
0x191: {  	v55 =	vld [tilespmem:s25+$0x10CB0];
	v52 =	vsub.f32 v51, v52;
	v42 =	vmul.f32 v42, v42;
	v58 =	vmul.f32 v61, v61  }
0x192: {  	v57 =	vld [tilespmem:s25+$0x10C30];
	v34 =	vadd.f32 v49, v34;
	v53 =	vmul.f32 v60, v60;
	v50 =	vsub.f32 v51, v50  }
0x193: {  	v63 =	vmul.f32 v52, v52;
	v61 =	vsub.f32 v51, v54;
	v54 =	vld [tilespmem:s25+$0x10E30];
	v2 =	vadd.f32 v42, v2  }
0x194: {  	v35 =	vadd.f32 v58, v35;
	v1 =	vadd.f32 v53, v1;
	v59 =	vmul.f32 v50, v50;
	v50 =	vld [tilespmem:s25+$0x10D30]  }
0x195: {  	v53 =	vld [tilespmem:s30+$0xFFFFFFD0];
	v32 =	vadd.f32 v63, v32;
	v60 =	vsub.f32 v51, v48  }
0x196: {  	v48 =	vld [tilespmem:s25+$0x10DB0];
	v62 =	vsub.f32 v51, v62;
	v55 =	vsub.f32 v51, v55;
	v49 =	vmul.f32 v61, v61  }
0x197: {  	v63 =	vsub.f32 v51, v57;
	v57 =	vld [tilespmem:s25+$0x10EB0];
	v36 =	vadd.f32 v59, v36;
	v42 =	vmul.f32 v60, v60  }
0x198: {  	v52 =	vmul.f32 v62, v62;
	v55 =	vmul.f32 v55, v55;
	v59 =	vld [tilespmem:s31+$0xFFFFFFD0];
	v37 =	vadd.f32 v49, v37  }
0x199: {  	v58 =	vld [tilespmem:s25+$0x10F30];
	v60 =	vmul.f32 v63, v63;
	v63 =	vsub.f32 v51, v54;
	v39 =	vadd.f32 v42, v39  }
0x19a: {  	v42 =	vadd.f32 v55, v43;
	v55 =	vld [tilespmem:s25+$0x10940];
	v50 =	vsub.f32 v51, v50  }
0x19b: {  	v38 =	vadd.f32 v52, v38;
	v52 =	vld [tilespmem:s25+$0x108C0];
	v62 =	vsub.f32 v51, v48;
	v49 =	vmul.f32 v63, v63  }
0x19c: {  	v40 =	vadd.f32 v60, v40;
	v48 =	vld [tilespmem:s25+$0x10840];
	v60 =	vsub.f32 v51, v57;
	v61 =	vmul.f32 v50, v50  }
0x19d: {  	v57 =	vld [tilespmem:s25+$0x109C0];
	v43 =	vmul.f32 v62, v62;
	v62 =	vsub.f32 v53, v59;
	v46 =	vadd.f32 v49, v46  }
0x19e: {  	v50 =	vmul.f32 v60, v60;
	v41 =	vadd.f32 v61, v41;
	v61 =	vsub.f32 v51, v58;
	v58 =	vld [tilespmem:s25+$0x10A40]  }
0x19f: {  	v51 =	vsub.f32 v51, v56;
	v59 =	vmul.f32 v62, v62;
	v62 =	vsub.f32 v53, v55;
	v55 =	vld [tilespmem:s25+$0x10D40]  }
0x1a0: {  	v43 =	vadd.f32 v43, v45;
	v44 =	vadd.f32 v50, v44;
	v50 =	vld [tilespmem:s25+$0x10AC0]  }
0x1a1: {  	v56 =	vld [tilespmem:s25+$0x10C40];
	v60 =	vsub.f32 v53, v48;
	v63 =	vmul.f32 v61, v61;
	v51 =	vmul.f32 v51, v51  }
0x1a2: {  	v48 =	vld [tilespmem:s25+$0x10B40];
	v2 =	vadd.f32 v59, v2;
	v61 =	vsub.f32 v53, v52  }
0x1a3: {  	v52 =	vld [tilespmem:s25+$0x10BC0];
	v45 =	vadd.f32 v63, v47;
	v0 =	vadd.f32 v51, v0;
	v47 =	vmul.f32 v60, v60  }
0x1a4: {  	v59 =	vld [tilespmem:s25+$0x10FC0];
	v63 =	vsub.f32 v53, v57;
	v51 =	vmul.f32 v62, v62;
	v54 =	vsub.f32 v53, v58  }
0x1a5: {  	v49 =	vmul.f32 v61, v61;
	v57 =	vld [tilespmem:s25+$0x10CC0];
	v55 =	vsub.f32 v53, v55;
	v50 =	vsub.f32 v53, v50  }
0x1a6: {  	v47 =	vadd.f32 v47, v34;
	v60 =	vmul.f32 v63, v63;
	v32 =	vadd.f32 v51, v32;
	v51 =	vld [tilespmem:s30+$0xFFFFFFE0]  }
0x1a7: {  	v1 =	vadd.f32 v49, v1;
	v34 =	vld [tilespmem:s31+$0xFFFFFFE0];
	v62 =	vsub.f32 v53, v48;
	v54 =	vmul.f32 v54, v54  }
0x1a8: {  	v63 =	vsub.f32 v53, v52;
	v55 =	vmul.f32 v55, v55;
	v61 =	vmul.f32 v50, v50;
	v50 =	vld [tilespmem:s25+$0x10DC0]  }
0x1a9: {  	v52 =	vld [tilespmem:s25+$0x10E40];
	v58 =	vadd.f32 v60, v35;
	v60 =	vsub.f32 v53, v56;
	v35 =	vmul.f32 v62, v62  }
0x1aa: {  	v62 =	vld [tilespmem:s25+$0x10EC0];
	v36 =	vadd.f32 v54, v36;
	v48 =	vmul.f32 v63, v63;
	v41 =	vadd.f32 v55, v41  }
0x1ab: {  	v63 =	vld [tilespmem:s25+$0x10F40];
	v39 =	vadd.f32 v61, v39;
	v61 =	vsub.f32 v53, v57;
	v49 =	vmul.f32 v60, v60  }
0x1ac: {  	v37 =	vadd.f32 v35, v37;
	v38 =	vadd.f32 v48, v38  }
0x1ad: {  	v54 =	vmul.f32 v61, v61;
	v40 =	vadd.f32 v49, v40;
	v49 =	vld [tilespmem:s25+$0x10850];
	v50 =	vsub.f32 v53, v50  }
0x1ae: {  	v56 =	vld [tilespmem:s25+$0x109D0];
	v34 =	vsub.f32 v51, v34;
	v61 =	vsub.f32 v53, v52  }
0x1af: {  	v57 =	vld [tilespmem:s25+$0x10A50];
	v62 =	vsub.f32 v53, v62;
	v42 =	vadd.f32 v54, v42;
	v60 =	vmul.f32 v50, v50  }
0x1b0: {  	v63 =	vsub.f32 v53, v63;
	v48 =	vmul.f32 v61, v61;
	v53 =	vsub.f32 v53, v59;
	v50 =	vld [tilespmem:s25+$0x108D0]  }
0x1b1: {  	v52 =	vmul.f32 v62, v62;
	v62 =	vmul.f32 v34, v34;
	v43 =	vadd.f32 v60, v43;
	v60 =	vld [tilespmem:s25+$0x10950]  }
0x1b2: {  	v59 =	vld [tilespmem:s25+$0x10AD0];
	v54 =	vmul.f32 v63, v63;
	v46 =	vadd.f32 v48, v46;
	v49 =	vsub.f32 v51, v49  }
0x1b3: {  	v61 =	vmul.f32 v53, v53;
	v44 =	vadd.f32 v52, v44;
	v52 =	vld [tilespmem:s25+$0x10B50];
	v2 =	vadd.f32 v62, v2  }
0x1b4: {  	v34 =	vld [tilespmem:s30+$0x0];
	v62 =	vsub.f32 v51, v57;
	v45 =	vadd.f32 v54, v45  }
0x1b5: {  	v57 =	vld [tilespmem:s25+$0x10CD0];
	v0 =	vadd.f32 v61, v0;
	v49 =	vmul.f32 v49, v49;
	v63 =	vsub.f32 v51, v50  }
0x1b6: {  	v61 =	vsub.f32 v51, v56;
	v54 =	vld [tilespmem:s25+$0x10C50];
	v60 =	vsub.f32 v51, v60  }
0x1b7: {  	v47 =	vadd.f32 v49, v47;
	v49 =	vld [tilespmem:s25+$0x10BD0];
	v48 =	vmul.f32 v63, v63;
	v63 =	vsub.f32 v51, v59  }
0x1b8: {  	v53 =	vmul.f32 v61, v61;
	v52 =	vsub.f32 v51, v52;
	v59 =	vld [tilespmem:s25+$0x10D50];
	v50 =	vmul.f32 v60, v60  }
0x1b9: {  	v1 =	vadd.f32 v48, v1;
	v60 =	vmul.f32 v62, v62;
	v61 =	vmul.f32 v63, v63;
	v62 =	vld [tilespmem:s25+$0x10DD0]  }
0x1ba: {  	v63 =	vld [tilespmem:s25+$0x10E50];
	v32 =	vadd.f32 v50, v32;
	v50 =	vadd.f32 v53, v58  }
0x1bb: {  	v52 =	vmul.f32 v52, v52;
	v48 =	vld [tilespmem:s31+$0x0];
	v36 =	vadd.f32 v60, v36;
	v39 =	vadd.f32 v61, v39  }
0x1bc: {  	v55 =	vld [tilespmem:s25+$0x10ED0];
	v49 =	vsub.f32 v51, v49;
	v60 =	vsub.f32 v51, v54  }
0x1bd: {  	v35 =	vld [tilespmem:s30+$0xFFFFFFF0];
	v37 =	vadd.f32 v52, v37;
	v61 =	vsub.f32 v51, v57  }
0x1be: {  	v58 =	vld [tilespmem:s31+$0xFFFFFFF0];
	v57 =	vsub.f32 v51, v59;
	v49 =	vmul.f32 v49, v49;
	v52 =	vmul.f32 v60, v60  }
0x1bf: {  	v59 =	vld [tilespmem:s25+$0x10F50];
	v54 =	vmul.f32 v61, v61;
	v56 =	vsub.f32 v51, v62;
	v53 =	vsub.f32 v51, v63  }
0x1c0: {  	v60 =	vld [tilespmem:s25+$0x10FD0];
	v62 =	vmul.f32 v57, v57;
	v48 =	vsub.f32 v34, v48;
	v38 =	vadd.f32 v49, v38  }
0x1c1: {  	v61 =	vld [tilespmem:s25+$0x108E0];
	v40 =	vadd.f32 v52, v40;
	v42 =	vadd.f32 v54, v42  }
0x1c2: {  	v57 =	vld [tilespmem:s25+$0x10860];
	v56 =	vmul.f32 v56, v56;
	v63 =	vmul.f32 v53, v53;
	v41 =	vadd.f32 v62, v41  }
0x1c3: {  	v49 =	vld [tilespmem:s25+$0x10960];
	v62 =	vsub.f32 v51, v55;
	v58 =	vsub.f32 v35, v58  }
0x1c4: {  	v54 =	vld [tilespmem:s25+$0x109E0];
	v43 =	vadd.f32 v56, v43;
	v46 =	vadd.f32 v63, v46  }
0x1c5: {  	v63 =	vsub.f32 v51, v59;
	v51 =	vsub.f32 v51, v60  }
0x1c6: {  	v56 =	vld [tilespmem:s25+$0x10A60];
	v52 =	vmul.f32 v62, v62;
	v53 =	vsub.f32 v35, v61;
	v61 =	vmul.f32 v58, v58  }
0x1c7: {  	v48 =	vmul.f32 v48, v48;
	v59 =	vld [tilespmem:s25+$0x10AE0];
	v57 =	vsub.f32 v35, v57;
	v55 =	vmul.f32 v63, v63  }
0x1c8: {  	v60 =	vld [tilespmem:s25+$0x10B60];
	v51 =	vmul.f32 v51, v51;
	v44 =	vadd.f32 v52, v44;
	v2 =	vadd.f32 v61, v2  }
0x1c9: {  	v58 =	vld [tilespmem:s25+$0x10BE0];
	v62 =	vmul.f32 v53, v53;
	v49 =	vsub.f32 v35, v49;
	v54 =	vsub.f32 v35, v54  }
0x1ca: {  	v53 =	vld [tilespmem:s25+$0x10C60];
	v57 =	vmul.f32 v57, v57;
	v45 =	vadd.f32 v55, v45;
	v0 =	vadd.f32 v51, v0  }
0x1cb: {  	v52 =	vld [tilespmem:s25+$0x10CE0];
	v1 =	vadd.f32 v62, v1;
	v2 =	vadd.f32 v48, v2  }
0x1cc: {  	v61 =	vld [tilespmem:s25+$0x10EE0];
	v49 =	vmul.f32 v49, v49;
	v47 =	vadd.f32 v57, v47;
	v55 =	vsub.f32 v35, v56  }
0x1cd: {  	v54 =	vmul.f32 v54, v54;
	v57 =	vsub.f32 v35, v59;
	v59 =	vsub.f32 v35, v60  }
0x1ce: {  	v60 =	vld [tilespmem:s25+$0x10E60];
	v58 =	vsub.f32 v35, v58;
	v32 =	vadd.f32 v49, v32  }
0x1cf: {  	v51 =	vld [tilespmem:s25+$0x10D60];
	v50 =	vadd.f32 v54, v50;
	v55 =	vmul.f32 v55, v55;
	v49 =	vmul.f32 v57, v57  }
0x1d0: {  	v56 =	vld [tilespmem:s25+$0x10DE0];
	v63 =	vmul.f32 v59, v59;
	v53 =	vsub.f32 v35, v53;
	v52 =	vsub.f32 v35, v52  }
0x1d1: {  	v54 =	vld [tilespmem:s25+$0x108F0];
	v62 =	vmul.f32 v58, v58;
	v61 =	vsub.f32 v35, v61;
	v36 =	vadd.f32 v55, v36  }
0x1d2: {  	v59 =	vld [tilespmem:s25+$0x10F60];
	v39 =	vadd.f32 v49, v39;
	v37 =	vadd.f32 v63, v37  }
0x1d3: {  	v55 =	vld [tilespmem:s25+$0x10FE0];
	v38 =	vadd.f32 v62, v38;
	v53 =	vmul.f32 v53, v53;
	v58 =	vsub.f32 v35, v60  }
0x1d4: {  	v49 =	vld [tilespmem:s25+$0x10870];
	v51 =	vsub.f32 v35, v51;
	v52 =	vmul.f32 v52, v52;
	v61 =	vmul.f32 v61, v61  }
0x1d5: {  	v48 =	vld [tilespmem:s25+$0x10F70];
	v56 =	vsub.f32 v35, v56;
	v40 =	vadd.f32 v53, v40;
	v63 =	vmul.f32 v58, v58  }
0x1d6: {  	v42 =	vadd.f32 v52, v42;
	v52 =	vld [tilespmem:s25+$0x10B70];
	v44 =	vadd.f32 v61, v44  }
0x1d7: {  	v51 =	vmul.f32 v51, v51;
	v54 =	vsub.f32 v34, v54;
	v58 =	vld [tilespmem:s25+$0x10AF0];
	v46 =	vadd.f32 v63, v46  }
0x1d8: {  	v57 =	vld [tilespmem:s25+$0x10970];
	v53 =	vmul.f32 v56, v56;
	v63 =	vsub.f32 v35, v59;
	v35 =	vsub.f32 v35, v55  }
0x1d9: {  	v62 =	vld [tilespmem:s25+$0x10A70];
	v41 =	vadd.f32 v51, v41;
	v49 =	vsub.f32 v34, v49  }
0x1da: {  	v60 =	vld [tilespmem:s25+$0x109F0];
	v43 =	vadd.f32 v53, v43;
	v51 =	vmul.f32 v63, v63;
	v35 =	vmul.f32 v35, v35  }
0x1db: {  	v53 =	vld [tilespmem:s25+$0x10BF0];
	v63 =	vlaneseq.u32;
	v49 =	vmul.f32 v49, v49;
	v52 =	vsub.f32 v34, v52  }
0x1dc: {  	v61 =	vld [tilespmem:s25+$0x10DF0];
	v63 =	vadd.s32 s13, v63;
	v58 =	vsub.f32 v34, v58;
	v45 =	vadd.f32 v51, v45  }
0x1dd: {  	v56 =	vld [tilespmem:s25+$0x10C70];
	v51 =	vmul.f32 v54, v54;
	v0 =	vadd.f32 v35, v0;
	v47 =	vadd.f32 v49, v47  }
0x1de: {  	v55 =	vld [tilespmem:s25+$0x10CF0];
	v49 =	vsub.f32 v34, v57;
	v52 =	vmul.f32 v52, v52;
	v58 =	vmul.f32 v58, v58  }
0x1df: {  	v59 =	vld [tilespmem:s25+$0x10D70];
	v1 =	vadd.f32 v51, v1;
	v51 =	vsub.f32 v34, v60;
	v60 =	vlaneseq.u32  }
0x1e0: {  	v54 =	vld [tilespmem:s25+$0x10E70];
	v53 =	vsub.f32 v34, v53;
	v37 =	vadd.f32 v52, v37  }
0x1e1: {  	v35 =	vld [tilespmem:s25+$0x10EF0];
	v49 =	vmul.f32 v49, v49;
	v52 =	vsub.f32 v34, v61;
	v58 =	vadd.f32 v58, v39  }
0x1e2: {  	v57 =	vld [tilespmem:s25+$0x10FF0];
	[tilespmem:v63+s22+$0x0] =	vst.idx.msk $0xffff, v2;
	v2 =	vsub.f32 v34, v62;
	v51 =	vmul.f32 v51, v51  }
0x1e3: {  	v32 =	vadd.f32 v49, v32;
	v62 =	vmul.f32 v53, v53;
	v63 =	vsub.f32 v34, v56  }
0x1e4: {  	v53 =	vmul.f32 v52, v52;
	v2 =	vmul.f32 v2, v2;
	[tilespmem:v60+s23+$0x0] =	vst.idx.msk $0xffff, v47  }
0x1e5: {  	v56 =	vsub.f32 v34, v48;
	v49 =	vadd.f32 v51, v50;
	[tilespmem:v3+s23+$0x0] =	vst.idx.msk $0xffff, v1  }
0x1e6: {  	v54 =	vsub.f32 v34, v54;
	v2 =	vadd.f32 v2, v36;
	[tilespmem:v4+s23+$0x0] =	vst.idx.msk $0xffff, v32  }
0x1e7: {  	v35 =	vsub.f32 v34, v35;
	v1 =	vsub.f32 v34, v55;
	[tilespmem:v5+s23+$0x0] =	vst.idx.msk $0xffff, v49  }
0x1e8: {  	v50 =	vmul.f32 v63, v63;
	v51 =	vsub.f32 v34, v59;
	[tilespmem:v6+s23+$0x0] =	vst.idx.msk $0xffff, v2  }
0x1e9: {  	v38 =	vadd.f32 v62, v38;
	v1 =	vmul.f32 v1, v1;
	[tilespmem:v7+s23+$0x0] =	vst.idx.msk $0xffff, v58  }
0x1ea: {  	v32 =	vadd.f32 v50, v40;
	v2 =	vmul.f32 v51, v51;
	[tilespmem:v8+s23+$0x0] =	vst.idx.msk $0xffff, v37  }
0x1eb: {  	v36 =	vadd.f32 v53, v43;
	v1 =	vadd.f32 v1, v42;
	[tilespmem:v9+s23+$0x0] =	vst.idx.msk $0xffff, v38  }
0x1ec: {  	v55 =	vmul.f32 v54, v54;
	v2 =	vadd.f32 v2, v41;
	[tilespmem:v10+s23+$0x0] =	vst.idx.msk $0xffff, v32  }
0x1ed: {  	v34 =	vsub.f32 v34, v57;
	[tilespmem:v12+s23+$0x0] =	vst.idx.msk $0xffff, v1;
	v1 =	vmul.f32 v35, v35  }
0x1ee: {  	v32 =	vadd.f32 v55, v46;
	[tilespmem:v13+s23+$0x0] =	vst.idx.msk $0xffff, v2;
	v2 =	vmul.f32 v56, v56  }
0x1ef: {  	v34 =	vmul.f32 v34, v34;
	v1 =	vadd.f32 v1, v44;
	[tilespmem:v14+s23+$0x0] =	vst.idx.msk $0xffff, v36  }
0x1f0: {  	v2 =	vadd.f32 v2, v45;
	[tilespmem:v15+s23+$0x0] =	vst.idx.msk $0xffff, v32  }
0x1f1: {  	v0 =	vadd.f32 v34, v0;
	[tilespmem:v16+s23+$0x0] =	vst.idx.msk $0xffff, v1  }
0x1f2: {  	[tilespmem:v11+s23+$0x0] =	vst.idx.msk $0xffff, v2  }
0x1f3: {  	[tilespmem:v18+s23+$0x0] =	vst.idx.msk $0xffff, v0  }
0x1f4: {  	v0 =	vld.idx.msk [tilespmem:v17+s23+$0x0], $0xffff  }
0x1f5: {  	v1 =	vld.idx.msk [tilespmem:v19+s23+$0x0], $0xffff;
	_ =	sdelay $0x1  }
0x1f6: {  	v2 =	vld.idx.msk [tilespmem:v20+s23+$0x0], $0xffff;
	_ =	sdelay $0x1  }
0x1f7: {  	v32 =	vld.idx.msk [tilespmem:v21+s23+$0x0], $0xffff  }
0x1f8: {  	v0 =	vadd.f32 v1, v0  }
0x1f9: {  	v1 =	vld.idx.msk [tilespmem:v22+s23+$0x0], $0xffff  }
0x1fa: {  	v0 =	vadd.f32 v2, v0  }
0x1fb: {  	v2 =	vld.idx.msk [tilespmem:v23+s23+$0x0], $0xffff  }
0x1fc: {  	v0 =	vadd.f32 v32, v0  }
0x1fd: {  	v58 =	vld.idx.msk [tilespmem:v24+s23+$0x0], $0xffff  }
0x1fe: {  	v0 =	vadd.f32 v1, v0  }
0x1ff: {  	v1 =	vld.idx.msk [tilespmem:v25+s23+$0x0], $0xffff  }
0x200: {  	v0 =	vadd.f32 v2, v0  }
0x201: {  	v2 =	vld.idx.msk [tilespmem:v26+s23+$0x0], $0xffff  }
0x202: {  	v0 =	vadd.f32 v58, v0  }
0x203: {  	v59 =	vld.idx.msk [tilespmem:v27+s23+$0x0], $0xffff  }
0x204: {  	v0 =	vadd.f32 v1, v0  }
0x205: {  	v1 =	vld.idx.msk [tilespmem:v28+s23+$0x0], $0xffff  }
0x206: {  	v0 =	vadd.f32 v2, v0  }
0x207: {  	v2 =	vld.idx.msk [tilespmem:v29+s23+$0x0], $0xffff  }
0x208: {  	v0 =	vadd.f32 v59, v0;
	_ =	sdelay $0x1  }
0x209: {  	v0 =	vadd.f32 v1, v0;
	_ =	sdelay $0x1  }
0x20a: {  	v0 =	vadd.f32 v2, v0;
	v2 =	vld [tilespmem:$0x1FFE0];
	_ =	sdelay $0x1  }
0x20b: {  	v61 =	vld [tilespmem:$0x1FFF0];
	_ =	sdelay $0x1  }
0x20c: {  	v60 =	vld.idx.msk [tilespmem:v30+s23+$0x0], $0xffff;
	_ =	sdelay $0x1  }
0x20d: {  	v1 =	vld.idx.msk [tilespmem:v31+s23+$0x0], $0xffff;
	_ =	sdelay $0x1  }
0x20e: {  	v2 =	vld.idx.msk [tilespmem:v2+s23+$0x0], $0xffff  }
0x20f: {  	v0 =	vadd.f32 v60, v0  }
0x210: {  	v32 =	vld.idx.msk [tilespmem:v61+s23+$0x0], $0xffff  }
0x211: {  	v0 =	vadd.f32 v1, v0;
	_ =	sdelay $0x1  }
0x212: {  	v0 =	vadd.f32 v2, v0;
	_ =	sdelay $0x1  }
0x213: {  	v0 =	vadd.f32 v32, v0;
	_ =	sdelay $0x1  }
0x214: {  	v0 =	vadd.f32 $1.000000000e+00, v0;
	_ =	sdelay $0x1  }
0x215: {  	(erf) = vrcp.f32 v0;
	_ =	sdelay $0x8  }
0x216: {  	v0 =	vpop (erf)  }
0x217: {  	v0 =	vsub.f32 $1.000000000e+00, v0;
	_ =	sdelay $0x1  }
0x218: {  	v0 =	vmax.f32 v0, $9.999999740e-05  }
0x219: {  	v0 =	vmin.f32 v0, $1.000000000e+00  }
0x21a: {  	v1 =	vand.u32 $0x7FFFFF, v0  }
0x21b: {  	v1 =	vor.u32 $0x3F800000, v1  }
0x21c: {  	v2 =	vmul.f32 $5.000000000e-01, v1  }
0x21d: {  	vm0 =	vgt.f32 v1, $1.414213540e+00  }
0x21e: {  	v1 =	vsel vm0, v2, v1  }
0x21f: {  	v2 =	vadd.f32 $1.000000000e+00, v1;
	_ =	sdelay $0x1  }
0x220: {  	(erf) = vrcp.f32 v2;
	_ =	sdelay $0x7  }
0x221: {  	v1 =	vadd.f32 $-1.000000000e+00, v1  }
0x222: {  	v2 =	vpop (erf)  }
0x223: {  	v1 =	vmul.f32 v2, v1;
	_ =	sdelay $0x1  }
0x224: {  	v2 =	vmul.f32 v1, v1;
	_ =	sdelay $0x1  }
0x225: {  	v62 =	vmul.f32 $1.111111120e-01, v2;
	_ =	sdelay $0x1  }
0x226: {  	v32 =	vadd.f32 $1.428571490e-01, v62;
	_ =	sdelay $0x1  }
0x227: {  	v32 =	vmul.f32 v32, v2;
	_ =	sdelay $0x1  }
0x228: {  	v32 =	vadd.f32 $2.000000030e-01, v32;
	_ =	sdelay $0x1  }
0x229: {  	v32 =	vmul.f32 v32, v2;
	_ =	sdelay $0x1  }
0x22a: {  	v63 =	vimm.s32 $0x0;
	v32 =	vadd.f32 $3.333333430e-01, v32  }
0x22b: {  	v0 =	vshrl.u32 v0, $0x17;
	v34 =	vsel vm0, $0x1, v63  }
0x22c: {  	v0 =	vadd.s32 v34, v0;
	v2 =	vmul.f32 v32, v2  }
0x22d: {  	v0 =	vadd.s32 $0xFFFFFF81, v0  }
0x22e: {  	v0 =	vcvt.s32.f32 v0;
	v1 =	vadd.f32 v1, v1;
	v2 =	vadd.f32 $1.000000000e+00, v2;
	_ =	sdelay $0x1  }
0x22f: {  	v0 =	vmul.f32 $6.931471820e-01, v0;
	v1 =	vmul.f32 v2, v1  }
0x230: {  	p0 =	sne.s32 s19, $0x1E000  }
.Ltmp1:
0x231: {  	v0 =	vadd.f32 v1, v0;
	(pc) =	sbr.rel @p0 .LBB2_5-.Ltmp1, $4  }
0x232: {  	_ = 	snop  }
0x233: {  	v0 =	vsub.f32 $0.0e+00, v0  }
0x234: {  	s19 =	sadd.s32 $0x2000, s19  }
0x235: {  	s30 =	sadd.s32 $0x80, s30;
	s31 =	sadd.s32 $0x80, s31;
	s13 =	sadd.s32 $0x11, s13;
	v33 =	vadd.f32 v0, v33  }
0x236: {  	_ =	sdelay $0x3  }
0x237: {  	v0 =	vld.idx.msk [tilespmem:v17+s22+$0x0], $0xffff  }
0x238: {  	v1 =	vld.idx.msk [tilespmem:v19+s22+$0x0], $0xffff;
	_ =	sdelay $0x1  }
0x239: {  	v2 =	vld.idx.msk [tilespmem:v20+s22+$0x0], $0xffff;
	_ =	sdelay $0x1  }
0x23a: {  	v32 =	vld.idx.msk [tilespmem:v21+s22+$0x0], $0xffff  }
0x23b: {  	v0 =	vadd.f32 v1, v0  }
0x23c: {  	v46 =	vmov v13;
	v13 =	vld.idx.msk [tilespmem:v22+s22+$0x0], $0xffff  }
0x23d: {  	v0 =	vadd.f32 v2, v0  }
0x23e: {  	v36 =	vmov v14;
	v14 =	vld.idx.msk [tilespmem:v23+s22+$0x0], $0xffff  }
0x23f: {  	v0 =	vadd.f32 v32, v0  }
0x240: {  	v35 =	vmov v15;
	v15 =	vld.idx.msk [tilespmem:v24+s22+$0x0], $0xffff  }
0x241: {  	v0 =	vadd.f32 v13, v0  }
0x242: {  	v37 =	vmov v16;
	v16 =	vld.idx.msk [tilespmem:v25+s22+$0x0], $0xffff  }
0x243: {  	v0 =	vadd.f32 v14, v0  }
0x244: {  	v44 =	vmov v17;
	v17 =	vld.idx.msk [tilespmem:v26+s22+$0x0], $0xffff  }
0x245: {  	v0 =	vadd.f32 v15, v0  }
0x246: {  	v45 =	vmov v18;
	v18 =	vld.idx.msk [tilespmem:v27+s22+$0x0], $0xffff  }
0x247: {  	v47 =	vmov v19;
	v19 =	vld.idx.msk [tilespmem:v28+s22+$0x0], $0xffff;
	v0 =	vadd.f32 v16, v0  }
0x248: {  	v54 =	vmov v23;
	v23 =	vld [tilespmem:$0x1FFE0]  }
0x249: {  	v48 =	vmov v20;
	v20 =	vld.idx.msk [tilespmem:v29+s22+$0x0], $0xffff;
	v0 =	vadd.f32 v17, v0  }
0x24a: {  	v57 =	vmov v25;
	v25 =	vld [tilespmem:$0x1FFF0]  }
0x24b: {  	v0 =	vadd.f32 v18, v0  }
0x24c: {  	v50 =	vmov v21;
	v21 =	vld.idx.msk [tilespmem:v30+s22+$0x0], $0xffff  }
0x24d: {  	v0 =	vadd.f32 v19, v0  }
0x24e: {  	v51 =	vmov v22;
	v22 =	vld.idx.msk [tilespmem:v31+s22+$0x0], $0xffff  }
0x24f: {  	v0 =	vadd.f32 v20, v0  }
0x250: {  	v56 =	vmov v24;
	v24 =	vld.idx.msk [tilespmem:v23+s22+$0x0], $0xffff  }
0x251: {  	v0 =	vadd.f32 v21, v0  }
0x252: {  	v58 =	vmov v26;
	v26 =	vld.idx.msk [tilespmem:v25+s22+$0x0], $0xffff  }
0x253: {  	v0 =	vadd.f32 v22, v0;
	_ =	sdelay $0x1  }
0x254: {  	v0 =	vadd.f32 v24, v0;
	_ =	sdelay $0x1  }
0x255: {  	v0 =	vadd.f32 v26, v0;
	_ =	sdelay $0x1  }
0x256: {  	v0 =	vadd.f32 $1.000000000e+00, v0;
	_ =	sdelay $0x1  }
0x257: {  	(erf) = vrcp.f32 v0;
	_ =	sdelay $0x8  }
0x258: {  	v0 =	vpop (erf)  }
0x259: {  	v0 =	vmax.f32 v0, $9.999999740e-05  }
0x25a: {  	v0 =	vmin.f32 v0, $1.000000000e+00  }
0x25b: {  	v59 =	vmov v27;
	v27 =	vand.u32 $0x7FFFFF, v0  }
0x25c: {  	v1 =	vor.u32 $0x3F800000, v27  }
0x25d: {  	v60 =	vmov v28;
	v28 =	vmul.f32 $5.000000000e-01, v1  }
0x25e: {  	vm0 =	vgt.f32 v1, $1.414213540e+00  }
0x25f: {  	v1 =	vsel vm0, v28, v1  }
0x260: {  	v2 =	vadd.f32 $1.000000000e+00, v1;
	_ =	sdelay $0x1  }
0x261: {  	(erf) = vrcp.f32 v2;
	_ =	sdelay $0x7  }
0x262: {  	v1 =	vadd.f32 $-1.000000000e+00, v1  }
0x263: {  	v2 =	vpop (erf)  }
0x264: {  	v1 =	vmul.f32 v2, v1;
	_ =	sdelay $0x1  }
0x265: {  	v2 =	vmul.f32 v1, v1;
	_ =	sdelay $0x1  }
0x266: {  	v61 =	vmov v29;
	v29 =	vmul.f32 $1.111111120e-01, v2;
	_ =	sdelay $0x1  }
0x267: {  	v32 =	vadd.f32 $1.428571490e-01, v29;
	_ =	sdelay $0x1  }
0x268: {  	v32 =	vmul.f32 v32, v2;
	_ =	sdelay $0x1  }
0x269: {  	v32 =	vadd.f32 $2.000000030e-01, v32;
	_ =	sdelay $0x1  }
0x26a: {  	v32 =	vmul.f32 v32, v2;
	_ =	sdelay $0x1  }
0x26b: {  	v34 =	vimm.s32 $0x0;
	v32 =	vadd.f32 $3.333333430e-01, v32  }
0x26c: {  	v0 =	vshrl.u32 v0, $0x17;
	v34 =	vsel vm0, $0x1, v34  }
0x26d: {  	v0 =	vadd.s32 v34, v0;
	v2 =	vmul.f32 v32, v2  }
0x26e: {  	v0 =	vadd.s32 $0xFFFFFF81, v0  }
0x26f: {  	v0 =	vcvt.s32.f32 v0;
	v1 =	vadd.f32 v1, v1;
	v2 =	vadd.f32 $1.000000000e+00, v2;
	_ =	sdelay $0x1  }
0x270: {  	s0 =	sadd.s32 $0xC00, s0;
	s1 =	sadd.s32 $0x1, s1;
	v0 =	vmul.f32 $6.931471820e-01, v0;
	v1 =	vmul.f32 v2, v1  }
0x271: {  	s0 =	sand.u32 $0x1C00, s0;
	p0 =	sne.s32 s1, $0x4  }
.Ltmp2:
0x272: {  	s0 =	sshrl.u32 s0, $0x2;
	v0 =	vadd.f32 v1, v0;
	(pc) =	sbr.rel @p0 .LBB2_2-.Ltmp2, $4  }
0x273: {  	s28 =	sadd.s32 $0x1000, s28;
	s29 =	sadd.s32 $0x1000, s29;
	s13 =	sor.u32 $0x8000, s0  }
0x274: {  	v63 =	vmovc v31;
	v62 =	vmov v30;
	v52 =	vmov v3;
	[tilespmem:s16], [sflag:$0x2] =	stream.indirect.gather [hbm4b:s2+s11], $0x80, s13, s11, $0xb8;
	v0 =	vsub.f32 $0.0e+00, v0;
	[tilespmem:$0x18B80] =	vst v63  }
0x275: {  	v53 =	vmovc v4;
	v55 =	vmovc v6;
	v49 =	vmov v5;
	v40 =	vmov v9;
	v39 =	vmov v8;
	s17 =	sadd.s32 $0x1000, s17;
	s15 =	sadd.s32 $0x1000, s15;
	s0 =	sor.u32 $0x8080, s0  }
0x276: {  	v42 =	vmovc v7;
	v41 =	vmovc v10;
	v43 =	vmov v12;
	v38 =	vmov v11;
	[tilespmem:s18], [sflag:$0x2] =	stream.indirect.gather [hbm4b:s2+s11], $0x80, s0, s11, $0xb8;
	v33 =	vadd.f32 v0, v33;
	[tilespmem:$0x18B80] =	vst v63  }
0x277: {  	_ =	swait.ge [sflag:s21], $0x8000  }
0x278: {  	[sflag:s21] =	ssyncset.done $0x0  }
0x279: {  	[sflag:s21] =	ssyncadd.s32 $0xFFFF8000  }
0x27a: {  	_ =	swait.ge [sflag:s24], $0x8000  }
0x27b: {  	s26 =	sadd.s32 $0x1, s26;
	[sflag:s24] =	ssyncset.done $0x0  }
0x27c: {  	p0 =	sne.s32 s26, s8;
	[sflag:s24] =	ssyncadd.s32 $0xFFFF8000  }
.Ltmp3:
0x27d: {  	s0 =	simm.s32 $0x18B00;
	[tilespmem:$0x18B00] =	vst v33;
	(pc) =	sbr.rel @p0 .LBB2_1-.Ltmp3, $4  }
0x27e: {  	[hbm4b:s7+s3] =	stream.linear.scatter [tilespmem:s0], [sflag:$0x4], $0x80, $0x38;
	[tilespmem:$0x18B80] =	vst v63  }
0x27f: {  	_ =	swait.ge [sflag:s10], $0x80  }
0x280: {  	[sflag:s10] =	ssyncset.done $0x0  }
0x281: {  	[sflag:s10] =	ssyncadd.s32 $0xFFFFFF80  }
0x282: {  	_ =	sfence.sel $0x180000  }
0x283: {  	[bflag:$0x0] =	sbarrier.arrive $0xFFFF  }
0x284: {  	_ =	strace $0x90000047  }
0x285: {  	s0 =	stileid.u32;
	[bflag:$0x2] =	sbarrier.arrive $0xFFFF  }
0x286: {  	p0 =	sne.s32 s0, $0x0;
	s0 =	rddreg [dreg:$0x2]  }
0x287: {  	s0 =	sadd.s32 @!p0 $0x100000, s0  }
0x288: {  	[sflag:s0] =	ssyncadd.tile.s32 @!p0 $0x1;
	_ =	shalt  }
.Lfunc_end2:
_tile_overlayer_lowered:
.L_overlay_start_2:
0x289: {  	(tag) =	ssettag $0x2  }
0x28a: {  	s0 =	rddreg [dreg:$0x0];
	s2 =	stileid.u32  }
0x28b: {  	s1 =	rddreg [dreg:$0x1];
	p0 =	sne.s32 s2, $0x0  }
0x28c: {  	s3 =	rddreg [dreg:$0x2];
	[bflag:$0x3] =	sbarrier.arrive $0xFFFF;
	s2 =	simm.s32 @!p0 $0x1C04  }
0x28d: {  	[timem:s3], [sflag:s2] =	dma.local @!p0 [hbm:s0], s1  }
0x28e: {  	s0 =	simm.s32 @!p0 $0x4  }
0x28f: {  	_ =	swait.ge @!p0 [sflag:s0], s1  }
0x290: {  	s1 =	ssub.s32 @!p0 $0x0, s1;
	[sflag:s0] =	ssyncset.done @!p0 $0x0  }
0x291: {  	[sflag:s0] =	ssyncadd.s32 @!p0 s1  }
0x292: {  	[bflag:$0x3] =	sbarrier.arrive $0xFFFF  }
0x293: {  	_ =	shalt  }

</sc_bundles>
